<compile_context>
chip_gen: v7x
topology: tpu7x:2x2x1
jax: 0.10.2.dev20260603
libtpu: 0.0.44.dev20260713+nightly
codegen_flags: <defaults>
</compile_context>

<pallas_src>
import functools

import jax
import jax.numpy as jnp
from jax import lax
from jax.experimental import pallas as pl
from jax.experimental.pallas import tpu as pltpu
from jax.experimental.pallas import tpu_sc as plsc

N = 50000
E = 800000
WIDTH = 64
NQ = 2
QW = WIDTH // NQ
DEPTH = 4

LANES = 128
N_PAD = 50176
EROWS = 6400
E_PAD = EROWS * LANES
RPT = N_PAD // 16
ERPT = EROWS // 16
EPT = ERPT * LANES
SUP = 1024
SPT = EPT // SUP
GC = 256
GPS = SUP // GC


EDPT = EROWS // 32
DW = 8


def _sc_degree_body(dst2d, ones2d, degp, dstv, onesv, d_sh, sem):
    cid = lax.axis_index("c")
    sid = lax.axis_index("s")
    pltpu.sync_copy(ones2d.at[pl.ds(sid * RPT, RPT)],
                    d_sh.at[pl.ds(sid * RPT, RPT)])
    pltpu.sync_copy(ones2d.at[pl.ds(0, LANES)], onesv)
    pltpu.sync_copy(
        dst2d.at[pl.ds(cid * (EROWS // 2) + sid * EDPT, EDPT)], dstv)
    plsc.subcore_barrier()

    def step(j, carry):
        pltpu.sync_copy(onesv, d_sh.at[dstv.at[j]], add=True)
        return carry

    lax.fori_loop(0, EDPT, step, 0)
    plsc.subcore_barrier()

    def writeout(c):
        pltpu.sync_copy(d_sh.at[pl.ds(sid * RPT, RPT)],
                        degp.at[c, pl.ds(sid * RPT, RPT)])

    pl.when(cid == 0)(lambda: writeout(0))
    pl.when(cid == 1)(lambda: writeout(1))


def _sc_scatter_body(*refs):
    y0, y1, src_flat, dst_flat, z0, z1 = refs[:6]
    srcb = refs[6:8]
    dstb = refs[8:10]
    rows = refs[10:12]
    z_sh = refs[12]
    isem = refs[13:15]
    gsem = refs[15:17]
    ssem = refs[17:19]
    cid = lax.axis_index("c")
    sid = lax.axis_index("s")
    src_base = sid * EPT

    def idxload(s, h):
        pltpu.async_copy(src_flat.at[pl.ds(src_base + s * SUP, SUP)],
                         srcb[h], isem[h])
        pltpu.async_copy(dst_flat.at[pl.ds(src_base + s * SUP, SUP)],
                         dstb[h], isem[h])

    def idxwait(s, h):
        pltpu.make_async_copy(src_flat.at[pl.ds(src_base + s * SUP, SUP)],
                              srcb[h], isem[h]).wait()
        pltpu.make_async_copy(dst_flat.at[pl.ds(src_base + s * SUP, SUP)],
                              dstb[h], isem[h]).wait()

    def half(y_hbm, z_hbm):
        idxload(0, 0)
        idxload(1, 1)
        pltpu.sync_copy(y_hbm.at[pl.ds(sid * RPT, RPT)],
                        z_sh.at[pl.ds(sid * RPT, RPT)])

        def gather(h, q, rb):
            pltpu.async_copy(
                y_hbm.at[srcb[h].at[pl.ds(q * GC, GC)]], rows[rb], gsem[rb])

        def gwait(h, q, rb):
            pltpu.make_async_copy(
                y_hbm.at[srcb[h].at[pl.ds(q * GC, GC)]],
                rows[rb], gsem[rb]).wait()

        def scatter_issue(h, q, rb):
            pltpu.async_copy(
                rows[rb], z_sh.at[dstb[h].at[pl.ds(q * GC, GC)]],
                ssem[rb], add=True)

        def scatter_wait(h, rb):
            pltpu.make_async_copy(
                rows[rb], z_sh.at[dstb[h].at[pl.ds(0, GC)]],
                ssem[rb]).wait()

        idxwait(0, 0)
        plsc.subcore_barrier()
        gather(0, 0, 0)

        def process(s, h, maybe_first):
            for q in range(GPS):
                rb = q % 2
                gwait(h, q, rb)
                scatter_issue(h, q, rb)
                if q == 0 and maybe_first:
                    @pl.when(s > 0)
                    def _():
                        scatter_wait(h, 1 - rb)
                else:
                    scatter_wait(h, 1 - rb)
                if q < GPS - 1:
                    gather(h, q + 1, 1 - rb)
                else:
                    @pl.when(s + 1 < SPT)
                    def _(h=h, rb=rb):
                        idxwait(s + 1, 1 - h)
                        gather(1 - h, 0, 1 - rb)

            @pl.when(s + 2 < SPT)
            def _(s=s, h=h):
                idxload(s + 2, h)

        def superpair(p, carry):
            process(2 * p, 0, True)
            process(2 * p + 1, 1, False)
            return carry

        lax.fori_loop(0, SPT // 2, superpair, 0)
        scatter_wait(1, 1)
        plsc.subcore_barrier()
        pltpu.sync_copy(z_sh.at[pl.ds(sid * RPT, RPT)],
                        z_hbm.at[pl.ds(sid * RPT, RPT)])

    pl.when(cid == 0)(lambda: half(y0, z0))
    pl.when(cid == 1)(lambda: half(y1, z1))


@functools.cache
def _sc_kernels():
    mesh = plsc.VectorSubcoreMesh(core_axis_name="c", subcore_axis_name="s")
    params = pltpu.CompilerParams(use_tc_tiling_on_sc=False)
    degree = pl.kernel(
        _sc_degree_body,
        out_type=jax.ShapeDtypeStruct((2, N_PAD, DW), jnp.float32),
        mesh=mesh,
        scratch_types=[
            pltpu.VMEM((EDPT, LANES), jnp.int32),
            pltpu.VMEM((LANES, DW), jnp.float32),
            pltpu.VMEM_SHARED((N_PAD, DW), jnp.float32),
            pltpu.SemaphoreType.DMA,
        ],
        compiler_params=params,
    )
    qshape = jax.ShapeDtypeStruct((N_PAD, QW), jnp.float32)
    scatter = pl.kernel(
        _sc_scatter_body,
        out_type=[qshape] * NQ,
        mesh=mesh,
        scratch_types=(
            [pltpu.VMEM((SUP,), jnp.int32)] * 2
            + [pltpu.VMEM((SUP,), jnp.int32)] * 2
            + [pltpu.VMEM((GC, QW), jnp.float32)] * 2
            + [pltpu.VMEM_SHARED((N_PAD, QW), jnp.float32)]
            + [pltpu.SemaphoreType.DMA] * 6
        ),
        compiler_params=params,
    )
    return degree, scatter


BN = 3136
GRID = N_PAD // BN


def _split(y, outs):
    for q, ref in enumerate(outs):
        ref[...] = y[:, q * QW:(q + 1) * QW]


def _tc_pre_body(x, degp, fc1_W, fc1_b, conv_W, *outs):
    di = lax.rsqrt(degp[0, :, 0:1] + degp[1, :, 0:1] - 1.0)
    h = jnp.dot(x[...], fc1_W[...], preferred_element_type=jnp.float32)
    h = h + fc1_b[...]
    y = jnp.dot(h, conv_W[...], preferred_element_type=jnp.float32) * di
    _split(y, outs[:NQ])
    outs[NQ][...] = di


_qspec = pl.BlockSpec((BN, QW), lambda i: (i, 0))
_qshape = jax.ShapeDtypeStruct((N_PAD, QW), jnp.float32)
_dspec = pl.BlockSpec((BN, 1), lambda i: (i, 0))

_tc_pre = pl.pallas_call(
    _tc_pre_body,
    grid=(GRID,),
    in_specs=[
        pl.BlockSpec((BN, 3), lambda i: (i, 0)),
        pl.BlockSpec((2, BN, DW), lambda i: (0, i, 0)),
        pl.BlockSpec((3, WIDTH), lambda i: (0, 0)),
        pl.BlockSpec((1, WIDTH), lambda i: (0, 0)),
        pl.BlockSpec((WIDTH, WIDTH), lambda i: (0, 0)),
    ],
    out_specs=[_qspec] * NQ + [_dspec],
    out_shape=[_qshape] * NQ + [jax.ShapeDtypeStruct((N_PAD, 1), jnp.float32)],
)


def _tc_mid_body(*refs):
    zs = refs[:NQ]
    dinv, conv_W, conv_b = refs[NQ:NQ + 3]
    ys = refs[NQ + 3:]
    di = dinv[...]
    z = jnp.concatenate([zq[...] for zq in zs], axis=1)
    h = jnp.maximum(z * di + conv_b[...], 0.0)
    y = jnp.dot(h, conv_W[...], preferred_element_type=jnp.float32) * di
    _split(y, ys)


_tc_mid = pl.pallas_call(
    _tc_mid_body,
    grid=(GRID,),
    in_specs=[_qspec] * NQ + [
        _dspec,
        pl.BlockSpec((WIDTH, WIDTH), lambda i: (0, 0)),
        pl.BlockSpec((1, WIDTH), lambda i: (0, 0)),
    ],
    out_specs=[_qspec] * NQ,
    out_shape=[_qshape] * NQ,
)


def _tc_post_body(*refs):
    zs = refs[:NQ]
    dinv, conv_b, fc2_W, fc2_b, out = refs[NQ:]
    di = dinv[...]
    z = jnp.concatenate([zq[...] for zq in zs], axis=1)
    h = jnp.maximum(z * di + conv_b[...], 0.0)
    out[...] = jnp.dot(h, fc2_W[...], preferred_element_type=jnp.float32) + fc2_b[...]


_tc_post = pl.pallas_call(
    _tc_post_body,
    grid=(GRID,),
    in_specs=[_qspec] * NQ + [
        _dspec,
        pl.BlockSpec((1, WIDTH), lambda i: (0, 0)),
        pl.BlockSpec((WIDTH, 1), lambda i: (0, 0)),
        pl.BlockSpec((1, 1), lambda i: (0, 0)),
    ],
    out_specs=pl.BlockSpec((BN, 1), lambda i: (i, 0)),
    out_shape=jax.ShapeDtypeStruct((N_PAD, 1), jnp.float32),
)


def kernel(x, edge_index, fc1_W, fc1_b, conv_W, conv_b, fc2_W, fc2_b):
    src = jnp.concatenate(
        [edge_index[0], jnp.zeros((E_PAD - E,), jnp.int32)])
    dst = jnp.concatenate(
        [edge_index[1], jnp.full((E_PAD - E,), N, jnp.int32)])
    dst2d = dst.reshape(EROWS, LANES)
    x_pad = jnp.concatenate([x, jnp.zeros((N_PAD - N, 3), x.dtype)], axis=0)

    sc_degree, sc_scatter = _sc_kernels()
    fc1_b2 = fc1_b.reshape(1, WIDTH)
    conv_b2 = conv_b.reshape(1, WIDTH)

    degp = sc_degree(dst2d, jnp.ones((N_PAD, DW), jnp.float32))
    outs = _tc_pre(x_pad, degp, fc1_W, fc1_b2, conv_W)
    ys, dinv = outs[:NQ], outs[NQ]
    for layer in range(DEPTH):
        zs = sc_scatter(*ys, src, dst)
        if layer < DEPTH - 1:
            ys = _tc_mid(*zs, dinv, conv_W, conv_b2)
    out = _tc_post(*zs, dinv, conv_b2, fc2_W, fc2_b.reshape(1, 1))
    return out[:N]

# --- scband reference (transcript-rebuilt; emitter-appended) ---
"""Pipeline reference for scband-rnn-net-68805376082307 (READ-ONLY COPY).

The authoritative reference and input builder live on the scoring server;
editing this copy changes nothing except your own understanding.
"""

import jax, jax.numpy as jnp
import numpy as np

N = 50000
E = 800000
WIDTH = 64
DEPTH = 4


def gcn_conv(x, edge_index, W, b):
    # Faithful PyG GCNConv: x @ W, add self-loops, symmetric normalization,
    # scatter-add aggregation to destination nodes, then add bias.
    n = x.shape[0]
    loop = jnp.arange(n, dtype=edge_index.dtype)
    src = jnp.concatenate([edge_index[0], loop])
    dst = jnp.concatenate([edge_index[1], loop])
    ones = jnp.ones(src.shape[0], dtype=x.dtype)
    deg = jnp.zeros(n, dtype=x.dtype).at[dst].add(ones)
    deg_inv_sqrt = jnp.where(deg > 0, deg ** -0.5, 0.0)
    norm = deg_inv_sqrt[src] * deg_inv_sqrt[dst]
    xw = x @ W
    msg = xw[src] * norm[:, None]
    out = jnp.zeros_like(xw).at[dst].add(msg)
    return out + b


def setup_inputs(seed: int = 0) -> dict:
    key = jax.random.key(seed)
    ks = jax.random.split(key, 8)
    x = jax.random.normal(ks[0], (N, 3), dtype=jnp.float32)
    edge_index = jax.random.randint(ks[1], (2, E), 0, N, dtype=jnp.int32)
    fc1_W = jax.random.normal(ks[2], (3, WIDTH), dtype=jnp.float32) * (1.0 / np.sqrt(3))
    fc1_b = jnp.zeros((WIDTH,), dtype=jnp.float32)
    conv_W = jax.random.normal(ks[3], (WIDTH, WIDTH), dtype=jnp.float32) * (1.0 / np.sqrt(WIDTH))
    conv_b = jnp.zeros((WIDTH,), dtype=jnp.float32)
    fc2_W = jax.random.normal(ks[4], (WIDTH, 1), dtype=jnp.float32) * (1.0 / np.sqrt(WIDTH))
    fc2_b = jnp.zeros((1,), dtype=jnp.float32)
    return {"x": x, "edge_index": edge_index, "fc1_W": fc1_W, "fc1_b": fc1_b,
            "conv_W": conv_W, "conv_b": conv_b, "fc2_W": fc2_W, "fc2_b": fc2_b}


def reference(x, edge_index, fc1_W, fc1_b, conv_W, conv_b, fc2_W, fc2_b):
    h = x @ fc1_W + fc1_b
    for _ in range(DEPTH):
        h = gcn_conv(h, edge_index, conv_W, conv_b)
        h = jax.nn.relu(h)
    out = h @ fc2_W + fc2_b
    return out

if __name__ == "__main__":
    import jax
    _d = setup_inputs()
    print(jax.jit(kernel)(*tuple(_d.values())))

</pallas_src>

<mosaic_0001>
#map = affine_map<(d0, d1) -> (0, 0)>
#map1 = affine_map<(d0, d1) -> (0)>
module attributes {stable_mosaic.version = 14 : i64} {
  func.func @_sc_scatter_body(%arg0: i32, %arg1: i32, %arg2: memref<50176x32xf32, #tpu.memory_space<hbm>>, %arg3: memref<50176x32xf32, #tpu.memory_space<hbm>>, %arg4: memref<819200xi32, #tpu.memory_space<hbm>>, %arg5: memref<819200xi32, #tpu.memory_space<hbm>>, %arg6: memref<50176x32xf32, #tpu.memory_space<hbm>>, %arg7: memref<50176x32xf32, #tpu.memory_space<hbm>>, %arg8: memref<1024xi32, #tpu.memory_space<vmem>>, %arg9: memref<1024xi32, #tpu.memory_space<vmem>>, %arg10: memref<1024xi32, #tpu.memory_space<vmem>>, %arg11: memref<1024xi32, #tpu.memory_space<vmem>>, %arg12: memref<256x32xf32, #tpu.memory_space<vmem>>, %arg13: memref<256x32xf32, #tpu.memory_space<vmem>>, %arg14: memref<50176x32xf32, #tpu.memory_space<vmem_shared>>, %arg15: memref<!tpu.dma_semaphore, #tpu.memory_space<semaphore_mem>>, %arg16: memref<!tpu.dma_semaphore, #tpu.memory_space<semaphore_mem>>, %arg17: memref<!tpu.dma_semaphore, #tpu.memory_space<semaphore_mem>>, %arg18: memref<!tpu.dma_semaphore, #tpu.memory_space<semaphore_mem>>, %arg19: memref<!tpu.dma_semaphore, #tpu.memory_space<semaphore_mem>>, %arg20: memref<!tpu.dma_semaphore, #tpu.memory_space<semaphore_mem>>) attributes {dimension_semantics = [#tpu.dimension_semantics<core_parallel>, #tpu.dimension_semantics<subcore_parallel>], iteration_bounds = array<i64: 2, 16>, scalar_prefetch = 0 : i64, scratch_operands = 13 : i64, tpu.core_type = #tpu.core_type<sc_vector_subcore>, window_params = [{transform_indices = #map}, {transform_indices = #map}, {transform_indices = #map1}, {transform_indices = #map1}, {transform_indices = #map}, {transform_indices = #map}]} {
    %mul3A = arith.constant 51200 : i32
    %mul3A_0 = arith.muli %arg1, %mul3A : i32
    %eq3A = arith.constant 0 : i32
    %eq3A_1 = arith.cmpi eq, %arg0, %eq3A : i32
    %convert_element_type3A = arith.extui %eq3A_1 : i1 to i32
    %cond3A = arith.constant 0 : i32
    %cond3A_2 = arith.cmpi ne, %convert_element_type3A, %cond3A : i32
    scf.if %cond3A_2 {
      %add3A = arith.constant 0 : i32
      %add3A_8 = arith.addi %mul3A_0, %add3A : i32
      %dma_start3A = tpu.memref_slice %arg4[%add3A_8] : memref<819200xi32, #tpu.memory_space<hbm>> -> memref<1024xi32, #tpu.memory_space<hbm>>
      %dma_start3A_9 = tpu.memref_slice %arg4[%add3A_8] : memref<819200xi32, #tpu.memory_space<hbm>> -> memref<1024xi32, #tpu.memory_space<hbm>>
      tpu.enqueue_dma source(%dma_start3A_9 : memref<1024xi32, #tpu.memory_space<hbm>>) target(%arg8 : memref<1024xi32, #tpu.memory_space<vmem>>) target_semaphore(%arg15 : memref<!tpu.dma_semaphore, #tpu.memory_space<semaphore_mem>>)
      %add3A_10 = arith.constant 0 : i32
      %add3A_11 = arith.addi %mul3A_0, %add3A_10 : i32
      %dma_start3A_12 = tpu.memref_slice %arg5[%add3A_11] : memref<819200xi32, #tpu.memory_space<hbm>> -> memref<1024xi32, #tpu.memory_space<hbm>>
      %dma_start3A_13 = tpu.memref_slice %arg5[%add3A_11] : memref<819200xi32, #tpu.memory_space<hbm>> -> memref<1024xi32, #tpu.memory_space<hbm>>
      tpu.enqueue_dma source(%dma_start3A_13 : memref<1024xi32, #tpu.memory_space<hbm>>) target(%arg10 : memref<1024xi32, #tpu.memory_space<vmem>>) target_semaphore(%arg15 : memref<!tpu.dma_semaphore, #tpu.memory_space<semaphore_mem>>)
      %add3A_14 = arith.constant 1024 : i32
      %add3A_15 = arith.addi %mul3A_0, %add3A_14 : i32
      %dma_start3A_16 = tpu.memref_slice %arg4[%add3A_15] : memref<819200xi32, #tpu.memory_space<hbm>> -> memref<1024xi32, #tpu.memory_space<hbm>>
      %dma_start3A_17 = tpu.memref_slice %arg4[%add3A_15] : memref<819200xi32, #tpu.memory_space<hbm>> -> memref<1024xi32, #tpu.memory_space<hbm>>
      tpu.enqueue_dma source(%dma_start3A_17 : memref<1024xi32, #tpu.memory_space<hbm>>) target(%arg9 : memref<1024xi32, #tpu.memory_space<vmem>>) target_semaphore(%arg16 : memref<!tpu.dma_semaphore, #tpu.memory_space<semaphore_mem>>)
      %add3A_18 = arith.constant 1024 : i32
      %add3A_19 = arith.addi %mul3A_0, %add3A_18 : i32
      %dma_start3A_20 = tpu.memref_slice %arg5[%add3A_19] : memref<819200xi32, #tpu.memory_space<hbm>> -> memref<1024xi32, #tpu.memory_space<hbm>>
      %dma_start3A_21 = tpu.memref_slice %arg5[%add3A_19] : memref<819200xi32, #tpu.memory_space<hbm>> -> memref<1024xi32, #tpu.memory_space<hbm>>
      tpu.enqueue_dma source(%dma_start3A_21 : memref<1024xi32, #tpu.memory_space<hbm>>) target(%arg11 : memref<1024xi32, #tpu.memory_space<vmem>>) target_semaphore(%arg16 : memref<!tpu.dma_semaphore, #tpu.memory_space<semaphore_mem>>)
      %mul3A_22 = arith.constant 3136 : i32
      %mul3A_23 = arith.muli %arg1, %mul3A_22 : i32
      %mul3A_24 = arith.constant 3136 : i32
      %mul3A_25 = arith.muli %arg1, %mul3A_24 : i32
      "tpu.region"() ({
        %run_scoped3A = tpu.sem_alloc : memref<!tpu.dma_semaphore, #tpu.memory_space<semaphore_mem>>
        %dma_start3A_53 = arith.constant 0 : i32
        %dma_start3A_54 = tpu.memref_slice %arg14[%mul3A_25, %dma_start3A_53] : memref<50176x32xf32, #tpu.memory_space<vmem_shared>> -> memref<3136x32xf32, #tpu.memory_space<vmem_shared>>
        %dma_start3A_55 = arith.constant 0 : i32
        %dma_start3A_56 = tpu.memref_slice %arg2[%mul3A_23, %dma_start3A_55] : memref<50176x32xf32, #tpu.memory_space<hbm>> -> memref<3136x32xf32, #tpu.memory_space<hbm>>
        tpu.enqueue_dma source(%dma_start3A_56 : memref<3136x32xf32, #tpu.memory_space<hbm>>) target(%dma_start3A_54 : memref<3136x32xf32, #tpu.memory_space<vmem_shared>>) target_semaphore(%run_scoped3A : memref<!tpu.dma_semaphore, #tpu.memory_space<semaphore_mem>>)
        %dma_wait3A_57 = arith.constant 0 : i32
        %dma_wait3A_58 = tpu.memref_slice %arg14[%mul3A_25, %dma_wait3A_57] : memref<50176x32xf32, #tpu.memory_space<vmem_shared>> -> memref<3136x32xf32, #tpu.memory_space<vmem_shared>>
        %dma_wait3A_59 = arith.constant 0 : i32
        %dma_wait3A_60 = tpu.memref_slice %arg2[%mul3A_23, %dma_wait3A_59] : memref<50176x32xf32, #tpu.memory_space<hbm>> -> memref<3136x32xf32, #tpu.memory_space<hbm>>
        tpu.wait_dma2 semaphore(%run_scoped3A : memref<!tpu.dma_semaphore, #tpu.memory_space<semaphore_mem>>) src(%dma_wait3A_60 : memref<3136x32xf32, #tpu.memory_space<hbm>>) dst(%dma_wait3A_58 : memref<3136x32xf32, #tpu.memory_space<vmem_shared>>)
        tpu.yield
      }) : () -> ()
      %add3A_26 = arith.constant 0 : i32
      %add3A_27 = arith.addi %mul3A_0, %add3A_26 : i32
      %dma_wait3A = tpu.memref_slice %arg4[%add3A_27] : memref<819200xi32, #tpu.memory_space<hbm>> -> memref<1024xi32, #tpu.memory_space<hbm>>
      %dma_wait3A_28 = tpu.memref_slice %arg4[%add3A_27] : memref<819200xi32, #tpu.memory_space<hbm>> -> memref<1024xi32, #tpu.memory_space<hbm>>
      tpu.wait_dma2 semaphore(%arg15 : memref<!tpu.dma_semaphore, #tpu.memory_space<semaphore_mem>>) src(%dma_wait3A_28 : memref<1024xi32, #tpu.memory_space<hbm>>) dst(%arg8 : memref<1024xi32, #tpu.memory_space<vmem>>)
      %add3A_29 = arith.constant 0 : i32
      %add3A_30 = arith.addi %mul3A_0, %add3A_29 : i32
      %dma_wait3A_31 = tpu.memref_slice %arg5[%add3A_30] : memref<819200xi32, #tpu.memory_space<hbm>> -> memref<1024xi32, #tpu.memory_space<hbm>>
      %dma_wait3A_32 = tpu.memref_slice %arg5[%add3A_30] : memref<819200xi32, #tpu.memory_space<hbm>> -> memref<1024xi32, #tpu.memory_space<hbm>>
      tpu.wait_dma2 semaphore(%arg15 : memref<!tpu.dma_semaphore, #tpu.memory_space<semaphore_mem>>) src(%dma_wait3A_32 : memref<1024xi32, #tpu.memory_space<hbm>>) dst(%arg10 : memref<1024xi32, #tpu.memory_space<vmem>>)
      %barrier3A = arith.constant 0 : index
      tpu.barrier barrier_id(%barrier3A)
      %dma_start3A_33 = arith.constant 0 : i32
      %dma_start3A_34 = tpu.memref_slice %arg8[%dma_start3A_33] : memref<1024xi32, #tpu.memory_space<vmem>> -> memref<256xi32, #tpu.memory_space<vmem>>
      %dma_start3A_35 = arith.constant 0 : i32
      %dma_start3A_36 = arith.constant 0 : i32
      %dma_start3A_37 = tpu.memref_slice %arg2[%dma_start3A_35, %dma_start3A_36] : memref<50176x32xf32, #tpu.memory_space<hbm>> -> memref<50176x32xf32, #tpu.memory_space<hbm>>
      tpu.enqueue_indirect_dma source(%dma_start3A_37 : memref<50176x32xf32, #tpu.memory_space<hbm>>) target(%arg12 : memref<256x32xf32, #tpu.memory_space<vmem>>) offsets(%dma_start3A_34 : memref<256xi32, #tpu.memory_space<vmem>>) semaphore(%arg17 : memref<!tpu.dma_semaphore, #tpu.memory_space<semaphore_mem>>)
      %scan3A = arith.constant 0 : i32
      %scan3A_38 = arith.constant 0 : i32
      %scan3A_39 = arith.constant 25 : i32
      %scan3A_40 = arith.addi %scan3A_38, %scan3A_39 : i32
      %scan3A_41 = arith.constant 1 : i32
      scf.for %scan3A_53 = %scan3A_38 to %scan3A_40 step %scan3A_41  : i32 {
        %mul3A_54 = arith.constant 2 : i32
        %mul3A_55 = arith.muli %mul3A_54, %scan3A_53 : i32
        %dma_wait3A_56 = arith.constant 0 : i32
        %dma_wait3A_57 = tpu.memref_slice %arg8[%dma_wait3A_56] : memref<1024xi32, #tpu.memory_space<vmem>> -> memref<256xi32, #tpu.memory_space<vmem>>
        %dma_wait3A_58 = arith.constant 0 : i32
        %dma_wait3A_59 = arith.constant 0 : i32
        %dma_wait3A_60 = tpu.memref_slice %arg2[%dma_wait3A_58, %dma_wait3A_59] : memref<50176x32xf32, #tpu.memory_space<hbm>> -> memref<50176x32xf32, #tpu.memory_space<hbm>>
        tpu.wait_indirect_dma semaphore(%arg17 : memref<!tpu.dma_semaphore, #tpu.memory_space<semaphore_mem>>) src(%dma_wait3A_60 : memref<50176x32xf32, #tpu.memory_space<hbm>>) dst(%arg12 : memref<256x32xf32, #tpu.memory_space<vmem>>)
        %dma_start3A_61 = arith.constant 0 : i32
        %dma_start3A_62 = tpu.memref_slice %arg10[%dma_start3A_61] : memref<1024xi32, #tpu.memory_space<vmem>> -> memref<256xi32, #tpu.memory_space<vmem>>
        %dma_start3A_63 = arith.constant 0 : i32
        %dma_start3A_64 = arith.constant 0 : i32
        %dma_start3A_65 = tpu.memref_slice %arg14[%dma_start3A_63, %dma_start3A_64] : memref<50176x32xf32, #tpu.memory_space<vmem_shared>> -> memref<50176x32xf32, #tpu.memory_space<vmem_shared>>
        tpu.enqueue_indirect_dma source(%arg12 : memref<256x32xf32, #tpu.memory_space<vmem>>) target(%dma_start3A_65 : memref<50176x32xf32, #tpu.memory_space<vmem_shared>>) offsets(%dma_start3A_62 : memref<256xi32, #tpu.memory_space<vmem>>) semaphore(%arg19 : memref<!tpu.dma_semaphore, #tpu.memory_space<semaphore_mem>>) {add = true}
        %gt3A = arith.constant 0 : i32
        %gt3A_66 = arith.cmpi sgt, %mul3A_55, %gt3A : i32
        %convert_element_type3A_67 = arith.extui %gt3A_66 : i1 to i32
        %cond3A_68 = arith.constant 0 : i32
        %cond3A_69 = arith.cmpi ne, %convert_element_type3A_67, %cond3A_68 : i32
        scf.if %cond3A_69 {
          %dma_wait3A_236 = arith.constant 0 : i32
          %dma_wait3A_237 = tpu.memref_slice %arg10[%dma_wait3A_236] : memref<1024xi32, #tpu.memory_space<vmem>> -> memref<256xi32, #tpu.memory_space<vmem>>
          %dma_wait3A_238 = arith.constant 0 : i32
          %dma_wait3A_239 = arith.constant 0 : i32
          %dma_wait3A_240 = tpu.memref_slice %arg14[%dma_wait3A_238, %dma_wait3A_239] : memref<50176x32xf32, #tpu.memory_space<vmem_shared>> -> memref<50176x32xf32, #tpu.memory_space<vmem_shared>>
          tpu.wait_indirect_dma semaphore(%arg20 : memref<!tpu.dma_semaphore, #tpu.memory_space<semaphore_mem>>) src(%arg13 : memref<256x32xf32, #tpu.memory_space<vmem>>) dst(%dma_wait3A_240 : memref<50176x32xf32, #tpu.memory_space<vmem_shared>>)
        } else {
        }
        %dma_start3A_70 = arith.constant 256 : i32
        %dma_start3A_71 = tpu.memref_slice %arg8[%dma_start3A_70] : memref<1024xi32, #tpu.memory_space<vmem>> -> memref<256xi32, #tpu.memory_space<vmem>>
        %dma_start3A_72 = arith.constant 0 : i32
        %dma_start3A_73 = arith.constant 0 : i32
        %dma_start3A_74 = tpu.memref_slice %arg2[%dma_start3A_72, %dma_start3A_73] : memref<50176x32xf32, #tpu.memory_space<hbm>> -> memref<50176x32xf32, #tpu.memory_space<hbm>>
        tpu.enqueue_indirect_dma source(%dma_start3A_74 : memref<50176x32xf32, #tpu.memory_space<hbm>>) target(%arg13 : memref<256x32xf32, #tpu.memory_space<vmem>>) offsets(%dma_start3A_71 : memref<256xi32, #tpu.memory_space<vmem>>) semaphore(%arg18 : memref<!tpu.dma_semaphore, #tpu.memory_space<semaphore_mem>>)
        %dma_wait3A_75 = arith.constant 256 : i32
        %dma_wait3A_76 = tpu.memref_slice %arg8[%dma_wait3A_75] : memref<1024xi32, #tpu.memory_space<vmem>> -> memref<256xi32, #tpu.memory_space<vmem>>
        %dma_wait3A_77 = arith.constant 0 : i32
        %dma_wait3A_78 = arith.constant 0 : i32
        %dma_wait3A_79 = tpu.memref_slice %arg2[%dma_wait3A_77, %dma_wait3A_78] : memref<50176x32xf32, #tpu.memory_space<hbm>> -> memref<50176x32xf32, #tpu.memory_space<hbm>>
        tpu.wait_indirect_dma semaphore(%arg18 : memref<!tpu.dma_semaphore, #tpu.memory_space<semaphore_mem>>) src(%dma_wait3A_79 : memref<50176x32xf32, #tpu.memory_space<hbm>>) dst(%arg13 : memref<256x32xf32, #tpu.memory_space<vmem>>)
        %dma_start3A_80 = arith.constant 256 : i32
        %dma_start3A_81 = tpu.memref_slice %arg10[%dma_start3A_80] : memref<1024xi32, #tpu.memory_space<vmem>> -> memref<256xi32, #tpu.memory_space<vmem>>
        %dma_start3A_82 = arith.constant 0 : i32
        %dma_start3A_83 = arith.constant 0 : i32
        %dma_start3A_84 = tpu.memref_slice %arg14[%dma_start3A_82, %dma_start3A_83] : memref<50176x32xf32, #tpu.memory_space<vmem_shared>> -> memref<50176x32xf32, #tpu.memory_space<vmem_shared>>
        tpu.enqueue_indirect_dma source(%arg13 : memref<256x32xf32, #tpu.memory_space<vmem>>) target(%dma_start3A_84 : memref<50176x32xf32, #tpu.memory_space<vmem_shared>>) offsets(%dma_start3A_81 : memref<256xi32, #tpu.memory_space<vmem>>) semaphore(%arg20 : memref<!tpu.dma_semaphore, #tpu.memory_space<semaphore_mem>>) {add = true}
        %dma_wait3A_85 = arith.constant 0 : i32
        %dma_wait3A_86 = tpu.memref_slice %arg10[%dma_wait3A_85] : memref<1024xi32, #tpu.memory_space<vmem>> -> memref<256xi32, #tpu.memory_space<vmem>>
        %dma_wait3A_87 = arith.constant 0 : i32
        %dma_wait3A_88 = arith.constant 0 : i32
        %dma_wait3A_89 = tpu.memref_slice %arg14[%dma_wait3A_87, %dma_wait3A_88] : memref<50176x32xf32, #tpu.memory_space<vmem_shared>> -> memref<50176x32xf32, #tpu.memory_space<vmem_shared>>
        tpu.wait_indirect_dma semaphore(%arg19 : memref<!tpu.dma_semaphore, #tpu.memory_space<semaphore_mem>>) src(%arg12 : memref<256x32xf32, #tpu.memory_space<vmem>>) dst(%dma_wait3A_89 : memref<50176x32xf32, #tpu.memory_space<vmem_shared>>)
        %dma_start3A_90 = arith.constant 512 : i32
        %dma_start3A_91 = tpu.memref_slice %arg8[%dma_start3A_90] : memref<1024xi32, #tpu.memory_space<vmem>> -> memref<256xi32, #tpu.memory_space<vmem>>
        %dma_start3A_92 = arith.constant 0 : i32
        %dma_start3A_93 = arith.constant 0 : i32
        %dma_start3A_94 = tpu.memref_slice %arg2[%dma_start3A_92, %dma_start3A_93] : memref<50176x32xf32, #tpu.memory_space<hbm>> -> memref<50176x32xf32, #tpu.memory_space<hbm>>
        tpu.enqueue_indirect_dma source(%dma_start3A_94 : memref<50176x32xf32, #tpu.memory_space<hbm>>) target(%arg12 : memref<256x32xf32, #tpu.memory_space<vmem>>) offsets(%dma_start3A_91 : memref<256xi32, #tpu.memory_space<vmem>>) semaphore(%arg17 : memref<!tpu.dma_semaphore, #tpu.memory_space<semaphore_mem>>)
        %dma_wait3A_95 = arith.constant 512 : i32
        %dma_wait3A_96 = tpu.memref_slice %arg8[%dma_wait3A_95] : memref<1024xi32, #tpu.memory_space<vmem>> -> memref<256xi32, #tpu.memory_space<vmem>>
        %dma_wait3A_97 = arith.constant 0 : i32
        %dma_wait3A_98 = arith.constant 0 : i32
        %dma_wait3A_99 = tpu.memref_slice %arg2[%dma_wait3A_97, %dma_wait3A_98] : memref<50176x32xf32, #tpu.memory_space<hbm>> -> memref<50176x32xf32, #tpu.memory_space<hbm>>
        tpu.wait_indirect_dma semaphore(%arg17 : memref<!tpu.dma_semaphore, #tpu.memory_space<semaphore_mem>>) src(%dma_wait3A_99 : memref<50176x32xf32, #tpu.memory_space<hbm>>) dst(%arg12 : memref<256x32xf32, #tpu.memory_space<vmem>>)
        %dma_start3A_100 = arith.constant 512 : i32
        %dma_start3A_101 = tpu.memref_slice %arg10[%dma_start3A_100] : memref<1024xi32, #tpu.memory_space<vmem>> -> memref<256xi32, #tpu.memory_space<vmem>>
        %dma_start3A_102 = arith.constant 0 : i32
        %dma_start3A_103 = arith.constant 0 : i32
        %dma_start3A_104 = tpu.memref_slice %arg14[%dma_start3A_102, %dma_start3A_103] : memref<50176x32xf32, #tpu.memory_space<vmem_shared>> -> memref<50176x32xf32, #tpu.memory_space<vmem_shared>>
        tpu.enqueue_indirect_dma source(%arg12 : memref<256x32xf32, #tpu.memory_space<vmem>>) target(%dma_start3A_104 : memref<50176x32xf32, #tpu.memory_space<vmem_shared>>) offsets(%dma_start3A_101 : memref<256xi32, #tpu.memory_space<vmem>>) semaphore(%arg19 : memref<!tpu.dma_semaphore, #tpu.memory_space<semaphore_mem>>) {add = true}
        %dma_wait3A_105 = arith.constant 0 : i32
        %dma_wait3A_106 = tpu.memref_slice %arg10[%dma_wait3A_105] : memref<1024xi32, #tpu.memory_space<vmem>> -> memref<256xi32, #tpu.memory_space<vmem>>
        %dma_wait3A_107 = arith.constant 0 : i32
        %dma_wait3A_108 = arith.constant 0 : i32
        %dma_wait3A_109 = tpu.memref_slice %arg14[%dma_wait3A_107, %dma_wait3A_108] : memref<50176x32xf32, #tpu.memory_space<vmem_shared>> -> memref<50176x32xf32, #tpu.memory_space<vmem_shared>>
        tpu.wait_indirect_dma semaphore(%arg20 : memref<!tpu.dma_semaphore, #tpu.memory_space<semaphore_mem>>) src(%arg13 : memref<256x32xf32, #tpu.memory_space<vmem>>) dst(%dma_wait3A_109 : memref<50176x32xf32, #tpu.memory_space<vmem_shared>>)
        %dma_start3A_110 = arith.constant 768 : i32
        %dma_start3A_111 = tpu.memref_slice %arg8[%dma_start3A_110] : memref<1024xi32, #tpu.memory_space<vmem>> -> memref<256xi32, #tpu.memory_space<vmem>>
        %dma_start3A_112 = arith.constant 0 : i32
        %dma_start3A_113 = arith.constant 0 : i32
        %dma_start3A_114 = tpu.memref_slice %arg2[%dma_start3A_112, %dma_start3A_113] : memref<50176x32xf32, #tpu.memory_space<hbm>> -> memref<50176x32xf32, #tpu.memory_space<hbm>>
        tpu.enqueue_indirect_dma source(%dma_start3A_114 : memref<50176x32xf32, #tpu.memory_space<hbm>>) target(%arg13 : memref<256x32xf32, #tpu.memory_space<vmem>>) offsets(%dma_start3A_111 : memref<256xi32, #tpu.memory_space<vmem>>) semaphore(%arg18 : memref<!tpu.dma_semaphore, #tpu.memory_space<semaphore_mem>>)
        %dma_wait3A_115 = arith.constant 768 : i32
        %dma_wait3A_116 = tpu.memref_slice %arg8[%dma_wait3A_115] : memref<1024xi32, #tpu.memory_space<vmem>> -> memref<256xi32, #tpu.memory_space<vmem>>
        %dma_wait3A_117 = arith.constant 0 : i32
        %dma_wait3A_118 = arith.constant 0 : i32
        %dma_wait3A_119 = tpu.memref_slice %arg2[%dma_wait3A_117, %dma_wait3A_118] : memref<50176x32xf32, #tpu.memory_space<hbm>> -> memref<50176x32xf32, #tpu.memory_space<hbm>>
        tpu.wait_indirect_dma semaphore(%arg18 : memref<!tpu.dma_semaphore, #tpu.memory_space<semaphore_mem>>) src(%dma_wait3A_119 : memref<50176x32xf32, #tpu.memory_space<hbm>>) dst(%arg13 : memref<256x32xf32, #tpu.memory_space<vmem>>)
        %dma_start3A_120 = arith.constant 768 : i32
        %dma_start3A_121 = tpu.memref_slice %arg10[%dma_start3A_120] : memref<1024xi32, #tpu.memory_space<vmem>> -> memref<256xi32, #tpu.memory_space<vmem>>
        %dma_start3A_122 = arith.constant 0 : i32
        %dma_start3A_123 = arith.constant 0 : i32
        %dma_start3A_124 = tpu.memref_slice %arg14[%dma_start3A_122, %dma_start3A_123] : memref<50176x32xf32, #tpu.memory_space<vmem_shared>> -> memref<50176x32xf32, #tpu.memory_space<vmem_shared>>
        tpu.enqueue_indirect_dma source(%arg13 : memref<256x32xf32, #tpu.memory_space<vmem>>) target(%dma_start3A_124 : memref<50176x32xf32, #tpu.memory_space<vmem_shared>>) offsets(%dma_start3A_121 : memref<256xi32, #tpu.memory_space<vmem>>) semaphore(%arg20 : memref<!tpu.dma_semaphore, #tpu.memory_space<semaphore_mem>>) {add = true}
        %dma_wait3A_125 = arith.constant 0 : i32
        %dma_wait3A_126 = tpu.memref_slice %arg10[%dma_wait3A_125] : memref<1024xi32, #tpu.memory_space<vmem>> -> memref<256xi32, #tpu.memory_space<vmem>>
        %dma_wait3A_127 = arith.constant 0 : i32
        %dma_wait3A_128 = arith.constant 0 : i32
        %dma_wait3A_129 = tpu.memref_slice %arg14[%dma_wait3A_127, %dma_wait3A_128] : memref<50176x32xf32, #tpu.memory_space<vmem_shared>> -> memref<50176x32xf32, #tpu.memory_space<vmem_shared>>
        tpu.wait_indirect_dma semaphore(%arg19 : memref<!tpu.dma_semaphore, #tpu.memory_space<semaphore_mem>>) src(%arg12 : memref<256x32xf32, #tpu.memory_space<vmem>>) dst(%dma_wait3A_129 : memref<50176x32xf32, #tpu.memory_space<vmem_shared>>)
        %add3A_130 = arith.constant 1 : i32
        %add3A_131 = arith.addi %mul3A_55, %add3A_130 : i32
        %lt3A = arith.constant 50 : i32
        %lt3A_132 = arith.cmpi slt, %add3A_131, %lt3A : i32
        %convert_element_type3A_133 = arith.extui %lt3A_132 : i1 to i32
        %cond3A_134 = arith.constant 0 : i32
        %cond3A_135 = arith.cmpi ne, %convert_element_type3A_133, %cond3A_134 : i32
        scf.if %cond3A_135 {
          %add3A_236 = arith.constant 1 : i32
          %add3A_237 = arith.addi %mul3A_55, %add3A_236 : i32
          %mul3A_238 = arith.constant 1024 : i32
          %mul3A_239 = arith.muli %add3A_237, %mul3A_238 : i32
          %add3A_240 = arith.addi %mul3A_0, %mul3A_239 : i32
          %dma_wait3A_241 = tpu.memref_slice %arg4[%add3A_240] : memref<819200xi32, #tpu.memory_space<hbm>> -> memref<1024xi32, #tpu.memory_space<hbm>>
          %dma_wait3A_242 = tpu.memref_slice %arg4[%add3A_240] : memref<819200xi32, #tpu.memory_space<hbm>> -> memref<1024xi32, #tpu.memory_space<hbm>>
          tpu.wait_dma2 semaphore(%arg16 : memref<!tpu.dma_semaphore, #tpu.memory_space<semaphore_mem>>) src(%dma_wait3A_242 : memref<1024xi32, #tpu.memory_space<hbm>>) dst(%arg9 : memref<1024xi32, #tpu.memory_space<vmem>>)
          %mul3A_243 = arith.constant 1024 : i32
          %mul3A_244 = arith.muli %add3A_237, %mul3A_243 : i32
          %add3A_245 = arith.addi %mul3A_0, %mul3A_244 : i32
          %dma_wait3A_246 = tpu.memref_slice %arg5[%add3A_245] : memref<819200xi32, #tpu.memory_space<hbm>> -> memref<1024xi32, #tpu.memory_space<hbm>>
          %dma_wait3A_247 = tpu.memref_slice %arg5[%add3A_245] : memref<819200xi32, #tpu.memory_space<hbm>> -> memref<1024xi32, #tpu.memory_space<hbm>>
          tpu.wait_dma2 semaphore(%arg16 : memref<!tpu.dma_semaphore, #tpu.memory_space<semaphore_mem>>) src(%dma_wait3A_247 : memref<1024xi32, #tpu.memory_space<hbm>>) dst(%arg11 : memref<1024xi32, #tpu.memory_space<vmem>>)
          %dma_start3A_248 = arith.constant 0 : i32
          %dma_start3A_249 = tpu.memref_slice %arg9[%dma_start3A_248] : memref<1024xi32, #tpu.memory_space<vmem>> -> memref<256xi32, #tpu.memory_space<vmem>>
          %dma_start3A_250 = arith.constant 0 : i32
          %dma_start3A_251 = arith.constant 0 : i32
          %dma_start3A_252 = tpu.memref_slice %arg2[%dma_start3A_250, %dma_start3A_251] : memref<50176x32xf32, #tpu.memory_space<hbm>> -> memref<50176x32xf32, #tpu.memory_space<hbm>>
          tpu.enqueue_indirect_dma source(%dma_start3A_252 : memref<50176x32xf32, #tpu.memory_space<hbm>>) target(%arg12 : memref<256x32xf32, #tpu.memory_space<vmem>>) offsets(%dma_start3A_249 : memref<256xi32, #tpu.memory_space<vmem>>) semaphore(%arg17 : memref<!tpu.dma_semaphore, #tpu.memory_space<semaphore_mem>>)
        } else {
        }
        %add3A_136 = arith.constant 2 : i32
        %add3A_137 = arith.addi %mul3A_55, %add3A_136 : i32
        %lt3A_138 = arith.constant 50 : i32
        %lt3A_139 = arith.cmpi slt, %add3A_137, %lt3A_138 : i32
        %convert_element_type3A_140 = arith.extui %lt3A_139 : i1 to i32
        %cond3A_141 = arith.constant 0 : i32
        %cond3A_142 = arith.cmpi ne, %convert_element_type3A_140, %cond3A_141 : i32
        scf.if %cond3A_142 {
          %add3A_236 = arith.constant 2 : i32
          %add3A_237 = arith.addi %mul3A_55, %add3A_236 : i32
          %mul3A_238 = arith.constant 1024 : i32
          %mul3A_239 = arith.muli %add3A_237, %mul3A_238 : i32
          %add3A_240 = arith.addi %mul3A_0, %mul3A_239 : i32
          %dma_start3A_241 = tpu.memref_slice %arg4[%add3A_240] : memref<819200xi32, #tpu.memory_space<hbm>> -> memref<1024xi32, #tpu.memory_space<hbm>>
          %dma_start3A_242 = tpu.memref_slice %arg4[%add3A_240] : memref<819200xi32, #tpu.memory_space<hbm>> -> memref<1024xi32, #tpu.memory_space<hbm>>
          tpu.enqueue_dma source(%dma_start3A_242 : memref<1024xi32, #tpu.memory_space<hbm>>) target(%arg8 : memref<1024xi32, #tpu.memory_space<vmem>>) target_semaphore(%arg15 : memref<!tpu.dma_semaphore, #tpu.memory_space<semaphore_mem>>)
          %mul3A_243 = arith.constant 1024 : i32
          %mul3A_244 = arith.muli %add3A_237, %mul3A_243 : i32
          %add3A_245 = arith.addi %mul3A_0, %mul3A_244 : i32
          %dma_start3A_246 = tpu.memref_slice %arg5[%add3A_245] : memref<819200xi32, #tpu.memory_space<hbm>> -> memref<1024xi32, #tpu.memory_space<hbm>>
          %dma_start3A_247 = tpu.memref_slice %arg5[%add3A_245] : memref<819200xi32, #tpu.memory_space<hbm>> -> memref<1024xi32, #tpu.memory_space<hbm>>
          tpu.enqueue_dma source(%dma_start3A_247 : memref<1024xi32, #tpu.memory_space<hbm>>) target(%arg10 : memref<1024xi32, #tpu.memory_space<vmem>>) target_semaphore(%arg15 : memref<!tpu.dma_semaphore, #tpu.memory_space<semaphore_mem>>)
        } else {
        }
        %mul3A_143 = arith.constant 2 : i32
        %mul3A_144 = arith.muli %mul3A_143, %scan3A_53 : i32
        %add3A_145 = arith.constant 1 : i32
        %add3A_146 = arith.addi %mul3A_144, %add3A_145 : i32
        %dma_wait3A_147 = arith.constant 0 : i32
        %dma_wait3A_148 = tpu.memref_slice %arg9[%dma_wait3A_147] : memref<1024xi32, #tpu.memory_space<vmem>> -> memref<256xi32, #tpu.memory_space<vmem>>
        %dma_wait3A_149 = arith.constant 0 : i32
        %dma_wait3A_150 = arith.constant 0 : i32
        %dma_wait3A_151 = tpu.memref_slice %arg2[%dma_wait3A_149, %dma_wait3A_150] : memref<50176x32xf32, #tpu.memory_space<hbm>> -> memref<50176x32xf32, #tpu.memory_space<hbm>>
        tpu.wait_indirect_dma semaphore(%arg17 : memref<!tpu.dma_semaphore, #tpu.memory_space<semaphore_mem>>) src(%dma_wait3A_151 : memref<50176x32xf32, #tpu.memory_space<hbm>>) dst(%arg12 : memref<256x32xf32, #tpu.memory_space<vmem>>)
        %dma_start3A_152 = arith.constant 0 : i32
        %dma_start3A_153 = tpu.memref_slice %arg11[%dma_start3A_152] : memref<1024xi32, #tpu.memory_space<vmem>> -> memref<256xi32, #tpu.memory_space<vmem>>
        %dma_start3A_154 = arith.constant 0 : i32
        %dma_start3A_155 = arith.constant 0 : i32
        %dma_start3A_156 = tpu.memref_slice %arg14[%dma_start3A_154, %dma_start3A_155] : memref<50176x32xf32, #tpu.memory_space<vmem_shared>> -> memref<50176x32xf32, #tpu.memory_space<vmem_shared>>
        tpu.enqueue_indirect_dma source(%arg12 : memref<256x32xf32, #tpu.memory_space<vmem>>) target(%dma_start3A_156 : memref<50176x32xf32, #tpu.memory_space<vmem_shared>>) offsets(%dma_start3A_153 : memref<256xi32, #tpu.memory_space<vmem>>) semaphore(%arg19 : memref<!tpu.dma_semaphore, #tpu.memory_space<semaphore_mem>>) {add = true}
        %dma_wait3A_157 = arith.constant 0 : i32
        %dma_wait3A_158 = tpu.memref_slice %arg11[%dma_wait3A_157] : memref<1024xi32, #tpu.memory_space<vmem>> -> memref<256xi32, #tpu.memory_space<vmem>>
        %dma_wait3A_159 = arith.constant 0 : i32
        %dma_wait3A_160 = arith.constant 0 : i32
        %dma_wait3A_161 = tpu.memref_slice %arg14[%dma_wait3A_159, %dma_wait3A_160] : memref<50176x32xf32, #tpu.memory_space<vmem_shared>> -> memref<50176x32xf32, #tpu.memory_space<vmem_shared>>
        tpu.wait_indirect_dma semaphore(%arg20 : memref<!tpu.dma_semaphore, #tpu.memory_space<semaphore_mem>>) src(%arg13 : memref<256x32xf32, #tpu.memory_space<vmem>>) dst(%dma_wait3A_161 : memref<50176x32xf32, #tpu.memory_space<vmem_shared>>)
        %dma_start3A_162 = arith.constant 256 : i32
        %dma_start3A_163 = tpu.memref_slice %arg9[%dma_start3A_162] : memref<1024xi32, #tpu.memory_space<vmem>> -> memref<256xi32, #tpu.memory_space<vmem>>
        %dma_start3A_164 = arith.constant 0 : i32
        %dma_start3A_165 = arith.constant 0 : i32
        %dma_start3A_166 = tpu.memref_slice %arg2[%dma_start3A_164, %dma_start3A_165] : memref<50176x32xf32, #tpu.memory_space<hbm>> -> memref<50176x32xf32, #tpu.memory_space<hbm>>
        tpu.enqueue_indirect_dma source(%dma_start3A_166 : memref<50176x32xf32, #tpu.memory_space<hbm>>) target(%arg13 : memref<256x32xf32, #tpu.memory_space<vmem>>) offsets(%dma_start3A_163 : memref<256xi32, #tpu.memory_space<vmem>>) semaphore(%arg18 : memref<!tpu.dma_semaphore, #tpu.memory_space<semaphore_mem>>)
        %dma_wait3A_167 = arith.constant 256 : i32
        %dma_wait3A_168 = tpu.memref_slice %arg9[%dma_wait3A_167] : memref<1024xi32, #tpu.memory_space<vmem>> -> memref<256xi32, #tpu.memory_space<vmem>>
        %dma_wait3A_169 = arith.constant 0 : i32
        %dma_wait3A_170 = arith.constant 0 : i32
        %dma_wait3A_171 = tpu.memref_slice %arg2[%dma_wait3A_169, %dma_wait3A_170] : memref<50176x32xf32, #tpu.memory_space<hbm>> -> memref<50176x32xf32, #tpu.memory_space<hbm>>
        tpu.wait_indirect_dma semaphore(%arg18 : memref<!tpu.dma_semaphore, #tpu.memory_space<semaphore_mem>>) src(%dma_wait3A_171 : memref<50176x32xf32, #tpu.memory_space<hbm>>) dst(%arg13 : memref<256x32xf32, #tpu.memory_space<vmem>>)
        %dma_start3A_172 = arith.constant 256 : i32
        %dma_start3A_173 = tpu.memref_slice %arg11[%dma_start3A_172] : memref<1024xi32, #tpu.memory_space<vmem>> -> memref<256xi32, #tpu.memory_space<vmem>>
        %dma_start3A_174 = arith.constant 0 : i32
        %dma_start3A_175 = arith.constant 0 : i32
        %dma_start3A_176 = tpu.memref_slice %arg14[%dma_start3A_174, %dma_start3A_175] : memref<50176x32xf32, #tpu.memory_space<vmem_shared>> -> memref<50176x32xf32, #tpu.memory_space<vmem_shared>>
        tpu.enqueue_indirect_dma source(%arg13 : memref<256x32xf32, #tpu.memory_space<vmem>>) target(%dma_start3A_176 : memref<50176x32xf32, #tpu.memory_space<vmem_shared>>) offsets(%dma_start3A_173 : memref<256xi32, #tpu.memory_space<vmem>>) semaphore(%arg20 : memref<!tpu.dma_semaphore, #tpu.memory_space<semaphore_mem>>) {add = true}
        %dma_wait3A_177 = arith.constant 0 : i32
        %dma_wait3A_178 = tpu.memref_slice %arg11[%dma_wait3A_177] : memref<1024xi32, #tpu.memory_space<vmem>> -> memref<256xi32, #tpu.memory_space<vmem>>
        %dma_wait3A_179 = arith.constant 0 : i32
        %dma_wait3A_180 = arith.constant 0 : i32
        %dma_wait3A_181 = tpu.memref_slice %arg14[%dma_wait3A_179, %dma_wait3A_180] : memref<50176x32xf32, #tpu.memory_space<vmem_shared>> -> memref<50176x32xf32, #tpu.memory_space<vmem_shared>>
        tpu.wait_indirect_dma semaphore(%arg19 : memref<!tpu.dma_semaphore, #tpu.memory_space<semaphore_mem>>) src(%arg12 : memref<256x32xf32, #tpu.memory_space<vmem>>) dst(%dma_wait3A_181 : memref<50176x32xf32, #tpu.memory_space<vmem_shared>>)
        %dma_start3A_182 = arith.constant 512 : i32
        %dma_start3A_183 = tpu.memref_slice %arg9[%dma_start3A_182] : memref<1024xi32, #tpu.memory_space<vmem>> -> memref<256xi32, #tpu.memory_space<vmem>>
        %dma_start3A_184 = arith.constant 0 : i32
        %dma_start3A_185 = arith.constant 0 : i32
        %dma_start3A_186 = tpu.memref_slice %arg2[%dma_start3A_184, %dma_start3A_185] : memref<50176x32xf32, #tpu.memory_space<hbm>> -> memref<50176x32xf32, #tpu.memory_space<hbm>>
        tpu.enqueue_indirect_dma source(%dma_start3A_186 : memref<50176x32xf32, #tpu.memory_space<hbm>>) target(%arg12 : memref<256x32xf32, #tpu.memory_space<vmem>>) offsets(%dma_start3A_183 : memref<256xi32, #tpu.memory_space<vmem>>) semaphore(%arg17 : memref<!tpu.dma_semaphore, #tpu.memory_space<semaphore_mem>>)
        %dma_wait3A_187 = arith.constant 512 : i32
        %dma_wait3A_188 = tpu.memref_slice %arg9[%dma_wait3A_187] : memref<1024xi32, #tpu.memory_space<vmem>> -> memref<256xi32, #tpu.memory_space<vmem>>
        %dma_wait3A_189 = arith.constant 0 : i32
        %dma_wait3A_190 = arith.constant 0 : i32
        %dma_wait3A_191 = tpu.memref_slice %arg2[%dma_wait3A_189, %dma_wait3A_190] : memref<50176x32xf32, #tpu.memory_space<hbm>> -> memref<50176x32xf32, #tpu.memory_space<hbm>>
        tpu.wait_indirect_dma semaphore(%arg17 : memref<!tpu.dma_semaphore, #tpu.memory_space<semaphore_mem>>) src(%dma_wait3A_191 : memref<50176x32xf32, #tpu.memory_space<hbm>>) dst(%arg12 : memref<256x32xf32, #tpu.memory_space<vmem>>)
        %dma_start3A_192 = arith.constant 512 : i32
        %dma_start3A_193 = tpu.memref_slice %arg11[%dma_start3A_192] : memref<1024xi32, #tpu.memory_space<vmem>> -> memref<256xi32, #tpu.memory_space<vmem>>
        %dma_start3A_194 = arith.constant 0 : i32
        %dma_start3A_195 = arith.constant 0 : i32
        %dma_start3A_196 = tpu.memref_slice %arg14[%dma_start3A_194, %dma_start3A_195] : memref<50176x32xf32, #tpu.memory_space<vmem_shared>> -> memref<50176x32xf32, #tpu.memory_space<vmem_shared>>
        tpu.enqueue_indirect_dma source(%arg12 : memref<256x32xf32, #tpu.memory_space<vmem>>) target(%dma_start3A_196 : memref<50176x32xf32, #tpu.memory_space<vmem_shared>>) offsets(%dma_start3A_193 : memref<256xi32, #tpu.memory_space<vmem>>) semaphore(%arg19 : memref<!tpu.dma_semaphore, #tpu.memory_space<semaphore_mem>>) {add = true}
        %dma_wait3A_197 = arith.constant 0 : i32
        %dma_wait3A_198 = tpu.memref_slice %arg11[%dma_wait3A_197] : memref<1024xi32, #tpu.memory_space<vmem>> -> memref<256xi32, #tpu.memory_space<vmem>>
        %dma_wait3A_199 = arith.constant 0 : i32
        %dma_wait3A_200 = arith.constant 0 : i32
        %dma_wait3A_201 = tpu.memref_slice %arg14[%dma_wait3A_199, %dma_wait3A_200] : memref<50176x32xf32, #tpu.memory_space<vmem_shared>> -> memref<50176x32xf32, #tpu.memory_space<vmem_shared>>
        tpu.wait_indirect_dma semaphore(%arg20 : memref<!tpu.dma_semaphore, #tpu.memory_space<semaphore_mem>>) src(%arg13 : memref<256x32xf32, #tpu.memory_space<vmem>>) dst(%dma_wait3A_201 : memref<50176x32xf32, #tpu.memory_space<vmem_shared>>)
        %dma_start3A_202 = arith.constant 768 : i32
        %dma_start3A_203 = tpu.memref_slice %arg9[%dma_start3A_202] : memref<1024xi32, #tpu.memory_space<vmem>> -> memref<256xi32, #tpu.memory_space<vmem>>
        %dma_start3A_204 = arith.constant 0 : i32
        %dma_start3A_205 = arith.constant 0 : i32
        %dma_start3A_206 = tpu.memref_slice %arg2[%dma_start3A_204, %dma_start3A_205] : memref<50176x32xf32, #tpu.memory_space<hbm>> -> memref<50176x32xf32, #tpu.memory_space<hbm>>
        tpu.enqueue_indirect_dma source(%dma_start3A_206 : memref<50176x32xf32, #tpu.memory_space<hbm>>) target(%arg13 : memref<256x32xf32, #tpu.memory_space<vmem>>) offsets(%dma_start3A_203 : memref<256xi32, #tpu.memory_space<vmem>>) semaphore(%arg18 : memref<!tpu.dma_semaphore, #tpu.memory_space<semaphore_mem>>)
        %dma_wait3A_207 = arith.constant 768 : i32
        %dma_wait3A_208 = tpu.memref_slice %arg9[%dma_wait3A_207] : memref<1024xi32, #tpu.memory_space<vmem>> -> memref<256xi32, #tpu.memory_space<vmem>>
        %dma_wait3A_209 = arith.constant 0 : i32
        %dma_wait3A_210 = arith.constant 0 : i32
        %dma_wait3A_211 = tpu.memref_slice %arg2[%dma_wait3A_209, %dma_wait3A_210] : memref<50176x32xf32, #tpu.memory_space<hbm>> -> memref<50176x32xf32, #tpu.memory_space<hbm>>
        tpu.wait_indirect_dma semaphore(%arg18 : memref<!tpu.dma_semaphore, #tpu.memory_space<semaphore_mem>>) src(%dma_wait3A_211 : memref<50176x32xf32, #tpu.memory_space<hbm>>) dst(%arg13 : memref<256x32xf32, #tpu.memory_space<vmem>>)
        %dma_start3A_212 = arith.constant 768 : i32
        %dma_start3A_213 = tpu.memref_slice %arg11[%dma_start3A_212] : memref<1024xi32, #tpu.memory_space<vmem>> -> memref<256xi32, #tpu.memory_space<vmem>>
        %dma_start3A_214 = arith.constant 0 : i32
        %dma_start3A_215 = arith.constant 0 : i32
        %dma_start3A_216 = tpu.memref_slice %arg14[%dma_start3A_214, %dma_start3A_215] : memref<50176x32xf32, #tpu.memory_space<vmem_shared>> -> memref<50176x32xf32, #tpu.memory_space<vmem_shared>>
        tpu.enqueue_indirect_dma source(%arg13 : memref<256x32xf32, #tpu.memory_space<vmem>>) target(%dma_start3A_216 : memref<50176x32xf32, #tpu.memory_space<vmem_shared>>) offsets(%dma_start3A_213 : memref<256xi32, #tpu.memory_space<vmem>>) semaphore(%arg20 : memref<!tpu.dma_semaphore, #tpu.memory_space<semaphore_mem>>) {add = true}
        %dma_wait3A_217 = arith.constant 0 : i32
        %dma_wait3A_218 = tpu.memref_slice %arg11[%dma_wait3A_217] : memref<1024xi32, #tpu.memory_space<vmem>> -> memref<256xi32, #tpu.memory_space<vmem>>
        %dma_wait3A_219 = arith.constant 0 : i32
        %dma_wait3A_220 = arith.constant 0 : i32
        %dma_wait3A_221 = tpu.memref_slice %arg14[%dma_wait3A_219, %dma_wait3A_220] : memref<50176x32xf32, #tpu.memory_space<vmem_shared>> -> memref<50176x32xf32, #tpu.memory_space<vmem_shared>>
        tpu.wait_indirect_dma semaphore(%arg19 : memref<!tpu.dma_semaphore, #tpu.memory_space<semaphore_mem>>) src(%arg12 : memref<256x32xf32, #tpu.memory_space<vmem>>) dst(%dma_wait3A_221 : memref<50176x32xf32, #tpu.memory_space<vmem_shared>>)
        %add3A_222 = arith.constant 1 : i32
        %add3A_223 = arith.addi %add3A_146, %add3A_222 : i32
        %lt3A_224 = arith.constant 50 : i32
        %lt3A_225 = arith.cmpi slt, %add3A_223, %lt3A_224 : i32
        %convert_element_type3A_226 = arith.extui %lt3A_225 : i1 to i32
        %cond3A_227 = arith.constant 0 : i32
        %cond3A_228 = arith.cmpi ne, %convert_element_type3A_226, %cond3A_227 : i32
        scf.if %cond3A_228 {
          %add3A_236 = arith.constant 1 : i32
          %add3A_237 = arith.addi %add3A_146, %add3A_236 : i32
          %mul3A_238 = arith.constant 1024 : i32
          %mul3A_239 = arith.muli %add3A_237, %mul3A_238 : i32
          %add3A_240 = arith.addi %mul3A_0, %mul3A_239 : i32
          %dma_wait3A_241 = tpu.memref_slice %arg4[%add3A_240] : memref<819200xi32, #tpu.memory_space<hbm>> -> memref<1024xi32, #tpu.memory_space<hbm>>
          %dma_wait3A_242 = tpu.memref_slice %arg4[%add3A_240] : memref<819200xi32, #tpu.memory_space<hbm>> -> memref<1024xi32, #tpu.memory_space<hbm>>
          tpu.wait_dma2 semaphore(%arg15 : memref<!tpu.dma_semaphore, #tpu.memory_space<semaphore_mem>>) src(%dma_wait3A_242 : memref<1024xi32, #tpu.memory_space<hbm>>) dst(%arg8 : memref<1024xi32, #tpu.memory_space<vmem>>)
          %mul3A_243 = arith.constant 1024 : i32
          %mul3A_244 = arith.muli %add3A_237, %mul3A_243 : i32
          %add3A_245 = arith.addi %mul3A_0, %mul3A_244 : i32
          %dma_wait3A_246 = tpu.memref_slice %arg5[%add3A_245] : memref<819200xi32, #tpu.memory_space<hbm>> -> memref<1024xi32, #tpu.memory_space<hbm>>
          %dma_wait3A_247 = tpu.memref_slice %arg5[%add3A_245] : memref<819200xi32, #tpu.memory_space<hbm>> -> memref<1024xi32, #tpu.memory_space<hbm>>
          tpu.wait_dma2 semaphore(%arg15 : memref<!tpu.dma_semaphore, #tpu.memory_space<semaphore_mem>>) src(%dma_wait3A_247 : memref<1024xi32, #tpu.memory_space<hbm>>) dst(%arg10 : memref<1024xi32, #tpu.memory_space<vmem>>)
          %dma_start3A_248 = arith.constant 0 : i32
          %dma_start3A_249 = tpu.memref_slice %arg8[%dma_start3A_248] : memref<1024xi32, #tpu.memory_space<vmem>> -> memref<256xi32, #tpu.memory_space<vmem>>
          %dma_start3A_250 = arith.constant 0 : i32
          %dma_start3A_251 = arith.constant 0 : i32
          %dma_start3A_252 = tpu.memref_slice %arg2[%dma_start3A_250, %dma_start3A_251] : memref<50176x32xf32, #tpu.memory_space<hbm>> -> memref<50176x32xf32, #tpu.memory_space<hbm>>
          tpu.enqueue_indirect_dma source(%dma_start3A_252 : memref<50176x32xf32, #tpu.memory_space<hbm>>) target(%arg12 : memref<256x32xf32, #tpu.memory_space<vmem>>) offsets(%dma_start3A_249 : memref<256xi32, #tpu.memory_space<vmem>>) semaphore(%arg17 : memref<!tpu.dma_semaphore, #tpu.memory_space<semaphore_mem>>)
        } else {
        }
        %add3A_229 = arith.constant 2 : i32
        %add3A_230 = arith.addi %add3A_146, %add3A_229 : i32
        %lt3A_231 = arith.constant 50 : i32
        %lt3A_232 = arith.cmpi slt, %add3A_230, %lt3A_231 : i32
        %convert_element_type3A_233 = arith.extui %lt3A_232 : i1 to i32
        %cond3A_234 = arith.constant 0 : i32
        %cond3A_235 = arith.cmpi ne, %convert_element_type3A_233, %cond3A_234 : i32
        scf.if %cond3A_235 {
          %add3A_236 = arith.constant 2 : i32
          %add3A_237 = arith.addi %add3A_146, %add3A_236 : i32
          %mul3A_238 = arith.constant 1024 : i32
          %mul3A_239 = arith.muli %add3A_237, %mul3A_238 : i32
          %add3A_240 = arith.addi %mul3A_0, %mul3A_239 : i32
          %dma_start3A_241 = tpu.memref_slice %arg4[%add3A_240] : memref<819200xi32, #tpu.memory_space<hbm>> -> memref<1024xi32, #tpu.memory_space<hbm>>
          %dma_start3A_242 = tpu.memref_slice %arg4[%add3A_240] : memref<819200xi32, #tpu.memory_space<hbm>> -> memref<1024xi32, #tpu.memory_space<hbm>>
          tpu.enqueue_dma source(%dma_start3A_242 : memref<1024xi32, #tpu.memory_space<hbm>>) target(%arg9 : memref<1024xi32, #tpu.memory_space<vmem>>) target_semaphore(%arg16 : memref<!tpu.dma_semaphore, #tpu.memory_space<semaphore_mem>>)
          %mul3A_243 = arith.constant 1024 : i32
          %mul3A_244 = arith.muli %add3A_237, %mul3A_243 : i32
          %add3A_245 = arith.addi %mul3A_0, %mul3A_244 : i32
          %dma_start3A_246 = tpu.memref_slice %arg5[%add3A_245] : memref<819200xi32, #tpu.memory_space<hbm>> -> memref<1024xi32, #tpu.memory_space<hbm>>
          %dma_start3A_247 = tpu.memref_slice %arg5[%add3A_245] : memref<819200xi32, #tpu.memory_space<hbm>> -> memref<1024xi32, #tpu.memory_space<hbm>>
          tpu.enqueue_dma source(%dma_start3A_247 : memref<1024xi32, #tpu.memory_space<hbm>>) target(%arg11 : memref<1024xi32, #tpu.memory_space<vmem>>) target_semaphore(%arg16 : memref<!tpu.dma_semaphore, #tpu.memory_space<semaphore_mem>>)
        } else {
        }
      }
      %scan3A_42 = arith.constant 25 : i32
      %dma_wait3A_43 = arith.constant 0 : i32
      %dma_wait3A_44 = tpu.memref_slice %arg11[%dma_wait3A_43] : memref<1024xi32, #tpu.memory_space<vmem>> -> memref<256xi32, #tpu.memory_space<vmem>>
      %dma_wait3A_45 = arith.constant 0 : i32
      %dma_wait3A_46 = arith.constant 0 : i32
      %dma_wait3A_47 = tpu.memref_slice %arg14[%dma_wait3A_45, %dma_wait3A_46] : memref<50176x32xf32, #tpu.memory_space<vmem_shared>> -> memref<50176x32xf32, #tpu.memory_space<vmem_shared>>
      tpu.wait_indirect_dma semaphore(%arg20 : memref<!tpu.dma_semaphore, #tpu.memory_space<semaphore_mem>>) src(%arg13 : memref<256x32xf32, #tpu.memory_space<vmem>>) dst(%dma_wait3A_47 : memref<50176x32xf32, #tpu.memory_space<vmem_shared>>)
      %barrier3A_48 = arith.constant 0 : index
      tpu.barrier barrier_id(%barrier3A_48)
      %mul3A_49 = arith.constant 3136 : i32
      %mul3A_50 = arith.muli %arg1, %mul3A_49 : i32
      %mul3A_51 = arith.constant 3136 : i32
      %mul3A_52 = arith.muli %arg1, %mul3A_51 : i32
      "tpu.region"() ({
        %run_scoped3A = tpu.sem_alloc : memref<!tpu.dma_semaphore, #tpu.memory_space<semaphore_mem>>
        %dma_start3A_53 = arith.constant 0 : i32
        %dma_start3A_54 = tpu.memref_slice %arg6[%mul3A_52, %dma_start3A_53] : memref<50176x32xf32, #tpu.memory_space<hbm>> -> memref<3136x32xf32, #tpu.memory_space<hbm>>
        %dma_start3A_55 = arith.constant 0 : i32
        %dma_start3A_56 = tpu.memref_slice %arg14[%mul3A_50, %dma_start3A_55] : memref<50176x32xf32, #tpu.memory_space<vmem_shared>> -> memref<3136x32xf32, #tpu.memory_space<vmem_shared>>
        tpu.enqueue_dma source(%dma_start3A_56 : memref<3136x32xf32, #tpu.memory_space<vmem_shared>>) target(%dma_start3A_54 : memref<3136x32xf32, #tpu.memory_space<hbm>>) target_semaphore(%run_scoped3A : memref<!tpu.dma_semaphore, #tpu.memory_space<semaphore_mem>>)
        %dma_wait3A_57 = arith.constant 0 : i32
        %dma_wait3A_58 = tpu.memref_slice %arg6[%mul3A_52, %dma_wait3A_57] : memref<50176x32xf32, #tpu.memory_space<hbm>> -> memref<3136x32xf32, #tpu.memory_space<hbm>>
        %dma_wait3A_59 = arith.constant 0 : i32
        %dma_wait3A_60 = tpu.memref_slice %arg14[%mul3A_50, %dma_wait3A_59] : memref<50176x32xf32, #tpu.memory_space<vmem_shared>> -> memref<3136x32xf32, #tpu.memory_space<vmem_shared>>
        tpu.wait_dma2 semaphore(%run_scoped3A : memref<!tpu.dma_semaphore, #tpu.memory_space<semaphore_mem>>) src(%dma_wait3A_60 : memref<3136x32xf32, #tpu.memory_space<vmem_shared>>) dst(%dma_wait3A_58 : memref<3136x32xf32, #tpu.memory_space<hbm>>)
        tpu.yield
      }) : () -> ()
    } else {
    }
    %eq3A_3 = arith.constant 1 : i32
    %eq3A_4 = arith.cmpi eq, %arg0, %eq3A_3 : i32
    %convert_element_type3A_5 = arith.extui %eq3A_4 : i1 to i32
    %cond3A_6 = arith.constant 0 : i32
    %cond3A_7 = arith.cmpi ne, %convert_element_type3A_5, %cond3A_6 : i32
    scf.if %cond3A_7 {
      %add3A = arith.constant 0 : i32
      %add3A_8 = arith.addi %mul3A_0, %add3A : i32
      %dma_start3A = tpu.memref_slice %arg4[%add3A_8] : memref<819200xi32, #tpu.memory_space<hbm>> -> memref<1024xi32, #tpu.memory_space<hbm>>
      %dma_start3A_9 = tpu.memref_slice %arg4[%add3A_8] : memref<819200xi32, #tpu.memory_space<hbm>> -> memref<1024xi32, #tpu.memory_space<hbm>>
      tpu.enqueue_dma source(%dma_start3A_9 : memref<1024xi32, #tpu.memory_space<hbm>>) target(%arg8 : memref<1024xi32, #tpu.memory_space<vmem>>) target_semaphore(%arg15 : memref<!tpu.dma_semaphore, #tpu.memory_space<semaphore_mem>>)
      %add3A_10 = arith.constant 0 : i32
      %add3A_11 = arith.addi %mul3A_0, %add3A_10 : i32
      %dma_start3A_12 = tpu.memref_slice %arg5[%add3A_11] : memref<819200xi32, #tpu.memory_space<hbm>> -> memref<1024xi32, #tpu.memory_space<hbm>>
      %dma_start3A_13 = tpu.memref_slice %arg5[%add3A_11] : memref<819200xi32, #tpu.memory_space<hbm>> -> memref<1024xi32, #tpu.memory_space<hbm>>
      tpu.enqueue_dma source(%dma_start3A_13 : memref<1024xi32, #tpu.memory_space<hbm>>) target(%arg10 : memref<1024xi32, #tpu.memory_space<vmem>>) target_semaphore(%arg15 : memref<!tpu.dma_semaphore, #tpu.memory_space<semaphore_mem>>)
      %add3A_14 = arith.constant 1024 : i32
      %add3A_15 = arith.addi %mul3A_0, %add3A_14 : i32
      %dma_start3A_16 = tpu.memref_slice %arg4[%add3A_15] : memref<819200xi32, #tpu.memory_space<hbm>> -> memref<1024xi32, #tpu.memory_space<hbm>>
      %dma_start3A_17 = tpu.memref_slice %arg4[%add3A_15] : memref<819200xi32, #tpu.memory_space<hbm>> -> memref<1024xi32, #tpu.memory_space<hbm>>
      tpu.enqueue_dma source(%dma_start3A_17 : memref<1024xi32, #tpu.memory_space<hbm>>) target(%arg9 : memref<1024xi32, #tpu.memory_space<vmem>>) target_semaphore(%arg16 : memref<!tpu.dma_semaphore, #tpu.memory_space<semaphore_mem>>)
      %add3A_18 = arith.constant 1024 : i32
      %add3A_19 = arith.addi %mul3A_0, %add3A_18 : i32
      %dma_start3A_20 = tpu.memref_slice %arg5[%add3A_19] : memref<819200xi32, #tpu.memory_space<hbm>> -> memref<1024xi32, #tpu.memory_space<hbm>>
      %dma_start3A_21 = tpu.memref_slice %arg5[%add3A_19] : memref<819200xi32, #tpu.memory_space<hbm>> -> memref<1024xi32, #tpu.memory_space<hbm>>
      tpu.enqueue_dma source(%dma_start3A_21 : memref<1024xi32, #tpu.memory_space<hbm>>) target(%arg11 : memref<1024xi32, #tpu.memory_space<vmem>>) target_semaphore(%arg16 : memref<!tpu.dma_semaphore, #tpu.memory_space<semaphore_mem>>)
      %mul3A_22 = arith.constant 3136 : i32
      %mul3A_23 = arith.muli %arg1, %mul3A_22 : i32
      %mul3A_24 = arith.constant 3136 : i32
      %mul3A_25 = arith.muli %arg1, %mul3A_24 : i32
      "tpu.region"() ({
        %run_scoped3A = tpu.sem_alloc : memref<!tpu.dma_semaphore, #tpu.memory_space<semaphore_mem>>
        %dma_start3A_53 = arith.constant 0 : i32
        %dma_start3A_54 = tpu.memref_slice %arg14[%mul3A_25, %dma_start3A_53] : memref<50176x32xf32, #tpu.memory_space<vmem_shared>> -> memref<3136x32xf32, #tpu.memory_space<vmem_shared>>
        %dma_start3A_55 = arith.constant 0 : i32
        %dma_start3A_56 = tpu.memref_slice %arg3[%mul3A_23, %dma_start3A_55] : memref<50176x32xf32, #tpu.memory_space<hbm>> -> memref<3136x32xf32, #tpu.memory_space<hbm>>
        tpu.enqueue_dma source(%dma_start3A_56 : memref<3136x32xf32, #tpu.memory_space<hbm>>) target(%dma_start3A_54 : memref<3136x32xf32, #tpu.memory_space<vmem_shared>>) target_semaphore(%run_scoped3A : memref<!tpu.dma_semaphore, #tpu.memory_space<semaphore_mem>>)
        %dma_wait3A_57 = arith.constant 0 : i32
        %dma_wait3A_58 = tpu.memref_slice %arg14[%mul3A_25, %dma_wait3A_57] : memref<50176x32xf32, #tpu.memory_space<vmem_shared>> -> memref<3136x32xf32, #tpu.memory_space<vmem_shared>>
        %dma_wait3A_59 = arith.constant 0 : i32
        %dma_wait3A_60 = tpu.memref_slice %arg3[%mul3A_23, %dma_wait3A_59] : memref<50176x32xf32, #tpu.memory_space<hbm>> -> memref<3136x32xf32, #tpu.memory_space<hbm>>
        tpu.wait_dma2 semaphore(%run_scoped3A : memref<!tpu.dma_semaphore, #tpu.memory_space<semaphore_mem>>) src(%dma_wait3A_60 : memref<3136x32xf32, #tpu.memory_space<hbm>>) dst(%dma_wait3A_58 : memref<3136x32xf32, #tpu.memory_space<vmem_shared>>)
        tpu.yield
      }) : () -> ()
      %add3A_26 = arith.constant 0 : i32
      %add3A_27 = arith.addi %mul3A_0, %add3A_26 : i32
      %dma_wait3A = tpu.memref_slice %arg4[%add3A_27] : memref<819200xi32, #tpu.memory_space<hbm>> -> memref<1024xi32, #tpu.memory_space<hbm>>
      %dma_wait3A_28 = tpu.memref_slice %arg4[%add3A_27] : memref<819200xi32, #tpu.memory_space<hbm>> -> memref<1024xi32, #tpu.memory_space<hbm>>
      tpu.wait_dma2 semaphore(%arg15 : memref<!tpu.dma_semaphore, #tpu.memory_space<semaphore_mem>>) src(%dma_wait3A_28 : memref<1024xi32, #tpu.memory_space<hbm>>) dst(%arg8 : memref<1024xi32, #tpu.memory_space<vmem>>)
      %add3A_29 = arith.constant 0 : i32
      %add3A_30 = arith.addi %mul3A_0, %add3A_29 : i32
      %dma_wait3A_31 = tpu.memref_slice %arg5[%add3A_30] : memref<819200xi32, #tpu.memory_space<hbm>> -> memref<1024xi32, #tpu.memory_space<hbm>>
      %dma_wait3A_32 = tpu.memref_slice %arg5[%add3A_30] : memref<819200xi32, #tpu.memory_space<hbm>> -> memref<1024xi32, #tpu.memory_space<hbm>>
      tpu.wait_dma2 semaphore(%arg15 : memref<!tpu.dma_semaphore, #tpu.memory_space<semaphore_mem>>) src(%dma_wait3A_32 : memref<1024xi32, #tpu.memory_space<hbm>>) dst(%arg10 : memref<1024xi32, #tpu.memory_space<vmem>>)
      %barrier3A = arith.constant 0 : index
      tpu.barrier barrier_id(%barrier3A)
      %dma_start3A_33 = arith.constant 0 : i32
      %dma_start3A_34 = tpu.memref_slice %arg8[%dma_start3A_33] : memref<1024xi32, #tpu.memory_space<vmem>> -> memref<256xi32, #tpu.memory_space<vmem>>
      %dma_start3A_35 = arith.constant 0 : i32
      %dma_start3A_36 = arith.constant 0 : i32
      %dma_start3A_37 = tpu.memref_slice %arg3[%dma_start3A_35, %dma_start3A_36] : memref<50176x32xf32, #tpu.memory_space<hbm>> -> memref<50176x32xf32, #tpu.memory_space<hbm>>
      tpu.enqueue_indirect_dma source(%dma_start3A_37 : memref<50176x32xf32, #tpu.memory_space<hbm>>) target(%arg12 : memref<256x32xf32, #tpu.memory_space<vmem>>) offsets(%dma_start3A_34 : memref<256xi32, #tpu.memory_space<vmem>>) semaphore(%arg17 : memref<!tpu.dma_semaphore, #tpu.memory_space<semaphore_mem>>)
      %scan3A = arith.constant 0 : i32
      %scan3A_38 = arith.constant 0 : i32
      %scan3A_39 = arith.constant 25 : i32
      %scan3A_40 = arith.addi %scan3A_38, %scan3A_39 : i32
      %scan3A_41 = arith.constant 1 : i32
      scf.for %scan3A_53 = %scan3A_38 to %scan3A_40 step %scan3A_41  : i32 {
        %mul3A_54 = arith.constant 2 : i32
        %mul3A_55 = arith.muli %mul3A_54, %scan3A_53 : i32
        %dma_wait3A_56 = arith.constant 0 : i32
        %dma_wait3A_57 = tpu.memref_slice %arg8[%dma_wait3A_56] : memref<1024xi32, #tpu.memory_space<vmem>> -> memref<256xi32, #tpu.memory_space<vmem>>
        %dma_wait3A_58 = arith.constant 0 : i32
        %dma_wait3A_59 = arith.constant 0 : i32
        %dma_wait3A_60 = tpu.memref_slice %arg3[%dma_wait3A_58, %dma_wait3A_59] : memref<50176x32xf32, #tpu.memory_space<hbm>> -> memref<50176x32xf32, #tpu.memory_space<hbm>>
        tpu.wait_indirect_dma semaphore(%arg17 : memref<!tpu.dma_semaphore, #tpu.memory_space<semaphore_mem>>) src(%dma_wait3A_60 : memref<50176x32xf32, #tpu.memory_space<hbm>>) dst(%arg12 : memref<256x32xf32, #tpu.memory_space<vmem>>)
        %dma_start3A_61 = arith.constant 0 : i32
        %dma_start3A_62 = tpu.memref_slice %arg10[%dma_start3A_61] : memref<1024xi32, #tpu.memory_space<vmem>> -> memref<256xi32, #tpu.memory_space<vmem>>
        %dma_start3A_63 = arith.constant 0 : i32
        %dma_start3A_64 = arith.constant 0 : i32
        %dma_start3A_65 = tpu.memref_slice %arg14[%dma_start3A_63, %dma_start3A_64] : memref<50176x32xf32, #tpu.memory_space<vmem_shared>> -> memref<50176x32xf32, #tpu.memory_space<vmem_shared>>
        tpu.enqueue_indirect_dma source(%arg12 : memref<256x32xf32, #tpu.memory_space<vmem>>) target(%dma_start3A_65 : memref<50176x32xf32, #tpu.memory_space<vmem_shared>>) offsets(%dma_start3A_62 : memref<256xi32, #tpu.memory_space<vmem>>) semaphore(%arg19 : memref<!tpu.dma_semaphore, #tpu.memory_space<semaphore_mem>>) {add = true}
        %gt3A = arith.constant 0 : i32
        %gt3A_66 = arith.cmpi sgt, %mul3A_55, %gt3A : i32
        %convert_element_type3A_67 = arith.extui %gt3A_66 : i1 to i32
        %cond3A_68 = arith.constant 0 : i32
        %cond3A_69 = arith.cmpi ne, %convert_element_type3A_67, %cond3A_68 : i32
        scf.if %cond3A_69 {
          %dma_wait3A_236 = arith.constant 0 : i32
          %dma_wait3A_237 = tpu.memref_slice %arg10[%dma_wait3A_236] : memref<1024xi32, #tpu.memory_space<vmem>> -> memref<256xi32, #tpu.memory_space<vmem>>
          %dma_wait3A_238 = arith.constant 0 : i32
          %dma_wait3A_239 = arith.constant 0 : i32
          %dma_wait3A_240 = tpu.memref_slice %arg14[%dma_wait3A_238, %dma_wait3A_239] : memref<50176x32xf32, #tpu.memory_space<vmem_shared>> -> memref<50176x32xf32, #tpu.memory_space<vmem_shared>>
          tpu.wait_indirect_dma semaphore(%arg20 : memref<!tpu.dma_semaphore, #tpu.memory_space<semaphore_mem>>) src(%arg13 : memref<256x32xf32, #tpu.memory_space<vmem>>) dst(%dma_wait3A_240 : memref<50176x32xf32, #tpu.memory_space<vmem_shared>>)
        } else {
        }
        %dma_start3A_70 = arith.constant 256 : i32
        %dma_start3A_71 = tpu.memref_slice %arg8[%dma_start3A_70] : memref<1024xi32, #tpu.memory_space<vmem>> -> memref<256xi32, #tpu.memory_space<vmem>>
        %dma_start3A_72 = arith.constant 0 : i32
        %dma_start3A_73 = arith.constant 0 : i32
        %dma_start3A_74 = tpu.memref_slice %arg3[%dma_start3A_72, %dma_start3A_73] : memref<50176x32xf32, #tpu.memory_space<hbm>> -> memref<50176x32xf32, #tpu.memory_space<hbm>>
        tpu.enqueue_indirect_dma source(%dma_start3A_74 : memref<50176x32xf32, #tpu.memory_space<hbm>>) target(%arg13 : memref<256x32xf32, #tpu.memory_space<vmem>>) offsets(%dma_start3A_71 : memref<256xi32, #tpu.memory_space<vmem>>) semaphore(%arg18 : memref<!tpu.dma_semaphore, #tpu.memory_space<semaphore_mem>>)
        %dma_wait3A_75 = arith.constant 256 : i32
        %dma_wait3A_76 = tpu.memref_slice %arg8[%dma_wait3A_75] : memref<1024xi32, #tpu.memory_space<vmem>> -> memref<256xi32, #tpu.memory_space<vmem>>
        %dma_wait3A_77 = arith.constant 0 : i32
        %dma_wait3A_78 = arith.constant 0 : i32
        %dma_wait3A_79 = tpu.memref_slice %arg3[%dma_wait3A_77, %dma_wait3A_78] : memref<50176x32xf32, #tpu.memory_space<hbm>> -> memref<50176x32xf32, #tpu.memory_space<hbm>>
        tpu.wait_indirect_dma semaphore(%arg18 : memref<!tpu.dma_semaphore, #tpu.memory_space<semaphore_mem>>) src(%dma_wait3A_79 : memref<50176x32xf32, #tpu.memory_space<hbm>>) dst(%arg13 : memref<256x32xf32, #tpu.memory_space<vmem>>)
        %dma_start3A_80 = arith.constant 256 : i32
        %dma_start3A_81 = tpu.memref_slice %arg10[%dma_start3A_80] : memref<1024xi32, #tpu.memory_space<vmem>> -> memref<256xi32, #tpu.memory_space<vmem>>
        %dma_start3A_82 = arith.constant 0 : i32
        %dma_start3A_83 = arith.constant 0 : i32
        %dma_start3A_84 = tpu.memref_slice %arg14[%dma_start3A_82, %dma_start3A_83] : memref<50176x32xf32, #tpu.memory_space<vmem_shared>> -> memref<50176x32xf32, #tpu.memory_space<vmem_shared>>
        tpu.enqueue_indirect_dma source(%arg13 : memref<256x32xf32, #tpu.memory_space<vmem>>) target(%dma_start3A_84 : memref<50176x32xf32, #tpu.memory_space<vmem_shared>>) offsets(%dma_start3A_81 : memref<256xi32, #tpu.memory_space<vmem>>) semaphore(%arg20 : memref<!tpu.dma_semaphore, #tpu.memory_space<semaphore_mem>>) {add = true}
        %dma_wait3A_85 = arith.constant 0 : i32
        %dma_wait3A_86 = tpu.memref_slice %arg10[%dma_wait3A_85] : memref<1024xi32, #tpu.memory_space<vmem>> -> memref<256xi32, #tpu.memory_space<vmem>>
        %dma_wait3A_87 = arith.constant 0 : i32
        %dma_wait3A_88 = arith.constant 0 : i32
        %dma_wait3A_89 = tpu.memref_slice %arg14[%dma_wait3A_87, %dma_wait3A_88] : memref<50176x32xf32, #tpu.memory_space<vmem_shared>> -> memref<50176x32xf32, #tpu.memory_space<vmem_shared>>
        tpu.wait_indirect_dma semaphore(%arg19 : memref<!tpu.dma_semaphore, #tpu.memory_space<semaphore_mem>>) src(%arg12 : memref<256x32xf32, #tpu.memory_space<vmem>>) dst(%dma_wait3A_89 : memref<50176x32xf32, #tpu.memory_space<vmem_shared>>)
        %dma_start3A_90 = arith.constant 512 : i32
        %dma_start3A_91 = tpu.memref_slice %arg8[%dma_start3A_90] : memref<1024xi32, #tpu.memory_space<vmem>> -> memref<256xi32, #tpu.memory_space<vmem>>
        %dma_start3A_92 = arith.constant 0 : i32
        %dma_start3A_93 = arith.constant 0 : i32
        %dma_start3A_94 = tpu.memref_slice %arg3[%dma_start3A_92, %dma_start3A_93] : memref<50176x32xf32, #tpu.memory_space<hbm>> -> memref<50176x32xf32, #tpu.memory_space<hbm>>
        tpu.enqueue_indirect_dma source(%dma_start3A_94 : memref<50176x32xf32, #tpu.memory_space<hbm>>) target(%arg12 : memref<256x32xf32, #tpu.memory_space<vmem>>) offsets(%dma_start3A_91 : memref<256xi32, #tpu.memory_space<vmem>>) semaphore(%arg17 : memref<!tpu.dma_semaphore, #tpu.memory_space<semaphore_mem>>)
        %dma_wait3A_95 = arith.constant 512 : i32
        %dma_wait3A_96 = tpu.memref_slice %arg8[%dma_wait3A_95] : memref<1024xi32, #tpu.memory_space<vmem>> -> memref<256xi32, #tpu.memory_space<vmem>>
        %dma_wait3A_97 = arith.constant 0 : i32
        %dma_wait3A_98 = arith.constant 0 : i32
        %dma_wait3A_99 = tpu.memref_slice %arg3[%dma_wait3A_97, %dma_wait3A_98] : memref<50176x32xf32, #tpu.memory_space<hbm>> -> memref<50176x32xf32, #tpu.memory_space<hbm>>
        tpu.wait_indirect_dma semaphore(%arg17 : memref<!tpu.dma_semaphore, #tpu.memory_space<semaphore_mem>>) src(%dma_wait3A_99 : memref<50176x32xf32, #tpu.memory_space<hbm>>) dst(%arg12 : memref<256x32xf32, #tpu.memory_space<vmem>>)
        %dma_start3A_100 = arith.constant 512 : i32
        %dma_start3A_101 = tpu.memref_slice %arg10[%dma_start3A_100] : memref<1024xi32, #tpu.memory_space<vmem>> -> memref<256xi32, #tpu.memory_space<vmem>>
        %dma_start3A_102 = arith.constant 0 : i32
        %dma_start3A_103 = arith.constant 0 : i32
        %dma_start3A_104 = tpu.memref_slice %arg14[%dma_start3A_102, %dma_start3A_103] : memref<50176x32xf32, #tpu.memory_space<vmem_shared>> -> memref<50176x32xf32, #tpu.memory_space<vmem_shared>>
        tpu.enqueue_indirect_dma source(%arg12 : memref<256x32xf32, #tpu.memory_space<vmem>>) target(%dma_start3A_104 : memref<50176x32xf32, #tpu.memory_space<vmem_shared>>) offsets(%dma_start3A_101 : memref<256xi32, #tpu.memory_space<vmem>>) semaphore(%arg19 : memref<!tpu.dma_semaphore, #tpu.memory_space<semaphore_mem>>) {add = true}
        %dma_wait3A_105 = arith.constant 0 : i32
        %dma_wait3A_106 = tpu.memref_slice %arg10[%dma_wait3A_105] : memref<1024xi32, #tpu.memory_space<vmem>> -> memref<256xi32, #tpu.memory_space<vmem>>
        %dma_wait3A_107 = arith.constant 0 : i32
        %dma_wait3A_108 = arith.constant 0 : i32
        %dma_wait3A_109 = tpu.memref_slice %arg14[%dma_wait3A_107, %dma_wait3A_108] : memref<50176x32xf32, #tpu.memory_space<vmem_shared>> -> memref<50176x32xf32, #tpu.memory_space<vmem_shared>>
        tpu.wait_indirect_dma semaphore(%arg20 : memref<!tpu.dma_semaphore, #tpu.memory_space<semaphore_mem>>) src(%arg13 : memref<256x32xf32, #tpu.memory_space<vmem>>) dst(%dma_wait3A_109 : memref<50176x32xf32, #tpu.memory_space<vmem_shared>>)
        %dma_start3A_110 = arith.constant 768 : i32
        %dma_start3A_111 = tpu.memref_slice %arg8[%dma_start3A_110] : memref<1024xi32, #tpu.memory_space<vmem>> -> memref<256xi32, #tpu.memory_space<vmem>>
        %dma_start3A_112 = arith.constant 0 : i32
        %dma_start3A_113 = arith.constant 0 : i32
        %dma_start3A_114 = tpu.memref_slice %arg3[%dma_start3A_112, %dma_start3A_113] : memref<50176x32xf32, #tpu.memory_space<hbm>> -> memref<50176x32xf32, #tpu.memory_space<hbm>>
        tpu.enqueue_indirect_dma source(%dma_start3A_114 : memref<50176x32xf32, #tpu.memory_space<hbm>>) target(%arg13 : memref<256x32xf32, #tpu.memory_space<vmem>>) offsets(%dma_start3A_111 : memref<256xi32, #tpu.memory_space<vmem>>) semaphore(%arg18 : memref<!tpu.dma_semaphore, #tpu.memory_space<semaphore_mem>>)
        %dma_wait3A_115 = arith.constant 768 : i32
        %dma_wait3A_116 = tpu.memref_slice %arg8[%dma_wait3A_115] : memref<1024xi32, #tpu.memory_space<vmem>> -> memref<256xi32, #tpu.memory_space<vmem>>
        %dma_wait3A_117 = arith.constant 0 : i32
        %dma_wait3A_118 = arith.constant 0 : i32
        %dma_wait3A_119 = tpu.memref_slice %arg3[%dma_wait3A_117, %dma_wait3A_118] : memref<50176x32xf32, #tpu.memory_space<hbm>> -> memref<50176x32xf32, #tpu.memory_space<hbm>>
        tpu.wait_indirect_dma semaphore(%arg18 : memref<!tpu.dma_semaphore, #tpu.memory_space<semaphore_mem>>) src(%dma_wait3A_119 : memref<50176x32xf32, #tpu.memory_space<hbm>>) dst(%arg13 : memref<256x32xf32, #tpu.memory_space<vmem>>)
        %dma_start3A_120 = arith.constant 768 : i32
        %dma_start3A_121 = tpu.memref_slice %arg10[%dma_start3A_120] : memref<1024xi32, #tpu.memory_space<vmem>> -> memref<256xi32, #tpu.memory_space<vmem>>
        %dma_start3A_122 = arith.constant 0 : i32
        %dma_start3A_123 = arith.constant 0 : i32
        %dma_start3A_124 = tpu.memref_slice %arg14[%dma_start3A_122, %dma_start3A_123] : memref<50176x32xf32, #tpu.memory_space<vmem_shared>> -> memref<50176x32xf32, #tpu.memory_space<vmem_shared>>
        tpu.enqueue_indirect_dma source(%arg13 : memref<256x32xf32, #tpu.memory_space<vmem>>) target(%dma_start3A_124 : memref<50176x32xf32, #tpu.memory_space<vmem_shared>>) offsets(%dma_start3A_121 : memref<256xi32, #tpu.memory_space<vmem>>) semaphore(%arg20 : memref<!tpu.dma_semaphore, #tpu.memory_space<semaphore_mem>>) {add = true}
        %dma_wait3A_125 = arith.constant 0 : i32
        %dma_wait3A_126 = tpu.memref_slice %arg10[%dma_wait3A_125] : memref<1024xi32, #tpu.memory_space<vmem>> -> memref<256xi32, #tpu.memory_space<vmem>>
        %dma_wait3A_127 = arith.constant 0 : i32
        %dma_wait3A_128 = arith.constant 0 : i32
        %dma_wait3A_129 = tpu.memref_slice %arg14[%dma_wait3A_127, %dma_wait3A_128] : memref<50176x32xf32, #tpu.memory_space<vmem_shared>> -> memref<50176x32xf32, #tpu.memory_space<vmem_shared>>
        tpu.wait_indirect_dma semaphore(%arg19 : memref<!tpu.dma_semaphore, #tpu.memory_space<semaphore_mem>>) src(%arg12 : memref<256x32xf32, #tpu.memory_space<vmem>>) dst(%dma_wait3A_129 : memref<50176x32xf32, #tpu.memory_space<vmem_shared>>)
        %add3A_130 = arith.constant 1 : i32
        %add3A_131 = arith.addi %mul3A_55, %add3A_130 : i32
        %lt3A = arith.constant 50 : i32
        %lt3A_132 = arith.cmpi slt, %add3A_131, %lt3A : i32
        %convert_element_type3A_133 = arith.extui %lt3A_132 : i1 to i32
        %cond3A_134 = arith.constant 0 : i32
        %cond3A_135 = arith.cmpi ne, %convert_element_type3A_133, %cond3A_134 : i32
        scf.if %cond3A_135 {
          %add3A_236 = arith.constant 1 : i32
          %add3A_237 = arith.addi %mul3A_55, %add3A_236 : i32
          %mul3A_238 = arith.constant 1024 : i32
          %mul3A_239 = arith.muli %add3A_237, %mul3A_238 : i32
          %add3A_240 = arith.addi %mul3A_0, %mul3A_239 : i32
          %dma_wait3A_241 = tpu.memref_slice %arg4[%add3A_240] : memref<819200xi32, #tpu.memory_space<hbm>> -> memref<1024xi32, #tpu.memory_space<hbm>>
          %dma_wait3A_242 = tpu.memref_slice %arg4[%add3A_240] : memref<819200xi32, #tpu.memory_space<hbm>> -> memref<1024xi32, #tpu.memory_space<hbm>>
          tpu.wait_dma2 semaphore(%arg16 : memref<!tpu.dma_semaphore, #tpu.memory_space<semaphore_mem>>) src(%dma_wait3A_242 : memref<1024xi32, #tpu.memory_space<hbm>>) dst(%arg9 : memref<1024xi32, #tpu.memory_space<vmem>>)
          %mul3A_243 = arith.constant 1024 : i32
          %mul3A_244 = arith.muli %add3A_237, %mul3A_243 : i32
          %add3A_245 = arith.addi %mul3A_0, %mul3A_244 : i32
          %dma_wait3A_246 = tpu.memref_slice %arg5[%add3A_245] : memref<819200xi32, #tpu.memory_space<hbm>> -> memref<1024xi32, #tpu.memory_space<hbm>>
          %dma_wait3A_247 = tpu.memref_slice %arg5[%add3A_245] : memref<819200xi32, #tpu.memory_space<hbm>> -> memref<1024xi32, #tpu.memory_space<hbm>>
          tpu.wait_dma2 semaphore(%arg16 : memref<!tpu.dma_semaphore, #tpu.memory_space<semaphore_mem>>) src(%dma_wait3A_247 : memref<1024xi32, #tpu.memory_space<hbm>>) dst(%arg11 : memref<1024xi32, #tpu.memory_space<vmem>>)
          %dma_start3A_248 = arith.constant 0 : i32
          %dma_start3A_249 = tpu.memref_slice %arg9[%dma_start3A_248] : memref<1024xi32, #tpu.memory_space<vmem>> -> memref<256xi32, #tpu.memory_space<vmem>>
          %dma_start3A_250 = arith.constant 0 : i32
          %dma_start3A_251 = arith.constant 0 : i32
          %dma_start3A_252 = tpu.memref_slice %arg3[%dma_start3A_250, %dma_start3A_251] : memref<50176x32xf32, #tpu.memory_space<hbm>> -> memref<50176x32xf32, #tpu.memory_space<hbm>>
          tpu.enqueue_indirect_dma source(%dma_start3A_252 : memref<50176x32xf32, #tpu.memory_space<hbm>>) target(%arg12 : memref<256x32xf32, #tpu.memory_space<vmem>>) offsets(%dma_start3A_249 : memref<256xi32, #tpu.memory_space<vmem>>) semaphore(%arg17 : memref<!tpu.dma_semaphore, #tpu.memory_space<semaphore_mem>>)
        } else {
        }
        %add3A_136 = arith.constant 2 : i32
        %add3A_137 = arith.addi %mul3A_55, %add3A_136 : i32
        %lt3A_138 = arith.constant 50 : i32
        %lt3A_139 = arith.cmpi slt, %add3A_137, %lt3A_138 : i32
        %convert_element_type3A_140 = arith.extui %lt3A_139 : i1 to i32
        %cond3A_141 = arith.constant 0 : i32
        %cond3A_142 = arith.cmpi ne, %convert_element_type3A_140, %cond3A_141 : i32
        scf.if %cond3A_142 {
          %add3A_236 = arith.constant 2 : i32
          %add3A_237 = arith.addi %mul3A_55, %add3A_236 : i32
          %mul3A_238 = arith.constant 1024 : i32
          %mul3A_239 = arith.muli %add3A_237, %mul3A_238 : i32
          %add3A_240 = arith.addi %mul3A_0, %mul3A_239 : i32
          %dma_start3A_241 = tpu.memref_slice %arg4[%add3A_240] : memref<819200xi32, #tpu.memory_space<hbm>> -> memref<1024xi32, #tpu.memory_space<hbm>>
          %dma_start3A_242 = tpu.memref_slice %arg4[%add3A_240] : memref<819200xi32, #tpu.memory_space<hbm>> -> memref<1024xi32, #tpu.memory_space<hbm>>
          tpu.enqueue_dma source(%dma_start3A_242 : memref<1024xi32, #tpu.memory_space<hbm>>) target(%arg8 : memref<1024xi32, #tpu.memory_space<vmem>>) target_semaphore(%arg15 : memref<!tpu.dma_semaphore, #tpu.memory_space<semaphore_mem>>)
          %mul3A_243 = arith.constant 1024 : i32
          %mul3A_244 = arith.muli %add3A_237, %mul3A_243 : i32
          %add3A_245 = arith.addi %mul3A_0, %mul3A_244 : i32
          %dma_start3A_246 = tpu.memref_slice %arg5[%add3A_245] : memref<819200xi32, #tpu.memory_space<hbm>> -> memref<1024xi32, #tpu.memory_space<hbm>>
          %dma_start3A_247 = tpu.memref_slice %arg5[%add3A_245] : memref<819200xi32, #tpu.memory_space<hbm>> -> memref<1024xi32, #tpu.memory_space<hbm>>
          tpu.enqueue_dma source(%dma_start3A_247 : memref<1024xi32, #tpu.memory_space<hbm>>) target(%arg10 : memref<1024xi32, #tpu.memory_space<vmem>>) target_semaphore(%arg15 : memref<!tpu.dma_semaphore, #tpu.memory_space<semaphore_mem>>)
        } else {
        }
        %mul3A_143 = arith.constant 2 : i32
        %mul3A_144 = arith.muli %mul3A_143, %scan3A_53 : i32
        %add3A_145 = arith.constant 1 : i32
        %add3A_146 = arith.addi %mul3A_144, %add3A_145 : i32
        %dma_wait3A_147 = arith.constant 0 : i32
        %dma_wait3A_148 = tpu.memref_slice %arg9[%dma_wait3A_147] : memref<1024xi32, #tpu.memory_space<vmem>> -> memref<256xi32, #tpu.memory_space<vmem>>
        %dma_wait3A_149 = arith.constant 0 : i32
        %dma_wait3A_150 = arith.constant 0 : i32
        %dma_wait3A_151 = tpu.memref_slice %arg3[%dma_wait3A_149, %dma_wait3A_150] : memref<50176x32xf32, #tpu.memory_space<hbm>> -> memref<50176x32xf32, #tpu.memory_space<hbm>>
        tpu.wait_indirect_dma semaphore(%arg17 : memref<!tpu.dma_semaphore, #tpu.memory_space<semaphore_mem>>) src(%dma_wait3A_151 : memref<50176x32xf32, #tpu.memory_space<hbm>>) dst(%arg12 : memref<256x32xf32, #tpu.memory_space<vmem>>)
        %dma_start3A_152 = arith.constant 0 : i32
        %dma_start3A_153 = tpu.memref_slice %arg11[%dma_start3A_152] : memref<1024xi32, #tpu.memory_space<vmem>> -> memref<256xi32, #tpu.memory_space<vmem>>
        %dma_start3A_154 = arith.constant 0 : i32
        %dma_start3A_155 = arith.constant 0 : i32
        %dma_start3A_156 = tpu.memref_slice %arg14[%dma_start3A_154, %dma_start3A_155] : memref<50176x32xf32, #tpu.memory_space<vmem_shared>> -> memref<50176x32xf32, #tpu.memory_space<vmem_shared>>
        tpu.enqueue_indirect_dma source(%arg12 : memref<256x32xf32, #tpu.memory_space<vmem>>) target(%dma_start3A_156 : memref<50176x32xf32, #tpu.memory_space<vmem_shared>>) offsets(%dma_start3A_153 : memref<256xi32, #tpu.memory_space<vmem>>) semaphore(%arg19 : memref<!tpu.dma_semaphore, #tpu.memory_space<semaphore_mem>>) {add = true}
        %dma_wait3A_157 = arith.constant 0 : i32
        %dma_wait3A_158 = tpu.memref_slice %arg11[%dma_wait3A_157] : memref<1024xi32, #tpu.memory_space<vmem>> -> memref<256xi32, #tpu.memory_space<vmem>>
        %dma_wait3A_159 = arith.constant 0 : i32
        %dma_wait3A_160 = arith.constant 0 : i32
        %dma_wait3A_161 = tpu.memref_slice %arg14[%dma_wait3A_159, %dma_wait3A_160] : memref<50176x32xf32, #tpu.memory_space<vmem_shared>> -> memref<50176x32xf32, #tpu.memory_space<vmem_shared>>
        tpu.wait_indirect_dma semaphore(%arg20 : memref<!tpu.dma_semaphore, #tpu.memory_space<semaphore_mem>>) src(%arg13 : memref<256x32xf32, #tpu.memory_space<vmem>>) dst(%dma_wait3A_161 : memref<50176x32xf32, #tpu.memory_space<vmem_shared>>)
        %dma_start3A_162 = arith.constant 256 : i32
        %dma_start3A_163 = tpu.memref_slice %arg9[%dma_start3A_162] : memref<1024xi32, #tpu.memory_space<vmem>> -> memref<256xi32, #tpu.memory_space<vmem>>
        %dma_start3A_164 = arith.constant 0 : i32
        %dma_start3A_165 = arith.constant 0 : i32
        %dma_start3A_166 = tpu.memref_slice %arg3[%dma_start3A_164, %dma_start3A_165] : memref<50176x32xf32, #tpu.memory_space<hbm>> -> memref<50176x32xf32, #tpu.memory_space<hbm>>
        tpu.enqueue_indirect_dma source(%dma_start3A_166 : memref<50176x32xf32, #tpu.memory_space<hbm>>) target(%arg13 : memref<256x32xf32, #tpu.memory_space<vmem>>) offsets(%dma_start3A_163 : memref<256xi32, #tpu.memory_space<vmem>>) semaphore(%arg18 : memref<!tpu.dma_semaphore, #tpu.memory_space<semaphore_mem>>)
        %dma_wait3A_167 = arith.constant 256 : i32
        %dma_wait3A_168 = tpu.memref_slice %arg9[%dma_wait3A_167] : memref<1024xi32, #tpu.memory_space<vmem>> -> memref<256xi32, #tpu.memory_space<vmem>>
        %dma_wait3A_169 = arith.constant 0 : i32
        %dma_wait3A_170 = arith.constant 0 : i32
        %dma_wait3A_171 = tpu.memref_slice %arg3[%dma_wait3A_169, %dma_wait3A_170] : memref<50176x32xf32, #tpu.memory_space<hbm>> -> memref<50176x32xf32, #tpu.memory_space<hbm>>
        tpu.wait_indirect_dma semaphore(%arg18 : memref<!tpu.dma_semaphore, #tpu.memory_space<semaphore_mem>>) src(%dma_wait3A_171 : memref<50176x32xf32, #tpu.memory_space<hbm>>) dst(%arg13 : memref<256x32xf32, #tpu.memory_space<vmem>>)
        %dma_start3A_172 = arith.constant 256 : i32
        %dma_start3A_173 = tpu.memref_slice %arg11[%dma_start3A_172] : memref<1024xi32, #tpu.memory_space<vmem>> -> memref<256xi32, #tpu.memory_space<vmem>>
        %dma_start3A_174 = arith.constant 0 : i32
        %dma_start3A_175 = arith.constant 0 : i32
        %dma_start3A_176 = tpu.memref_slice %arg14[%dma_start3A_174, %dma_start3A_175] : memref<50176x32xf32, #tpu.memory_space<vmem_shared>> -> memref<50176x32xf32, #tpu.memory_space<vmem_shared>>
        tpu.enqueue_indirect_dma source(%arg13 : memref<256x32xf32, #tpu.memory_space<vmem>>) target(%dma_start3A_176 : memref<50176x32xf32, #tpu.memory_space<vmem_shared>>) offsets(%dma_start3A_173 : memref<256xi32, #tpu.memory_space<vmem>>) semaphore(%arg20 : memref<!tpu.dma_semaphore, #tpu.memory_space<semaphore_mem>>) {add = true}
        %dma_wait3A_177 = arith.constant 0 : i32
        %dma_wait3A_178 = tpu.memref_slice %arg11[%dma_wait3A_177] : memref<1024xi32, #tpu.memory_space<vmem>> -> memref<256xi32, #tpu.memory_space<vmem>>
        %dma_wait3A_179 = arith.constant 0 : i32
        %dma_wait3A_180 = arith.constant 0 : i32
        %dma_wait3A_181 = tpu.memref_slice %arg14[%dma_wait3A_179, %dma_wait3A_180] : memref<50176x32xf32, #tpu.memory_space<vmem_shared>> -> memref<50176x32xf32, #tpu.memory_space<vmem_shared>>
        tpu.wait_indirect_dma semaphore(%arg19 : memref<!tpu.dma_semaphore, #tpu.memory_space<semaphore_mem>>) src(%arg12 : memref<256x32xf32, #tpu.memory_space<vmem>>) dst(%dma_wait3A_181 : memref<50176x32xf32, #tpu.memory_space<vmem_shared>>)
        %dma_start3A_182 = arith.constant 512 : i32
        %dma_start3A_183 = tpu.memref_slice %arg9[%dma_start3A_182] : memref<1024xi32, #tpu.memory_space<vmem>> -> memref<256xi32, #tpu.memory_space<vmem>>
        %dma_start3A_184 = arith.constant 0 : i32
        %dma_start3A_185 = arith.constant 0 : i32
        %dma_start3A_186 = tpu.memref_slice %arg3[%dma_start3A_184, %dma_start3A_185] : memref<50176x32xf32, #tpu.memory_space<hbm>> -> memref<50176x32xf32, #tpu.memory_space<hbm>>
        tpu.enqueue_indirect_dma source(%dma_start3A_186 : memref<50176x32xf32, #tpu.memory_space<hbm>>) target(%arg12 : memref<256x32xf32, #tpu.memory_space<vmem>>) offsets(%dma_start3A_183 : memref<256xi32, #tpu.memory_space<vmem>>) semaphore(%arg17 : memref<!tpu.dma_semaphore, #tpu.memory_space<semaphore_mem>>)
        %dma_wait3A_187 = arith.constant 512 : i32
        %dma_wait3A_188 = tpu.memref_slice %arg9[%dma_wait3A_187] : memref<1024xi32, #tpu.memory_space<vmem>> -> memref<256xi32, #tpu.memory_space<vmem>>
        %dma_wait3A_189 = arith.constant 0 : i32
        %dma_wait3A_190 = arith.constant 0 : i32
        %dma_wait3A_191 = tpu.memref_slice %arg3[%dma_wait3A_189, %dma_wait3A_190] : memref<50176x32xf32, #tpu.memory_space<hbm>> -> memref<50176x32xf32, #tpu.memory_space<hbm>>
        tpu.wait_indirect_dma semaphore(%arg17 : memref<!tpu.dma_semaphore, #tpu.memory_space<semaphore_mem>>) src(%dma_wait3A_191 : memref<50176x32xf32, #tpu.memory_space<hbm>>) dst(%arg12 : memref<256x32xf32, #tpu.memory_space<vmem>>)
        %dma_start3A_192 = arith.constant 512 : i32
        %dma_start3A_193 = tpu.memref_slice %arg11[%dma_start3A_192] : memref<1024xi32, #tpu.memory_space<vmem>> -> memref<256xi32, #tpu.memory_space<vmem>>
        %dma_start3A_194 = arith.constant 0 : i32
        %dma_start3A_195 = arith.constant 0 : i32
        %dma_start3A_196 = tpu.memref_slice %arg14[%dma_start3A_194, %dma_start3A_195] : memref<50176x32xf32, #tpu.memory_space<vmem_shared>> -> memref<50176x32xf32, #tpu.memory_space<vmem_shared>>
        tpu.enqueue_indirect_dma source(%arg12 : memref<256x32xf32, #tpu.memory_space<vmem>>) target(%dma_start3A_196 : memref<50176x32xf32, #tpu.memory_space<vmem_shared>>) offsets(%dma_start3A_193 : memref<256xi32, #tpu.memory_space<vmem>>) semaphore(%arg19 : memref<!tpu.dma_semaphore, #tpu.memory_space<semaphore_mem>>) {add = true}
        %dma_wait3A_197 = arith.constant 0 : i32
        %dma_wait3A_198 = tpu.memref_slice %arg11[%dma_wait3A_197] : memref<1024xi32, #tpu.memory_space<vmem>> -> memref<256xi32, #tpu.memory_space<vmem>>
        %dma_wait3A_199 = arith.constant 0 : i32
        %dma_wait3A_200 = arith.constant 0 : i32
        %dma_wait3A_201 = tpu.memref_slice %arg14[%dma_wait3A_199, %dma_wait3A_200] : memref<50176x32xf32, #tpu.memory_space<vmem_shared>> -> memref<50176x32xf32, #tpu.memory_space<vmem_shared>>
        tpu.wait_indirect_dma semaphore(%arg20 : memref<!tpu.dma_semaphore, #tpu.memory_space<semaphore_mem>>) src(%arg13 : memref<256x32xf32, #tpu.memory_space<vmem>>) dst(%dma_wait3A_201 : memref<50176x32xf32, #tpu.memory_space<vmem_shared>>)
        %dma_start3A_202 = arith.constant 768 : i32
        %dma_start3A_203 = tpu.memref_slice %arg9[%dma_start3A_202] : memref<1024xi32, #tpu.memory_space<vmem>> -> memref<256xi32, #tpu.memory_space<vmem>>
        %dma_start3A_204 = arith.constant 0 : i32
        %dma_start3A_205 = arith.constant 0 : i32
        %dma_start3A_206 = tpu.memref_slice %arg3[%dma_start3A_204, %dma_start3A_205] : memref<50176x32xf32, #tpu.memory_space<hbm>> -> memref<50176x32xf32, #tpu.memory_space<hbm>>
        tpu.enqueue_indirect_dma source(%dma_start3A_206 : memref<50176x32xf32, #tpu.memory_space<hbm>>) target(%arg13 : memref<256x32xf32, #tpu.memory_space<vmem>>) offsets(%dma_start3A_203 : memref<256xi32, #tpu.memory_space<vmem>>) semaphore(%arg18 : memref<!tpu.dma_semaphore, #tpu.memory_space<semaphore_mem>>)
        %dma_wait3A_207 = arith.constant 768 : i32
        %dma_wait3A_208 = tpu.memref_slice %arg9[%dma_wait3A_207] : memref<1024xi32, #tpu.memory_space<vmem>> -> memref<256xi32, #tpu.memory_space<vmem>>
        %dma_wait3A_209 = arith.constant 0 : i32
        %dma_wait3A_210 = arith.constant 0 : i32
        %dma_wait3A_211 = tpu.memref_slice %arg3[%dma_wait3A_209, %dma_wait3A_210] : memref<50176x32xf32, #tpu.memory_space<hbm>> -> memref<50176x32xf32, #tpu.memory_space<hbm>>
        tpu.wait_indirect_dma semaphore(%arg18 : memref<!tpu.dma_semaphore, #tpu.memory_space<semaphore_mem>>) src(%dma_wait3A_211 : memref<50176x32xf32, #tpu.memory_space<hbm>>) dst(%arg13 : memref<256x32xf32, #tpu.memory_space<vmem>>)
        %dma_start3A_212 = arith.constant 768 : i32
        %dma_start3A_213 = tpu.memref_slice %arg11[%dma_start3A_212] : memref<1024xi32, #tpu.memory_space<vmem>> -> memref<256xi32, #tpu.memory_space<vmem>>
        %dma_start3A_214 = arith.constant 0 : i32
        %dma_start3A_215 = arith.constant 0 : i32
        %dma_start3A_216 = tpu.memref_slice %arg14[%dma_start3A_214, %dma_start3A_215] : memref<50176x32xf32, #tpu.memory_space<vmem_shared>> -> memref<50176x32xf32, #tpu.memory_space<vmem_shared>>
        tpu.enqueue_indirect_dma source(%arg13 : memref<256x32xf32, #tpu.memory_space<vmem>>) target(%dma_start3A_216 : memref<50176x32xf32, #tpu.memory_space<vmem_shared>>) offsets(%dma_start3A_213 : memref<256xi32, #tpu.memory_space<vmem>>) semaphore(%arg20 : memref<!tpu.dma_semaphore, #tpu.memory_space<semaphore_mem>>) {add = true}
        %dma_wait3A_217 = arith.constant 0 : i32
        %dma_wait3A_218 = tpu.memref_slice %arg11[%dma_wait3A_217] : memref<1024xi32, #tpu.memory_space<vmem>> -> memref<256xi32, #tpu.memory_space<vmem>>
        %dma_wait3A_219 = arith.constant 0 : i32
        %dma_wait3A_220 = arith.constant 0 : i32
        %dma_wait3A_221 = tpu.memref_slice %arg14[%dma_wait3A_219, %dma_wait3A_220] : memref<50176x32xf32, #tpu.memory_space<vmem_shared>> -> memref<50176x32xf32, #tpu.memory_space<vmem_shared>>
        tpu.wait_indirect_dma semaphore(%arg19 : memref<!tpu.dma_semaphore, #tpu.memory_space<semaphore_mem>>) src(%arg12 : memref<256x32xf32, #tpu.memory_space<vmem>>) dst(%dma_wait3A_221 : memref<50176x32xf32, #tpu.memory_space<vmem_shared>>)
        %add3A_222 = arith.constant 1 : i32
        %add3A_223 = arith.addi %add3A_146, %add3A_222 : i32
        %lt3A_224 = arith.constant 50 : i32
        %lt3A_225 = arith.cmpi slt, %add3A_223, %lt3A_224 : i32
        %convert_element_type3A_226 = arith.extui %lt3A_225 : i1 to i32
        %cond3A_227 = arith.constant 0 : i32
        %cond3A_228 = arith.cmpi ne, %convert_element_type3A_226, %cond3A_227 : i32
        scf.if %cond3A_228 {
          %add3A_236 = arith.constant 1 : i32
          %add3A_237 = arith.addi %add3A_146, %add3A_236 : i32
          %mul3A_238 = arith.constant 1024 : i32
          %mul3A_239 = arith.muli %add3A_237, %mul3A_238 : i32
          %add3A_240 = arith.addi %mul3A_0, %mul3A_239 : i32
          %dma_wait3A_241 = tpu.memref_slice %arg4[%add3A_240] : memref<819200xi32, #tpu.memory_space<hbm>> -> memref<1024xi32, #tpu.memory_space<hbm>>
          %dma_wait3A_242 = tpu.memref_slice %arg4[%add3A_240] : memref<819200xi32, #tpu.memory_space<hbm>> -> memref<1024xi32, #tpu.memory_space<hbm>>
          tpu.wait_dma2 semaphore(%arg15 : memref<!tpu.dma_semaphore, #tpu.memory_space<semaphore_mem>>) src(%dma_wait3A_242 : memref<1024xi32, #tpu.memory_space<hbm>>) dst(%arg8 : memref<1024xi32, #tpu.memory_space<vmem>>)
          %mul3A_243 = arith.constant 1024 : i32
          %mul3A_244 = arith.muli %add3A_237, %mul3A_243 : i32
          %add3A_245 = arith.addi %mul3A_0, %mul3A_244 : i32
          %dma_wait3A_246 = tpu.memref_slice %arg5[%add3A_245] : memref<819200xi32, #tpu.memory_space<hbm>> -> memref<1024xi32, #tpu.memory_space<hbm>>
          %dma_wait3A_247 = tpu.memref_slice %arg5[%add3A_245] : memref<819200xi32, #tpu.memory_space<hbm>> -> memref<1024xi32, #tpu.memory_space<hbm>>
          tpu.wait_dma2 semaphore(%arg15 : memref<!tpu.dma_semaphore, #tpu.memory_space<semaphore_mem>>) src(%dma_wait3A_247 : memref<1024xi32, #tpu.memory_space<hbm>>) dst(%arg10 : memref<1024xi32, #tpu.memory_space<vmem>>)
          %dma_start3A_248 = arith.constant 0 : i32
          %dma_start3A_249 = tpu.memref_slice %arg8[%dma_start3A_248] : memref<1024xi32, #tpu.memory_space<vmem>> -> memref<256xi32, #tpu.memory_space<vmem>>
          %dma_start3A_250 = arith.constant 0 : i32
          %dma_start3A_251 = arith.constant 0 : i32
          %dma_start3A_252 = tpu.memref_slice %arg3[%dma_start3A_250, %dma_start3A_251] : memref<50176x32xf32, #tpu.memory_space<hbm>> -> memref<50176x32xf32, #tpu.memory_space<hbm>>
          tpu.enqueue_indirect_dma source(%dma_start3A_252 : memref<50176x32xf32, #tpu.memory_space<hbm>>) target(%arg12 : memref<256x32xf32, #tpu.memory_space<vmem>>) offsets(%dma_start3A_249 : memref<256xi32, #tpu.memory_space<vmem>>) semaphore(%arg17 : memref<!tpu.dma_semaphore, #tpu.memory_space<semaphore_mem>>)
        } else {
        }
        %add3A_229 = arith.constant 2 : i32
        %add3A_230 = arith.addi %add3A_146, %add3A_229 : i32
        %lt3A_231 = arith.constant 50 : i32
        %lt3A_232 = arith.cmpi slt, %add3A_230, %lt3A_231 : i32
        %convert_element_type3A_233 = arith.extui %lt3A_232 : i1 to i32
        %cond3A_234 = arith.constant 0 : i32
        %cond3A_235 = arith.cmpi ne, %convert_element_type3A_233, %cond3A_234 : i32
        scf.if %cond3A_235 {
          %add3A_236 = arith.constant 2 : i32
          %add3A_237 = arith.addi %add3A_146, %add3A_236 : i32
          %mul3A_238 = arith.constant 1024 : i32
          %mul3A_239 = arith.muli %add3A_237, %mul3A_238 : i32
          %add3A_240 = arith.addi %mul3A_0, %mul3A_239 : i32
          %dma_start3A_241 = tpu.memref_slice %arg4[%add3A_240] : memref<819200xi32, #tpu.memory_space<hbm>> -> memref<1024xi32, #tpu.memory_space<hbm>>
          %dma_start3A_242 = tpu.memref_slice %arg4[%add3A_240] : memref<819200xi32, #tpu.memory_space<hbm>> -> memref<1024xi32, #tpu.memory_space<hbm>>
          tpu.enqueue_dma source(%dma_start3A_242 : memref<1024xi32, #tpu.memory_space<hbm>>) target(%arg9 : memref<1024xi32, #tpu.memory_space<vmem>>) target_semaphore(%arg16 : memref<!tpu.dma_semaphore, #tpu.memory_space<semaphore_mem>>)
          %mul3A_243 = arith.constant 1024 : i32
          %mul3A_244 = arith.muli %add3A_237, %mul3A_243 : i32
          %add3A_245 = arith.addi %mul3A_0, %mul3A_244 : i32
          %dma_start3A_246 = tpu.memref_slice %arg5[%add3A_245] : memref<819200xi32, #tpu.memory_space<hbm>> -> memref<1024xi32, #tpu.memory_space<hbm>>
          %dma_start3A_247 = tpu.memref_slice %arg5[%add3A_245] : memref<819200xi32, #tpu.memory_space<hbm>> -> memref<1024xi32, #tpu.memory_space<hbm>>
          tpu.enqueue_dma source(%dma_start3A_247 : memref<1024xi32, #tpu.memory_space<hbm>>) target(%arg11 : memref<1024xi32, #tpu.memory_space<vmem>>) target_semaphore(%arg16 : memref<!tpu.dma_semaphore, #tpu.memory_space<semaphore_mem>>)
        } else {
        }
      }
      %scan3A_42 = arith.constant 25 : i32
      %dma_wait3A_43 = arith.constant 0 : i32
      %dma_wait3A_44 = tpu.memref_slice %arg11[%dma_wait3A_43] : memref<1024xi32, #tpu.memory_space<vmem>> -> memref<256xi32, #tpu.memory_space<vmem>>
      %dma_wait3A_45 = arith.constant 0 : i32
      %dma_wait3A_46 = arith.constant 0 : i32
      %dma_wait3A_47 = tpu.memref_slice %arg14[%dma_wait3A_45, %dma_wait3A_46] : memref<50176x32xf32, #tpu.memory_space<vmem_shared>> -> memref<50176x32xf32, #tpu.memory_space<vmem_shared>>
      tpu.wait_indirect_dma semaphore(%arg20 : memref<!tpu.dma_semaphore, #tpu.memory_space<semaphore_mem>>) src(%arg13 : memref<256x32xf32, #tpu.memory_space<vmem>>) dst(%dma_wait3A_47 : memref<50176x32xf32, #tpu.memory_space<vmem_shared>>)
      %barrier3A_48 = arith.constant 0 : index
      tpu.barrier barrier_id(%barrier3A_48)
      %mul3A_49 = arith.constant 3136 : i32
      %mul3A_50 = arith.muli %arg1, %mul3A_49 : i32
      %mul3A_51 = arith.constant 3136 : i32
      %mul3A_52 = arith.muli %arg1, %mul3A_51 : i32
      "tpu.region"() ({
        %run_scoped3A = tpu.sem_alloc : memref<!tpu.dma_semaphore, #tpu.memory_space<semaphore_mem>>
        %dma_start3A_53 = arith.constant 0 : i32
        %dma_start3A_54 = tpu.memref_slice %arg7[%mul3A_52, %dma_start3A_53] : memref<50176x32xf32, #tpu.memory_space<hbm>> -> memref<3136x32xf32, #tpu.memory_space<hbm>>
        %dma_start3A_55 = arith.constant 0 : i32
        %dma_start3A_56 = tpu.memref_slice %arg14[%mul3A_50, %dma_start3A_55] : memref<50176x32xf32, #tpu.memory_space<vmem_shared>> -> memref<3136x32xf32, #tpu.memory_space<vmem_shared>>
        tpu.enqueue_dma source(%dma_start3A_56 : memref<3136x32xf32, #tpu.memory_space<vmem_shared>>) target(%dma_start3A_54 : memref<3136x32xf32, #tpu.memory_space<hbm>>) target_semaphore(%run_scoped3A : memref<!tpu.dma_semaphore, #tpu.memory_space<semaphore_mem>>)
        %dma_wait3A_57 = arith.constant 0 : i32
        %dma_wait3A_58 = tpu.memref_slice %arg7[%mul3A_52, %dma_wait3A_57] : memref<50176x32xf32, #tpu.memory_space<hbm>> -> memref<3136x32xf32, #tpu.memory_space<hbm>>
        %dma_wait3A_59 = arith.constant 0 : i32
        %dma_wait3A_60 = tpu.memref_slice %arg14[%mul3A_50, %dma_wait3A_59] : memref<50176x32xf32, #tpu.memory_space<vmem_shared>> -> memref<3136x32xf32, #tpu.memory_space<vmem_shared>>
        tpu.wait_dma2 semaphore(%run_scoped3A : memref<!tpu.dma_semaphore, #tpu.memory_space<semaphore_mem>>) src(%dma_wait3A_60 : memref<3136x32xf32, #tpu.memory_space<vmem_shared>>) dst(%dma_wait3A_58 : memref<3136x32xf32, #tpu.memory_space<hbm>>)
        tpu.yield
      }) : () -> ()
    } else {
    }
    return
  }
}

#map = affine_map<(d0, d1) -> (0, 0)>
#map1 = affine_map<(d0, d1) -> (0, 0, 0)>
module attributes {stable_mosaic.version = 14 : i64} {
  func.func @_sc_degree_body(%arg0: i32, %arg1: i32, %arg2: memref<6400x128xi32, #tpu.memory_space<hbm>>, %arg3: memref<50176x8xf32, #tpu.memory_space<hbm>>, %arg4: memref<2x50176x8xf32, #tpu.memory_space<hbm>>, %arg5: memref<200x128xi32, #tpu.memory_space<vmem>>, %arg6: memref<128x8xf32, #tpu.memory_space<vmem>>, %arg7: memref<50176x8xf32, #tpu.memory_space<vmem_shared>>, %arg8: memref<!tpu.dma_semaphore, #tpu.memory_space<semaphore_mem>>) attributes {dimension_semantics = [#tpu.dimension_semantics<core_parallel>, #tpu.dimension_semantics<subcore_parallel>], iteration_bounds = array<i64: 2, 16>, scalar_prefetch = 0 : i64, scratch_operands = 4 : i64, tpu.core_type = #tpu.core_type<sc_vector_subcore>, window_params = [{transform_indices = #map}, {transform_indices = #map}, {transform_indices = #map1}]} {
    %mul3A = arith.constant 3136 : i32
    %mul3A_0 = arith.muli %arg1, %mul3A : i32
    %mul3A_1 = arith.constant 3136 : i32
    %mul3A_2 = arith.muli %arg1, %mul3A_1 : i32
    "tpu.region"() ({
      %run_scoped3A = tpu.sem_alloc : memref<!tpu.dma_semaphore, #tpu.memory_space<semaphore_mem>>
      %dma_start3A = arith.constant 0 : i32
      %dma_start3A_20 = tpu.memref_slice %arg7[%mul3A_2, %dma_start3A] : memref<50176x8xf32, #tpu.memory_space<vmem_shared>> -> memref<3136x8xf32, #tpu.memory_space<vmem_shared>>
      %dma_start3A_21 = arith.constant 0 : i32
      %dma_start3A_22 = tpu.memref_slice %arg3[%mul3A_0, %dma_start3A_21] : memref<50176x8xf32, #tpu.memory_space<hbm>> -> memref<3136x8xf32, #tpu.memory_space<hbm>>
      tpu.enqueue_dma source(%dma_start3A_22 : memref<3136x8xf32, #tpu.memory_space<hbm>>) target(%dma_start3A_20 : memref<3136x8xf32, #tpu.memory_space<vmem_shared>>) target_semaphore(%run_scoped3A : memref<!tpu.dma_semaphore, #tpu.memory_space<semaphore_mem>>)
      %dma_wait3A = arith.constant 0 : i32
      %dma_wait3A_23 = tpu.memref_slice %arg7[%mul3A_2, %dma_wait3A] : memref<50176x8xf32, #tpu.memory_space<vmem_shared>> -> memref<3136x8xf32, #tpu.memory_space<vmem_shared>>
      %dma_wait3A_24 = arith.constant 0 : i32
      %dma_wait3A_25 = tpu.memref_slice %arg3[%mul3A_0, %dma_wait3A_24] : memref<50176x8xf32, #tpu.memory_space<hbm>> -> memref<3136x8xf32, #tpu.memory_space<hbm>>
      tpu.wait_dma2 semaphore(%run_scoped3A : memref<!tpu.dma_semaphore, #tpu.memory_space<semaphore_mem>>) src(%dma_wait3A_25 : memref<3136x8xf32, #tpu.memory_space<hbm>>) dst(%dma_wait3A_23 : memref<3136x8xf32, #tpu.memory_space<vmem_shared>>)
      tpu.yield
    }) : () -> ()
    "tpu.region"() ({
      %run_scoped3A = tpu.sem_alloc : memref<!tpu.dma_semaphore, #tpu.memory_space<semaphore_mem>>
      %dma_start3A = arith.constant 0 : i32
      %dma_start3A_20 = arith.constant 0 : i32
      %dma_start3A_21 = tpu.memref_slice %arg3[%dma_start3A, %dma_start3A_20] : memref<50176x8xf32, #tpu.memory_space<hbm>> -> memref<128x8xf32, #tpu.memory_space<hbm>>
      %dma_start3A_22 = arith.constant 0 : i32
      %dma_start3A_23 = arith.constant 0 : i32
      %dma_start3A_24 = tpu.memref_slice %arg3[%dma_start3A_22, %dma_start3A_23] : memref<50176x8xf32, #tpu.memory_space<hbm>> -> memref<128x8xf32, #tpu.memory_space<hbm>>
      tpu.enqueue_dma source(%dma_start3A_24 : memref<128x8xf32, #tpu.memory_space<hbm>>) target(%arg6 : memref<128x8xf32, #tpu.memory_space<vmem>>) target_semaphore(%run_scoped3A : memref<!tpu.dma_semaphore, #tpu.memory_space<semaphore_mem>>)
      %dma_wait3A = arith.constant 0 : i32
      %dma_wait3A_25 = arith.constant 0 : i32
      %dma_wait3A_26 = tpu.memref_slice %arg3[%dma_wait3A, %dma_wait3A_25] : memref<50176x8xf32, #tpu.memory_space<hbm>> -> memref<128x8xf32, #tpu.memory_space<hbm>>
      %dma_wait3A_27 = arith.constant 0 : i32
      %dma_wait3A_28 = arith.constant 0 : i32
      %dma_wait3A_29 = tpu.memref_slice %arg3[%dma_wait3A_27, %dma_wait3A_28] : memref<50176x8xf32, #tpu.memory_space<hbm>> -> memref<128x8xf32, #tpu.memory_space<hbm>>
      tpu.wait_dma2 semaphore(%run_scoped3A : memref<!tpu.dma_semaphore, #tpu.memory_space<semaphore_mem>>) src(%dma_wait3A_29 : memref<128x8xf32, #tpu.memory_space<hbm>>) dst(%arg6 : memref<128x8xf32, #tpu.memory_space<vmem>>)
      tpu.yield
    }) : () -> ()
    %mul3A_3 = arith.constant 3200 : i32
    %mul3A_4 = arith.muli %arg0, %mul3A_3 : i32
    %mul3A_5 = arith.constant 200 : i32
    %mul3A_6 = arith.muli %arg1, %mul3A_5 : i32
    %add3A = arith.addi %mul3A_4, %mul3A_6 : i32
    "tpu.region"() ({
      %run_scoped3A = tpu.sem_alloc : memref<!tpu.dma_semaphore, #tpu.memory_space<semaphore_mem>>
      %dma_start3A = arith.constant 0 : i32
      %dma_start3A_20 = tpu.memref_slice %arg2[%add3A, %dma_start3A] : memref<6400x128xi32, #tpu.memory_space<hbm>> -> memref<200x128xi32, #tpu.memory_space<hbm>>
      %dma_start3A_21 = arith.constant 0 : i32
      %dma_start3A_22 = tpu.memref_slice %arg2[%add3A, %dma_start3A_21] : memref<6400x128xi32, #tpu.memory_space<hbm>> -> memref<200x128xi32, #tpu.memory_space<hbm>>
      tpu.enqueue_dma source(%dma_start3A_22 : memref<200x128xi32, #tpu.memory_space<hbm>>) target(%arg5 : memref<200x128xi32, #tpu.memory_space<vmem>>) target_semaphore(%run_scoped3A : memref<!tpu.dma_semaphore, #tpu.memory_space<semaphore_mem>>)
      %dma_wait3A = arith.constant 0 : i32
      %dma_wait3A_23 = tpu.memref_slice %arg2[%add3A, %dma_wait3A] : memref<6400x128xi32, #tpu.memory_space<hbm>> -> memref<200x128xi32, #tpu.memory_space<hbm>>
      %dma_wait3A_24 = arith.constant 0 : i32
      %dma_wait3A_25 = tpu.memref_slice %arg2[%add3A, %dma_wait3A_24] : memref<6400x128xi32, #tpu.memory_space<hbm>> -> memref<200x128xi32, #tpu.memory_space<hbm>>
      tpu.wait_dma2 semaphore(%run_scoped3A : memref<!tpu.dma_semaphore, #tpu.memory_space<semaphore_mem>>) src(%dma_wait3A_25 : memref<200x128xi32, #tpu.memory_space<hbm>>) dst(%arg5 : memref<200x128xi32, #tpu.memory_space<vmem>>)
      tpu.yield
    }) : () -> ()
    %barrier3A = arith.constant 0 : index
    tpu.barrier barrier_id(%barrier3A)
    %scan3A = arith.constant 0 : i32
    %scan3A_7 = arith.constant 0 : i32
    %scan3A_8 = arith.constant 200 : i32
    %scan3A_9 = arith.addi %scan3A_7, %scan3A_8 : i32
    %scan3A_10 = arith.constant 1 : i32
    scf.for %scan3A_20 = %scan3A_7 to %scan3A_9 step %scan3A_10  : i32 {
      "tpu.region"() ({
        %run_scoped3A = tpu.sem_alloc : memref<!tpu.dma_semaphore, #tpu.memory_space<semaphore_mem>>
        %dma_start3A = arith.constant 0 : i32
        %dma_start3A_21 = tpu.memref_slice %arg5[%scan3A_20, %dma_start3A] : memref<200x128xi32, #tpu.memory_space<vmem>> -> memref<1x128xi32, #tpu.memory_space<vmem>>
        %dma_start3A_22 = tpu.memref_squeeze %dma_start3A_21 : memref<1x128xi32, #tpu.memory_space<vmem>> -> memref<128xi32, #tpu.memory_space<vmem>>
        %dma_start3A_23 = arith.constant 0 : i32
        %dma_start3A_24 = arith.constant 0 : i32
        %dma_start3A_25 = tpu.memref_slice %arg7[%dma_start3A_23, %dma_start3A_24] : memref<50176x8xf32, #tpu.memory_space<vmem_shared>> -> memref<50176x8xf32, #tpu.memory_space<vmem_shared>>
        tpu.enqueue_indirect_dma source(%arg6 : memref<128x8xf32, #tpu.memory_space<vmem>>) target(%dma_start3A_25 : memref<50176x8xf32, #tpu.memory_space<vmem_shared>>) offsets(%dma_start3A_22 : memref<128xi32, #tpu.memory_space<vmem>>) semaphore(%run_scoped3A : memref<!tpu.dma_semaphore, #tpu.memory_space<semaphore_mem>>) {add = true}
        %dma_wait3A = arith.constant 0 : i32
        %dma_wait3A_26 = tpu.memref_slice %arg5[%scan3A_20, %dma_wait3A] : memref<200x128xi32, #tpu.memory_space<vmem>> -> memref<1x128xi32, #tpu.memory_space<vmem>>
        %dma_wait3A_27 = tpu.memref_squeeze %dma_wait3A_26 : memref<1x128xi32, #tpu.memory_space<vmem>> -> memref<128xi32, #tpu.memory_space<vmem>>
        %dma_wait3A_28 = arith.constant 0 : i32
        %dma_wait3A_29 = arith.constant 0 : i32
        %dma_wait3A_30 = tpu.memref_slice %arg7[%dma_wait3A_28, %dma_wait3A_29] : memref<50176x8xf32, #tpu.memory_space<vmem_shared>> -> memref<50176x8xf32, #tpu.memory_space<vmem_shared>>
        tpu.wait_indirect_dma semaphore(%run_scoped3A : memref<!tpu.dma_semaphore, #tpu.memory_space<semaphore_mem>>) src(%arg6 : memref<128x8xf32, #tpu.memory_space<vmem>>) dst(%dma_wait3A_30 : memref<50176x8xf32, #tpu.memory_space<vmem_shared>>)
        tpu.yield
      }) : () -> ()
    }
    %scan3A_11 = arith.constant 200 : i32
    %barrier3A_12 = arith.constant 0 : index
    tpu.barrier barrier_id(%barrier3A_12)
    %eq3A = arith.constant 0 : i32
    %eq3A_13 = arith.cmpi eq, %arg0, %eq3A : i32
    %convert_element_type3A = arith.extui %eq3A_13 : i1 to i32
    %cond3A = arith.constant 0 : i32
    %cond3A_14 = arith.cmpi ne, %convert_element_type3A, %cond3A : i32
    scf.if %cond3A_14 {
      %mul3A_20 = arith.constant 3136 : i32
      %mul3A_21 = arith.muli %arg1, %mul3A_20 : i32
      %mul3A_22 = arith.constant 3136 : i32
      %mul3A_23 = arith.muli %arg1, %mul3A_22 : i32
      %run_scoped3A = arith.constant 0 : i32
      "tpu.region"() ({
        %run_scoped3A_24 = tpu.sem_alloc : memref<!tpu.dma_semaphore, #tpu.memory_space<semaphore_mem>>
        %dma_start3A = arith.constant 0 : i32
        %dma_start3A_25 = tpu.memref_slice %arg4[%run_scoped3A, %mul3A_23, %dma_start3A] : memref<2x50176x8xf32, #tpu.memory_space<hbm>> -> memref<1x3136x8xf32, #tpu.memory_space<hbm>>
        %dma_start3A_26 = tpu.memref_squeeze %dma_start3A_25 : memref<1x3136x8xf32, #tpu.memory_space<hbm>> -> memref<3136x8xf32, #tpu.memory_space<hbm>>
        %dma_start3A_27 = arith.constant 0 : i32
        %dma_start3A_28 = tpu.memref_slice %arg7[%mul3A_21, %dma_start3A_27] : memref<50176x8xf32, #tpu.memory_space<vmem_shared>> -> memref<3136x8xf32, #tpu.memory_space<vmem_shared>>
        tpu.enqueue_dma source(%dma_start3A_28 : memref<3136x8xf32, #tpu.memory_space<vmem_shared>>) target(%dma_start3A_26 : memref<3136x8xf32, #tpu.memory_space<hbm>>) target_semaphore(%run_scoped3A_24 : memref<!tpu.dma_semaphore, #tpu.memory_space<semaphore_mem>>)
        %dma_wait3A = arith.constant 0 : i32
        %dma_wait3A_29 = tpu.memref_slice %arg4[%run_scoped3A, %mul3A_23, %dma_wait3A] : memref<2x50176x8xf32, #tpu.memory_space<hbm>> -> memref<1x3136x8xf32, #tpu.memory_space<hbm>>
        %dma_wait3A_30 = tpu.memref_squeeze %dma_wait3A_29 : memref<1x3136x8xf32, #tpu.memory_space<hbm>> -> memref<3136x8xf32, #tpu.memory_space<hbm>>
        %dma_wait3A_31 = arith.constant 0 : i32
        %dma_wait3A_32 = tpu.memref_slice %arg7[%mul3A_21, %dma_wait3A_31] : memref<50176x8xf32, #tpu.memory_space<vmem_shared>> -> memref<3136x8xf32, #tpu.memory_space<vmem_shared>>
        tpu.wait_dma2 semaphore(%run_scoped3A_24 : memref<!tpu.dma_semaphore, #tpu.memory_space<semaphore_mem>>) src(%dma_wait3A_32 : memref<3136x8xf32, #tpu.memory_space<vmem_shared>>) dst(%dma_wait3A_30 : memref<3136x8xf32, #tpu.memory_space<hbm>>)
        tpu.yield
      }) : () -> ()
    } else {
    }
    %eq3A_15 = arith.constant 1 : i32
    %eq3A_16 = arith.cmpi eq, %arg0, %eq3A_15 : i32
    %convert_element_type3A_17 = arith.extui %eq3A_16 : i1 to i32
    %cond3A_18 = arith.constant 0 : i32
    %cond3A_19 = arith.cmpi ne, %convert_element_type3A_17, %cond3A_18 : i32
    scf.if %cond3A_19 {
      %mul3A_20 = arith.constant 3136 : i32
      %mul3A_21 = arith.muli %arg1, %mul3A_20 : i32
      %mul3A_22 = arith.constant 3136 : i32
      %mul3A_23 = arith.muli %arg1, %mul3A_22 : i32
      %run_scoped3A = arith.constant 1 : i32
      "tpu.region"() ({
        %run_scoped3A_24 = tpu.sem_alloc : memref<!tpu.dma_semaphore, #tpu.memory_space<semaphore_mem>>
        %dma_start3A = arith.constant 0 : i32
        %dma_start3A_25 = tpu.memref_slice %arg4[%run_scoped3A, %mul3A_23, %dma_start3A] : memref<2x50176x8xf32, #tpu.memory_space<hbm>> -> memref<1x3136x8xf32, #tpu.memory_space<hbm>>
        %dma_start3A_26 = tpu.memref_squeeze %dma_start3A_25 : memref<1x3136x8xf32, #tpu.memory_space<hbm>> -> memref<3136x8xf32, #tpu.memory_space<hbm>>
        %dma_start3A_27 = arith.constant 0 : i32
        %dma_start3A_28 = tpu.memref_slice %arg7[%mul3A_21, %dma_start3A_27] : memref<50176x8xf32, #tpu.memory_space<vmem_shared>> -> memref<3136x8xf32, #tpu.memory_space<vmem_shared>>
        tpu.enqueue_dma source(%dma_start3A_28 : memref<3136x8xf32, #tpu.memory_space<vmem_shared>>) target(%dma_start3A_26 : memref<3136x8xf32, #tpu.memory_space<hbm>>) target_semaphore(%run_scoped3A_24 : memref<!tpu.dma_semaphore, #tpu.memory_space<semaphore_mem>>)
        %dma_wait3A = arith.constant 0 : i32
        %dma_wait3A_29 = tpu.memref_slice %arg4[%run_scoped3A, %mul3A_23, %dma_wait3A] : memref<2x50176x8xf32, #tpu.memory_space<hbm>> -> memref<1x3136x8xf32, #tpu.memory_space<hbm>>
        %dma_wait3A_30 = tpu.memref_squeeze %dma_wait3A_29 : memref<1x3136x8xf32, #tpu.memory_space<hbm>> -> memref<3136x8xf32, #tpu.memory_space<hbm>>
        %dma_wait3A_31 = arith.constant 0 : i32
        %dma_wait3A_32 = tpu.memref_slice %arg7[%mul3A_21, %dma_wait3A_31] : memref<50176x8xf32, #tpu.memory_space<vmem_shared>> -> memref<3136x8xf32, #tpu.memory_space<vmem_shared>>
        tpu.wait_dma2 semaphore(%run_scoped3A_24 : memref<!tpu.dma_semaphore, #tpu.memory_space<semaphore_mem>>) src(%dma_wait3A_32 : memref<3136x8xf32, #tpu.memory_space<vmem_shared>>) dst(%dma_wait3A_30 : memref<3136x8xf32, #tpu.memory_space<hbm>>)
        tpu.yield
      }) : () -> ()
    } else {
    }
    return
  }
}

#map = affine_map<(d0, d1) -> (0, 0)>
#map1 = affine_map<(d0, d1) -> (0)>
module attributes {stable_mosaic.version = 14 : i64} {
  func.func @_sc_scatter_body(%arg0: i32, %arg1: i32, %arg2: memref<50176x32xf32, #tpu.memory_space<hbm>>, %arg3: memref<50176x32xf32, #tpu.memory_space<hbm>>, %arg4: memref<819200xi32, #tpu.memory_space<hbm>>, %arg5: memref<819200xi32, #tpu.memory_space<hbm>>, %arg6: memref<50176x32xf32, #tpu.memory_space<hbm>>, %arg7: memref<50176x32xf32, #tpu.memory_space<hbm>>, %arg8: memref<1024xi32, #tpu.memory_space<vmem>>, %arg9: memref<1024xi32, #tpu.memory_space<vmem>>, %arg10: memref<1024xi32, #tpu.memory_space<vmem>>, %arg11: memref<1024xi32, #tpu.memory_space<vmem>>, %arg12: memref<256x32xf32, #tpu.memory_space<vmem>>, %arg13: memref<256x32xf32, #tpu.memory_space<vmem>>, %arg14: memref<50176x32xf32, #tpu.memory_space<vmem_shared>>, %arg15: memref<!tpu.dma_semaphore, #tpu.memory_space<semaphore_mem>>, %arg16: memref<!tpu.dma_semaphore, #tpu.memory_space<semaphore_mem>>, %arg17: memref<!tpu.dma_semaphore, #tpu.memory_space<semaphore_mem>>, %arg18: memref<!tpu.dma_semaphore, #tpu.memory_space<semaphore_mem>>, %arg19: memref<!tpu.dma_semaphore, #tpu.memory_space<semaphore_mem>>, %arg20: memref<!tpu.dma_semaphore, #tpu.memory_space<semaphore_mem>>) attributes {dimension_semantics = [#tpu.dimension_semantics<core_parallel>, #tpu.dimension_semantics<subcore_parallel>], iteration_bounds = array<i64: 2, 16>, scalar_prefetch = 0 : i64, scratch_operands = 13 : i64, tpu.core_type = #tpu.core_type<sc_vector_subcore>, window_params = [{transform_indices = #map}, {transform_indices = #map}, {transform_indices = #map1}, {transform_indices = #map1}, {transform_indices = #map}, {transform_indices = #map}]} {
    %mul3A = arith.constant 51200 : i32
    %mul3A_0 = arith.muli %arg1, %mul3A : i32
    %eq3A = arith.constant 0 : i32
    %eq3A_1 = arith.cmpi eq, %arg0, %eq3A : i32
    %convert_element_type3A = arith.extui %eq3A_1 : i1 to i32
    %cond3A = arith.constant 0 : i32
    %cond3A_2 = arith.cmpi ne, %convert_element_type3A, %cond3A : i32
    scf.if %cond3A_2 {
      %add3A = arith.constant 0 : i32
      %add3A_8 = arith.addi %mul3A_0, %add3A : i32
      %dma_start3A = tpu.memref_slice %arg4[%add3A_8] : memref<819200xi32, #tpu.memory_space<hbm>> -> memref<1024xi32, #tpu.memory_space<hbm>>
      %dma_start3A_9 = tpu.memref_slice %arg4[%add3A_8] : memref<819200xi32, #tpu.memory_space<hbm>> -> memref<1024xi32, #tpu.memory_space<hbm>>
      tpu.enqueue_dma source(%dma_start3A_9 : memref<1024xi32, #tpu.memory_space<hbm>>) target(%arg8 : memref<1024xi32, #tpu.memory_space<vmem>>) target_semaphore(%arg15 : memref<!tpu.dma_semaphore, #tpu.memory_space<semaphore_mem>>)
      %add3A_10 = arith.constant 0 : i32
      %add3A_11 = arith.addi %mul3A_0, %add3A_10 : i32
      %dma_start3A_12 = tpu.memref_slice %arg5[%add3A_11] : memref<819200xi32, #tpu.memory_space<hbm>> -> memref<1024xi32, #tpu.memory_space<hbm>>
      %dma_start3A_13 = tpu.memref_slice %arg5[%add3A_11] : memref<819200xi32, #tpu.memory_space<hbm>> -> memref<1024xi32, #tpu.memory_space<hbm>>
      tpu.enqueue_dma source(%dma_start3A_13 : memref<1024xi32, #tpu.memory_space<hbm>>) target(%arg10 : memref<1024xi32, #tpu.memory_space<vmem>>) target_semaphore(%arg15 : memref<!tpu.dma_semaphore, #tpu.memory_space<semaphore_mem>>)
      %add3A_14 = arith.constant 1024 : i32
      %add3A_15 = arith.addi %mul3A_0, %add3A_14 : i32
      %dma_start3A_16 = tpu.memref_slice %arg4[%add3A_15] : memref<819200xi32, #tpu.memory_space<hbm>> -> memref<1024xi32, #tpu.memory_space<hbm>>
      %dma_start3A_17 = tpu.memref_slice %arg4[%add3A_15] : memref<819200xi32, #tpu.memory_space<hbm>> -> memref<1024xi32, #tpu.memory_space<hbm>>
      tpu.enqueue_dma source(%dma_start3A_17 : memref<1024xi32, #tpu.memory_space<hbm>>) target(%arg9 : memref<1024xi32, #tpu.memory_space<vmem>>) target_semaphore(%arg16 : memref<!tpu.dma_semaphore, #tpu.memory_space<semaphore_mem>>)
      %add3A_18 = arith.constant 1024 : i32
      %add3A_19 = arith.addi %mul3A_0, %add3A_18 : i32
      %dma_start3A_20 = tpu.memref_slice %arg5[%add3A_19] : memref<819200xi32, #tpu.memory_space<hbm>> -> memref<1024xi32, #tpu.memory_space<hbm>>
      %dma_start3A_21 = tpu.memref_slice %arg5[%add3A_19] : memref<819200xi32, #tpu.memory_space<hbm>> -> memref<1024xi32, #tpu.memory_space<hbm>>
      tpu.enqueue_dma source(%dma_start3A_21 : memref<1024xi32, #tpu.memory_space<hbm>>) target(%arg11 : memref<1024xi32, #tpu.memory_space<vmem>>) target_semaphore(%arg16 : memref<!tpu.dma_semaphore, #tpu.memory_space<semaphore_mem>>)
      %mul3A_22 = arith.constant 3136 : i32
      %mul3A_23 = arith.muli %arg1, %mul3A_22 : i32
      %mul3A_24 = arith.constant 3136 : i32
      %mul3A_25 = arith.muli %arg1, %mul3A_24 : i32
      "tpu.region"() ({
        %run_scoped3A = tpu.sem_alloc : memref<!tpu.dma_semaphore, #tpu.memory_space<semaphore_mem>>
        %dma_start3A_53 = arith.constant 0 : i32
        %dma_start3A_54 = tpu.memref_slice %arg14[%mul3A_25, %dma_start3A_53] : memref<50176x32xf32, #tpu.memory_space<vmem_shared>> -> memref<3136x32xf32, #tpu.memory_space<vmem_shared>>
        %dma_start3A_55 = arith.constant 0 : i32
        %dma_start3A_56 = tpu.memref_slice %arg2[%mul3A_23, %dma_start3A_55] : memref<50176x32xf32, #tpu.memory_space<hbm>> -> memref<3136x32xf32, #tpu.memory_space<hbm>>
        tpu.enqueue_dma source(%dma_start3A_56 : memref<3136x32xf32, #tpu.memory_space<hbm>>) target(%dma_start3A_54 : memref<3136x32xf32, #tpu.memory_space<vmem_shared>>) target_semaphore(%run_scoped3A : memref<!tpu.dma_semaphore, #tpu.memory_space<semaphore_mem>>)
        %dma_wait3A_57 = arith.constant 0 : i32
        %dma_wait3A_58 = tpu.memref_slice %arg14[%mul3A_25, %dma_wait3A_57] : memref<50176x32xf32, #tpu.memory_space<vmem_shared>> -> memref<3136x32xf32, #tpu.memory_space<vmem_shared>>
        %dma_wait3A_59 = arith.constant 0 : i32
        %dma_wait3A_60 = tpu.memref_slice %arg2[%mul3A_23, %dma_wait3A_59] : memref<50176x32xf32, #tpu.memory_space<hbm>> -> memref<3136x32xf32, #tpu.memory_space<hbm>>
        tpu.wait_dma2 semaphore(%run_scoped3A : memref<!tpu.dma_semaphore, #tpu.memory_space<semaphore_mem>>) src(%dma_wait3A_60 : memref<3136x32xf32, #tpu.memory_space<hbm>>) dst(%dma_wait3A_58 : memref<3136x32xf32, #tpu.memory_space<vmem_shared>>)
        tpu.yield
      }) : () -> ()
      %add3A_26 = arith.constant 0 : i32
      %add3A_27 = arith.addi %mul3A_0, %add3A_26 : i32
      %dma_wait3A = tpu.memref_slice %arg4[%add3A_27] : memref<819200xi32, #tpu.memory_space<hbm>> -> memref<1024xi32, #tpu.memory_space<hbm>>
      %dma_wait3A_28 = tpu.memref_slice %arg4[%add3A_27] : memref<819200xi32, #tpu.memory_space<hbm>> -> memref<1024xi32, #tpu.memory_space<hbm>>
      tpu.wait_dma2 semaphore(%arg15 : memref<!tpu.dma_semaphore, #tpu.memory_space<semaphore_mem>>) src(%dma_wait3A_28 : memref<1024xi32, #tpu.memory_space<hbm>>) dst(%arg8 : memref<1024xi32, #tpu.memory_space<vmem>>)
      %add3A_29 = arith.constant 0 : i32
      %add3A_30 = arith.addi %mul3A_0, %add3A_29 : i32
      %dma_wait3A_31 = tpu.memref_slice %arg5[%add3A_30] : memref<819200xi32, #tpu.memory_space<hbm>> -> memref<1024xi32, #tpu.memory_space<hbm>>
      %dma_wait3A_32 = tpu.memref_slice %arg5[%add3A_30] : memref<819200xi32, #tpu.memory_space<hbm>> -> memref<1024xi32, #tpu.memory_space<hbm>>
      tpu.wait_dma2 semaphore(%arg15 : memref<!tpu.dma_semaphore, #tpu.memory_space<semaphore_mem>>) src(%dma_wait3A_32 : memref<1024xi32, #tpu.memory_space<hbm>>) dst(%arg10 : memref<1024xi32, #tpu.memory_space<vmem>>)
      %barrier3A = arith.constant 0 : index
      tpu.barrier barrier_id(%barrier3A)
      %dma_start3A_33 = arith.constant 0 : i32
      %dma_start3A_34 = tpu.memref_slice %arg8[%dma_start3A_33] : memref<1024xi32, #tpu.memory_space<vmem>> -> memref<256xi32, #tpu.memory_space<vmem>>
      %dma_start3A_35 = arith.constant 0 : i32
      %dma_start3A_36 = arith.constant 0 : i32
      %dma_start3A_37 = tpu.memref_slice %arg2[%dma_start3A_35, %dma_start3A_36] : memref<50176x32xf32, #tpu.memory_space<hbm>> -> memref<50176x32xf32, #tpu.memory_space<hbm>>
      tpu.enqueue_indirect_dma source(%dma_start3A_37 : memref<50176x32xf32, #tpu.memory_space<hbm>>) target(%arg12 : memref<256x32xf32, #tpu.memory_space<vmem>>) offsets(%dma_start3A_34 : memref<256xi32, #tpu.memory_space<vmem>>) semaphore(%arg17 : memref<!tpu.dma_semaphore, #tpu.memory_space<semaphore_mem>>)
      %scan3A = arith.constant 0 : i32
      %scan3A_38 = arith.constant 0 : i32
      %scan3A_39 = arith.constant 25 : i32
      %scan3A_40 = arith.addi %scan3A_38, %scan3A_39 : i32
      %scan3A_41 = arith.constant 1 : i32
      scf.for %scan3A_53 = %scan3A_38 to %scan3A_40 step %scan3A_41  : i32 {
        %mul3A_54 = arith.constant 2 : i32
        %mul3A_55 = arith.muli %mul3A_54, %scan3A_53 : i32
        %dma_wait3A_56 = arith.constant 0 : i32
        %dma_wait3A_57 = tpu.memref_slice %arg8[%dma_wait3A_56] : memref<1024xi32, #tpu.memory_space<vmem>> -> memref<256xi32, #tpu.memory_space<vmem>>
        %dma_wait3A_58 = arith.constant 0 : i32
        %dma_wait3A_59 = arith.constant 0 : i32
        %dma_wait3A_60 = tpu.memref_slice %arg2[%dma_wait3A_58, %dma_wait3A_59] : memref<50176x32xf32, #tpu.memory_space<hbm>> -> memref<50176x32xf32, #tpu.memory_space<hbm>>
        tpu.wait_indirect_dma semaphore(%arg17 : memref<!tpu.dma_semaphore, #tpu.memory_space<semaphore_mem>>) src(%dma_wait3A_60 : memref<50176x32xf32, #tpu.memory_space<hbm>>) dst(%arg12 : memref<256x32xf32, #tpu.memory_space<vmem>>)
        %dma_start3A_61 = arith.constant 0 : i32
        %dma_start3A_62 = tpu.memref_slice %arg10[%dma_start3A_61] : memref<1024xi32, #tpu.memory_space<vmem>> -> memref<256xi32, #tpu.memory_space<vmem>>
        %dma_start3A_63 = arith.constant 0 : i32
        %dma_start3A_64 = arith.constant 0 : i32
        %dma_start3A_65 = tpu.memref_slice %arg14[%dma_start3A_63, %dma_start3A_64] : memref<50176x32xf32, #tpu.memory_space<vmem_shared>> -> memref<50176x32xf32, #tpu.memory_space<vmem_shared>>
        tpu.enqueue_indirect_dma source(%arg12 : memref<256x32xf32, #tpu.memory_space<vmem>>) target(%dma_start3A_65 : memref<50176x32xf32, #tpu.memory_space<vmem_shared>>) offsets(%dma_start3A_62 : memref<256xi32, #tpu.memory_space<vmem>>) semaphore(%arg19 : memref<!tpu.dma_semaphore, #tpu.memory_space<semaphore_mem>>) {add = true}
        %gt3A = arith.constant 0 : i32
        %gt3A_66 = arith.cmpi sgt, %mul3A_55, %gt3A : i32
        %convert_element_type3A_67 = arith.extui %gt3A_66 : i1 to i32
        %cond3A_68 = arith.constant 0 : i32
        %cond3A_69 = arith.cmpi ne, %convert_element_type3A_67, %cond3A_68 : i32
        scf.if %cond3A_69 {
          %dma_wait3A_236 = arith.constant 0 : i32
          %dma_wait3A_237 = tpu.memref_slice %arg10[%dma_wait3A_236] : memref<1024xi32, #tpu.memory_space<vmem>> -> memref<256xi32, #tpu.memory_space<vmem>>
          %dma_wait3A_238 = arith.constant 0 : i32
          %dma_wait3A_239 = arith.constant 0 : i32
          %dma_wait3A_240 = tpu.memref_slice %arg14[%dma_wait3A_238, %dma_wait3A_239] : memref<50176x32xf32, #tpu.memory_space<vmem_shared>> -> memref<50176x32xf32, #tpu.memory_space<vmem_shared>>
          tpu.wait_indirect_dma semaphore(%arg20 : memref<!tpu.dma_semaphore, #tpu.memory_space<semaphore_mem>>) src(%arg13 : memref<256x32xf32, #tpu.memory_space<vmem>>) dst(%dma_wait3A_240 : memref<50176x32xf32, #tpu.memory_space<vmem_shared>>)
        } else {
        }
        %dma_start3A_70 = arith.constant 256 : i32
        %dma_start3A_71 = tpu.memref_slice %arg8[%dma_start3A_70] : memref<1024xi32, #tpu.memory_space<vmem>> -> memref<256xi32, #tpu.memory_space<vmem>>
        %dma_start3A_72 = arith.constant 0 : i32
        %dma_start3A_73 = arith.constant 0 : i32
        %dma_start3A_74 = tpu.memref_slice %arg2[%dma_start3A_72, %dma_start3A_73] : memref<50176x32xf32, #tpu.memory_space<hbm>> -> memref<50176x32xf32, #tpu.memory_space<hbm>>
        tpu.enqueue_indirect_dma source(%dma_start3A_74 : memref<50176x32xf32, #tpu.memory_space<hbm>>) target(%arg13 : memref<256x32xf32, #tpu.memory_space<vmem>>) offsets(%dma_start3A_71 : memref<256xi32, #tpu.memory_space<vmem>>) semaphore(%arg18 : memref<!tpu.dma_semaphore, #tpu.memory_space<semaphore_mem>>)
        %dma_wait3A_75 = arith.constant 256 : i32
        %dma_wait3A_76 = tpu.memref_slice %arg8[%dma_wait3A_75] : memref<1024xi32, #tpu.memory_space<vmem>> -> memref<256xi32, #tpu.memory_space<vmem>>
        %dma_wait3A_77 = arith.constant 0 : i32
        %dma_wait3A_78 = arith.constant 0 : i32
        %dma_wait3A_79 = tpu.memref_slice %arg2[%dma_wait3A_77, %dma_wait3A_78] : memref<50176x32xf32, #tpu.memory_space<hbm>> -> memref<50176x32xf32, #tpu.memory_space<hbm>>
        tpu.wait_indirect_dma semaphore(%arg18 : memref<!tpu.dma_semaphore, #tpu.memory_space<semaphore_mem>>) src(%dma_wait3A_79 : memref<50176x32xf32, #tpu.memory_space<hbm>>) dst(%arg13 : memref<256x32xf32, #tpu.memory_space<vmem>>)
        %dma_start3A_80 = arith.constant 256 : i32
        %dma_start3A_81 = tpu.memref_slice %arg10[%dma_start3A_80] : memref<1024xi32, #tpu.memory_space<vmem>> -> memref<256xi32, #tpu.memory_space<vmem>>
        %dma_start3A_82 = arith.constant 0 : i32
        %dma_start3A_83 = arith.constant 0 : i32
        %dma_start3A_84 = tpu.memref_slice %arg14[%dma_start3A_82, %dma_start3A_83] : memref<50176x32xf32, #tpu.memory_space<vmem_shared>> -> memref<50176x32xf32, #tpu.memory_space<vmem_shared>>
        tpu.enqueue_indirect_dma source(%arg13 : memref<256x32xf32, #tpu.memory_space<vmem>>) target(%dma_start3A_84 : memref<50176x32xf32, #tpu.memory_space<vmem_shared>>) offsets(%dma_start3A_81 : memref<256xi32, #tpu.memory_space<vmem>>) semaphore(%arg20 : memref<!tpu.dma_semaphore, #tpu.memory_space<semaphore_mem>>) {add = true}
        %dma_wait3A_85 = arith.constant 0 : i32
        %dma_wait3A_86 = tpu.memref_slice %arg10[%dma_wait3A_85] : memref<1024xi32, #tpu.memory_space<vmem>> -> memref<256xi32, #tpu.memory_space<vmem>>
        %dma_wait3A_87 = arith.constant 0 : i32
        %dma_wait3A_88 = arith.constant 0 : i32
        %dma_wait3A_89 = tpu.memref_slice %arg14[%dma_wait3A_87, %dma_wait3A_88] : memref<50176x32xf32, #tpu.memory_space<vmem_shared>> -> memref<50176x32xf32, #tpu.memory_space<vmem_shared>>
        tpu.wait_indirect_dma semaphore(%arg19 : memref<!tpu.dma_semaphore, #tpu.memory_space<semaphore_mem>>) src(%arg12 : memref<256x32xf32, #tpu.memory_space<vmem>>) dst(%dma_wait3A_89 : memref<50176x32xf32, #tpu.memory_space<vmem_shared>>)
        %dma_start3A_90 = arith.constant 512 : i32
        %dma_start3A_91 = tpu.memref_slice %arg8[%dma_start3A_90] : memref<1024xi32, #tpu.memory_space<vmem>> -> memref<256xi32, #tpu.memory_space<vmem>>
        %dma_start3A_92 = arith.constant 0 : i32
        %dma_start3A_93 = arith.constant 0 : i32
        %dma_start3A_94 = tpu.memref_slice %arg2[%dma_start3A_92, %dma_start3A_93] : memref<50176x32xf32, #tpu.memory_space<hbm>> -> memref<50176x32xf32, #tpu.memory_space<hbm>>
        tpu.enqueue_indirect_dma source(%dma_start3A_94 : memref<50176x32xf32, #tpu.memory_space<hbm>>) target(%arg12 : memref<256x32xf32, #tpu.memory_space<vmem>>) offsets(%dma_start3A_91 : memref<256xi32, #tpu.memory_space<vmem>>) semaphore(%arg17 : memref<!tpu.dma_semaphore, #tpu.memory_space<semaphore_mem>>)
        %dma_wait3A_95 = arith.constant 512 : i32
        %dma_wait3A_96 = tpu.memref_slice %arg8[%dma_wait3A_95] : memref<1024xi32, #tpu.memory_space<vmem>> -> memref<256xi32, #tpu.memory_space<vmem>>
        %dma_wait3A_97 = arith.constant 0 : i32
        %dma_wait3A_98 = arith.constant 0 : i32
        %dma_wait3A_99 = tpu.memref_slice %arg2[%dma_wait3A_97, %dma_wait3A_98] : memref<50176x32xf32, #tpu.memory_space<hbm>> -> memref<50176x32xf32, #tpu.memory_space<hbm>>
        tpu.wait_indirect_dma semaphore(%arg17 : memref<!tpu.dma_semaphore, #tpu.memory_space<semaphore_mem>>) src(%dma_wait3A_99 : memref<50176x32xf32, #tpu.memory_space<hbm>>) dst(%arg12 : memref<256x32xf32, #tpu.memory_space<vmem>>)
        %dma_start3A_100 = arith.constant 512 : i32
        %dma_start3A_101 = tpu.memref_slice %arg10[%dma_start3A_100] : memref<1024xi32, #tpu.memory_space<vmem>> -> memref<256xi32, #tpu.memory_space<vmem>>
        %dma_start3A_102 = arith.constant 0 : i32
        %dma_start3A_103 = arith.constant 0 : i32
        %dma_start3A_104 = tpu.memref_slice %arg14[%dma_start3A_102, %dma_start3A_103] : memref<50176x32xf32, #tpu.memory_space<vmem_shared>> -> memref<50176x32xf32, #tpu.memory_space<vmem_shared>>
        tpu.enqueue_indirect_dma source(%arg12 : memref<256x32xf32, #tpu.memory_space<vmem>>) target(%dma_start3A_104 : memref<50176x32xf32, #tpu.memory_space<vmem_shared>>) offsets(%dma_start3A_101 : memref<256xi32, #tpu.memory_space<vmem>>) semaphore(%arg19 : memref<!tpu.dma_semaphore, #tpu.memory_space<semaphore_mem>>) {add = true}
        %dma_wait3A_105 = arith.constant 0 : i32
        %dma_wait3A_106 = tpu.memref_slice %arg10[%dma_wait3A_105] : memref<1024xi32, #tpu.memory_space<vmem>> -> memref<256xi32, #tpu.memory_space<vmem>>
        %dma_wait3A_107 = arith.constant 0 : i32
        %dma_wait3A_108 = arith.constant 0 : i32
        %dma_wait3A_109 = tpu.memref_slice %arg14[%dma_wait3A_107, %dma_wait3A_108] : memref<50176x32xf32, #tpu.memory_space<vmem_shared>> -> memref<50176x32xf32, #tpu.memory_space<vmem_shared>>
        tpu.wait_indirect_dma semaphore(%arg20 : memref<!tpu.dma_semaphore, #tpu.memory_space<semaphore_mem>>) src(%arg13 : memref<256x32xf32, #tpu.memory_space<vmem>>) dst(%dma_wait3A_109 : memref<50176x32xf32, #tpu.memory_space<vmem_shared>>)
        %dma_start3A_110 = arith.constant 768 : i32
        %dma_start3A_111 = tpu.memref_slice %arg8[%dma_start3A_110] : memref<1024xi32, #tpu.memory_space<vmem>> -> memref<256xi32, #tpu.memory_space<vmem>>
        %dma_start3A_112 = arith.constant 0 : i32
        %dma_start3A_113 = arith.constant 0 : i32
        %dma_start3A_114 = tpu.memref_slice %arg2[%dma_start3A_112, %dma_start3A_113] : memref<50176x32xf32, #tpu.memory_space<hbm>> -> memref<50176x32xf32, #tpu.memory_space<hbm>>
        tpu.enqueue_indirect_dma source(%dma_start3A_114 : memref<50176x32xf32, #tpu.memory_space<hbm>>) target(%arg13 : memref<256x32xf32, #tpu.memory_space<vmem>>) offsets(%dma_start3A_111 : memref<256xi32, #tpu.memory_space<vmem>>) semaphore(%arg18 : memref<!tpu.dma_semaphore, #tpu.memory_space<semaphore_mem>>)
        %dma_wait3A_115 = arith.constant 768 : i32
        %dma_wait3A_116 = tpu.memref_slice %arg8[%dma_wait3A_115] : memref<1024xi32, #tpu.memory_space<vmem>> -> memref<256xi32, #tpu.memory_space<vmem>>
        %dma_wait3A_117 = arith.constant 0 : i32
        %dma_wait3A_118 = arith.constant 0 : i32
        %dma_wait3A_119 = tpu.memref_slice %arg2[%dma_wait3A_117, %dma_wait3A_118] : memref<50176x32xf32, #tpu.memory_space<hbm>> -> memref<50176x32xf32, #tpu.memory_space<hbm>>
        tpu.wait_indirect_dma semaphore(%arg18 : memref<!tpu.dma_semaphore, #tpu.memory_space<semaphore_mem>>) src(%dma_wait3A_119 : memref<50176x32xf32, #tpu.memory_space<hbm>>) dst(%arg13 : memref<256x32xf32, #tpu.memory_space<vmem>>)
        %dma_start3A_120 = arith.constant 768 : i32
        %dma_start3A_121 = tpu.memref_slice %arg10[%dma_start3A_120] : memref<1024xi32, #tpu.memory_space<vmem>> -> memref<256xi32, #tpu.memory_space<vmem>>
        %dma_start3A_122 = arith.constant 0 : i32
        %dma_start3A_123 = arith.constant 0 : i32
        %dma_start3A_124 = tpu.memref_slice %arg14[%dma_start3A_122, %dma_start3A_123] : memref<50176x32xf32, #tpu.memory_space<vmem_shared>> -> memref<50176x32xf32, #tpu.memory_space<vmem_shared>>
        tpu.enqueue_indirect_dma source(%arg13 : memref<256x32xf32, #tpu.memory_space<vmem>>) target(%dma_start3A_124 : memref<50176x32xf32, #tpu.memory_space<vmem_shared>>) offsets(%dma_start3A_121 : memref<256xi32, #tpu.memory_space<vmem>>) semaphore(%arg20 : memref<!tpu.dma_semaphore, #tpu.memory_space<semaphore_mem>>) {add = true}
        %dma_wait3A_125 = arith.constant 0 : i32
        %dma_wait3A_126 = tpu.memref_slice %arg10[%dma_wait3A_125] : memref<1024xi32, #tpu.memory_space<vmem>> -> memref<256xi32, #tpu.memory_space<vmem>>
        %dma_wait3A_127 = arith.constant 0 : i32
        %dma_wait3A_128 = arith.constant 0 : i32
        %dma_wait3A_129 = tpu.memref_slice %arg14[%dma_wait3A_127, %dma_wait3A_128] : memref<50176x32xf32, #tpu.memory_space<vmem_shared>> -> memref<50176x32xf32, #tpu.memory_space<vmem_shared>>
        tpu.wait_indirect_dma semaphore(%arg19 : memref<!tpu.dma_semaphore, #tpu.memory_space<semaphore_mem>>) src(%arg12 : memref<256x32xf32, #tpu.memory_space<vmem>>) dst(%dma_wait3A_129 : memref<50176x32xf32, #tpu.memory_space<vmem_shared>>)
        %add3A_130 = arith.constant 1 : i32
        %add3A_131 = arith.addi %mul3A_55, %add3A_130 : i32
        %lt3A = arith.constant 50 : i32
        %lt3A_132 = arith.cmpi slt, %add3A_131, %lt3A : i32
        %convert_element_type3A_133 = arith.extui %lt3A_132 : i1 to i32
        %cond3A_134 = arith.constant 0 : i32
        %cond3A_135 = arith.cmpi ne, %convert_element_type3A_133, %cond3A_134 : i32
        scf.if %cond3A_135 {
          %add3A_236 = arith.constant 1 : i32
          %add3A_237 = arith.addi %mul3A_55, %add3A_236 : i32
          %mul3A_238 = arith.constant 1024 : i32
          %mul3A_239 = arith.muli %add3A_237, %mul3A_238 : i32
          %add3A_240 = arith.addi %mul3A_0, %mul3A_239 : i32
          %dma_wait3A_241 = tpu.memref_slice %arg4[%add3A_240] : memref<819200xi32, #tpu.memory_space<hbm>> -> memref<1024xi32, #tpu.memory_space<hbm>>
          %dma_wait3A_242 = tpu.memref_slice %arg4[%add3A_240] : memref<819200xi32, #tpu.memory_space<hbm>> -> memref<1024xi32, #tpu.memory_space<hbm>>
          tpu.wait_dma2 semaphore(%arg16 : memref<!tpu.dma_semaphore, #tpu.memory_space<semaphore_mem>>) src(%dma_wait3A_242 : memref<1024xi32, #tpu.memory_space<hbm>>) dst(%arg9 : memref<1024xi32, #tpu.memory_space<vmem>>)
          %mul3A_243 = arith.constant 1024 : i32
          %mul3A_244 = arith.muli %add3A_237, %mul3A_243 : i32
          %add3A_245 = arith.addi %mul3A_0, %mul3A_244 : i32
          %dma_wait3A_246 = tpu.memref_slice %arg5[%add3A_245] : memref<819200xi32, #tpu.memory_space<hbm>> -> memref<1024xi32, #tpu.memory_space<hbm>>
          %dma_wait3A_247 = tpu.memref_slice %arg5[%add3A_245] : memref<819200xi32, #tpu.memory_space<hbm>> -> memref<1024xi32, #tpu.memory_space<hbm>>
          tpu.wait_dma2 semaphore(%arg16 : memref<!tpu.dma_semaphore, #tpu.memory_space<semaphore_mem>>) src(%dma_wait3A_247 : memref<1024xi32, #tpu.memory_space<hbm>>) dst(%arg11 : memref<1024xi32, #tpu.memory_space<vmem>>)
          %dma_start3A_248 = arith.constant 0 : i32
          %dma_start3A_249 = tpu.memref_slice %arg9[%dma_start3A_248] : memref<1024xi32, #tpu.memory_space<vmem>> -> memref<256xi32, #tpu.memory_space<vmem>>
          %dma_start3A_250 = arith.constant 0 : i32
          %dma_start3A_251 = arith.constant 0 : i32
          %dma_start3A_252 = tpu.memref_slice %arg2[%dma_start3A_250, %dma_start3A_251] : memref<50176x32xf32, #tpu.memory_space<hbm>> -> memref<50176x32xf32, #tpu.memory_space<hbm>>
          tpu.enqueue_indirect_dma source(%dma_start3A_252 : memref<50176x32xf32, #tpu.memory_space<hbm>>) target(%arg12 : memref<256x32xf32, #tpu.memory_space<vmem>>) offsets(%dma_start3A_249 : memref<256xi32, #tpu.memory_space<vmem>>) semaphore(%arg17 : memref<!tpu.dma_semaphore, #tpu.memory_space<semaphore_mem>>)
        } else {
        }
        %add3A_136 = arith.constant 2 : i32
        %add3A_137 = arith.addi %mul3A_55, %add3A_136 : i32
        %lt3A_138 = arith.constant 50 : i32
        %lt3A_139 = arith.cmpi slt, %add3A_137, %lt3A_138 : i32
        %convert_element_type3A_140 = arith.extui %lt3A_139 : i1 to i32
        %cond3A_141 = arith.constant 0 : i32
        %cond3A_142 = arith.cmpi ne, %convert_element_type3A_140, %cond3A_141 : i32
        scf.if %cond3A_142 {
          %add3A_236 = arith.constant 2 : i32
          %add3A_237 = arith.addi %mul3A_55, %add3A_236 : i32
          %mul3A_238 = arith.constant 1024 : i32
          %mul3A_239 = arith.muli %add3A_237, %mul3A_238 : i32
          %add3A_240 = arith.addi %mul3A_0, %mul3A_239 : i32
          %dma_start3A_241 = tpu.memref_slice %arg4[%add3A_240] : memref<819200xi32, #tpu.memory_space<hbm>> -> memref<1024xi32, #tpu.memory_space<hbm>>
          %dma_start3A_242 = tpu.memref_slice %arg4[%add3A_240] : memref<819200xi32, #tpu.memory_space<hbm>> -> memref<1024xi32, #tpu.memory_space<hbm>>
          tpu.enqueue_dma source(%dma_start3A_242 : memref<1024xi32, #tpu.memory_space<hbm>>) target(%arg8 : memref<1024xi32, #tpu.memory_space<vmem>>) target_semaphore(%arg15 : memref<!tpu.dma_semaphore, #tpu.memory_space<semaphore_mem>>)
          %mul3A_243 = arith.constant 1024 : i32
          %mul3A_244 = arith.muli %add3A_237, %mul3A_243 : i32
          %add3A_245 = arith.addi %mul3A_0, %mul3A_244 : i32
          %dma_start3A_246 = tpu.memref_slice %arg5[%add3A_245] : memref<819200xi32, #tpu.memory_space<hbm>> -> memref<1024xi32, #tpu.memory_space<hbm>>
          %dma_start3A_247 = tpu.memref_slice %arg5[%add3A_245] : memref<819200xi32, #tpu.memory_space<hbm>> -> memref<1024xi32, #tpu.memory_space<hbm>>
          tpu.enqueue_dma source(%dma_start3A_247 : memref<1024xi32, #tpu.memory_space<hbm>>) target(%arg10 : memref<1024xi32, #tpu.memory_space<vmem>>) target_semaphore(%arg15 : memref<!tpu.dma_semaphore, #tpu.memory_space<semaphore_mem>>)
        } else {
        }
        %mul3A_143 = arith.constant 2 : i32
        %mul3A_144 = arith.muli %mul3A_143, %scan3A_53 : i32
        %add3A_145 = arith.constant 1 : i32
        %add3A_146 = arith.addi %mul3A_144, %add3A_145 : i32
        %dma_wait3A_147 = arith.constant 0 : i32
        %dma_wait3A_148 = tpu.memref_slice %arg9[%dma_wait3A_147] : memref<1024xi32, #tpu.memory_space<vmem>> -> memref<256xi32, #tpu.memory_space<vmem>>
        %dma_wait3A_149 = arith.constant 0 : i32
        %dma_wait3A_150 = arith.constant 0 : i32
        %dma_wait3A_151 = tpu.memref_slice %arg2[%dma_wait3A_149, %dma_wait3A_150] : memref<50176x32xf32, #tpu.memory_space<hbm>> -> memref<50176x32xf32, #tpu.memory_space<hbm>>
        tpu.wait_indirect_dma semaphore(%arg17 : memref<!tpu.dma_semaphore, #tpu.memory_space<semaphore_mem>>) src(%dma_wait3A_151 : memref<50176x32xf32, #tpu.memory_space<hbm>>) dst(%arg12 : memref<256x32xf32, #tpu.memory_space<vmem>>)
        %dma_start3A_152 = arith.constant 0 : i32
        %dma_start3A_153 = tpu.memref_slice %arg11[%dma_start3A_152] : memref<1024xi32, #tpu.memory_space<vmem>> -> memref<256xi32, #tpu.memory_space<vmem>>
        %dma_start3A_154 = arith.constant 0 : i32
        %dma_start3A_155 = arith.constant 0 : i32
        %dma_start3A_156 = tpu.memref_slice %arg14[%dma_start3A_154, %dma_start3A_155] : memref<50176x32xf32, #tpu.memory_space<vmem_shared>> -> memref<50176x32xf32, #tpu.memory_space<vmem_shared>>
        tpu.enqueue_indirect_dma source(%arg12 : memref<256x32xf32, #tpu.memory_space<vmem>>) target(%dma_start3A_156 : memref<50176x32xf32, #tpu.memory_space<vmem_shared>>) offsets(%dma_start3A_153 : memref<256xi32, #tpu.memory_space<vmem>>) semaphore(%arg19 : memref<!tpu.dma_semaphore, #tpu.memory_space<semaphore_mem>>) {add = true}
        %dma_wait3A_157 = arith.constant 0 : i32
        %dma_wait3A_158 = tpu.memref_slice %arg11[%dma_wait3A_157] : memref<1024xi32, #tpu.memory_space<vmem>> -> memref<256xi32, #tpu.memory_space<vmem>>
        %dma_wait3A_159 = arith.constant 0 : i32
        %dma_wait3A_160 = arith.constant 0 : i32
        %dma_wait3A_161 = tpu.memref_slice %arg14[%dma_wait3A_159, %dma_wait3A_160] : memref<50176x32xf32, #tpu.memory_space<vmem_shared>> -> memref<50176x32xf32, #tpu.memory_space<vmem_shared>>
        tpu.wait_indirect_dma semaphore(%arg20 : memref<!tpu.dma_semaphore, #tpu.memory_space<semaphore_mem>>) src(%arg13 : memref<256x32xf32, #tpu.memory_space<vmem>>) dst(%dma_wait3A_161 : memref<50176x32xf32, #tpu.memory_space<vmem_shared>>)
        %dma_start3A_162 = arith.constant 256 : i32
        %dma_start3A_163 = tpu.memref_slice %arg9[%dma_start3A_162] : memref<1024xi32, #tpu.memory_space<vmem>> -> memref<256xi32, #tpu.memory_space<vmem>>
        %dma_start3A_164 = arith.constant 0 : i32
        %dma_start3A_165 = arith.constant 0 : i32
        %dma_start3A_166 = tpu.memref_slice %arg2[%dma_start3A_164, %dma_start3A_165] : memref<50176x32xf32, #tpu.memory_space<hbm>> -> memref<50176x32xf32, #tpu.memory_space<hbm>>
        tpu.enqueue_indirect_dma source(%dma_start3A_166 : memref<50176x32xf32, #tpu.memory_space<hbm>>) target(%arg13 : memref<256x32xf32, #tpu.memory_space<vmem>>) offsets(%dma_start3A_163 : memref<256xi32, #tpu.memory_space<vmem>>) semaphore(%arg18 : memref<!tpu.dma_semaphore, #tpu.memory_space<semaphore_mem>>)
        %dma_wait3A_167 = arith.constant 256 : i32
        %dma_wait3A_168 = tpu.memref_slice %arg9[%dma_wait3A_167] : memref<1024xi32, #tpu.memory_space<vmem>> -> memref<256xi32, #tpu.memory_space<vmem>>
        %dma_wait3A_169 = arith.constant 0 : i32
        %dma_wait3A_170 = arith.constant 0 : i32
        %dma_wait3A_171 = tpu.memref_slice %arg2[%dma_wait3A_169, %dma_wait3A_170] : memref<50176x32xf32, #tpu.memory_space<hbm>> -> memref<50176x32xf32, #tpu.memory_space<hbm>>
        tpu.wait_indirect_dma semaphore(%arg18 : memref<!tpu.dma_semaphore, #tpu.memory_space<semaphore_mem>>) src(%dma_wait3A_171 : memref<50176x32xf32, #tpu.memory_space<hbm>>) dst(%arg13 : memref<256x32xf32, #tpu.memory_space<vmem>>)
        %dma_start3A_172 = arith.constant 256 : i32
        %dma_start3A_173 = tpu.memref_slice %arg11[%dma_start3A_172] : memref<1024xi32, #tpu.memory_space<vmem>> -> memref<256xi32, #tpu.memory_space<vmem>>
        %dma_start3A_174 = arith.constant 0 : i32
        %dma_start3A_175 = arith.constant 0 : i32
        %dma_start3A_176 = tpu.memref_slice %arg14[%dma_start3A_174, %dma_start3A_175] : memref<50176x32xf32, #tpu.memory_space<vmem_shared>> -> memref<50176x32xf32, #tpu.memory_space<vmem_shared>>
        tpu.enqueue_indirect_dma source(%arg13 : memref<256x32xf32, #tpu.memory_space<vmem>>) target(%dma_start3A_176 : memref<50176x32xf32, #tpu.memory_space<vmem_shared>>) offsets(%dma_start3A_173 : memref<256xi32, #tpu.memory_space<vmem>>) semaphore(%arg20 : memref<!tpu.dma_semaphore, #tpu.memory_space<semaphore_mem>>) {add = true}
        %dma_wait3A_177 = arith.constant 0 : i32
        %dma_wait3A_178 = tpu.memref_slice %arg11[%dma_wait3A_177] : memref<1024xi32, #tpu.memory_space<vmem>> -> memref<256xi32, #tpu.memory_space<vmem>>
        %dma_wait3A_179 = arith.constant 0 : i32
        %dma_wait3A_180 = arith.constant 0 : i32
        %dma_wait3A_181 = tpu.memref_slice %arg14[%dma_wait3A_179, %dma_wait3A_180] : memref<50176x32xf32, #tpu.memory_space<vmem_shared>> -> memref<50176x32xf32, #tpu.memory_space<vmem_shared>>
        tpu.wait_indirect_dma semaphore(%arg19 : memref<!tpu.dma_semaphore, #tpu.memory_space<semaphore_mem>>) src(%arg12 : memref<256x32xf32, #tpu.memory_space<vmem>>) dst(%dma_wait3A_181 : memref<50176x32xf32, #tpu.memory_space<vmem_shared>>)
        %dma_start3A_182 = arith.constant 512 : i32
        %dma_start3A_183 = tpu.memref_slice %arg9[%dma_start3A_182] : memref<1024xi32, #tpu.memory_space<vmem>> -> memref<256xi32, #tpu.memory_space<vmem>>
        %dma_start3A_184 = arith.constant 0 : i32
        %dma_start3A_185 = arith.constant 0 : i32
        %dma_start3A_186 = tpu.memref_slice %arg2[%dma_start3A_184, %dma_start3A_185] : memref<50176x32xf32, #tpu.memory_space<hbm>> -> memref<50176x32xf32, #tpu.memory_space<hbm>>
        tpu.enqueue_indirect_dma source(%dma_start3A_186 : memref<50176x32xf32, #tpu.memory_space<hbm>>) target(%arg12 : memref<256x32xf32, #tpu.memory_space<vmem>>) offsets(%dma_start3A_183 : memref<256xi32, #tpu.memory_space<vmem>>) semaphore(%arg17 : memref<!tpu.dma_semaphore, #tpu.memory_space<semaphore_mem>>)
        %dma_wait3A_187 = arith.constant 512 : i32
        %dma_wait3A_188 = tpu.memref_slice %arg9[%dma_wait3A_187] : memref<1024xi32, #tpu.memory_space<vmem>> -> memref<256xi32, #tpu.memory_space<vmem>>
        %dma_wait3A_189 = arith.constant 0 : i32
        %dma_wait3A_190 = arith.constant 0 : i32
        %dma_wait3A_191 = tpu.memref_slice %arg2[%dma_wait3A_189, %dma_wait3A_190] : memref<50176x32xf32, #tpu.memory_space<hbm>> -> memref<50176x32xf32, #tpu.memory_space<hbm>>
        tpu.wait_indirect_dma semaphore(%arg17 : memref<!tpu.dma_semaphore, #tpu.memory_space<semaphore_mem>>) src(%dma_wait3A_191 : memref<50176x32xf32, #tpu.memory_space<hbm>>) dst(%arg12 : memref<256x32xf32, #tpu.memory_space<vmem>>)
        %dma_start3A_192 = arith.constant 512 : i32
        %dma_start3A_193 = tpu.memref_slice %arg11[%dma_start3A_192] : memref<1024xi32, #tpu.memory_space<vmem>> -> memref<256xi32, #tpu.memory_space<vmem>>
        %dma_start3A_194 = arith.constant 0 : i32
        %dma_start3A_195 = arith.constant 0 : i32
        %dma_start3A_196 = tpu.memref_slice %arg14[%dma_start3A_194, %dma_start3A_195] : memref<50176x32xf32, #tpu.memory_space<vmem_shared>> -> memref<50176x32xf32, #tpu.memory_space<vmem_shared>>
        tpu.enqueue_indirect_dma source(%arg12 : memref<256x32xf32, #tpu.memory_space<vmem>>) target(%dma_start3A_196 : memref<50176x32xf32, #tpu.memory_space<vmem_shared>>) offsets(%dma_start3A_193 : memref<256xi32, #tpu.memory_space<vmem>>) semaphore(%arg19 : memref<!tpu.dma_semaphore, #tpu.memory_space<semaphore_mem>>) {add = true}
        %dma_wait3A_197 = arith.constant 0 : i32
        %dma_wait3A_198 = tpu.memref_slice %arg11[%dma_wait3A_197] : memref<1024xi32, #tpu.memory_space<vmem>> -> memref<256xi32, #tpu.memory_space<vmem>>
        %dma_wait3A_199 = arith.constant 0 : i32
        %dma_wait3A_200 = arith.constant 0 : i32
        %dma_wait3A_201 = tpu.memref_slice %arg14[%dma_wait3A_199, %dma_wait3A_200] : memref<50176x32xf32, #tpu.memory_space<vmem_shared>> -> memref<50176x32xf32, #tpu.memory_space<vmem_shared>>
        tpu.wait_indirect_dma semaphore(%arg20 : memref<!tpu.dma_semaphore, #tpu.memory_space<semaphore_mem>>) src(%arg13 : memref<256x32xf32, #tpu.memory_space<vmem>>) dst(%dma_wait3A_201 : memref<50176x32xf32, #tpu.memory_space<vmem_shared>>)
        %dma_start3A_202 = arith.constant 768 : i32
        %dma_start3A_203 = tpu.memref_slice %arg9[%dma_start3A_202] : memref<1024xi32, #tpu.memory_space<vmem>> -> memref<256xi32, #tpu.memory_space<vmem>>
        %dma_start3A_204 = arith.constant 0 : i32
        %dma_start3A_205 = arith.constant 0 : i32
        %dma_start3A_206 = tpu.memref_slice %arg2[%dma_start3A_204, %dma_start3A_205] : memref<50176x32xf32, #tpu.memory_space<hbm>> -> memref<50176x32xf32, #tpu.memory_space<hbm>>
        tpu.enqueue_indirect_dma source(%dma_start3A_206 : memref<50176x32xf32, #tpu.memory_space<hbm>>) target(%arg13 : memref<256x32xf32, #tpu.memory_space<vmem>>) offsets(%dma_start3A_203 : memref<256xi32, #tpu.memory_space<vmem>>) semaphore(%arg18 : memref<!tpu.dma_semaphore, #tpu.memory_space<semaphore_mem>>)
        %dma_wait3A_207 = arith.constant 768 : i32
        %dma_wait3A_208 = tpu.memref_slice %arg9[%dma_wait3A_207] : memref<1024xi32, #tpu.memory_space<vmem>> -> memref<256xi32, #tpu.memory_space<vmem>>
        %dma_wait3A_209 = arith.constant 0 : i32
        %dma_wait3A_210 = arith.constant 0 : i32
        %dma_wait3A_211 = tpu.memref_slice %arg2[%dma_wait3A_209, %dma_wait3A_210] : memref<50176x32xf32, #tpu.memory_space<hbm>> -> memref<50176x32xf32, #tpu.memory_space<hbm>>
        tpu.wait_indirect_dma semaphore(%arg18 : memref<!tpu.dma_semaphore, #tpu.memory_space<semaphore_mem>>) src(%dma_wait3A_211 : memref<50176x32xf32, #tpu.memory_space<hbm>>) dst(%arg13 : memref<256x32xf32, #tpu.memory_space<vmem>>)
        %dma_start3A_212 = arith.constant 768 : i32
        %dma_start3A_213 = tpu.memref_slice %arg11[%dma_start3A_212] : memref<1024xi32, #tpu.memory_space<vmem>> -> memref<256xi32, #tpu.memory_space<vmem>>
        %dma_start3A_214 = arith.constant 0 : i32
        %dma_start3A_215 = arith.constant 0 : i32
        %dma_start3A_216 = tpu.memref_slice %arg14[%dma_start3A_214, %dma_start3A_215] : memref<50176x32xf32, #tpu.memory_space<vmem_shared>> -> memref<50176x32xf32, #tpu.memory_space<vmem_shared>>
        tpu.enqueue_indirect_dma source(%arg13 : memref<256x32xf32, #tpu.memory_space<vmem>>) target(%dma_start3A_216 : memref<50176x32xf32, #tpu.memory_space<vmem_shared>>) offsets(%dma_start3A_213 : memref<256xi32, #tpu.memory_space<vmem>>) semaphore(%arg20 : memref<!tpu.dma_semaphore, #tpu.memory_space<semaphore_mem>>) {add = true}
        %dma_wait3A_217 = arith.constant 0 : i32
        %dma_wait3A_218 = tpu.memref_slice %arg11[%dma_wait3A_217] : memref<1024xi32, #tpu.memory_space<vmem>> -> memref<256xi32, #tpu.memory_space<vmem>>
        %dma_wait3A_219 = arith.constant 0 : i32
        %dma_wait3A_220 = arith.constant 0 : i32
        %dma_wait3A_221 = tpu.memref_slice %arg14[%dma_wait3A_219, %dma_wait3A_220] : memref<50176x32xf32, #tpu.memory_space<vmem_shared>> -> memref<50176x32xf32, #tpu.memory_space<vmem_shared>>
        tpu.wait_indirect_dma semaphore(%arg19 : memref<!tpu.dma_semaphore, #tpu.memory_space<semaphore_mem>>) src(%arg12 : memref<256x32xf32, #tpu.memory_space<vmem>>) dst(%dma_wait3A_221 : memref<50176x32xf32, #tpu.memory_space<vmem_shared>>)
        %add3A_222 = arith.constant 1 : i32
        %add3A_223 = arith.addi %add3A_146, %add3A_222 : i32
        %lt3A_224 = arith.constant 50 : i32
        %lt3A_225 = arith.cmpi slt, %add3A_223, %lt3A_224 : i32
        %convert_element_type3A_226 = arith.extui %lt3A_225 : i1 to i32
        %cond3A_227 = arith.constant 0 : i32
        %cond3A_228 = arith.cmpi ne, %convert_element_type3A_226, %cond3A_227 : i32
        scf.if %cond3A_228 {
          %add3A_236 = arith.constant 1 : i32
          %add3A_237 = arith.addi %add3A_146, %add3A_236 : i32
          %mul3A_238 = arith.constant 1024 : i32
          %mul3A_239 = arith.muli %add3A_237, %mul3A_238 : i32
          %add3A_240 = arith.addi %mul3A_0, %mul3A_239 : i32
          %dma_wait3A_241 = tpu.memref_slice %arg4[%add3A_240] : memref<819200xi32, #tpu.memory_space<hbm>> -> memref<1024xi32, #tpu.memory_space<hbm>>
          %dma_wait3A_242 = tpu.memref_slice %arg4[%add3A_240] : memref<819200xi32, #tpu.memory_space<hbm>> -> memref<1024xi32, #tpu.memory_space<hbm>>
          tpu.wait_dma2 semaphore(%arg15 : memref<!tpu.dma_semaphore, #tpu.memory_space<semaphore_mem>>) src(%dma_wait3A_242 : memref<1024xi32, #tpu.memory_space<hbm>>) dst(%arg8 : memref<1024xi32, #tpu.memory_space<vmem>>)
          %mul3A_243 = arith.constant 1024 : i32
          %mul3A_244 = arith.muli %add3A_237, %mul3A_243 : i32
          %add3A_245 = arith.addi %mul3A_0, %mul3A_244 : i32
          %dma_wait3A_246 = tpu.memref_slice %arg5[%add3A_245] : memref<819200xi32, #tpu.memory_space<hbm>> -> memref<1024xi32, #tpu.memory_space<hbm>>
          %dma_wait3A_247 = tpu.memref_slice %arg5[%add3A_245] : memref<819200xi32, #tpu.memory_space<hbm>> -> memref<1024xi32, #tpu.memory_space<hbm>>
          tpu.wait_dma2 semaphore(%arg15 : memref<!tpu.dma_semaphore, #tpu.memory_space<semaphore_mem>>) src(%dma_wait3A_247 : memref<1024xi32, #tpu.memory_space<hbm>>) dst(%arg10 : memref<1024xi32, #tpu.memory_space<vmem>>)
          %dma_start3A_248 = arith.constant 0 : i32
          %dma_start3A_249 = tpu.memref_slice %arg8[%dma_start3A_248] : memref<1024xi32, #tpu.memory_space<vmem>> -> memref<256xi32, #tpu.memory_space<vmem>>
          %dma_start3A_250 = arith.constant 0 : i32
          %dma_start3A_251 = arith.constant 0 : i32
          %dma_start3A_252 = tpu.memref_slice %arg2[%dma_start3A_250, %dma_start3A_251] : memref<50176x32xf32, #tpu.memory_space<hbm>> -> memref<50176x32xf32, #tpu.memory_space<hbm>>
          tpu.enqueue_indirect_dma source(%dma_start3A_252 : memref<50176x32xf32, #tpu.memory_space<hbm>>) target(%arg12 : memref<256x32xf32, #tpu.memory_space<vmem>>) offsets(%dma_start3A_249 : memref<256xi32, #tpu.memory_space<vmem>>) semaphore(%arg17 : memref<!tpu.dma_semaphore, #tpu.memory_space<semaphore_mem>>)
        } else {
        }
        %add3A_229 = arith.constant 2 : i32
        %add3A_230 = arith.addi %add3A_146, %add3A_229 : i32
        %lt3A_231 = arith.constant 50 : i32
        %lt3A_232 = arith.cmpi slt, %add3A_230, %lt3A_231 : i32
        %convert_element_type3A_233 = arith.extui %lt3A_232 : i1 to i32
        %cond3A_234 = arith.constant 0 : i32
        %cond3A_235 = arith.cmpi ne, %convert_element_type3A_233, %cond3A_234 : i32
        scf.if %cond3A_235 {
          %add3A_236 = arith.constant 2 : i32
          %add3A_237 = arith.addi %add3A_146, %add3A_236 : i32
          %mul3A_238 = arith.constant 1024 : i32
          %mul3A_239 = arith.muli %add3A_237, %mul3A_238 : i32
          %add3A_240 = arith.addi %mul3A_0, %mul3A_239 : i32
          %dma_start3A_241 = tpu.memref_slice %arg4[%add3A_240] : memref<819200xi32, #tpu.memory_space<hbm>> -> memref<1024xi32, #tpu.memory_space<hbm>>
          %dma_start3A_242 = tpu.memref_slice %arg4[%add3A_240] : memref<819200xi32, #tpu.memory_space<hbm>> -> memref<1024xi32, #tpu.memory_space<hbm>>
          tpu.enqueue_dma source(%dma_start3A_242 : memref<1024xi32, #tpu.memory_space<hbm>>) target(%arg9 : memref<1024xi32, #tpu.memory_space<vmem>>) target_semaphore(%arg16 : memref<!tpu.dma_semaphore, #tpu.memory_space<semaphore_mem>>)
          %mul3A_243 = arith.constant 1024 : i32
          %mul3A_244 = arith.muli %add3A_237, %mul3A_243 : i32
          %add3A_245 = arith.addi %mul3A_0, %mul3A_244 : i32
          %dma_start3A_246 = tpu.memref_slice %arg5[%add3A_245] : memref<819200xi32, #tpu.memory_space<hbm>> -> memref<1024xi32, #tpu.memory_space<hbm>>
          %dma_start3A_247 = tpu.memref_slice %arg5[%add3A_245] : memref<819200xi32, #tpu.memory_space<hbm>> -> memref<1024xi32, #tpu.memory_space<hbm>>
          tpu.enqueue_dma source(%dma_start3A_247 : memref<1024xi32, #tpu.memory_space<hbm>>) target(%arg11 : memref<1024xi32, #tpu.memory_space<vmem>>) target_semaphore(%arg16 : memref<!tpu.dma_semaphore, #tpu.memory_space<semaphore_mem>>)
        } else {
        }
      }
      %scan3A_42 = arith.constant 25 : i32
      %dma_wait3A_43 = arith.constant 0 : i32
      %dma_wait3A_44 = tpu.memref_slice %arg11[%dma_wait3A_43] : memref<1024xi32, #tpu.memory_space<vmem>> -> memref<256xi32, #tpu.memory_space<vmem>>
      %dma_wait3A_45 = arith.constant 0 : i32
      %dma_wait3A_46 = arith.constant 0 : i32
      %dma_wait3A_47 = tpu.memref_slice %arg14[%dma_wait3A_45, %dma_wait3A_46] : memref<50176x32xf32, #tpu.memory_space<vmem_shared>> -> memref<50176x32xf32, #tpu.memory_space<vmem_shared>>
      tpu.wait_indirect_dma semaphore(%arg20 : memref<!tpu.dma_semaphore, #tpu.memory_space<semaphore_mem>>) src(%arg13 : memref<256x32xf32, #tpu.memory_space<vmem>>) dst(%dma_wait3A_47 : memref<50176x32xf32, #tpu.memory_space<vmem_shared>>)
      %barrier3A_48 = arith.constant 0 : index
      tpu.barrier barrier_id(%barrier3A_48)
      %mul3A_49 = arith.constant 3136 : i32
      %mul3A_50 = arith.muli %arg1, %mul3A_49 : i32
      %mul3A_51 = arith.constant 3136 : i32
      %mul3A_52 = arith.muli %arg1, %mul3A_51 : i32
      "tpu.region"() ({
        %run_scoped3A = tpu.sem_alloc : memref<!tpu.dma_semaphore, #tpu.memory_space<semaphore_mem>>
        %dma_start3A_53 = arith.constant 0 : i32
        %dma_start3A_54 = tpu.memref_slice %arg6[%mul3A_52, %dma_start3A_53] : memref<50176x32xf32, #tpu.memory_space<hbm>> -> memref<3136x32xf32, #tpu.memory_space<hbm>>
        %dma_start3A_55 = arith.constant 0 : i32
        %dma_start3A_56 = tpu.memref_slice %arg14[%mul3A_50, %dma_start3A_55] : memref<50176x32xf32, #tpu.memory_space<vmem_shared>> -> memref<3136x32xf32, #tpu.memory_space<vmem_shared>>
        tpu.enqueue_dma source(%dma_start3A_56 : memref<3136x32xf32, #tpu.memory_space<vmem_shared>>) target(%dma_start3A_54 : memref<3136x32xf32, #tpu.memory_space<hbm>>) target_semaphore(%run_scoped3A : memref<!tpu.dma_semaphore, #tpu.memory_space<semaphore_mem>>)
        %dma_wait3A_57 = arith.constant 0 : i32
        %dma_wait3A_58 = tpu.memref_slice %arg6[%mul3A_52, %dma_wait3A_57] : memref<50176x32xf32, #tpu.memory_space<hbm>> -> memref<3136x32xf32, #tpu.memory_space<hbm>>
        %dma_wait3A_59 = arith.constant 0 : i32
        %dma_wait3A_60 = tpu.memref_slice %arg14[%mul3A_50, %dma_wait3A_59] : memref<50176x32xf32, #tpu.memory_space<vmem_shared>> -> memref<3136x32xf32, #tpu.memory_space<vmem_shared>>
        tpu.wait_dma2 semaphore(%run_scoped3A : memref<!tpu.dma_semaphore, #tpu.memory_space<semaphore_mem>>) src(%dma_wait3A_60 : memref<3136x32xf32, #tpu.memory_space<vmem_shared>>) dst(%dma_wait3A_58 : memref<3136x32xf32, #tpu.memory_space<hbm>>)
        tpu.yield
      }) : () -> ()
    } else {
    }
    %eq3A_3 = arith.constant 1 : i32
    %eq3A_4 = arith.cmpi eq, %arg0, %eq3A_3 : i32
    %convert_element_type3A_5 = arith.extui %eq3A_4 : i1 to i32
    %cond3A_6 = arith.constant 0 : i32
    %cond3A_7 = arith.cmpi ne, %convert_element_type3A_5, %cond3A_6 : i32
    scf.if %cond3A_7 {
      %add3A = arith.constant 0 : i32
      %add3A_8 = arith.addi %mul3A_0, %add3A : i32
      %dma_start3A = tpu.memref_slice %arg4[%add3A_8] : memref<819200xi32, #tpu.memory_space<hbm>> -> memref<1024xi32, #tpu.memory_space<hbm>>
      %dma_start3A_9 = tpu.memref_slice %arg4[%add3A_8] : memref<819200xi32, #tpu.memory_space<hbm>> -> memref<1024xi32, #tpu.memory_space<hbm>>
      tpu.enqueue_dma source(%dma_start3A_9 : memref<1024xi32, #tpu.memory_space<hbm>>) target(%arg8 : memref<1024xi32, #tpu.memory_space<vmem>>) target_semaphore(%arg15 : memref<!tpu.dma_semaphore, #tpu.memory_space<semaphore_mem>>)
      %add3A_10 = arith.constant 0 : i32
      %add3A_11 = arith.addi %mul3A_0, %add3A_10 : i32
      %dma_start3A_12 = tpu.memref_slice %arg5[%add3A_11] : memref<819200xi32, #tpu.memory_space<hbm>> -> memref<1024xi32, #tpu.memory_space<hbm>>
      %dma_start3A_13 = tpu.memref_slice %arg5[%add3A_11] : memref<819200xi32, #tpu.memory_space<hbm>> -> memref<1024xi32, #tpu.memory_space<hbm>>
      tpu.enqueue_dma source(%dma_start3A_13 : memref<1024xi32, #tpu.memory_space<hbm>>) target(%arg10 : memref<1024xi32, #tpu.memory_space<vmem>>) target_semaphore(%arg15 : memref<!tpu.dma_semaphore, #tpu.memory_space<semaphore_mem>>)
      %add3A_14 = arith.constant 1024 : i32
      %add3A_15 = arith.addi %mul3A_0, %add3A_14 : i32
      %dma_start3A_16 = tpu.memref_slice %arg4[%add3A_15] : memref<819200xi32, #tpu.memory_space<hbm>> -> memref<1024xi32, #tpu.memory_space<hbm>>
      %dma_start3A_17 = tpu.memref_slice %arg4[%add3A_15] : memref<819200xi32, #tpu.memory_space<hbm>> -> memref<1024xi32, #tpu.memory_space<hbm>>
      tpu.enqueue_dma source(%dma_start3A_17 : memref<1024xi32, #tpu.memory_space<hbm>>) target(%arg9 : memref<1024xi32, #tpu.memory_space<vmem>>) target_semaphore(%arg16 : memref<!tpu.dma_semaphore, #tpu.memory_space<semaphore_mem>>)
      %add3A_18 = arith.constant 1024 : i32
      %add3A_19 = arith.addi %mul3A_0, %add3A_18 : i32
      %dma_start3A_20 = tpu.memref_slice %arg5[%add3A_19] : memref<819200xi32, #tpu.memory_space<hbm>> -> memref<1024xi32, #tpu.memory_space<hbm>>
      %dma_start3A_21 = tpu.memref_slice %arg5[%add3A_19] : memref<819200xi32, #tpu.memory_space<hbm>> -> memref<1024xi32, #tpu.memory_space<hbm>>
      tpu.enqueue_dma source(%dma_start3A_21 : memref<1024xi32, #tpu.memory_space<hbm>>) target(%arg11 : memref<1024xi32, #tpu.memory_space<vmem>>) target_semaphore(%arg16 : memref<!tpu.dma_semaphore, #tpu.memory_space<semaphore_mem>>)
      %mul3A_22 = arith.constant 3136 : i32
      %mul3A_23 = arith.muli %arg1, %mul3A_22 : i32
      %mul3A_24 = arith.constant 3136 : i32
      %mul3A_25 = arith.muli %arg1, %mul3A_24 : i32
      "tpu.region"() ({
        %run_scoped3A = tpu.sem_alloc : memref<!tpu.dma_semaphore, #tpu.memory_space<semaphore_mem>>
        %dma_start3A_53 = arith.constant 0 : i32
        %dma_start3A_54 = tpu.memref_slice %arg14[%mul3A_25, %dma_start3A_53] : memref<50176x32xf32, #tpu.memory_space<vmem_shared>> -> memref<3136x32xf32, #tpu.memory_space<vmem_shared>>
        %dma_start3A_55 = arith.constant 0 : i32
        %dma_start3A_56 = tpu.memref_slice %arg3[%mul3A_23, %dma_start3A_55] : memref<50176x32xf32, #tpu.memory_space<hbm>> -> memref<3136x32xf32, #tpu.memory_space<hbm>>
        tpu.enqueue_dma source(%dma_start3A_56 : memref<3136x32xf32, #tpu.memory_space<hbm>>) target(%dma_start3A_54 : memref<3136x32xf32, #tpu.memory_space<vmem_shared>>) target_semaphore(%run_scoped3A : memref<!tpu.dma_semaphore, #tpu.memory_space<semaphore_mem>>)
        %dma_wait3A_57 = arith.constant 0 : i32
        %dma_wait3A_58 = tpu.memref_slice %arg14[%mul3A_25, %dma_wait3A_57] : memref<50176x32xf32, #tpu.memory_space<vmem_shared>> -> memref<3136x32xf32, #tpu.memory_space<vmem_shared>>
        %dma_wait3A_59 = arith.constant 0 : i32
        %dma_wait3A_60 = tpu.memref_slice %arg3[%mul3A_23, %dma_wait3A_59] : memref<50176x32xf32, #tpu.memory_space<hbm>> -> memref<3136x32xf32, #tpu.memory_space<hbm>>
        tpu.wait_dma2 semaphore(%run_scoped3A : memref<!tpu.dma_semaphore, #tpu.memory_space<semaphore_mem>>) src(%dma_wait3A_60 : memref<3136x32xf32, #tpu.memory_space<hbm>>) dst(%dma_wait3A_58 : memref<3136x32xf32, #tpu.memory_space<vmem_shared>>)
        tpu.yield
      }) : () -> ()
      %add3A_26 = arith.constant 0 : i32
      %add3A_27 = arith.addi %mul3A_0, %add3A_26 : i32
      %dma_wait3A = tpu.memref_slice %arg4[%add3A_27] : memref<819200xi32, #tpu.memory_space<hbm>> -> memref<1024xi32, #tpu.memory_space<hbm>>
      %dma_wait3A_28 = tpu.memref_slice %arg4[%add3A_27] : memref<819200xi32, #tpu.memory_space<hbm>> -> memref<1024xi32, #tpu.memory_space<hbm>>
      tpu.wait_dma2 semaphore(%arg15 : memref<!tpu.dma_semaphore, #tpu.memory_space<semaphore_mem>>) src(%dma_wait3A_28 : memref<1024xi32, #tpu.memory_space<hbm>>) dst(%arg8 : memref<1024xi32, #tpu.memory_space<vmem>>)
      %add3A_29 = arith.constant 0 : i32
      %add3A_30 = arith.addi %mul3A_0, %add3A_29 : i32
      %dma_wait3A_31 = tpu.memref_slice %arg5[%add3A_30] : memref<819200xi32, #tpu.memory_space<hbm>> -> memref<1024xi32, #tpu.memory_space<hbm>>
      %dma_wait3A_32 = tpu.memref_slice %arg5[%add3A_30] : memref<819200xi32, #tpu.memory_space<hbm>> -> memref<1024xi32, #tpu.memory_space<hbm>>
      tpu.wait_dma2 semaphore(%arg15 : memref<!tpu.dma_semaphore, #tpu.memory_space<semaphore_mem>>) src(%dma_wait3A_32 : memref<1024xi32, #tpu.memory_space<hbm>>) dst(%arg10 : memref<1024xi32, #tpu.memory_space<vmem>>)
      %barrier3A = arith.constant 0 : index
      tpu.barrier barrier_id(%barrier3A)
      %dma_start3A_33 = arith.constant 0 : i32
      %dma_start3A_34 = tpu.memref_slice %arg8[%dma_start3A_33] : memref<1024xi32, #tpu.memory_space<vmem>> -> memref<256xi32, #tpu.memory_space<vmem>>
      %dma_start3A_35 = arith.constant 0 : i32
      %dma_start3A_36 = arith.constant 0 : i32
      %dma_start3A_37 = tpu.memref_slice %arg3[%dma_start3A_35, %dma_start3A_36] : memref<50176x32xf32, #tpu.memory_space<hbm>> -> memref<50176x32xf32, #tpu.memory_space<hbm>>
      tpu.enqueue_indirect_dma source(%dma_start3A_37 : memref<50176x32xf32, #tpu.memory_space<hbm>>) target(%arg12 : memref<256x32xf32, #tpu.memory_space<vmem>>) offsets(%dma_start3A_34 : memref<256xi32, #tpu.memory_space<vmem>>) semaphore(%arg17 : memref<!tpu.dma_semaphore, #tpu.memory_space<semaphore_mem>>)
      %scan3A = arith.constant 0 : i32
      %scan3A_38 = arith.constant 0 : i32
      %scan3A_39 = arith.constant 25 : i32
      %scan3A_40 = arith.addi %scan3A_38, %scan3A_39 : i32
      %scan3A_41 = arith.constant 1 : i32
      scf.for %scan3A_53 = %scan3A_38 to %scan3A_40 step %scan3A_41  : i32 {
        %mul3A_54 = arith.constant 2 : i32
        %mul3A_55 = arith.muli %mul3A_54, %scan3A_53 : i32
        %dma_wait3A_56 = arith.constant 0 : i32
        %dma_wait3A_57 = tpu.memref_slice %arg8[%dma_wait3A_56] : memref<1024xi32, #tpu.memory_space<vmem>> -> memref<256xi32, #tpu.memory_space<vmem>>
        %dma_wait3A_58 = arith.constant 0 : i32
        %dma_wait3A_59 = arith.constant 0 : i32
        %dma_wait3A_60 = tpu.memref_slice %arg3[%dma_wait3A_58, %dma_wait3A_59] : memref<50176x32xf32, #tpu.memory_space<hbm>> -> memref<50176x32xf32, #tpu.memory_space<hbm>>
        tpu.wait_indirect_dma semaphore(%arg17 : memref<!tpu.dma_semaphore, #tpu.memory_space<semaphore_mem>>) src(%dma_wait3A_60 : memref<50176x32xf32, #tpu.memory_space<hbm>>) dst(%arg12 : memref<256x32xf32, #tpu.memory_space<vmem>>)
        %dma_start3A_61 = arith.constant 0 : i32
        %dma_start3A_62 = tpu.memref_slice %arg10[%dma_start3A_61] : memref<1024xi32, #tpu.memory_space<vmem>> -> memref<256xi32, #tpu.memory_space<vmem>>
        %dma_start3A_63 = arith.constant 0 : i32
        %dma_start3A_64 = arith.constant 0 : i32
        %dma_start3A_65 = tpu.memref_slice %arg14[%dma_start3A_63, %dma_start3A_64] : memref<50176x32xf32, #tpu.memory_space<vmem_shared>> -> memref<50176x32xf32, #tpu.memory_space<vmem_shared>>
        tpu.enqueue_indirect_dma source(%arg12 : memref<256x32xf32, #tpu.memory_space<vmem>>) target(%dma_start3A_65 : memref<50176x32xf32, #tpu.memory_space<vmem_shared>>) offsets(%dma_start3A_62 : memref<256xi32, #tpu.memory_space<vmem>>) semaphore(%arg19 : memref<!tpu.dma_semaphore, #tpu.memory_space<semaphore_mem>>) {add = true}
        %gt3A = arith.constant 0 : i32
        %gt3A_66 = arith.cmpi sgt, %mul3A_55, %gt3A : i32
        %convert_element_type3A_67 = arith.extui %gt3A_66 : i1 to i32
        %cond3A_68 = arith.constant 0 : i32
        %cond3A_69 = arith.cmpi ne, %convert_element_type3A_67, %cond3A_68 : i32
        scf.if %cond3A_69 {
          %dma_wait3A_236 = arith.constant 0 : i32
          %dma_wait3A_237 = tpu.memref_slice %arg10[%dma_wait3A_236] : memref<1024xi32, #tpu.memory_space<vmem>> -> memref<256xi32, #tpu.memory_space<vmem>>
          %dma_wait3A_238 = arith.constant 0 : i32
          %dma_wait3A_239 = arith.constant 0 : i32
          %dma_wait3A_240 = tpu.memref_slice %arg14[%dma_wait3A_238, %dma_wait3A_239] : memref<50176x32xf32, #tpu.memory_space<vmem_shared>> -> memref<50176x32xf32, #tpu.memory_space<vmem_shared>>
          tpu.wait_indirect_dma semaphore(%arg20 : memref<!tpu.dma_semaphore, #tpu.memory_space<semaphore_mem>>) src(%arg13 : memref<256x32xf32, #tpu.memory_space<vmem>>) dst(%dma_wait3A_240 : memref<50176x32xf32, #tpu.memory_space<vmem_shared>>)
        } else {
        }
        %dma_start3A_70 = arith.constant 256 : i32
        %dma_start3A_71 = tpu.memref_slice %arg8[%dma_start3A_70] : memref<1024xi32, #tpu.memory_space<vmem>> -> memref<256xi32, #tpu.memory_space<vmem>>
        %dma_start3A_72 = arith.constant 0 : i32
        %dma_start3A_73 = arith.constant 0 : i32
        %dma_start3A_74 = tpu.memref_slice %arg3[%dma_start3A_72, %dma_start3A_73] : memref<50176x32xf32, #tpu.memory_space<hbm>> -> memref<50176x32xf32, #tpu.memory_space<hbm>>
        tpu.enqueue_indirect_dma source(%dma_start3A_74 : memref<50176x32xf32, #tpu.memory_space<hbm>>) target(%arg13 : memref<256x32xf32, #tpu.memory_space<vmem>>) offsets(%dma_start3A_71 : memref<256xi32, #tpu.memory_space<vmem>>) semaphore(%arg18 : memref<!tpu.dma_semaphore, #tpu.memory_space<semaphore_mem>>)
        %dma_wait3A_75 = arith.constant 256 : i32
        %dma_wait3A_76 = tpu.memref_slice %arg8[%dma_wait3A_75] : memref<1024xi32, #tpu.memory_space<vmem>> -> memref<256xi32, #tpu.memory_space<vmem>>
        %dma_wait3A_77 = arith.constant 0 : i32
        %dma_wait3A_78 = arith.constant 0 : i32
        %dma_wait3A_79 = tpu.memref_slice %arg3[%dma_wait3A_77, %dma_wait3A_78] : memref<50176x32xf32, #tpu.memory_space<hbm>> -> memref<50176x32xf32, #tpu.memory_space<hbm>>
        tpu.wait_indirect_dma semaphore(%arg18 : memref<!tpu.dma_semaphore, #tpu.memory_space<semaphore_mem>>) src(%dma_wait3A_79 : memref<50176x32xf32, #tpu.memory_space<hbm>>) dst(%arg13 : memref<256x32xf32, #tpu.memory_space<vmem>>)
        %dma_start3A_80 = arith.constant 256 : i32
        %dma_start3A_81 = tpu.memref_slice %arg10[%dma_start3A_80] : memref<1024xi32, #tpu.memory_space<vmem>> -> memref<256xi32, #tpu.memory_space<vmem>>
        %dma_start3A_82 = arith.constant 0 : i32
        %dma_start3A_83 = arith.constant 0 : i32
        %dma_start3A_84 = tpu.memref_slice %arg14[%dma_start3A_82, %dma_start3A_83] : memref<50176x32xf32, #tpu.memory_space<vmem_shared>> -> memref<50176x32xf32, #tpu.memory_space<vmem_shared>>
        tpu.enqueue_indirect_dma source(%arg13 : memref<256x32xf32, #tpu.memory_space<vmem>>) target(%dma_start3A_84 : memref<50176x32xf32, #tpu.memory_space<vmem_shared>>) offsets(%dma_start3A_81 : memref<256xi32, #tpu.memory_space<vmem>>) semaphore(%arg20 : memref<!tpu.dma_semaphore, #tpu.memory_space<semaphore_mem>>) {add = true}
        %dma_wait3A_85 = arith.constant 0 : i32
        %dma_wait3A_86 = tpu.memref_slice %arg10[%dma_wait3A_85] : memref<1024xi32, #tpu.memory_space<vmem>> -> memref<256xi32, #tpu.memory_space<vmem>>
        %dma_wait3A_87 = arith.constant 0 : i32
        %dma_wait3A_88 = arith.constant 0 : i32
        %dma_wait3A_89 = tpu.memref_slice %arg14[%dma_wait3A_87, %dma_wait3A_88] : memref<50176x32xf32, #tpu.memory_space<vmem_shared>> -> memref<50176x32xf32, #tpu.memory_space<vmem_shared>>
        tpu.wait_indirect_dma semaphore(%arg19 : memref<!tpu.dma_semaphore, #tpu.memory_space<semaphore_mem>>) src(%arg12 : memref<256x32xf32, #tpu.memory_space<vmem>>) dst(%dma_wait3A_89 : memref<50176x32xf32, #tpu.memory_space<vmem_shared>>)
        %dma_start3A_90 = arith.constant 512 : i32
        %dma_start3A_91 = tpu.memref_slice %arg8[%dma_start3A_90] : memref<1024xi32, #tpu.memory_space<vmem>> -> memref<256xi32, #tpu.memory_space<vmem>>
        %dma_start3A_92 = arith.constant 0 : i32
        %dma_start3A_93 = arith.constant 0 : i32
        %dma_start3A_94 = tpu.memref_slice %arg3[%dma_start3A_92, %dma_start3A_93] : memref<50176x32xf32, #tpu.memory_space<hbm>> -> memref<50176x32xf32, #tpu.memory_space<hbm>>
        tpu.enqueue_indirect_dma source(%dma_start3A_94 : memref<50176x32xf32, #tpu.memory_space<hbm>>) target(%arg12 : memref<256x32xf32, #tpu.memory_space<vmem>>) offsets(%dma_start3A_91 : memref<256xi32, #tpu.memory_space<vmem>>) semaphore(%arg17 : memref<!tpu.dma_semaphore, #tpu.memory_space<semaphore_mem>>)
        %dma_wait3A_95 = arith.constant 512 : i32
        %dma_wait3A_96 = tpu.memref_slice %arg8[%dma_wait3A_95] : memref<1024xi32, #tpu.memory_space<vmem>> -> memref<256xi32, #tpu.memory_space<vmem>>
        %dma_wait3A_97 = arith.constant 0 : i32
        %dma_wait3A_98 = arith.constant 0 : i32
        %dma_wait3A_99 = tpu.memref_slice %arg3[%dma_wait3A_97, %dma_wait3A_98] : memref<50176x32xf32, #tpu.memory_space<hbm>> -> memref<50176x32xf32, #tpu.memory_space<hbm>>
        tpu.wait_indirect_dma semaphore(%arg17 : memref<!tpu.dma_semaphore, #tpu.memory_space<semaphore_mem>>) src(%dma_wait3A_99 : memref<50176x32xf32, #tpu.memory_space<hbm>>) dst(%arg12 : memref<256x32xf32, #tpu.memory_space<vmem>>)
        %dma_start3A_100 = arith.constant 512 : i32
        %dma_start3A_101 = tpu.memref_slice %arg10[%dma_start3A_100] : memref<1024xi32, #tpu.memory_space<vmem>> -> memref<256xi32, #tpu.memory_space<vmem>>
        %dma_start3A_102 = arith.constant 0 : i32
        %dma_start3A_103 = arith.constant 0 : i32
        %dma_start3A_104 = tpu.memref_slice %arg14[%dma_start3A_102, %dma_start3A_103] : memref<50176x32xf32, #tpu.memory_space<vmem_shared>> -> memref<50176x32xf32, #tpu.memory_space<vmem_shared>>
        tpu.enqueue_indirect_dma source(%arg12 : memref<256x32xf32, #tpu.memory_space<vmem>>) target(%dma_start3A_104 : memref<50176x32xf32, #tpu.memory_space<vmem_shared>>) offsets(%dma_start3A_101 : memref<256xi32, #tpu.memory_space<vmem>>) semaphore(%arg19 : memref<!tpu.dma_semaphore, #tpu.memory_space<semaphore_mem>>) {add = true}
        %dma_wait3A_105 = arith.constant 0 : i32
        %dma_wait3A_106 = tpu.memref_slice %arg10[%dma_wait3A_105] : memref<1024xi32, #tpu.memory_space<vmem>> -> memref<256xi32, #tpu.memory_space<vmem>>
        %dma_wait3A_107 = arith.constant 0 : i32
        %dma_wait3A_108 = arith.constant 0 : i32
        %dma_wait3A_109 = tpu.memref_slice %arg14[%dma_wait3A_107, %dma_wait3A_108] : memref<50176x32xf32, #tpu.memory_space<vmem_shared>> -> memref<50176x32xf32, #tpu.memory_space<vmem_shared>>
        tpu.wait_indirect_dma semaphore(%arg20 : memref<!tpu.dma_semaphore, #tpu.memory_space<semaphore_mem>>) src(%arg13 : memref<256x32xf32, #tpu.memory_space<vmem>>) dst(%dma_wait3A_109 : memref<50176x32xf32, #tpu.memory_space<vmem_shared>>)
        %dma_start3A_110 = arith.constant 768 : i32
        %dma_start3A_111 = tpu.memref_slice %arg8[%dma_start3A_110] : memref<1024xi32, #tpu.memory_space<vmem>> -> memref<256xi32, #tpu.memory_space<vmem>>
        %dma_start3A_112 = arith.constant 0 : i32
        %dma_start3A_113 = arith.constant 0 : i32
        %dma_start3A_114 = tpu.memref_slice %arg3[%dma_start3A_112, %dma_start3A_113] : memref<50176x32xf32, #tpu.memory_space<hbm>> -> memref<50176x32xf32, #tpu.memory_space<hbm>>
        tpu.enqueue_indirect_dma source(%dma_start3A_114 : memref<50176x32xf32, #tpu.memory_space<hbm>>) target(%arg13 : memref<256x32xf32, #tpu.memory_space<vmem>>) offsets(%dma_start3A_111 : memref<256xi32, #tpu.memory_space<vmem>>) semaphore(%arg18 : memref<!tpu.dma_semaphore, #tpu.memory_space<semaphore_mem>>)
        %dma_wait3A_115 = arith.constant 768 : i32
        %dma_wait3A_116 = tpu.memref_slice %arg8[%dma_wait3A_115] : memref<1024xi32, #tpu.memory_space<vmem>> -> memref<256xi32, #tpu.memory_space<vmem>>
        %dma_wait3A_117 = arith.constant 0 : i32
        %dma_wait3A_118 = arith.constant 0 : i32
        %dma_wait3A_119 = tpu.memref_slice %arg3[%dma_wait3A_117, %dma_wait3A_118] : memref<50176x32xf32, #tpu.memory_space<hbm>> -> memref<50176x32xf32, #tpu.memory_space<hbm>>
        tpu.wait_indirect_dma semaphore(%arg18 : memref<!tpu.dma_semaphore, #tpu.memory_space<semaphore_mem>>) src(%dma_wait3A_119 : memref<50176x32xf32, #tpu.memory_space<hbm>>) dst(%arg13 : memref<256x32xf32, #tpu.memory_space<vmem>>)
        %dma_start3A_120 = arith.constant 768 : i32
        %dma_start3A_121 = tpu.memref_slice %arg10[%dma_start3A_120] : memref<1024xi32, #tpu.memory_space<vmem>> -> memref<256xi32, #tpu.memory_space<vmem>>
        %dma_start3A_122 = arith.constant 0 : i32
        %dma_start3A_123 = arith.constant 0 : i32
        %dma_start3A_124 = tpu.memref_slice %arg14[%dma_start3A_122, %dma_start3A_123] : memref<50176x32xf32, #tpu.memory_space<vmem_shared>> -> memref<50176x32xf32, #tpu.memory_space<vmem_shared>>
        tpu.enqueue_indirect_dma source(%arg13 : memref<256x32xf32, #tpu.memory_space<vmem>>) target(%dma_start3A_124 : memref<50176x32xf32, #tpu.memory_space<vmem_shared>>) offsets(%dma_start3A_121 : memref<256xi32, #tpu.memory_space<vmem>>) semaphore(%arg20 : memref<!tpu.dma_semaphore, #tpu.memory_space<semaphore_mem>>) {add = true}
        %dma_wait3A_125 = arith.constant 0 : i32
        %dma_wait3A_126 = tpu.memref_slice %arg10[%dma_wait3A_125] : memref<1024xi32, #tpu.memory_space<vmem>> -> memref<256xi32, #tpu.memory_space<vmem>>
        %dma_wait3A_127 = arith.constant 0 : i32
        %dma_wait3A_128 = arith.constant 0 : i32
        %dma_wait3A_129 = tpu.memref_slice %arg14[%dma_wait3A_127, %dma_wait3A_128] : memref<50176x32xf32, #tpu.memory_space<vmem_shared>> -> memref<50176x32xf32, #tpu.memory_space<vmem_shared>>
        tpu.wait_indirect_dma semaphore(%arg19 : memref<!tpu.dma_semaphore, #tpu.memory_space<semaphore_mem>>) src(%arg12 : memref<256x32xf32, #tpu.memory_space<vmem>>) dst(%dma_wait3A_129 : memref<50176x32xf32, #tpu.memory_space<vmem_shared>>)
        %add3A_130 = arith.constant 1 : i32
        %add3A_131 = arith.addi %mul3A_55, %add3A_130 : i32
        %lt3A = arith.constant 50 : i32
        %lt3A_132 = arith.cmpi slt, %add3A_131, %lt3A : i32
        %convert_element_type3A_133 = arith.extui %lt3A_132 : i1 to i32
        %cond3A_134 = arith.constant 0 : i32
        %cond3A_135 = arith.cmpi ne, %convert_element_type3A_133, %cond3A_134 : i32
        scf.if %cond3A_135 {
          %add3A_236 = arith.constant 1 : i32
          %add3A_237 = arith.addi %mul3A_55, %add3A_236 : i32
          %mul3A_238 = arith.constant 1024 : i32
          %mul3A_239 = arith.muli %add3A_237, %mul3A_238 : i32
          %add3A_240 = arith.addi %mul3A_0, %mul3A_239 : i32
          %dma_wait3A_241 = tpu.memref_slice %arg4[%add3A_240] : memref<819200xi32, #tpu.memory_space<hbm>> -> memref<1024xi32, #tpu.memory_space<hbm>>
          %dma_wait3A_242 = tpu.memref_slice %arg4[%add3A_240] : memref<819200xi32, #tpu.memory_space<hbm>> -> memref<1024xi32, #tpu.memory_space<hbm>>
          tpu.wait_dma2 semaphore(%arg16 : memref<!tpu.dma_semaphore, #tpu.memory_space<semaphore_mem>>) src(%dma_wait3A_242 : memref<1024xi32, #tpu.memory_space<hbm>>) dst(%arg9 : memref<1024xi32, #tpu.memory_space<vmem>>)
          %mul3A_243 = arith.constant 1024 : i32
          %mul3A_244 = arith.muli %add3A_237, %mul3A_243 : i32
          %add3A_245 = arith.addi %mul3A_0, %mul3A_244 : i32
          %dma_wait3A_246 = tpu.memref_slice %arg5[%add3A_245] : memref<819200xi32, #tpu.memory_space<hbm>> -> memref<1024xi32, #tpu.memory_space<hbm>>
          %dma_wait3A_247 = tpu.memref_slice %arg5[%add3A_245] : memref<819200xi32, #tpu.memory_space<hbm>> -> memref<1024xi32, #tpu.memory_space<hbm>>
          tpu.wait_dma2 semaphore(%arg16 : memref<!tpu.dma_semaphore, #tpu.memory_space<semaphore_mem>>) src(%dma_wait3A_247 : memref<1024xi32, #tpu.memory_space<hbm>>) dst(%arg11 : memref<1024xi32, #tpu.memory_space<vmem>>)
          %dma_start3A_248 = arith.constant 0 : i32
          %dma_start3A_249 = tpu.memref_slice %arg9[%dma_start3A_248] : memref<1024xi32, #tpu.memory_space<vmem>> -> memref<256xi32, #tpu.memory_space<vmem>>
          %dma_start3A_250 = arith.constant 0 : i32
          %dma_start3A_251 = arith.constant 0 : i32
          %dma_start3A_252 = tpu.memref_slice %arg3[%dma_start3A_250, %dma_start3A_251] : memref<50176x32xf32, #tpu.memory_space<hbm>> -> memref<50176x32xf32, #tpu.memory_space<hbm>>
          tpu.enqueue_indirect_dma source(%dma_start3A_252 : memref<50176x32xf32, #tpu.memory_space<hbm>>) target(%arg12 : memref<256x32xf32, #tpu.memory_space<vmem>>) offsets(%dma_start3A_249 : memref<256xi32, #tpu.memory_space<vmem>>) semaphore(%arg17 : memref<!tpu.dma_semaphore, #tpu.memory_space<semaphore_mem>>)
        } else {
        }
        %add3A_136 = arith.constant 2 : i32
        %add3A_137 = arith.addi %mul3A_55, %add3A_136 : i32
        %lt3A_138 = arith.constant 50 : i32
        %lt3A_139 = arith.cmpi slt, %add3A_137, %lt3A_138 : i32
        %convert_element_type3A_140 = arith.extui %lt3A_139 : i1 to i32
        %cond3A_141 = arith.constant 0 : i32
        %cond3A_142 = arith.cmpi ne, %convert_element_type3A_140, %cond3A_141 : i32
        scf.if %cond3A_142 {
          %add3A_236 = arith.constant 2 : i32
          %add3A_237 = arith.addi %mul3A_55, %add3A_236 : i32
          %mul3A_238 = arith.constant 1024 : i32
          %mul3A_239 = arith.muli %add3A_237, %mul3A_238 : i32
          %add3A_240 = arith.addi %mul3A_0, %mul3A_239 : i32
          %dma_start3A_241 = tpu.memref_slice %arg4[%add3A_240] : memref<819200xi32, #tpu.memory_space<hbm>> -> memref<1024xi32, #tpu.memory_space<hbm>>
          %dma_start3A_242 = tpu.memref_slice %arg4[%add3A_240] : memref<819200xi32, #tpu.memory_space<hbm>> -> memref<1024xi32, #tpu.memory_space<hbm>>
          tpu.enqueue_dma source(%dma_start3A_242 : memref<1024xi32, #tpu.memory_space<hbm>>) target(%arg8 : memref<1024xi32, #tpu.memory_space<vmem>>) target_semaphore(%arg15 : memref<!tpu.dma_semaphore, #tpu.memory_space<semaphore_mem>>)
          %mul3A_243 = arith.constant 1024 : i32
          %mul3A_244 = arith.muli %add3A_237, %mul3A_243 : i32
          %add3A_245 = arith.addi %mul3A_0, %mul3A_244 : i32
          %dma_start3A_246 = tpu.memref_slice %arg5[%add3A_245] : memref<819200xi32, #tpu.memory_space<hbm>> -> memref<1024xi32, #tpu.memory_space<hbm>>
          %dma_start3A_247 = tpu.memref_slice %arg5[%add3A_245] : memref<819200xi32, #tpu.memory_space<hbm>> -> memref<1024xi32, #tpu.memory_space<hbm>>
          tpu.enqueue_dma source(%dma_start3A_247 : memref<1024xi32, #tpu.memory_space<hbm>>) target(%arg10 : memref<1024xi32, #tpu.memory_space<vmem>>) target_semaphore(%arg15 : memref<!tpu.dma_semaphore, #tpu.memory_space<semaphore_mem>>)
        } else {
        }
        %mul3A_143 = arith.constant 2 : i32
        %mul3A_144 = arith.muli %mul3A_143, %scan3A_53 : i32
        %add3A_145 = arith.constant 1 : i32
        %add3A_146 = arith.addi %mul3A_144, %add3A_145 : i32
        %dma_wait3A_147 = arith.constant 0 : i32
        %dma_wait3A_148 = tpu.memref_slice %arg9[%dma_wait3A_147] : memref<1024xi32, #tpu.memory_space<vmem>> -> memref<256xi32, #tpu.memory_space<vmem>>
        %dma_wait3A_149 = arith.constant 0 : i32
        %dma_wait3A_150 = arith.constant 0 : i32
        %dma_wait3A_151 = tpu.memref_slice %arg3[%dma_wait3A_149, %dma_wait3A_150] : memref<50176x32xf32, #tpu.memory_space<hbm>> -> memref<50176x32xf32, #tpu.memory_space<hbm>>
        tpu.wait_indirect_dma semaphore(%arg17 : memref<!tpu.dma_semaphore, #tpu.memory_space<semaphore_mem>>) src(%dma_wait3A_151 : memref<50176x32xf32, #tpu.memory_space<hbm>>) dst(%arg12 : memref<256x32xf32, #tpu.memory_space<vmem>>)
        %dma_start3A_152 = arith.constant 0 : i32
        %dma_start3A_153 = tpu.memref_slice %arg11[%dma_start3A_152] : memref<1024xi32, #tpu.memory_space<vmem>> -> memref<256xi32, #tpu.memory_space<vmem>>
        %dma_start3A_154 = arith.constant 0 : i32
        %dma_start3A_155 = arith.constant 0 : i32
        %dma_start3A_156 = tpu.memref_slice %arg14[%dma_start3A_154, %dma_start3A_155] : memref<50176x32xf32, #tpu.memory_space<vmem_shared>> -> memref<50176x32xf32, #tpu.memory_space<vmem_shared>>
        tpu.enqueue_indirect_dma source(%arg12 : memref<256x32xf32, #tpu.memory_space<vmem>>) target(%dma_start3A_156 : memref<50176x32xf32, #tpu.memory_space<vmem_shared>>) offsets(%dma_start3A_153 : memref<256xi32, #tpu.memory_space<vmem>>) semaphore(%arg19 : memref<!tpu.dma_semaphore, #tpu.memory_space<semaphore_mem>>) {add = true}
        %dma_wait3A_157 = arith.constant 0 : i32
        %dma_wait3A_158 = tpu.memref_slice %arg11[%dma_wait3A_157] : memref<1024xi32, #tpu.memory_space<vmem>> -> memref<256xi32, #tpu.memory_space<vmem>>
        %dma_wait3A_159 = arith.constant 0 : i32
        %dma_wait3A_160 = arith.constant 0 : i32
        %dma_wait3A_161 = tpu.memref_slice %arg14[%dma_wait3A_159, %dma_wait3A_160] : memref<50176x32xf32, #tpu.memory_space<vmem_shared>> -> memref<50176x32xf32, #tpu.memory_space<vmem_shared>>
        tpu.wait_indirect_dma semaphore(%arg20 : memref<!tpu.dma_semaphore, #tpu.memory_space<semaphore_mem>>) src(%arg13 : memref<256x32xf32, #tpu.memory_space<vmem>>) dst(%dma_wait3A_161 : memref<50176x32xf32, #tpu.memory_space<vmem_shared>>)
        %dma_start3A_162 = arith.constant 256 : i32
        %dma_start3A_163 = tpu.memref_slice %arg9[%dma_start3A_162] : memref<1024xi32, #tpu.memory_space<vmem>> -> memref<256xi32, #tpu.memory_space<vmem>>
        %dma_start3A_164 = arith.constant 0 : i32
        %dma_start3A_165 = arith.constant 0 : i32
        %dma_start3A_166 = tpu.memref_slice %arg3[%dma_start3A_164, %dma_start3A_165] : memref<50176x32xf32, #tpu.memory_space<hbm>> -> memref<50176x32xf32, #tpu.memory_space<hbm>>
        tpu.enqueue_indirect_dma source(%dma_start3A_166 : memref<50176x32xf32, #tpu.memory_space<hbm>>) target(%arg13 : memref<256x32xf32, #tpu.memory_space<vmem>>) offsets(%dma_start3A_163 : memref<256xi32, #tpu.memory_space<vmem>>) semaphore(%arg18 : memref<!tpu.dma_semaphore, #tpu.memory_space<semaphore_mem>>)
        %dma_wait3A_167 = arith.constant 256 : i32
        %dma_wait3A_168 = tpu.memref_slice %arg9[%dma_wait3A_167] : memref<1024xi32, #tpu.memory_space<vmem>> -> memref<256xi32, #tpu.memory_space<vmem>>
        %dma_wait3A_169 = arith.constant 0 : i32
        %dma_wait3A_170 = arith.constant 0 : i32
        %dma_wait3A_171 = tpu.memref_slice %arg3[%dma_wait3A_169, %dma_wait3A_170] : memref<50176x32xf32, #tpu.memory_space<hbm>> -> memref<50176x32xf32, #tpu.memory_space<hbm>>
        tpu.wait_indirect_dma semaphore(%arg18 : memref<!tpu.dma_semaphore, #tpu.memory_space<semaphore_mem>>) src(%dma_wait3A_171 : memref<50176x32xf32, #tpu.memory_space<hbm>>) dst(%arg13 : memref<256x32xf32, #tpu.memory_space<vmem>>)
        %dma_start3A_172 = arith.constant 256 : i32
        %dma_start3A_173 = tpu.memref_slice %arg11[%dma_start3A_172] : memref<1024xi32, #tpu.memory_space<vmem>> -> memref<256xi32, #tpu.memory_space<vmem>>
        %dma_start3A_174 = arith.constant 0 : i32
        %dma_start3A_175 = arith.constant 0 : i32
        %dma_start3A_176 = tpu.memref_slice %arg14[%dma_start3A_174, %dma_start3A_175] : memref<50176x32xf32, #tpu.memory_space<vmem_shared>> -> memref<50176x32xf32, #tpu.memory_space<vmem_shared>>
        tpu.enqueue_indirect_dma source(%arg13 : memref<256x32xf32, #tpu.memory_space<vmem>>) target(%dma_start3A_176 : memref<50176x32xf32, #tpu.memory_space<vmem_shared>>) offsets(%dma_start3A_173 : memref<256xi32, #tpu.memory_space<vmem>>) semaphore(%arg20 : memref<!tpu.dma_semaphore, #tpu.memory_space<semaphore_mem>>) {add = true}
        %dma_wait3A_177 = arith.constant 0 : i32
        %dma_wait3A_178 = tpu.memref_slice %arg11[%dma_wait3A_177] : memref<1024xi32, #tpu.memory_space<vmem>> -> memref<256xi32, #tpu.memory_space<vmem>>
        %dma_wait3A_179 = arith.constant 0 : i32
        %dma_wait3A_180 = arith.constant 0 : i32
        %dma_wait3A_181 = tpu.memref_slice %arg14[%dma_wait3A_179, %dma_wait3A_180] : memref<50176x32xf32, #tpu.memory_space<vmem_shared>> -> memref<50176x32xf32, #tpu.memory_space<vmem_shared>>
        tpu.wait_indirect_dma semaphore(%arg19 : memref<!tpu.dma_semaphore, #tpu.memory_space<semaphore_mem>>) src(%arg12 : memref<256x32xf32, #tpu.memory_space<vmem>>) dst(%dma_wait3A_181 : memref<50176x32xf32, #tpu.memory_space<vmem_shared>>)
        %dma_start3A_182 = arith.constant 512 : i32
        %dma_start3A_183 = tpu.memref_slice %arg9[%dma_start3A_182] : memref<1024xi32, #tpu.memory_space<vmem>> -> memref<256xi32, #tpu.memory_space<vmem>>
        %dma_start3A_184 = arith.constant 0 : i32
        %dma_start3A_185 = arith.constant 0 : i32
        %dma_start3A_186 = tpu.memref_slice %arg3[%dma_start3A_184, %dma_start3A_185] : memref<50176x32xf32, #tpu.memory_space<hbm>> -> memref<50176x32xf32, #tpu.memory_space<hbm>>
        tpu.enqueue_indirect_dma source(%dma_start3A_186 : memref<50176x32xf32, #tpu.memory_space<hbm>>) target(%arg12 : memref<256x32xf32, #tpu.memory_space<vmem>>) offsets(%dma_start3A_183 : memref<256xi32, #tpu.memory_space<vmem>>) semaphore(%arg17 : memref<!tpu.dma_semaphore, #tpu.memory_space<semaphore_mem>>)
        %dma_wait3A_187 = arith.constant 512 : i32
        %dma_wait3A_188 = tpu.memref_slice %arg9[%dma_wait3A_187] : memref<1024xi32, #tpu.memory_space<vmem>> -> memref<256xi32, #tpu.memory_space<vmem>>
        %dma_wait3A_189 = arith.constant 0 : i32
        %dma_wait3A_190 = arith.constant 0 : i32
        %dma_wait3A_191 = tpu.memref_slice %arg3[%dma_wait3A_189, %dma_wait3A_190] : memref<50176x32xf32, #tpu.memory_space<hbm>> -> memref<50176x32xf32, #tpu.memory_space<hbm>>
        tpu.wait_indirect_dma semaphore(%arg17 : memref<!tpu.dma_semaphore, #tpu.memory_space<semaphore_mem>>) src(%dma_wait3A_191 : memref<50176x32xf32, #tpu.memory_space<hbm>>) dst(%arg12 : memref<256x32xf32, #tpu.memory_space<vmem>>)
        %dma_start3A_192 = arith.constant 512 : i32
        %dma_start3A_193 = tpu.memref_slice %arg11[%dma_start3A_192] : memref<1024xi32, #tpu.memory_space<vmem>> -> memref<256xi32, #tpu.memory_space<vmem>>
        %dma_start3A_194 = arith.constant 0 : i32
        %dma_start3A_195 = arith.constant 0 : i32
        %dma_start3A_196 = tpu.memref_slice %arg14[%dma_start3A_194, %dma_start3A_195] : memref<50176x32xf32, #tpu.memory_space<vmem_shared>> -> memref<50176x32xf32, #tpu.memory_space<vmem_shared>>
        tpu.enqueue_indirect_dma source(%arg12 : memref<256x32xf32, #tpu.memory_space<vmem>>) target(%dma_start3A_196 : memref<50176x32xf32, #tpu.memory_space<vmem_shared>>) offsets(%dma_start3A_193 : memref<256xi32, #tpu.memory_space<vmem>>) semaphore(%arg19 : memref<!tpu.dma_semaphore, #tpu.memory_space<semaphore_mem>>) {add = true}
        %dma_wait3A_197 = arith.constant 0 : i32
        %dma_wait3A_198 = tpu.memref_slice %arg11[%dma_wait3A_197] : memref<1024xi32, #tpu.memory_space<vmem>> -> memref<256xi32, #tpu.memory_space<vmem>>
        %dma_wait3A_199 = arith.constant 0 : i32
        %dma_wait3A_200 = arith.constant 0 : i32
        %dma_wait3A_201 = tpu.memref_slice %arg14[%dma_wait3A_199, %dma_wait3A_200] : memref<50176x32xf32, #tpu.memory_space<vmem_shared>> -> memref<50176x32xf32, #tpu.memory_space<vmem_shared>>
        tpu.wait_indirect_dma semaphore(%arg20 : memref<!tpu.dma_semaphore, #tpu.memory_space<semaphore_mem>>) src(%arg13 : memref<256x32xf32, #tpu.memory_space<vmem>>) dst(%dma_wait3A_201 : memref<50176x32xf32, #tpu.memory_space<vmem_shared>>)
        %dma_start3A_202 = arith.constant 768 : i32
        %dma_start3A_203 = tpu.memref_slice %arg9[%dma_start3A_202] : memref<1024xi32, #tpu.memory_space<vmem>> -> memref<256xi32, #tpu.memory_space<vmem>>
        %dma_start3A_204 = arith.constant 0 : i32
        %dma_start3A_205 = arith.constant 0 : i32
        %dma_start3A_206 = tpu.memref_slice %arg3[%dma_start3A_204, %dma_start3A_205] : memref<50176x32xf32, #tpu.memory_space<hbm>> -> memref<50176x32xf32, #tpu.memory_space<hbm>>
        tpu.enqueue_indirect_dma source(%dma_start3A_206 : memref<50176x32xf32, #tpu.memory_space<hbm>>) target(%arg13 : memref<256x32xf32, #tpu.memory_space<vmem>>) offsets(%dma_start3A_203 : memref<256xi32, #tpu.memory_space<vmem>>) semaphore(%arg18 : memref<!tpu.dma_semaphore, #tpu.memory_space<semaphore_mem>>)
        %dma_wait3A_207 = arith.constant 768 : i32
        %dma_wait3A_208 = tpu.memref_slice %arg9[%dma_wait3A_207] : memref<1024xi32, #tpu.memory_space<vmem>> -> memref<256xi32, #tpu.memory_space<vmem>>
        %dma_wait3A_209 = arith.constant 0 : i32
        %dma_wait3A_210 = arith.constant 0 : i32
        %dma_wait3A_211 = tpu.memref_slice %arg3[%dma_wait3A_209, %dma_wait3A_210] : memref<50176x32xf32, #tpu.memory_space<hbm>> -> memref<50176x32xf32, #tpu.memory_space<hbm>>
        tpu.wait_indirect_dma semaphore(%arg18 : memref<!tpu.dma_semaphore, #tpu.memory_space<semaphore_mem>>) src(%dma_wait3A_211 : memref<50176x32xf32, #tpu.memory_space<hbm>>) dst(%arg13 : memref<256x32xf32, #tpu.memory_space<vmem>>)
        %dma_start3A_212 = arith.constant 768 : i32
        %dma_start3A_213 = tpu.memref_slice %arg11[%dma_start3A_212] : memref<1024xi32, #tpu.memory_space<vmem>> -> memref<256xi32, #tpu.memory_space<vmem>>
        %dma_start3A_214 = arith.constant 0 : i32
        %dma_start3A_215 = arith.constant 0 : i32
        %dma_start3A_216 = tpu.memref_slice %arg14[%dma_start3A_214, %dma_start3A_215] : memref<50176x32xf32, #tpu.memory_space<vmem_shared>> -> memref<50176x32xf32, #tpu.memory_space<vmem_shared>>
        tpu.enqueue_indirect_dma source(%arg13 : memref<256x32xf32, #tpu.memory_space<vmem>>) target(%dma_start3A_216 : memref<50176x32xf32, #tpu.memory_space<vmem_shared>>) offsets(%dma_start3A_213 : memref<256xi32, #tpu.memory_space<vmem>>) semaphore(%arg20 : memref<!tpu.dma_semaphore, #tpu.memory_space<semaphore_mem>>) {add = true}
        %dma_wait3A_217 = arith.constant 0 : i32
        %dma_wait3A_218 = tpu.memref_slice %arg11[%dma_wait3A_217] : memref<1024xi32, #tpu.memory_space<vmem>> -> memref<256xi32, #tpu.memory_space<vmem>>
        %dma_wait3A_219 = arith.constant 0 : i32
        %dma_wait3A_220 = arith.constant 0 : i32
        %dma_wait3A_221 = tpu.memref_slice %arg14[%dma_wait3A_219, %dma_wait3A_220] : memref<50176x32xf32, #tpu.memory_space<vmem_shared>> -> memref<50176x32xf32, #tpu.memory_space<vmem_shared>>
        tpu.wait_indirect_dma semaphore(%arg19 : memref<!tpu.dma_semaphore, #tpu.memory_space<semaphore_mem>>) src(%arg12 : memref<256x32xf32, #tpu.memory_space<vmem>>) dst(%dma_wait3A_221 : memref<50176x32xf32, #tpu.memory_space<vmem_shared>>)
        %add3A_222 = arith.constant 1 : i32
        %add3A_223 = arith.addi %add3A_146, %add3A_222 : i32
        %lt3A_224 = arith.constant 50 : i32
        %lt3A_225 = arith.cmpi slt, %add3A_223, %lt3A_224 : i32
        %convert_element_type3A_226 = arith.extui %lt3A_225 : i1 to i32
        %cond3A_227 = arith.constant 0 : i32
        %cond3A_228 = arith.cmpi ne, %convert_element_type3A_226, %cond3A_227 : i32
        scf.if %cond3A_228 {
          %add3A_236 = arith.constant 1 : i32
          %add3A_237 = arith.addi %add3A_146, %add3A_236 : i32
          %mul3A_238 = arith.constant 1024 : i32
          %mul3A_239 = arith.muli %add3A_237, %mul3A_238 : i32
          %add3A_240 = arith.addi %mul3A_0, %mul3A_239 : i32
          %dma_wait3A_241 = tpu.memref_slice %arg4[%add3A_240] : memref<819200xi32, #tpu.memory_space<hbm>> -> memref<1024xi32, #tpu.memory_space<hbm>>
          %dma_wait3A_242 = tpu.memref_slice %arg4[%add3A_240] : memref<819200xi32, #tpu.memory_space<hbm>> -> memref<1024xi32, #tpu.memory_space<hbm>>
          tpu.wait_dma2 semaphore(%arg15 : memref<!tpu.dma_semaphore, #tpu.memory_space<semaphore_mem>>) src(%dma_wait3A_242 : memref<1024xi32, #tpu.memory_space<hbm>>) dst(%arg8 : memref<1024xi32, #tpu.memory_space<vmem>>)
          %mul3A_243 = arith.constant 1024 : i32
          %mul3A_244 = arith.muli %add3A_237, %mul3A_243 : i32
          %add3A_245 = arith.addi %mul3A_0, %mul3A_244 : i32
          %dma_wait3A_246 = tpu.memref_slice %arg5[%add3A_245] : memref<819200xi32, #tpu.memory_space<hbm>> -> memref<1024xi32, #tpu.memory_space<hbm>>
          %dma_wait3A_247 = tpu.memref_slice %arg5[%add3A_245] : memref<819200xi32, #tpu.memory_space<hbm>> -> memref<1024xi32, #tpu.memory_space<hbm>>
          tpu.wait_dma2 semaphore(%arg15 : memref<!tpu.dma_semaphore, #tpu.memory_space<semaphore_mem>>) src(%dma_wait3A_247 : memref<1024xi32, #tpu.memory_space<hbm>>) dst(%arg10 : memref<1024xi32, #tpu.memory_space<vmem>>)
          %dma_start3A_248 = arith.constant 0 : i32
          %dma_start3A_249 = tpu.memref_slice %arg8[%dma_start3A_248] : memref<1024xi32, #tpu.memory_space<vmem>> -> memref<256xi32, #tpu.memory_space<vmem>>
          %dma_start3A_250 = arith.constant 0 : i32
          %dma_start3A_251 = arith.constant 0 : i32
          %dma_start3A_252 = tpu.memref_slice %arg3[%dma_start3A_250, %dma_start3A_251] : memref<50176x32xf32, #tpu.memory_space<hbm>> -> memref<50176x32xf32, #tpu.memory_space<hbm>>
          tpu.enqueue_indirect_dma source(%dma_start3A_252 : memref<50176x32xf32, #tpu.memory_space<hbm>>) target(%arg12 : memref<256x32xf32, #tpu.memory_space<vmem>>) offsets(%dma_start3A_249 : memref<256xi32, #tpu.memory_space<vmem>>) semaphore(%arg17 : memref<!tpu.dma_semaphore, #tpu.memory_space<semaphore_mem>>)
        } else {
        }
        %add3A_229 = arith.constant 2 : i32
        %add3A_230 = arith.addi %add3A_146, %add3A_229 : i32
        %lt3A_231 = arith.constant 50 : i32
        %lt3A_232 = arith.cmpi slt, %add3A_230, %lt3A_231 : i32
        %convert_element_type3A_233 = arith.extui %lt3A_232 : i1 to i32
        %cond3A_234 = arith.constant 0 : i32
        %cond3A_235 = arith.cmpi ne, %convert_element_type3A_233, %cond3A_234 : i32
        scf.if %cond3A_235 {
          %add3A_236 = arith.constant 2 : i32
          %add3A_237 = arith.addi %add3A_146, %add3A_236 : i32
          %mul3A_238 = arith.constant 1024 : i32
          %mul3A_239 = arith.muli %add3A_237, %mul3A_238 : i32
          %add3A_240 = arith.addi %mul3A_0, %mul3A_239 : i32
          %dma_start3A_241 = tpu.memref_slice %arg4[%add3A_240] : memref<819200xi32, #tpu.memory_space<hbm>> -> memref<1024xi32, #tpu.memory_space<hbm>>
          %dma_start3A_242 = tpu.memref_slice %arg4[%add3A_240] : memref<819200xi32, #tpu.memory_space<hbm>> -> memref<1024xi32, #tpu.memory_space<hbm>>
          tpu.enqueue_dma source(%dma_start3A_242 : memref<1024xi32, #tpu.memory_space<hbm>>) target(%arg9 : memref<1024xi32, #tpu.memory_space<vmem>>) target_semaphore(%arg16 : memref<!tpu.dma_semaphore, #tpu.memory_space<semaphore_mem>>)
          %mul3A_243 = arith.constant 1024 : i32
          %mul3A_244 = arith.muli %add3A_237, %mul3A_243 : i32
          %add3A_245 = arith.addi %mul3A_0, %mul3A_244 : i32
          %dma_start3A_246 = tpu.memref_slice %arg5[%add3A_245] : memref<819200xi32, #tpu.memory_space<hbm>> -> memref<1024xi32, #tpu.memory_space<hbm>>
          %dma_start3A_247 = tpu.memref_slice %arg5[%add3A_245] : memref<819200xi32, #tpu.memory_space<hbm>> -> memref<1024xi32, #tpu.memory_space<hbm>>
          tpu.enqueue_dma source(%dma_start3A_247 : memref<1024xi32, #tpu.memory_space<hbm>>) target(%arg11 : memref<1024xi32, #tpu.memory_space<vmem>>) target_semaphore(%arg16 : memref<!tpu.dma_semaphore, #tpu.memory_space<semaphore_mem>>)
        } else {
        }
      }
      %scan3A_42 = arith.constant 25 : i32
      %dma_wait3A_43 = arith.constant 0 : i32
      %dma_wait3A_44 = tpu.memref_slice %arg11[%dma_wait3A_43] : memref<1024xi32, #tpu.memory_space<vmem>> -> memref<256xi32, #tpu.memory_space<vmem>>
      %dma_wait3A_45 = arith.constant 0 : i32
      %dma_wait3A_46 = arith.constant 0 : i32
      %dma_wait3A_47 = tpu.memref_slice %arg14[%dma_wait3A_45, %dma_wait3A_46] : memref<50176x32xf32, #tpu.memory_space<vmem_shared>> -> memref<50176x32xf32, #tpu.memory_space<vmem_shared>>
      tpu.wait_indirect_dma semaphore(%arg20 : memref<!tpu.dma_semaphore, #tpu.memory_space<semaphore_mem>>) src(%arg13 : memref<256x32xf32, #tpu.memory_space<vmem>>) dst(%dma_wait3A_47 : memref<50176x32xf32, #tpu.memory_space<vmem_shared>>)
      %barrier3A_48 = arith.constant 0 : index
      tpu.barrier barrier_id(%barrier3A_48)
      %mul3A_49 = arith.constant 3136 : i32
      %mul3A_50 = arith.muli %arg1, %mul3A_49 : i32
      %mul3A_51 = arith.constant 3136 : i32
      %mul3A_52 = arith.muli %arg1, %mul3A_51 : i32
      "tpu.region"() ({
        %run_scoped3A = tpu.sem_alloc : memref<!tpu.dma_semaphore, #tpu.memory_space<semaphore_mem>>
        %dma_start3A_53 = arith.constant 0 : i32
        %dma_start3A_54 = tpu.memref_slice %arg7[%mul3A_52, %dma_start3A_53] : memref<50176x32xf32, #tpu.memory_space<hbm>> -> memref<3136x32xf32, #tpu.memory_space<hbm>>
        %dma_start3A_55 = arith.constant 0 : i32
        %dma_start3A_56 = tpu.memref_slice %arg14[%mul3A_50, %dma_start3A_55] : memref<50176x32xf32, #tpu.memory_space<vmem_shared>> -> memref<3136x32xf32, #tpu.memory_space<vmem_shared>>
        tpu.enqueue_dma source(%dma_start3A_56 : memref<3136x32xf32, #tpu.memory_space<vmem_shared>>) target(%dma_start3A_54 : memref<3136x32xf32, #tpu.memory_space<hbm>>) target_semaphore(%run_scoped3A : memref<!tpu.dma_semaphore, #tpu.memory_space<semaphore_mem>>)
        %dma_wait3A_57 = arith.constant 0 : i32
        %dma_wait3A_58 = tpu.memref_slice %arg7[%mul3A_52, %dma_wait3A_57] : memref<50176x32xf32, #tpu.memory_space<hbm>> -> memref<3136x32xf32, #tpu.memory_space<hbm>>
        %dma_wait3A_59 = arith.constant 0 : i32
        %dma_wait3A_60 = tpu.memref_slice %arg14[%mul3A_50, %dma_wait3A_59] : memref<50176x32xf32, #tpu.memory_space<vmem_shared>> -> memref<3136x32xf32, #tpu.memory_space<vmem_shared>>
        tpu.wait_dma2 semaphore(%run_scoped3A : memref<!tpu.dma_semaphore, #tpu.memory_space<semaphore_mem>>) src(%dma_wait3A_60 : memref<3136x32xf32, #tpu.memory_space<vmem_shared>>) dst(%dma_wait3A_58 : memref<3136x32xf32, #tpu.memory_space<hbm>>)
        tpu.yield
      }) : () -> ()
    } else {
    }
    return
  }
}

#map = affine_map<(d0, d1) -> (0, 0)>
#map1 = affine_map<(d0, d1) -> (0)>
module attributes {stable_mosaic.version = 14 : i64} {
  func.func @_sc_scatter_body(%arg0: i32, %arg1: i32, %arg2: memref<50176x32xf32, #tpu.memory_space<hbm>>, %arg3: memref<50176x32xf32, #tpu.memory_space<hbm>>, %arg4: memref<819200xi32, #tpu.memory_space<hbm>>, %arg5: memref<819200xi32, #tpu.memory_space<hbm>>, %arg6: memref<50176x32xf32, #tpu.memory_space<hbm>>, %arg7: memref<50176x32xf32, #tpu.memory_space<hbm>>, %arg8: memref<1024xi32, #tpu.memory_space<vmem>>, %arg9: memref<1024xi32, #tpu.memory_space<vmem>>, %arg10: memref<1024xi32, #tpu.memory_space<vmem>>, %arg11: memref<1024xi32, #tpu.memory_space<vmem>>, %arg12: memref<256x32xf32, #tpu.memory_space<vmem>>, %arg13: memref<256x32xf32, #tpu.memory_space<vmem>>, %arg14: memref<50176x32xf32, #tpu.memory_space<vmem_shared>>, %arg15: memref<!tpu.dma_semaphore, #tpu.memory_space<semaphore_mem>>, %arg16: memref<!tpu.dma_semaphore, #tpu.memory_space<semaphore_mem>>, %arg17: memref<!tpu.dma_semaphore, #tpu.memory_space<semaphore_mem>>, %arg18: memref<!tpu.dma_semaphore, #tpu.memory_space<semaphore_mem>>, %arg19: memref<!tpu.dma_semaphore, #tpu.memory_space<semaphore_mem>>, %arg20: memref<!tpu.dma_semaphore, #tpu.memory_space<semaphore_mem>>) attributes {dimension_semantics = [#tpu.dimension_semantics<core_parallel>, #tpu.dimension_semantics<subcore_parallel>], iteration_bounds = array<i64: 2, 16>, scalar_prefetch = 0 : i64, scratch_operands = 13 : i64, tpu.core_type = #tpu.core_type<sc_vector_subcore>, window_params = [{transform_indices = #map}, {transform_indices = #map}, {transform_indices = #map1}, {transform_indices = #map1}, {transform_indices = #map}, {transform_indices = #map}]} {
    %mul3A = arith.constant 51200 : i32
    %mul3A_0 = arith.muli %arg1, %mul3A : i32
    %eq3A = arith.constant 0 : i32
    %eq3A_1 = arith.cmpi eq, %arg0, %eq3A : i32
    %convert_element_type3A = arith.extui %eq3A_1 : i1 to i32
    %cond3A = arith.constant 0 : i32
    %cond3A_2 = arith.cmpi ne, %convert_element_type3A, %cond3A : i32
    scf.if %cond3A_2 {
      %add3A = arith.constant 0 : i32
      %add3A_8 = arith.addi %mul3A_0, %add3A : i32
      %dma_start3A = tpu.memref_slice %arg4[%add3A_8] : memref<819200xi32, #tpu.memory_space<hbm>> -> memref<1024xi32, #tpu.memory_space<hbm>>
      %dma_start3A_9 = tpu.memref_slice %arg4[%add3A_8] : memref<819200xi32, #tpu.memory_space<hbm>> -> memref<1024xi32, #tpu.memory_space<hbm>>
      tpu.enqueue_dma source(%dma_start3A_9 : memref<1024xi32, #tpu.memory_space<hbm>>) target(%arg8 : memref<1024xi32, #tpu.memory_space<vmem>>) target_semaphore(%arg15 : memref<!tpu.dma_semaphore, #tpu.memory_space<semaphore_mem>>)
      %add3A_10 = arith.constant 0 : i32
      %add3A_11 = arith.addi %mul3A_0, %add3A_10 : i32
      %dma_start3A_12 = tpu.memref_slice %arg5[%add3A_11] : memref<819200xi32, #tpu.memory_space<hbm>> -> memref<1024xi32, #tpu.memory_space<hbm>>
      %dma_start3A_13 = tpu.memref_slice %arg5[%add3A_11] : memref<819200xi32, #tpu.memory_space<hbm>> -> memref<1024xi32, #tpu.memory_space<hbm>>
      tpu.enqueue_dma source(%dma_start3A_13 : memref<1024xi32, #tpu.memory_space<hbm>>) target(%arg10 : memref<1024xi32, #tpu.memory_space<vmem>>) target_semaphore(%arg15 : memref<!tpu.dma_semaphore, #tpu.memory_space<semaphore_mem>>)
      %add3A_14 = arith.constant 1024 : i32
      %add3A_15 = arith.addi %mul3A_0, %add3A_14 : i32
      %dma_start3A_16 = tpu.memref_slice %arg4[%add3A_15] : memref<819200xi32, #tpu.memory_space<hbm>> -> memref<1024xi32, #tpu.memory_space<hbm>>
      %dma_start3A_17 = tpu.memref_slice %arg4[%add3A_15] : memref<819200xi32, #tpu.memory_space<hbm>> -> memref<1024xi32, #tpu.memory_space<hbm>>
      tpu.enqueue_dma source(%dma_start3A_17 : memref<1024xi32, #tpu.memory_space<hbm>>) target(%arg9 : memref<1024xi32, #tpu.memory_space<vmem>>) target_semaphore(%arg16 : memref<!tpu.dma_semaphore, #tpu.memory_space<semaphore_mem>>)
      %add3A_18 = arith.constant 1024 : i32
      %add3A_19 = arith.addi %mul3A_0, %add3A_18 : i32
      %dma_start3A_20 = tpu.memref_slice %arg5[%add3A_19] : memref<819200xi32, #tpu.memory_space<hbm>> -> memref<1024xi32, #tpu.memory_space<hbm>>
      %dma_start3A_21 = tpu.memref_slice %arg5[%add3A_19] : memref<819200xi32, #tpu.memory_space<hbm>> -> memref<1024xi32, #tpu.memory_space<hbm>>
      tpu.enqueue_dma source(%dma_start3A_21 : memref<1024xi32, #tpu.memory_space<hbm>>) target(%arg11 : memref<1024xi32, #tpu.memory_space<vmem>>) target_semaphore(%arg16 : memref<!tpu.dma_semaphore, #tpu.memory_space<semaphore_mem>>)
      %mul3A_22 = arith.constant 3136 : i32
      %mul3A_23 = arith.muli %arg1, %mul3A_22 : i32
      %mul3A_24 = arith.constant 3136 : i32
      %mul3A_25 = arith.muli %arg1, %mul3A_24 : i32
      "tpu.region"() ({
        %run_scoped3A = tpu.sem_alloc : memref<!tpu.dma_semaphore, #tpu.memory_space<semaphore_mem>>
        %dma_start3A_53 = arith.constant 0 : i32
        %dma_start3A_54 = tpu.memref_slice %arg14[%mul3A_25, %dma_start3A_53] : memref<50176x32xf32, #tpu.memory_space<vmem_shared>> -> memref<3136x32xf32, #tpu.memory_space<vmem_shared>>
        %dma_start3A_55 = arith.constant 0 : i32
        %dma_start3A_56 = tpu.memref_slice %arg2[%mul3A_23, %dma_start3A_55] : memref<50176x32xf32, #tpu.memory_space<hbm>> -> memref<3136x32xf32, #tpu.memory_space<hbm>>
        tpu.enqueue_dma source(%dma_start3A_56 : memref<3136x32xf32, #tpu.memory_space<hbm>>) target(%dma_start3A_54 : memref<3136x32xf32, #tpu.memory_space<vmem_shared>>) target_semaphore(%run_scoped3A : memref<!tpu.dma_semaphore, #tpu.memory_space<semaphore_mem>>)
        %dma_wait3A_57 = arith.constant 0 : i32
        %dma_wait3A_58 = tpu.memref_slice %arg14[%mul3A_25, %dma_wait3A_57] : memref<50176x32xf32, #tpu.memory_space<vmem_shared>> -> memref<3136x32xf32, #tpu.memory_space<vmem_shared>>
        %dma_wait3A_59 = arith.constant 0 : i32
        %dma_wait3A_60 = tpu.memref_slice %arg2[%mul3A_23, %dma_wait3A_59] : memref<50176x32xf32, #tpu.memory_space<hbm>> -> memref<3136x32xf32, #tpu.memory_space<hbm>>
        tpu.wait_dma2 semaphore(%run_scoped3A : memref<!tpu.dma_semaphore, #tpu.memory_space<semaphore_mem>>) src(%dma_wait3A_60 : memref<3136x32xf32, #tpu.memory_space<hbm>>) dst(%dma_wait3A_58 : memref<3136x32xf32, #tpu.memory_space<vmem_shared>>)
        tpu.yield
      }) : () -> ()
      %add3A_26 = arith.constant 0 : i32
      %add3A_27 = arith.addi %mul3A_0, %add3A_26 : i32
      %dma_wait3A = tpu.memref_slice %arg4[%add3A_27] : memref<819200xi32, #tpu.memory_space<hbm>> -> memref<1024xi32, #tpu.memory_space<hbm>>
      %dma_wait3A_28 = tpu.memref_slice %arg4[%add3A_27] : memref<819200xi32, #tpu.memory_space<hbm>> -> memref<1024xi32, #tpu.memory_space<hbm>>
      tpu.wait_dma2 semaphore(%arg15 : memref<!tpu.dma_semaphore, #tpu.memory_space<semaphore_mem>>) src(%dma_wait3A_28 : memref<1024xi32, #tpu.memory_space<hbm>>) dst(%arg8 : memref<1024xi32, #tpu.memory_space<vmem>>)
      %add3A_29 = arith.constant 0 : i32
      %add3A_30 = arith.addi %mul3A_0, %add3A_29 : i32
      %dma_wait3A_31 = tpu.memref_slice %arg5[%add3A_30] : memref<819200xi32, #tpu.memory_space<hbm>> -> memref<1024xi32, #tpu.memory_space<hbm>>
      %dma_wait3A_32 = tpu.memref_slice %arg5[%add3A_30] : memref<819200xi32, #tpu.memory_space<hbm>> -> memref<1024xi32, #tpu.memory_space<hbm>>
      tpu.wait_dma2 semaphore(%arg15 : memref<!tpu.dma_semaphore, #tpu.memory_space<semaphore_mem>>) src(%dma_wait3A_32 : memref<1024xi32, #tpu.memory_space<hbm>>) dst(%arg10 : memref<1024xi32, #tpu.memory_space<vmem>>)
      %barrier3A = arith.constant 0 : index
      tpu.barrier barrier_id(%barrier3A)
      %dma_start3A_33 = arith.constant 0 : i32
      %dma_start3A_34 = tpu.memref_slice %arg8[%dma_start3A_33] : memref<1024xi32, #tpu.memory_space<vmem>> -> memref<256xi32, #tpu.memory_space<vmem>>
      %dma_start3A_35 = arith.constant 0 : i32
      %dma_start3A_36 = arith.constant 0 : i32
      %dma_start3A_37 = tpu.memref_slice %arg2[%dma_start3A_35, %dma_start3A_36] : memref<50176x32xf32, #tpu.memory_space<hbm>> -> memref<50176x32xf32, #tpu.memory_space<hbm>>
      tpu.enqueue_indirect_dma source(%dma_start3A_37 : memref<50176x32xf32, #tpu.memory_space<hbm>>) target(%arg12 : memref<256x32xf32, #tpu.memory_space<vmem>>) offsets(%dma_start3A_34 : memref<256xi32, #tpu.memory_space<vmem>>) semaphore(%arg17 : memref<!tpu.dma_semaphore, #tpu.memory_space<semaphore_mem>>)
      %scan3A = arith.constant 0 : i32
      %scan3A_38 = arith.constant 0 : i32
      %scan3A_39 = arith.constant 25 : i32
      %scan3A_40 = arith.addi %scan3A_38, %scan3A_39 : i32
      %scan3A_41 = arith.constant 1 : i32
      scf.for %scan3A_53 = %scan3A_38 to %scan3A_40 step %scan3A_41  : i32 {
        %mul3A_54 = arith.constant 2 : i32
        %mul3A_55 = arith.muli %mul3A_54, %scan3A_53 : i32
        %dma_wait3A_56 = arith.constant 0 : i32
        %dma_wait3A_57 = tpu.memref_slice %arg8[%dma_wait3A_56] : memref<1024xi32, #tpu.memory_space<vmem>> -> memref<256xi32, #tpu.memory_space<vmem>>
        %dma_wait3A_58 = arith.constant 0 : i32
        %dma_wait3A_59 = arith.constant 0 : i32
        %dma_wait3A_60 = tpu.memref_slice %arg2[%dma_wait3A_58, %dma_wait3A_59] : memref<50176x32xf32, #tpu.memory_space<hbm>> -> memref<50176x32xf32, #tpu.memory_space<hbm>>
        tpu.wait_indirect_dma semaphore(%arg17 : memref<!tpu.dma_semaphore, #tpu.memory_space<semaphore_mem>>) src(%dma_wait3A_60 : memref<50176x32xf32, #tpu.memory_space<hbm>>) dst(%arg12 : memref<256x32xf32, #tpu.memory_space<vmem>>)
        %dma_start3A_61 = arith.constant 0 : i32
        %dma_start3A_62 = tpu.memref_slice %arg10[%dma_start3A_61] : memref<1024xi32, #tpu.memory_space<vmem>> -> memref<256xi32, #tpu.memory_space<vmem>>
        %dma_start3A_63 = arith.constant 0 : i32
        %dma_start3A_64 = arith.constant 0 : i32
        %dma_start3A_65 = tpu.memref_slice %arg14[%dma_start3A_63, %dma_start3A_64] : memref<50176x32xf32, #tpu.memory_space<vmem_shared>> -> memref<50176x32xf32, #tpu.memory_space<vmem_shared>>
        tpu.enqueue_indirect_dma source(%arg12 : memref<256x32xf32, #tpu.memory_space<vmem>>) target(%dma_start3A_65 : memref<50176x32xf32, #tpu.memory_space<vmem_shared>>) offsets(%dma_start3A_62 : memref<256xi32, #tpu.memory_space<vmem>>) semaphore(%arg19 : memref<!tpu.dma_semaphore, #tpu.memory_space<semaphore_mem>>) {add = true}
        %gt3A = arith.constant 0 : i32
        %gt3A_66 = arith.cmpi sgt, %mul3A_55, %gt3A : i32
        %convert_element_type3A_67 = arith.extui %gt3A_66 : i1 to i32
        %cond3A_68 = arith.constant 0 : i32
        %cond3A_69 = arith.cmpi ne, %convert_element_type3A_67, %cond3A_68 : i32
        scf.if %cond3A_69 {
          %dma_wait3A_236 = arith.constant 0 : i32
          %dma_wait3A_237 = tpu.memref_slice %arg10[%dma_wait3A_236] : memref<1024xi32, #tpu.memory_space<vmem>> -> memref<256xi32, #tpu.memory_space<vmem>>
          %dma_wait3A_238 = arith.constant 0 : i32
          %dma_wait3A_239 = arith.constant 0 : i32
          %dma_wait3A_240 = tpu.memref_slice %arg14[%dma_wait3A_238, %dma_wait3A_239] : memref<50176x32xf32, #tpu.memory_space<vmem_shared>> -> memref<50176x32xf32, #tpu.memory_space<vmem_shared>>
          tpu.wait_indirect_dma semaphore(%arg20 : memref<!tpu.dma_semaphore, #tpu.memory_space<semaphore_mem>>) src(%arg13 : memref<256x32xf32, #tpu.memory_space<vmem>>) dst(%dma_wait3A_240 : memref<50176x32xf32, #tpu.memory_space<vmem_shared>>)
        } else {
        }
        %dma_start3A_70 = arith.constant 256 : i32
        %dma_start3A_71 = tpu.memref_slice %arg8[%dma_start3A_70] : memref<1024xi32, #tpu.memory_space<vmem>> -> memref<256xi32, #tpu.memory_space<vmem>>
        %dma_start3A_72 = arith.constant 0 : i32
        %dma_start3A_73 = arith.constant 0 : i32
        %dma_start3A_74 = tpu.memref_slice %arg2[%dma_start3A_72, %dma_start3A_73] : memref<50176x32xf32, #tpu.memory_space<hbm>> -> memref<50176x32xf32, #tpu.memory_space<hbm>>
        tpu.enqueue_indirect_dma source(%dma_start3A_74 : memref<50176x32xf32, #tpu.memory_space<hbm>>) target(%arg13 : memref<256x32xf32, #tpu.memory_space<vmem>>) offsets(%dma_start3A_71 : memref<256xi32, #tpu.memory_space<vmem>>) semaphore(%arg18 : memref<!tpu.dma_semaphore, #tpu.memory_space<semaphore_mem>>)
        %dma_wait3A_75 = arith.constant 256 : i32
        %dma_wait3A_76 = tpu.memref_slice %arg8[%dma_wait3A_75] : memref<1024xi32, #tpu.memory_space<vmem>> -> memref<256xi32, #tpu.memory_space<vmem>>
        %dma_wait3A_77 = arith.constant 0 : i32
        %dma_wait3A_78 = arith.constant 0 : i32
        %dma_wait3A_79 = tpu.memref_slice %arg2[%dma_wait3A_77, %dma_wait3A_78] : memref<50176x32xf32, #tpu.memory_space<hbm>> -> memref<50176x32xf32, #tpu.memory_space<hbm>>
        tpu.wait_indirect_dma semaphore(%arg18 : memref<!tpu.dma_semaphore, #tpu.memory_space<semaphore_mem>>) src(%dma_wait3A_79 : memref<50176x32xf32, #tpu.memory_space<hbm>>) dst(%arg13 : memref<256x32xf32, #tpu.memory_space<vmem>>)
        %dma_start3A_80 = arith.constant 256 : i32
        %dma_start3A_81 = tpu.memref_slice %arg10[%dma_start3A_80] : memref<1024xi32, #tpu.memory_space<vmem>> -> memref<256xi32, #tpu.memory_space<vmem>>
        %dma_start3A_82 = arith.constant 0 : i32
        %dma_start3A_83 = arith.constant 0 : i32
        %dma_start3A_84 = tpu.memref_slice %arg14[%dma_start3A_82, %dma_start3A_83] : memref<50176x32xf32, #tpu.memory_space<vmem_shared>> -> memref<50176x32xf32, #tpu.memory_space<vmem_shared>>
        tpu.enqueue_indirect_dma source(%arg13 : memref<256x32xf32, #tpu.memory_space<vmem>>) target(%dma_start3A_84 : memref<50176x32xf32, #tpu.memory_space<vmem_shared>>) offsets(%dma_start3A_81 : memref<256xi32, #tpu.memory_space<vmem>>) semaphore(%arg20 : memref<!tpu.dma_semaphore, #tpu.memory_space<semaphore_mem>>) {add = true}
        %dma_wait3A_85 = arith.constant 0 : i32
        %dma_wait3A_86 = tpu.memref_slice %arg10[%dma_wait3A_85] : memref<1024xi32, #tpu.memory_space<vmem>> -> memref<256xi32, #tpu.memory_space<vmem>>
        %dma_wait3A_87 = arith.constant 0 : i32
        %dma_wait3A_88 = arith.constant 0 : i32
        %dma_wait3A_89 = tpu.memref_slice %arg14[%dma_wait3A_87, %dma_wait3A_88] : memref<50176x32xf32, #tpu.memory_space<vmem_shared>> -> memref<50176x32xf32, #tpu.memory_space<vmem_shared>>
        tpu.wait_indirect_dma semaphore(%arg19 : memref<!tpu.dma_semaphore, #tpu.memory_space<semaphore_mem>>) src(%arg12 : memref<256x32xf32, #tpu.memory_space<vmem>>) dst(%dma_wait3A_89 : memref<50176x32xf32, #tpu.memory_space<vmem_shared>>)
        %dma_start3A_90 = arith.constant 512 : i32
        %dma_start3A_91 = tpu.memref_slice %arg8[%dma_start3A_90] : memref<1024xi32, #tpu.memory_space<vmem>> -> memref<256xi32, #tpu.memory_space<vmem>>
        %dma_start3A_92 = arith.constant 0 : i32
        %dma_start3A_93 = arith.constant 0 : i32
        %dma_start3A_94 = tpu.memref_slice %arg2[%dma_start3A_92, %dma_start3A_93] : memref<50176x32xf32, #tpu.memory_space<hbm>> -> memref<50176x32xf32, #tpu.memory_space<hbm>>
        tpu.enqueue_indirect_dma source(%dma_start3A_94 : memref<50176x32xf32, #tpu.memory_space<hbm>>) target(%arg12 : memref<256x32xf32, #tpu.memory_space<vmem>>) offsets(%dma_start3A_91 : memref<256xi32, #tpu.memory_space<vmem>>) semaphore(%arg17 : memref<!tpu.dma_semaphore, #tpu.memory_space<semaphore_mem>>)
        %dma_wait3A_95 = arith.constant 512 : i32
        %dma_wait3A_96 = tpu.memref_slice %arg8[%dma_wait3A_95] : memref<1024xi32, #tpu.memory_space<vmem>> -> memref<256xi32, #tpu.memory_space<vmem>>
        %dma_wait3A_97 = arith.constant 0 : i32
        %dma_wait3A_98 = arith.constant 0 : i32
        %dma_wait3A_99 = tpu.memref_slice %arg2[%dma_wait3A_97, %dma_wait3A_98] : memref<50176x32xf32, #tpu.memory_space<hbm>> -> memref<50176x32xf32, #tpu.memory_space<hbm>>
        tpu.wait_indirect_dma semaphore(%arg17 : memref<!tpu.dma_semaphore, #tpu.memory_space<semaphore_mem>>) src(%dma_wait3A_99 : memref<50176x32xf32, #tpu.memory_space<hbm>>) dst(%arg12 : memref<256x32xf32, #tpu.memory_space<vmem>>)
        %dma_start3A_100 = arith.constant 512 : i32
        %dma_start3A_101 = tpu.memref_slice %arg10[%dma_start3A_100] : memref<1024xi32, #tpu.memory_space<vmem>> -> memref<256xi32, #tpu.memory_space<vmem>>
        %dma_start3A_102 = arith.constant 0 : i32
        %dma_start3A_103 = arith.constant 0 : i32
        %dma_start3A_104 = tpu.memref_slice %arg14[%dma_start3A_102, %dma_start3A_103] : memref<50176x32xf32, #tpu.memory_space<vmem_shared>> -> memref<50176x32xf32, #tpu.memory_space<vmem_shared>>
        tpu.enqueue_indirect_dma source(%arg12 : memref<256x32xf32, #tpu.memory_space<vmem>>) target(%dma_start3A_104 : memref<50176x32xf32, #tpu.memory_space<vmem_shared>>) offsets(%dma_start3A_101 : memref<256xi32, #tpu.memory_space<vmem>>) semaphore(%arg19 : memref<!tpu.dma_semaphore, #tpu.memory_space<semaphore_mem>>) {add = true}
        %dma_wait3A_105 = arith.constant 0 : i32
        %dma_wait3A_106 = tpu.memref_slice %arg10[%dma_wait3A_105] : memref<1024xi32, #tpu.memory_space<vmem>> -> memref<256xi32, #tpu.memory_space<vmem>>
        %dma_wait3A_107 = arith.constant 0 : i32
        %dma_wait3A_108 = arith.constant 0 : i32
        %dma_wait3A_109 = tpu.memref_slice %arg14[%dma_wait3A_107, %dma_wait3A_108] : memref<50176x32xf32, #tpu.memory_space<vmem_shared>> -> memref<50176x32xf32, #tpu.memory_space<vmem_shared>>
        tpu.wait_indirect_dma semaphore(%arg20 : memref<!tpu.dma_semaphore, #tpu.memory_space<semaphore_mem>>) src(%arg13 : memref<256x32xf32, #tpu.memory_space<vmem>>) dst(%dma_wait3A_109 : memref<50176x32xf32, #tpu.memory_space<vmem_shared>>)
        %dma_start3A_110 = arith.constant 768 : i32
        %dma_start3A_111 = tpu.memref_slice %arg8[%dma_start3A_110] : memref<1024xi32, #tpu.memory_space<vmem>> -> memref<256xi32, #tpu.memory_space<vmem>>
        %dma_start3A_112 = arith.constant 0 : i32
        %dma_start3A_113 = arith.constant 0 : i32
        %dma_start3A_114 = tpu.memref_slice %arg2[%dma_start3A_112, %dma_start3A_113] : memref<50176x32xf32, #tpu.memory_space<hbm>> -> memref<50176x32xf32, #tpu.memory_space<hbm>>
        tpu.enqueue_indirect_dma source(%dma_start3A_114 : memref<50176x32xf32, #tpu.memory_space<hbm>>) target(%arg13 : memref<256x32xf32, #tpu.memory_space<vmem>>) offsets(%dma_start3A_111 : memref<256xi32, #tpu.memory_space<vmem>>) semaphore(%arg18 : memref<!tpu.dma_semaphore, #tpu.memory_space<semaphore_mem>>)
        %dma_wait3A_115 = arith.constant 768 : i32
        %dma_wait3A_116 = tpu.memref_slice %arg8[%dma_wait3A_115] : memref<1024xi32, #tpu.memory_space<vmem>> -> memref<256xi32, #tpu.memory_space<vmem>>
        %dma_wait3A_117 = arith.constant 0 : i32
        %dma_wait3A_118 = arith.constant 0 : i32
        %dma_wait3A_119 = tpu.memref_slice %arg2[%dma_wait3A_117, %dma_wait3A_118] : memref<50176x32xf32, #tpu.memory_space<hbm>> -> memref<50176x32xf32, #tpu.memory_space<hbm>>
        tpu.wait_indirect_dma semaphore(%arg18 : memref<!tpu.dma_semaphore, #tpu.memory_space<semaphore_mem>>) src(%dma_wait3A_119 : memref<50176x32xf32, #tpu.memory_space<hbm>>) dst(%arg13 : memref<256x32xf32, #tpu.memory_space<vmem>>)
        %dma_start3A_120 = arith.constant 768 : i32
        %dma_start3A_121 = tpu.memref_slice %arg10[%dma_start3A_120] : memref<1024xi32, #tpu.memory_space<vmem>> -> memref<256xi32, #tpu.memory_space<vmem>>
        %dma_start3A_122 = arith.constant 0 : i32
        %dma_start3A_123 = arith.constant 0 : i32
        %dma_start3A_124 = tpu.memref_slice %arg14[%dma_start3A_122, %dma_start3A_123] : memref<50176x32xf32, #tpu.memory_space<vmem_shared>> -> memref<50176x32xf32, #tpu.memory_space<vmem_shared>>
        tpu.enqueue_indirect_dma source(%arg13 : memref<256x32xf32, #tpu.memory_space<vmem>>) target(%dma_start3A_124 : memref<50176x32xf32, #tpu.memory_space<vmem_shared>>) offsets(%dma_start3A_121 : memref<256xi32, #tpu.memory_space<vmem>>) semaphore(%arg20 : memref<!tpu.dma_semaphore, #tpu.memory_space<semaphore_mem>>) {add = true}
        %dma_wait3A_125 = arith.constant 0 : i32
        %dma_wait3A_126 = tpu.memref_slice %arg10[%dma_wait3A_125] : memref<1024xi32, #tpu.memory_space<vmem>> -> memref<256xi32, #tpu.memory_space<vmem>>
        %dma_wait3A_127 = arith.constant 0 : i32
        %dma_wait3A_128 = arith.constant 0 : i32
        %dma_wait3A_129 = tpu.memref_slice %arg14[%dma_wait3A_127, %dma_wait3A_128] : memref<50176x32xf32, #tpu.memory_space<vmem_shared>> -> memref<50176x32xf32, #tpu.memory_space<vmem_shared>>
        tpu.wait_indirect_dma semaphore(%arg19 : memref<!tpu.dma_semaphore, #tpu.memory_space<semaphore_mem>>) src(%arg12 : memref<256x32xf32, #tpu.memory_space<vmem>>) dst(%dma_wait3A_129 : memref<50176x32xf32, #tpu.memory_space<vmem_shared>>)
        %add3A_130 = arith.constant 1 : i32
        %add3A_131 = arith.addi %mul3A_55, %add3A_130 : i32
        %lt3A = arith.constant 50 : i32
        %lt3A_132 = arith.cmpi slt, %add3A_131, %lt3A : i32
        %convert_element_type3A_133 = arith.extui %lt3A_132 : i1 to i32
        %cond3A_134 = arith.constant 0 : i32
        %cond3A_135 = arith.cmpi ne, %convert_element_type3A_133, %cond3A_134 : i32
        scf.if %cond3A_135 {
          %add3A_236 = arith.constant 1 : i32
          %add3A_237 = arith.addi %mul3A_55, %add3A_236 : i32
          %mul3A_238 = arith.constant 1024 : i32
          %mul3A_239 = arith.muli %add3A_237, %mul3A_238 : i32
          %add3A_240 = arith.addi %mul3A_0, %mul3A_239 : i32
          %dma_wait3A_241 = tpu.memref_slice %arg4[%add3A_240] : memref<819200xi32, #tpu.memory_space<hbm>> -> memref<1024xi32, #tpu.memory_space<hbm>>
          %dma_wait3A_242 = tpu.memref_slice %arg4[%add3A_240] : memref<819200xi32, #tpu.memory_space<hbm>> -> memref<1024xi32, #tpu.memory_space<hbm>>
          tpu.wait_dma2 semaphore(%arg16 : memref<!tpu.dma_semaphore, #tpu.memory_space<semaphore_mem>>) src(%dma_wait3A_242 : memref<1024xi32, #tpu.memory_space<hbm>>) dst(%arg9 : memref<1024xi32, #tpu.memory_space<vmem>>)
          %mul3A_243 = arith.constant 1024 : i32
          %mul3A_244 = arith.muli %add3A_237, %mul3A_243 : i32
          %add3A_245 = arith.addi %mul3A_0, %mul3A_244 : i32
          %dma_wait3A_246 = tpu.memref_slice %arg5[%add3A_245] : memref<819200xi32, #tpu.memory_space<hbm>> -> memref<1024xi32, #tpu.memory_space<hbm>>
          %dma_wait3A_247 = tpu.memref_slice %arg5[%add3A_245] : memref<819200xi32, #tpu.memory_space<hbm>> -> memref<1024xi32, #tpu.memory_space<hbm>>
          tpu.wait_dma2 semaphore(%arg16 : memref<!tpu.dma_semaphore, #tpu.memory_space<semaphore_mem>>) src(%dma_wait3A_247 : memref<1024xi32, #tpu.memory_space<hbm>>) dst(%arg11 : memref<1024xi32, #tpu.memory_space<vmem>>)
          %dma_start3A_248 = arith.constant 0 : i32
          %dma_start3A_249 = tpu.memref_slice %arg9[%dma_start3A_248] : memref<1024xi32, #tpu.memory_space<vmem>> -> memref<256xi32, #tpu.memory_space<vmem>>
          %dma_start3A_250 = arith.constant 0 : i32
          %dma_start3A_251 = arith.constant 0 : i32
          %dma_start3A_252 = tpu.memref_slice %arg2[%dma_start3A_250, %dma_start3A_251] : memref<50176x32xf32, #tpu.memory_space<hbm>> -> memref<50176x32xf32, #tpu.memory_space<hbm>>
          tpu.enqueue_indirect_dma source(%dma_start3A_252 : memref<50176x32xf32, #tpu.memory_space<hbm>>) target(%arg12 : memref<256x32xf32, #tpu.memory_space<vmem>>) offsets(%dma_start3A_249 : memref<256xi32, #tpu.memory_space<vmem>>) semaphore(%arg17 : memref<!tpu.dma_semaphore, #tpu.memory_space<semaphore_mem>>)
        } else {
        }
        %add3A_136 = arith.constant 2 : i32
        %add3A_137 = arith.addi %mul3A_55, %add3A_136 : i32
        %lt3A_138 = arith.constant 50 : i32
        %lt3A_139 = arith.cmpi slt, %add3A_137, %lt3A_138 : i32
        %convert_element_type3A_140 = arith.extui %lt3A_139 : i1 to i32
        %cond3A_141 = arith.constant 0 : i32
        %cond3A_142 = arith.cmpi ne, %convert_element_type3A_140, %cond3A_141 : i32
        scf.if %cond3A_142 {
          %add3A_236 = arith.constant 2 : i32
          %add3A_237 = arith.addi %mul3A_55, %add3A_236 : i32
          %mul3A_238 = arith.constant 1024 : i32
          %mul3A_239 = arith.muli %add3A_237, %mul3A_238 : i32
          %add3A_240 = arith.addi %mul3A_0, %mul3A_239 : i32
          %dma_start3A_241 = tpu.memref_slice %arg4[%add3A_240] : memref<819200xi32, #tpu.memory_space<hbm>> -> memref<1024xi32, #tpu.memory_space<hbm>>
          %dma_start3A_242 = tpu.memref_slice %arg4[%add3A_240] : memref<819200xi32, #tpu.memory_space<hbm>> -> memref<1024xi32, #tpu.memory_space<hbm>>
          tpu.enqueue_dma source(%dma_start3A_242 : memref<1024xi32, #tpu.memory_space<hbm>>) target(%arg8 : memref<1024xi32, #tpu.memory_space<vmem>>) target_semaphore(%arg15 : memref<!tpu.dma_semaphore, #tpu.memory_space<semaphore_mem>>)
          %mul3A_243 = arith.constant 1024 : i32
          %mul3A_244 = arith.muli %add3A_237, %mul3A_243 : i32
          %add3A_245 = arith.addi %mul3A_0, %mul3A_244 : i32
          %dma_start3A_246 = tpu.memref_slice %arg5[%add3A_245] : memref<819200xi32, #tpu.memory_space<hbm>> -> memref<1024xi32, #tpu.memory_space<hbm>>
          %dma_start3A_247 = tpu.memref_slice %arg5[%add3A_245] : memref<819200xi32, #tpu.memory_space<hbm>> -> memref<1024xi32, #tpu.memory_space<hbm>>
          tpu.enqueue_dma source(%dma_start3A_247 : memref<1024xi32, #tpu.memory_space<hbm>>) target(%arg10 : memref<1024xi32, #tpu.memory_space<vmem>>) target_semaphore(%arg15 : memref<!tpu.dma_semaphore, #tpu.memory_space<semaphore_mem>>)
        } else {
        }
        %mul3A_143 = arith.constant 2 : i32
        %mul3A_144 = arith.muli %mul3A_143, %scan3A_53 : i32
        %add3A_145 = arith.constant 1 : i32
        %add3A_146 = arith.addi %mul3A_144, %add3A_145 : i32
        %dma_wait3A_147 = arith.constant 0 : i32
        %dma_wait3A_148 = tpu.memref_slice %arg9[%dma_wait3A_147] : memref<1024xi32, #tpu.memory_space<vmem>> -> memref<256xi32, #tpu.memory_space<vmem>>
        %dma_wait3A_149 = arith.constant 0 : i32
        %dma_wait3A_150 = arith.constant 0 : i32
        %dma_wait3A_151 = tpu.memref_slice %arg2[%dma_wait3A_149, %dma_wait3A_150] : memref<50176x32xf32, #tpu.memory_space<hbm>> -> memref<50176x32xf32, #tpu.memory_space<hbm>>
        tpu.wait_indirect_dma semaphore(%arg17 : memref<!tpu.dma_semaphore, #tpu.memory_space<semaphore_mem>>) src(%dma_wait3A_151 : memref<50176x32xf32, #tpu.memory_space<hbm>>) dst(%arg12 : memref<256x32xf32, #tpu.memory_space<vmem>>)
        %dma_start3A_152 = arith.constant 0 : i32
        %dma_start3A_153 = tpu.memref_slice %arg11[%dma_start3A_152] : memref<1024xi32, #tpu.memory_space<vmem>> -> memref<256xi32, #tpu.memory_space<vmem>>
        %dma_start3A_154 = arith.constant 0 : i32
        %dma_start3A_155 = arith.constant 0 : i32
        %dma_start3A_156 = tpu.memref_slice %arg14[%dma_start3A_154, %dma_start3A_155] : memref<50176x32xf32, #tpu.memory_space<vmem_shared>> -> memref<50176x32xf32, #tpu.memory_space<vmem_shared>>
        tpu.enqueue_indirect_dma source(%arg12 : memref<256x32xf32, #tpu.memory_space<vmem>>) target(%dma_start3A_156 : memref<50176x32xf32, #tpu.memory_space<vmem_shared>>) offsets(%dma_start3A_153 : memref<256xi32, #tpu.memory_space<vmem>>) semaphore(%arg19 : memref<!tpu.dma_semaphore, #tpu.memory_space<semaphore_mem>>) {add = true}
        %dma_wait3A_157 = arith.constant 0 : i32
        %dma_wait3A_158 = tpu.memref_slice %arg11[%dma_wait3A_157] : memref<1024xi32, #tpu.memory_space<vmem>> -> memref<256xi32, #tpu.memory_space<vmem>>
        %dma_wait3A_159 = arith.constant 0 : i32
        %dma_wait3A_160 = arith.constant 0 : i32
        %dma_wait3A_161 = tpu.memref_slice %arg14[%dma_wait3A_159, %dma_wait3A_160] : memref<50176x32xf32, #tpu.memory_space<vmem_shared>> -> memref<50176x32xf32, #tpu.memory_space<vmem_shared>>
        tpu.wait_indirect_dma semaphore(%arg20 : memref<!tpu.dma_semaphore, #tpu.memory_space<semaphore_mem>>) src(%arg13 : memref<256x32xf32, #tpu.memory_space<vmem>>) dst(%dma_wait3A_161 : memref<50176x32xf32, #tpu.memory_space<vmem_shared>>)
        %dma_start3A_162 = arith.constant 256 : i32
        %dma_start3A_163 = tpu.memref_slice %arg9[%dma_start3A_162] : memref<1024xi32, #tpu.memory_space<vmem>> -> memref<256xi32, #tpu.memory_space<vmem>>
        %dma_start3A_164 = arith.constant 0 : i32
        %dma_start3A_165 = arith.constant 0 : i32
        %dma_start3A_166 = tpu.memref_slice %arg2[%dma_start3A_164, %dma_start3A_165] : memref<50176x32xf32, #tpu.memory_space<hbm>> -> memref<50176x32xf32, #tpu.memory_space<hbm>>
        tpu.enqueue_indirect_dma source(%dma_start3A_166 : memref<50176x32xf32, #tpu.memory_space<hbm>>) target(%arg13 : memref<256x32xf32, #tpu.memory_space<vmem>>) offsets(%dma_start3A_163 : memref<256xi32, #tpu.memory_space<vmem>>) semaphore(%arg18 : memref<!tpu.dma_semaphore, #tpu.memory_space<semaphore_mem>>)
        %dma_wait3A_167 = arith.constant 256 : i32
        %dma_wait3A_168 = tpu.memref_slice %arg9[%dma_wait3A_167] : memref<1024xi32, #tpu.memory_space<vmem>> -> memref<256xi32, #tpu.memory_space<vmem>>
        %dma_wait3A_169 = arith.constant 0 : i32
        %dma_wait3A_170 = arith.constant 0 : i32
        %dma_wait3A_171 = tpu.memref_slice %arg2[%dma_wait3A_169, %dma_wait3A_170] : memref<50176x32xf32, #tpu.memory_space<hbm>> -> memref<50176x32xf32, #tpu.memory_space<hbm>>
        tpu.wait_indirect_dma semaphore(%arg18 : memref<!tpu.dma_semaphore, #tpu.memory_space<semaphore_mem>>) src(%dma_wait3A_171 : memref<50176x32xf32, #tpu.memory_space<hbm>>) dst(%arg13 : memref<256x32xf32, #tpu.memory_space<vmem>>)
        %dma_start3A_172 = arith.constant 256 : i32
        %dma_start3A_173 = tpu.memref_slice %arg11[%dma_start3A_172] : memref<1024xi32, #tpu.memory_space<vmem>> -> memref<256xi32, #tpu.memory_space<vmem>>
        %dma_start3A_174 = arith.constant 0 : i32
        %dma_start3A_175 = arith.constant 0 : i32
        %dma_start3A_176 = tpu.memref_slice %arg14[%dma_start3A_174, %dma_start3A_175] : memref<50176x32xf32, #tpu.memory_space<vmem_shared>> -> memref<50176x32xf32, #tpu.memory_space<vmem_shared>>
        tpu.enqueue_indirect_dma source(%arg13 : memref<256x32xf32, #tpu.memory_space<vmem>>) target(%dma_start3A_176 : memref<50176x32xf32, #tpu.memory_space<vmem_shared>>) offsets(%dma_start3A_173 : memref<256xi32, #tpu.memory_space<vmem>>) semaphore(%arg20 : memref<!tpu.dma_semaphore, #tpu.memory_space<semaphore_mem>>) {add = true}
        %dma_wait3A_177 = arith.constant 0 : i32
        %dma_wait3A_178 = tpu.memref_slice %arg11[%dma_wait3A_177] : memref<1024xi32, #tpu.memory_space<vmem>> -> memref<256xi32, #tpu.memory_space<vmem>>
        %dma_wait3A_179 = arith.constant 0 : i32
        %dma_wait3A_180 = arith.constant 0 : i32
        %dma_wait3A_181 = tpu.memref_slice %arg14[%dma_wait3A_179, %dma_wait3A_180] : memref<50176x32xf32, #tpu.memory_space<vmem_shared>> -> memref<50176x32xf32, #tpu.memory_space<vmem_shared>>
        tpu.wait_indirect_dma semaphore(%arg19 : memref<!tpu.dma_semaphore, #tpu.memory_space<semaphore_mem>>) src(%arg12 : memref<256x32xf32, #tpu.memory_space<vmem>>) dst(%dma_wait3A_181 : memref<50176x32xf32, #tpu.memory_space<vmem_shared>>)
        %dma_start3A_182 = arith.constant 512 : i32
        %dma_start3A_183 = tpu.memref_slice %arg9[%dma_start3A_182] : memref<1024xi32, #tpu.memory_space<vmem>> -> memref<256xi32, #tpu.memory_space<vmem>>
        %dma_start3A_184 = arith.constant 0 : i32
        %dma_start3A_185 = arith.constant 0 : i32
        %dma_start3A_186 = tpu.memref_slice %arg2[%dma_start3A_184, %dma_start3A_185] : memref<50176x32xf32, #tpu.memory_space<hbm>> -> memref<50176x32xf32, #tpu.memory_space<hbm>>
        tpu.enqueue_indirect_dma source(%dma_start3A_186 : memref<50176x32xf32, #tpu.memory_space<hbm>>) target(%arg12 : memref<256x32xf32, #tpu.memory_space<vmem>>) offsets(%dma_start3A_183 : memref<256xi32, #tpu.memory_space<vmem>>) semaphore(%arg17 : memref<!tpu.dma_semaphore, #tpu.memory_space<semaphore_mem>>)
        %dma_wait3A_187 = arith.constant 512 : i32
        %dma_wait3A_188 = tpu.memref_slice %arg9[%dma_wait3A_187] : memref<1024xi32, #tpu.memory_space<vmem>> -> memref<256xi32, #tpu.memory_space<vmem>>
        %dma_wait3A_189 = arith.constant 0 : i32
        %dma_wait3A_190 = arith.constant 0 : i32
        %dma_wait3A_191 = tpu.memref_slice %arg2[%dma_wait3A_189, %dma_wait3A_190] : memref<50176x32xf32, #tpu.memory_space<hbm>> -> memref<50176x32xf32, #tpu.memory_space<hbm>>
        tpu.wait_indirect_dma semaphore(%arg17 : memref<!tpu.dma_semaphore, #tpu.memory_space<semaphore_mem>>) src(%dma_wait3A_191 : memref<50176x32xf32, #tpu.memory_space<hbm>>) dst(%arg12 : memref<256x32xf32, #tpu.memory_space<vmem>>)
        %dma_start3A_192 = arith.constant 512 : i32
        %dma_start3A_193 = tpu.memref_slice %arg11[%dma_start3A_192] : memref<1024xi32, #tpu.memory_space<vmem>> -> memref<256xi32, #tpu.memory_space<vmem>>
        %dma_start3A_194 = arith.constant 0 : i32
        %dma_start3A_195 = arith.constant 0 : i32
        %dma_start3A_196 = tpu.memref_slice %arg14[%dma_start3A_194, %dma_start3A_195] : memref<50176x32xf32, #tpu.memory_space<vmem_shared>> -> memref<50176x32xf32, #tpu.memory_space<vmem_shared>>
        tpu.enqueue_indirect_dma source(%arg12 : memref<256x32xf32, #tpu.memory_space<vmem>>) target(%dma_start3A_196 : memref<50176x32xf32, #tpu.memory_space<vmem_shared>>) offsets(%dma_start3A_193 : memref<256xi32, #tpu.memory_space<vmem>>) semaphore(%arg19 : memref<!tpu.dma_semaphore, #tpu.memory_space<semaphore_mem>>) {add = true}
        %dma_wait3A_197 = arith.constant 0 : i32
        %dma_wait3A_198 = tpu.memref_slice %arg11[%dma_wait3A_197] : memref<1024xi32, #tpu.memory_space<vmem>> -> memref<256xi32, #tpu.memory_space<vmem>>
        %dma_wait3A_199 = arith.constant 0 : i32
        %dma_wait3A_200 = arith.constant 0 : i32
        %dma_wait3A_201 = tpu.memref_slice %arg14[%dma_wait3A_199, %dma_wait3A_200] : memref<50176x32xf32, #tpu.memory_space<vmem_shared>> -> memref<50176x32xf32, #tpu.memory_space<vmem_shared>>
        tpu.wait_indirect_dma semaphore(%arg20 : memref<!tpu.dma_semaphore, #tpu.memory_space<semaphore_mem>>) src(%arg13 : memref<256x32xf32, #tpu.memory_space<vmem>>) dst(%dma_wait3A_201 : memref<50176x32xf32, #tpu.memory_space<vmem_shared>>)
        %dma_start3A_202 = arith.constant 768 : i32
        %dma_start3A_203 = tpu.memref_slice %arg9[%dma_start3A_202] : memref<1024xi32, #tpu.memory_space<vmem>> -> memref<256xi32, #tpu.memory_space<vmem>>
        %dma_start3A_204 = arith.constant 0 : i32
        %dma_start3A_205 = arith.constant 0 : i32
        %dma_start3A_206 = tpu.memref_slice %arg2[%dma_start3A_204, %dma_start3A_205] : memref<50176x32xf32, #tpu.memory_space<hbm>> -> memref<50176x32xf32, #tpu.memory_space<hbm>>
        tpu.enqueue_indirect_dma source(%dma_start3A_206 : memref<50176x32xf32, #tpu.memory_space<hbm>>) target(%arg13 : memref<256x32xf32, #tpu.memory_space<vmem>>) offsets(%dma_start3A_203 : memref<256xi32, #tpu.memory_space<vmem>>) semaphore(%arg18 : memref<!tpu.dma_semaphore, #tpu.memory_space<semaphore_mem>>)
        %dma_wait3A_207 = arith.constant 768 : i32
        %dma_wait3A_208 = tpu.memref_slice %arg9[%dma_wait3A_207] : memref<1024xi32, #tpu.memory_space<vmem>> -> memref<256xi32, #tpu.memory_space<vmem>>
        %dma_wait3A_209 = arith.constant 0 : i32
        %dma_wait3A_210 = arith.constant 0 : i32
        %dma_wait3A_211 = tpu.memref_slice %arg2[%dma_wait3A_209, %dma_wait3A_210] : memref<50176x32xf32, #tpu.memory_space<hbm>> -> memref<50176x32xf32, #tpu.memory_space<hbm>>
        tpu.wait_indirect_dma semaphore(%arg18 : memref<!tpu.dma_semaphore, #tpu.memory_space<semaphore_mem>>) src(%dma_wait3A_211 : memref<50176x32xf32, #tpu.memory_space<hbm>>) dst(%arg13 : memref<256x32xf32, #tpu.memory_space<vmem>>)
        %dma_start3A_212 = arith.constant 768 : i32
        %dma_start3A_213 = tpu.memref_slice %arg11[%dma_start3A_212] : memref<1024xi32, #tpu.memory_space<vmem>> -> memref<256xi32, #tpu.memory_space<vmem>>
        %dma_start3A_214 = arith.constant 0 : i32
        %dma_start3A_215 = arith.constant 0 : i32
        %dma_start3A_216 = tpu.memref_slice %arg14[%dma_start3A_214, %dma_start3A_215] : memref<50176x32xf32, #tpu.memory_space<vmem_shared>> -> memref<50176x32xf32, #tpu.memory_space<vmem_shared>>
        tpu.enqueue_indirect_dma source(%arg13 : memref<256x32xf32, #tpu.memory_space<vmem>>) target(%dma_start3A_216 : memref<50176x32xf32, #tpu.memory_space<vmem_shared>>) offsets(%dma_start3A_213 : memref<256xi32, #tpu.memory_space<vmem>>) semaphore(%arg20 : memref<!tpu.dma_semaphore, #tpu.memory_space<semaphore_mem>>) {add = true}
        %dma_wait3A_217 = arith.constant 0 : i32
        %dma_wait3A_218 = tpu.memref_slice %arg11[%dma_wait3A_217] : memref<1024xi32, #tpu.memory_space<vmem>> -> memref<256xi32, #tpu.memory_space<vmem>>
        %dma_wait3A_219 = arith.constant 0 : i32
        %dma_wait3A_220 = arith.constant 0 : i32
        %dma_wait3A_221 = tpu.memref_slice %arg14[%dma_wait3A_219, %dma_wait3A_220] : memref<50176x32xf32, #tpu.memory_space<vmem_shared>> -> memref<50176x32xf32, #tpu.memory_space<vmem_shared>>
        tpu.wait_indirect_dma semaphore(%arg19 : memref<!tpu.dma_semaphore, #tpu.memory_space<semaphore_mem>>) src(%arg12 : memref<256x32xf32, #tpu.memory_space<vmem>>) dst(%dma_wait3A_221 : memref<50176x32xf32, #tpu.memory_space<vmem_shared>>)
        %add3A_222 = arith.constant 1 : i32
        %add3A_223 = arith.addi %add3A_146, %add3A_222 : i32
        %lt3A_224 = arith.constant 50 : i32
        %lt3A_225 = arith.cmpi slt, %add3A_223, %lt3A_224 : i32
        %convert_element_type3A_226 = arith.extui %lt3A_225 : i1 to i32
        %cond3A_227 = arith.constant 0 : i32
        %cond3A_228 = arith.cmpi ne, %convert_element_type3A_226, %cond3A_227 : i32
        scf.if %cond3A_228 {
          %add3A_236 = arith.constant 1 : i32
          %add3A_237 = arith.addi %add3A_146, %add3A_236 : i32
          %mul3A_238 = arith.constant 1024 : i32
          %mul3A_239 = arith.muli %add3A_237, %mul3A_238 : i32
          %add3A_240 = arith.addi %mul3A_0, %mul3A_239 : i32
          %dma_wait3A_241 = tpu.memref_slice %arg4[%add3A_240] : memref<819200xi32, #tpu.memory_space<hbm>> -> memref<1024xi32, #tpu.memory_space<hbm>>
          %dma_wait3A_242 = tpu.memref_slice %arg4[%add3A_240] : memref<819200xi32, #tpu.memory_space<hbm>> -> memref<1024xi32, #tpu.memory_space<hbm>>
          tpu.wait_dma2 semaphore(%arg15 : memref<!tpu.dma_semaphore, #tpu.memory_space<semaphore_mem>>) src(%dma_wait3A_242 : memref<1024xi32, #tpu.memory_space<hbm>>) dst(%arg8 : memref<1024xi32, #tpu.memory_space<vmem>>)
          %mul3A_243 = arith.constant 1024 : i32
          %mul3A_244 = arith.muli %add3A_237, %mul3A_243 : i32
          %add3A_245 = arith.addi %mul3A_0, %mul3A_244 : i32
          %dma_wait3A_246 = tpu.memref_slice %arg5[%add3A_245] : memref<819200xi32, #tpu.memory_space<hbm>> -> memref<1024xi32, #tpu.memory_space<hbm>>
          %dma_wait3A_247 = tpu.memref_slice %arg5[%add3A_245] : memref<819200xi32, #tpu.memory_space<hbm>> -> memref<1024xi32, #tpu.memory_space<hbm>>
          tpu.wait_dma2 semaphore(%arg15 : memref<!tpu.dma_semaphore, #tpu.memory_space<semaphore_mem>>) src(%dma_wait3A_247 : memref<1024xi32, #tpu.memory_space<hbm>>) dst(%arg10 : memref<1024xi32, #tpu.memory_space<vmem>>)
          %dma_start3A_248 = arith.constant 0 : i32
          %dma_start3A_249 = tpu.memref_slice %arg8[%dma_start3A_248] : memref<1024xi32, #tpu.memory_space<vmem>> -> memref<256xi32, #tpu.memory_space<vmem>>
          %dma_start3A_250 = arith.constant 0 : i32
          %dma_start3A_251 = arith.constant 0 : i32
          %dma_start3A_252 = tpu.memref_slice %arg2[%dma_start3A_250, %dma_start3A_251] : memref<50176x32xf32, #tpu.memory_space<hbm>> -> memref<50176x32xf32, #tpu.memory_space<hbm>>
          tpu.enqueue_indirect_dma source(%dma_start3A_252 : memref<50176x32xf32, #tpu.memory_space<hbm>>) target(%arg12 : memref<256x32xf32, #tpu.memory_space<vmem>>) offsets(%dma_start3A_249 : memref<256xi32, #tpu.memory_space<vmem>>) semaphore(%arg17 : memref<!tpu.dma_semaphore, #tpu.memory_space<semaphore_mem>>)
        } else {
        }
        %add3A_229 = arith.constant 2 : i32
        %add3A_230 = arith.addi %add3A_146, %add3A_229 : i32
        %lt3A_231 = arith.constant 50 : i32
        %lt3A_232 = arith.cmpi slt, %add3A_230, %lt3A_231 : i32
        %convert_element_type3A_233 = arith.extui %lt3A_232 : i1 to i32
        %cond3A_234 = arith.constant 0 : i32
        %cond3A_235 = arith.cmpi ne, %convert_element_type3A_233, %cond3A_234 : i32
        scf.if %cond3A_235 {
          %add3A_236 = arith.constant 2 : i32
          %add3A_237 = arith.addi %add3A_146, %add3A_236 : i32
          %mul3A_238 = arith.constant 1024 : i32
          %mul3A_239 = arith.muli %add3A_237, %mul3A_238 : i32
          %add3A_240 = arith.addi %mul3A_0, %mul3A_239 : i32
          %dma_start3A_241 = tpu.memref_slice %arg4[%add3A_240] : memref<819200xi32, #tpu.memory_space<hbm>> -> memref<1024xi32, #tpu.memory_space<hbm>>
          %dma_start3A_242 = tpu.memref_slice %arg4[%add3A_240] : memref<819200xi32, #tpu.memory_space<hbm>> -> memref<1024xi32, #tpu.memory_space<hbm>>
          tpu.enqueue_dma source(%dma_start3A_242 : memref<1024xi32, #tpu.memory_space<hbm>>) target(%arg9 : memref<1024xi32, #tpu.memory_space<vmem>>) target_semaphore(%arg16 : memref<!tpu.dma_semaphore, #tpu.memory_space<semaphore_mem>>)
          %mul3A_243 = arith.constant 1024 : i32
          %mul3A_244 = arith.muli %add3A_237, %mul3A_243 : i32
          %add3A_245 = arith.addi %mul3A_0, %mul3A_244 : i32
          %dma_start3A_246 = tpu.memref_slice %arg5[%add3A_245] : memref<819200xi32, #tpu.memory_space<hbm>> -> memref<1024xi32, #tpu.memory_space<hbm>>
          %dma_start3A_247 = tpu.memref_slice %arg5[%add3A_245] : memref<819200xi32, #tpu.memory_space<hbm>> -> memref<1024xi32, #tpu.memory_space<hbm>>
          tpu.enqueue_dma source(%dma_start3A_247 : memref<1024xi32, #tpu.memory_space<hbm>>) target(%arg11 : memref<1024xi32, #tpu.memory_space<vmem>>) target_semaphore(%arg16 : memref<!tpu.dma_semaphore, #tpu.memory_space<semaphore_mem>>)
        } else {
        }
      }
      %scan3A_42 = arith.constant 25 : i32
      %dma_wait3A_43 = arith.constant 0 : i32
      %dma_wait3A_44 = tpu.memref_slice %arg11[%dma_wait3A_43] : memref<1024xi32, #tpu.memory_space<vmem>> -> memref<256xi32, #tpu.memory_space<vmem>>
      %dma_wait3A_45 = arith.constant 0 : i32
      %dma_wait3A_46 = arith.constant 0 : i32
      %dma_wait3A_47 = tpu.memref_slice %arg14[%dma_wait3A_45, %dma_wait3A_46] : memref<50176x32xf32, #tpu.memory_space<vmem_shared>> -> memref<50176x32xf32, #tpu.memory_space<vmem_shared>>
      tpu.wait_indirect_dma semaphore(%arg20 : memref<!tpu.dma_semaphore, #tpu.memory_space<semaphore_mem>>) src(%arg13 : memref<256x32xf32, #tpu.memory_space<vmem>>) dst(%dma_wait3A_47 : memref<50176x32xf32, #tpu.memory_space<vmem_shared>>)
      %barrier3A_48 = arith.constant 0 : index
      tpu.barrier barrier_id(%barrier3A_48)
      %mul3A_49 = arith.constant 3136 : i32
      %mul3A_50 = arith.muli %arg1, %mul3A_49 : i32
      %mul3A_51 = arith.constant 3136 : i32
      %mul3A_52 = arith.muli %arg1, %mul3A_51 : i32
      "tpu.region"() ({
        %run_scoped3A = tpu.sem_alloc : memref<!tpu.dma_semaphore, #tpu.memory_space<semaphore_mem>>
        %dma_start3A_53 = arith.constant 0 : i32
        %dma_start3A_54 = tpu.memref_slice %arg6[%mul3A_52, %dma_start3A_53] : memref<50176x32xf32, #tpu.memory_space<hbm>> -> memref<3136x32xf32, #tpu.memory_space<hbm>>
        %dma_start3A_55 = arith.constant 0 : i32
        %dma_start3A_56 = tpu.memref_slice %arg14[%mul3A_50, %dma_start3A_55] : memref<50176x32xf32, #tpu.memory_space<vmem_shared>> -> memref<3136x32xf32, #tpu.memory_space<vmem_shared>>
        tpu.enqueue_dma source(%dma_start3A_56 : memref<3136x32xf32, #tpu.memory_space<vmem_shared>>) target(%dma_start3A_54 : memref<3136x32xf32, #tpu.memory_space<hbm>>) target_semaphore(%run_scoped3A : memref<!tpu.dma_semaphore, #tpu.memory_space<semaphore_mem>>)
        %dma_wait3A_57 = arith.constant 0 : i32
        %dma_wait3A_58 = tpu.memref_slice %arg6[%mul3A_52, %dma_wait3A_57] : memref<50176x32xf32, #tpu.memory_space<hbm>> -> memref<3136x32xf32, #tpu.memory_space<hbm>>
        %dma_wait3A_59 = arith.constant 0 : i32
        %dma_wait3A_60 = tpu.memref_slice %arg14[%mul3A_50, %dma_wait3A_59] : memref<50176x32xf32, #tpu.memory_space<vmem_shared>> -> memref<3136x32xf32, #tpu.memory_space<vmem_shared>>
        tpu.wait_dma2 semaphore(%run_scoped3A : memref<!tpu.dma_semaphore, #tpu.memory_space<semaphore_mem>>) src(%dma_wait3A_60 : memref<3136x32xf32, #tpu.memory_space<vmem_shared>>) dst(%dma_wait3A_58 : memref<3136x32xf32, #tpu.memory_space<hbm>>)
        tpu.yield
      }) : () -> ()
    } else {
    }
    %eq3A_3 = arith.constant 1 : i32
    %eq3A_4 = arith.cmpi eq, %arg0, %eq3A_3 : i32
    %convert_element_type3A_5 = arith.extui %eq3A_4 : i1 to i32
    %cond3A_6 = arith.constant 0 : i32
    %cond3A_7 = arith.cmpi ne, %convert_element_type3A_5, %cond3A_6 : i32
    scf.if %cond3A_7 {
      %add3A = arith.constant 0 : i32
      %add3A_8 = arith.addi %mul3A_0, %add3A : i32
      %dma_start3A = tpu.memref_slice %arg4[%add3A_8] : memref<819200xi32, #tpu.memory_space<hbm>> -> memref<1024xi32, #tpu.memory_space<hbm>>
      %dma_start3A_9 = tpu.memref_slice %arg4[%add3A_8] : memref<819200xi32, #tpu.memory_space<hbm>> -> memref<1024xi32, #tpu.memory_space<hbm>>
      tpu.enqueue_dma source(%dma_start3A_9 : memref<1024xi32, #tpu.memory_space<hbm>>) target(%arg8 : memref<1024xi32, #tpu.memory_space<vmem>>) target_semaphore(%arg15 : memref<!tpu.dma_semaphore, #tpu.memory_space<semaphore_mem>>)
      %add3A_10 = arith.constant 0 : i32
      %add3A_11 = arith.addi %mul3A_0, %add3A_10 : i32
      %dma_start3A_12 = tpu.memref_slice %arg5[%add3A_11] : memref<819200xi32, #tpu.memory_space<hbm>> -> memref<1024xi32, #tpu.memory_space<hbm>>
      %dma_start3A_13 = tpu.memref_slice %arg5[%add3A_11] : memref<819200xi32, #tpu.memory_space<hbm>> -> memref<1024xi32, #tpu.memory_space<hbm>>
      tpu.enqueue_dma source(%dma_start3A_13 : memref<1024xi32, #tpu.memory_space<hbm>>) target(%arg10 : memref<1024xi32, #tpu.memory_space<vmem>>) target_semaphore(%arg15 : memref<!tpu.dma_semaphore, #tpu.memory_space<semaphore_mem>>)
      %add3A_14 = arith.constant 1024 : i32
      %add3A_15 = arith.addi %mul3A_0, %add3A_14 : i32
      %dma_start3A_16 = tpu.memref_slice %arg4[%add3A_15] : memref<819200xi32, #tpu.memory_space<hbm>> -> memref<1024xi32, #tpu.memory_space<hbm>>
      %dma_start3A_17 = tpu.memref_slice %arg4[%add3A_15] : memref<819200xi32, #tpu.memory_space<hbm>> -> memref<1024xi32, #tpu.memory_space<hbm>>
      tpu.enqueue_dma source(%dma_start3A_17 : memref<1024xi32, #tpu.memory_space<hbm>>) target(%arg9 : memref<1024xi32, #tpu.memory_space<vmem>>) target_semaphore(%arg16 : memref<!tpu.dma_semaphore, #tpu.memory_space<semaphore_mem>>)
      %add3A_18 = arith.constant 1024 : i32
      %add3A_19 = arith.addi %mul3A_0, %add3A_18 : i32
      %dma_start3A_20 = tpu.memref_slice %arg5[%add3A_19] : memref<819200xi32, #tpu.memory_space<hbm>> -> memref<1024xi32, #tpu.memory_space<hbm>>
      %dma_start3A_21 = tpu.memref_slice %arg5[%add3A_19] : memref<819200xi32, #tpu.memory_space<hbm>> -> memref<1024xi32, #tpu.memory_space<hbm>>
      tpu.enqueue_dma source(%dma_start3A_21 : memref<1024xi32, #tpu.memory_space<hbm>>) target(%arg11 : memref<1024xi32, #tpu.memory_space<vmem>>) target_semaphore(%arg16 : memref<!tpu.dma_semaphore, #tpu.memory_space<semaphore_mem>>)
      %mul3A_22 = arith.constant 3136 : i32
      %mul3A_23 = arith.muli %arg1, %mul3A_22 : i32
      %mul3A_24 = arith.constant 3136 : i32
      %mul3A_25 = arith.muli %arg1, %mul3A_24 : i32
      "tpu.region"() ({
        %run_scoped3A = tpu.sem_alloc : memref<!tpu.dma_semaphore, #tpu.memory_space<semaphore_mem>>
        %dma_start3A_53 = arith.constant 0 : i32
        %dma_start3A_54 = tpu.memref_slice %arg14[%mul3A_25, %dma_start3A_53] : memref<50176x32xf32, #tpu.memory_space<vmem_shared>> -> memref<3136x32xf32, #tpu.memory_space<vmem_shared>>
        %dma_start3A_55 = arith.constant 0 : i32
        %dma_start3A_56 = tpu.memref_slice %arg3[%mul3A_23, %dma_start3A_55] : memref<50176x32xf32, #tpu.memory_space<hbm>> -> memref<3136x32xf32, #tpu.memory_space<hbm>>
        tpu.enqueue_dma source(%dma_start3A_56 : memref<3136x32xf32, #tpu.memory_space<hbm>>) target(%dma_start3A_54 : memref<3136x32xf32, #tpu.memory_space<vmem_shared>>) target_semaphore(%run_scoped3A : memref<!tpu.dma_semaphore, #tpu.memory_space<semaphore_mem>>)
        %dma_wait3A_57 = arith.constant 0 : i32
        %dma_wait3A_58 = tpu.memref_slice %arg14[%mul3A_25, %dma_wait3A_57] : memref<50176x32xf32, #tpu.memory_space<vmem_shared>> -> memref<3136x32xf32, #tpu.memory_space<vmem_shared>>
        %dma_wait3A_59 = arith.constant 0 : i32
        %dma_wait3A_60 = tpu.memref_slice %arg3[%mul3A_23, %dma_wait3A_59] : memref<50176x32xf32, #tpu.memory_space<hbm>> -> memref<3136x32xf32, #tpu.memory_space<hbm>>
        tpu.wait_dma2 semaphore(%run_scoped3A : memref<!tpu.dma_semaphore, #tpu.memory_space<semaphore_mem>>) src(%dma_wait3A_60 : memref<3136x32xf32, #tpu.memory_space<hbm>>) dst(%dma_wait3A_58 : memref<3136x32xf32, #tpu.memory_space<vmem_shared>>)
        tpu.yield
      }) : () -> ()
      %add3A_26 = arith.constant 0 : i32
      %add3A_27 = arith.addi %mul3A_0, %add3A_26 : i32
      %dma_wait3A = tpu.memref_slice %arg4[%add3A_27] : memref<819200xi32, #tpu.memory_space<hbm>> -> memref<1024xi32, #tpu.memory_space<hbm>>
      %dma_wait3A_28 = tpu.memref_slice %arg4[%add3A_27] : memref<819200xi32, #tpu.memory_space<hbm>> -> memref<1024xi32, #tpu.memory_space<hbm>>
      tpu.wait_dma2 semaphore(%arg15 : memref<!tpu.dma_semaphore, #tpu.memory_space<semaphore_mem>>) src(%dma_wait3A_28 : memref<1024xi32, #tpu.memory_space<hbm>>) dst(%arg8 : memref<1024xi32, #tpu.memory_space<vmem>>)
      %add3A_29 = arith.constant 0 : i32
      %add3A_30 = arith.addi %mul3A_0, %add3A_29 : i32
      %dma_wait3A_31 = tpu.memref_slice %arg5[%add3A_30] : memref<819200xi32, #tpu.memory_space<hbm>> -> memref<1024xi32, #tpu.memory_space<hbm>>
      %dma_wait3A_32 = tpu.memref_slice %arg5[%add3A_30] : memref<819200xi32, #tpu.memory_space<hbm>> -> memref<1024xi32, #tpu.memory_space<hbm>>
      tpu.wait_dma2 semaphore(%arg15 : memref<!tpu.dma_semaphore, #tpu.memory_space<semaphore_mem>>) src(%dma_wait3A_32 : memref<1024xi32, #tpu.memory_space<hbm>>) dst(%arg10 : memref<1024xi32, #tpu.memory_space<vmem>>)
      %barrier3A = arith.constant 0 : index
      tpu.barrier barrier_id(%barrier3A)
      %dma_start3A_33 = arith.constant 0 : i32
      %dma_start3A_34 = tpu.memref_slice %arg8[%dma_start3A_33] : memref<1024xi32, #tpu.memory_space<vmem>> -> memref<256xi32, #tpu.memory_space<vmem>>
      %dma_start3A_35 = arith.constant 0 : i32
      %dma_start3A_36 = arith.constant 0 : i32
      %dma_start3A_37 = tpu.memref_slice %arg3[%dma_start3A_35, %dma_start3A_36] : memref<50176x32xf32, #tpu.memory_space<hbm>> -> memref<50176x32xf32, #tpu.memory_space<hbm>>
      tpu.enqueue_indirect_dma source(%dma_start3A_37 : memref<50176x32xf32, #tpu.memory_space<hbm>>) target(%arg12 : memref<256x32xf32, #tpu.memory_space<vmem>>) offsets(%dma_start3A_34 : memref<256xi32, #tpu.memory_space<vmem>>) semaphore(%arg17 : memref<!tpu.dma_semaphore, #tpu.memory_space<semaphore_mem>>)
      %scan3A = arith.constant 0 : i32
      %scan3A_38 = arith.constant 0 : i32
      %scan3A_39 = arith.constant 25 : i32
      %scan3A_40 = arith.addi %scan3A_38, %scan3A_39 : i32
      %scan3A_41 = arith.constant 1 : i32
      scf.for %scan3A_53 = %scan3A_38 to %scan3A_40 step %scan3A_41  : i32 {
        %mul3A_54 = arith.constant 2 : i32
        %mul3A_55 = arith.muli %mul3A_54, %scan3A_53 : i32
        %dma_wait3A_56 = arith.constant 0 : i32
        %dma_wait3A_57 = tpu.memref_slice %arg8[%dma_wait3A_56] : memref<1024xi32, #tpu.memory_space<vmem>> -> memref<256xi32, #tpu.memory_space<vmem>>
        %dma_wait3A_58 = arith.constant 0 : i32
        %dma_wait3A_59 = arith.constant 0 : i32
        %dma_wait3A_60 = tpu.memref_slice %arg3[%dma_wait3A_58, %dma_wait3A_59] : memref<50176x32xf32, #tpu.memory_space<hbm>> -> memref<50176x32xf32, #tpu.memory_space<hbm>>
        tpu.wait_indirect_dma semaphore(%arg17 : memref<!tpu.dma_semaphore, #tpu.memory_space<semaphore_mem>>) src(%dma_wait3A_60 : memref<50176x32xf32, #tpu.memory_space<hbm>>) dst(%arg12 : memref<256x32xf32, #tpu.memory_space<vmem>>)
        %dma_start3A_61 = arith.constant 0 : i32
        %dma_start3A_62 = tpu.memref_slice %arg10[%dma_start3A_61] : memref<1024xi32, #tpu.memory_space<vmem>> -> memref<256xi32, #tpu.memory_space<vmem>>
        %dma_start3A_63 = arith.constant 0 : i32
        %dma_start3A_64 = arith.constant 0 : i32
        %dma_start3A_65 = tpu.memref_slice %arg14[%dma_start3A_63, %dma_start3A_64] : memref<50176x32xf32, #tpu.memory_space<vmem_shared>> -> memref<50176x32xf32, #tpu.memory_space<vmem_shared>>
        tpu.enqueue_indirect_dma source(%arg12 : memref<256x32xf32, #tpu.memory_space<vmem>>) target(%dma_start3A_65 : memref<50176x32xf32, #tpu.memory_space<vmem_shared>>) offsets(%dma_start3A_62 : memref<256xi32, #tpu.memory_space<vmem>>) semaphore(%arg19 : memref<!tpu.dma_semaphore, #tpu.memory_space<semaphore_mem>>) {add = true}
        %gt3A = arith.constant 0 : i32
        %gt3A_66 = arith.cmpi sgt, %mul3A_55, %gt3A : i32
        %convert_element_type3A_67 = arith.extui %gt3A_66 : i1 to i32
        %cond3A_68 = arith.constant 0 : i32
        %cond3A_69 = arith.cmpi ne, %convert_element_type3A_67, %cond3A_68 : i32
        scf.if %cond3A_69 {
          %dma_wait3A_236 = arith.constant 0 : i32
          %dma_wait3A_237 = tpu.memref_slice %arg10[%dma_wait3A_236] : memref<1024xi32, #tpu.memory_space<vmem>> -> memref<256xi32, #tpu.memory_space<vmem>>
          %dma_wait3A_238 = arith.constant 0 : i32
          %dma_wait3A_239 = arith.constant 0 : i32
          %dma_wait3A_240 = tpu.memref_slice %arg14[%dma_wait3A_238, %dma_wait3A_239] : memref<50176x32xf32, #tpu.memory_space<vmem_shared>> -> memref<50176x32xf32, #tpu.memory_space<vmem_shared>>
          tpu.wait_indirect_dma semaphore(%arg20 : memref<!tpu.dma_semaphore, #tpu.memory_space<semaphore_mem>>) src(%arg13 : memref<256x32xf32, #tpu.memory_space<vmem>>) dst(%dma_wait3A_240 : memref<50176x32xf32, #tpu.memory_space<vmem_shared>>)
        } else {
        }
        %dma_start3A_70 = arith.constant 256 : i32
        %dma_start3A_71 = tpu.memref_slice %arg8[%dma_start3A_70] : memref<1024xi32, #tpu.memory_space<vmem>> -> memref<256xi32, #tpu.memory_space<vmem>>
        %dma_start3A_72 = arith.constant 0 : i32
        %dma_start3A_73 = arith.constant 0 : i32
        %dma_start3A_74 = tpu.memref_slice %arg3[%dma_start3A_72, %dma_start3A_73] : memref<50176x32xf32, #tpu.memory_space<hbm>> -> memref<50176x32xf32, #tpu.memory_space<hbm>>
        tpu.enqueue_indirect_dma source(%dma_start3A_74 : memref<50176x32xf32, #tpu.memory_space<hbm>>) target(%arg13 : memref<256x32xf32, #tpu.memory_space<vmem>>) offsets(%dma_start3A_71 : memref<256xi32, #tpu.memory_space<vmem>>) semaphore(%arg18 : memref<!tpu.dma_semaphore, #tpu.memory_space<semaphore_mem>>)
        %dma_wait3A_75 = arith.constant 256 : i32
        %dma_wait3A_76 = tpu.memref_slice %arg8[%dma_wait3A_75] : memref<1024xi32, #tpu.memory_space<vmem>> -> memref<256xi32, #tpu.memory_space<vmem>>
        %dma_wait3A_77 = arith.constant 0 : i32
        %dma_wait3A_78 = arith.constant 0 : i32
        %dma_wait3A_79 = tpu.memref_slice %arg3[%dma_wait3A_77, %dma_wait3A_78] : memref<50176x32xf32, #tpu.memory_space<hbm>> -> memref<50176x32xf32, #tpu.memory_space<hbm>>
        tpu.wait_indirect_dma semaphore(%arg18 : memref<!tpu.dma_semaphore, #tpu.memory_space<semaphore_mem>>) src(%dma_wait3A_79 : memref<50176x32xf32, #tpu.memory_space<hbm>>) dst(%arg13 : memref<256x32xf32, #tpu.memory_space<vmem>>)
        %dma_start3A_80 = arith.constant 256 : i32
        %dma_start3A_81 = tpu.memref_slice %arg10[%dma_start3A_80] : memref<1024xi32, #tpu.memory_space<vmem>> -> memref<256xi32, #tpu.memory_space<vmem>>
        %dma_start3A_82 = arith.constant 0 : i32
        %dma_start3A_83 = arith.constant 0 : i32
        %dma_start3A_84 = tpu.memref_slice %arg14[%dma_start3A_82, %dma_start3A_83] : memref<50176x32xf32, #tpu.memory_space<vmem_shared>> -> memref<50176x32xf32, #tpu.memory_space<vmem_shared>>
        tpu.enqueue_indirect_dma source(%arg13 : memref<256x32xf32, #tpu.memory_space<vmem>>) target(%dma_start3A_84 : memref<50176x32xf32, #tpu.memory_space<vmem_shared>>) offsets(%dma_start3A_81 : memref<256xi32, #tpu.memory_space<vmem>>) semaphore(%arg20 : memref<!tpu.dma_semaphore, #tpu.memory_space<semaphore_mem>>) {add = true}
        %dma_wait3A_85 = arith.constant 0 : i32
        %dma_wait3A_86 = tpu.memref_slice %arg10[%dma_wait3A_85] : memref<1024xi32, #tpu.memory_space<vmem>> -> memref<256xi32, #tpu.memory_space<vmem>>
        %dma_wait3A_87 = arith.constant 0 : i32
        %dma_wait3A_88 = arith.constant 0 : i32
        %dma_wait3A_89 = tpu.memref_slice %arg14[%dma_wait3A_87, %dma_wait3A_88] : memref<50176x32xf32, #tpu.memory_space<vmem_shared>> -> memref<50176x32xf32, #tpu.memory_space<vmem_shared>>
        tpu.wait_indirect_dma semaphore(%arg19 : memref<!tpu.dma_semaphore, #tpu.memory_space<semaphore_mem>>) src(%arg12 : memref<256x32xf32, #tpu.memory_space<vmem>>) dst(%dma_wait3A_89 : memref<50176x32xf32, #tpu.memory_space<vmem_shared>>)
        %dma_start3A_90 = arith.constant 512 : i32
        %dma_start3A_91 = tpu.memref_slice %arg8[%dma_start3A_90] : memref<1024xi32, #tpu.memory_space<vmem>> -> memref<256xi32, #tpu.memory_space<vmem>>
        %dma_start3A_92 = arith.constant 0 : i32
        %dma_start3A_93 = arith.constant 0 : i32
        %dma_start3A_94 = tpu.memref_slice %arg3[%dma_start3A_92, %dma_start3A_93] : memref<50176x32xf32, #tpu.memory_space<hbm>> -> memref<50176x32xf32, #tpu.memory_space<hbm>>
        tpu.enqueue_indirect_dma source(%dma_start3A_94 : memref<50176x32xf32, #tpu.memory_space<hbm>>) target(%arg12 : memref<256x32xf32, #tpu.memory_space<vmem>>) offsets(%dma_start3A_91 : memref<256xi32, #tpu.memory_space<vmem>>) semaphore(%arg17 : memref<!tpu.dma_semaphore, #tpu.memory_space<semaphore_mem>>)
        %dma_wait3A_95 = arith.constant 512 : i32
        %dma_wait3A_96 = tpu.memref_slice %arg8[%dma_wait3A_95] : memref<1024xi32, #tpu.memory_space<vmem>> -> memref<256xi32, #tpu.memory_space<vmem>>
        %dma_wait3A_97 = arith.constant 0 : i32
        %dma_wait3A_98 = arith.constant 0 : i32
        %dma_wait3A_99 = tpu.memref_slice %arg3[%dma_wait3A_97, %dma_wait3A_98] : memref<50176x32xf32, #tpu.memory_space<hbm>> -> memref<50176x32xf32, #tpu.memory_space<hbm>>
        tpu.wait_indirect_dma semaphore(%arg17 : memref<!tpu.dma_semaphore, #tpu.memory_space<semaphore_mem>>) src(%dma_wait3A_99 : memref<50176x32xf32, #tpu.memory_space<hbm>>) dst(%arg12 : memref<256x32xf32, #tpu.memory_space<vmem>>)
        %dma_start3A_100 = arith.constant 512 : i32
        %dma_start3A_101 = tpu.memref_slice %arg10[%dma_start3A_100] : memref<1024xi32, #tpu.memory_space<vmem>> -> memref<256xi32, #tpu.memory_space<vmem>>
        %dma_start3A_102 = arith.constant 0 : i32
        %dma_start3A_103 = arith.constant 0 : i32
        %dma_start3A_104 = tpu.memref_slice %arg14[%dma_start3A_102, %dma_start3A_103] : memref<50176x32xf32, #tpu.memory_space<vmem_shared>> -> memref<50176x32xf32, #tpu.memory_space<vmem_shared>>
        tpu.enqueue_indirect_dma source(%arg12 : memref<256x32xf32, #tpu.memory_space<vmem>>) target(%dma_start3A_104 : memref<50176x32xf32, #tpu.memory_space<vmem_shared>>) offsets(%dma_start3A_101 : memref<256xi32, #tpu.memory_space<vmem>>) semaphore(%arg19 : memref<!tpu.dma_semaphore, #tpu.memory_space<semaphore_mem>>) {add = true}
        %dma_wait3A_105 = arith.constant 0 : i32
        %dma_wait3A_106 = tpu.memref_slice %arg10[%dma_wait3A_105] : memref<1024xi32, #tpu.memory_space<vmem>> -> memref<256xi32, #tpu.memory_space<vmem>>
        %dma_wait3A_107 = arith.constant 0 : i32
        %dma_wait3A_108 = arith.constant 0 : i32
        %dma_wait3A_109 = tpu.memref_slice %arg14[%dma_wait3A_107, %dma_wait3A_108] : memref<50176x32xf32, #tpu.memory_space<vmem_shared>> -> memref<50176x32xf32, #tpu.memory_space<vmem_shared>>
        tpu.wait_indirect_dma semaphore(%arg20 : memref<!tpu.dma_semaphore, #tpu.memory_space<semaphore_mem>>) src(%arg13 : memref<256x32xf32, #tpu.memory_space<vmem>>) dst(%dma_wait3A_109 : memref<50176x32xf32, #tpu.memory_space<vmem_shared>>)
        %dma_start3A_110 = arith.constant 768 : i32
        %dma_start3A_111 = tpu.memref_slice %arg8[%dma_start3A_110] : memref<1024xi32, #tpu.memory_space<vmem>> -> memref<256xi32, #tpu.memory_space<vmem>>
        %dma_start3A_112 = arith.constant 0 : i32
        %dma_start3A_113 = arith.constant 0 : i32
        %dma_start3A_114 = tpu.memref_slice %arg3[%dma_start3A_112, %dma_start3A_113] : memref<50176x32xf32, #tpu.memory_space<hbm>> -> memref<50176x32xf32, #tpu.memory_space<hbm>>
        tpu.enqueue_indirect_dma source(%dma_start3A_114 : memref<50176x32xf32, #tpu.memory_space<hbm>>) target(%arg13 : memref<256x32xf32, #tpu.memory_space<vmem>>) offsets(%dma_start3A_111 : memref<256xi32, #tpu.memory_space<vmem>>) semaphore(%arg18 : memref<!tpu.dma_semaphore, #tpu.memory_space<semaphore_mem>>)
        %dma_wait3A_115 = arith.constant 768 : i32
        %dma_wait3A_116 = tpu.memref_slice %arg8[%dma_wait3A_115] : memref<1024xi32, #tpu.memory_space<vmem>> -> memref<256xi32, #tpu.memory_space<vmem>>
        %dma_wait3A_117 = arith.constant 0 : i32
        %dma_wait3A_118 = arith.constant 0 : i32
        %dma_wait3A_119 = tpu.memref_slice %arg3[%dma_wait3A_117, %dma_wait3A_118] : memref<50176x32xf32, #tpu.memory_space<hbm>> -> memref<50176x32xf32, #tpu.memory_space<hbm>>
        tpu.wait_indirect_dma semaphore(%arg18 : memref<!tpu.dma_semaphore, #tpu.memory_space<semaphore_mem>>) src(%dma_wait3A_119 : memref<50176x32xf32, #tpu.memory_space<hbm>>) dst(%arg13 : memref<256x32xf32, #tpu.memory_space<vmem>>)
        %dma_start3A_120 = arith.constant 768 : i32
        %dma_start3A_121 = tpu.memref_slice %arg10[%dma_start3A_120] : memref<1024xi32, #tpu.memory_space<vmem>> -> memref<256xi32, #tpu.memory_space<vmem>>
        %dma_start3A_122 = arith.constant 0 : i32
        %dma_start3A_123 = arith.constant 0 : i32
        %dma_start3A_124 = tpu.memref_slice %arg14[%dma_start3A_122, %dma_start3A_123] : memref<50176x32xf32, #tpu.memory_space<vmem_shared>> -> memref<50176x32xf32, #tpu.memory_space<vmem_shared>>
        tpu.enqueue_indirect_dma source(%arg13 : memref<256x32xf32, #tpu.memory_space<vmem>>) target(%dma_start3A_124 : memref<50176x32xf32, #tpu.memory_space<vmem_shared>>) offsets(%dma_start3A_121 : memref<256xi32, #tpu.memory_space<vmem>>) semaphore(%arg20 : memref<!tpu.dma_semaphore, #tpu.memory_space<semaphore_mem>>) {add = true}
        %dma_wait3A_125 = arith.constant 0 : i32
        %dma_wait3A_126 = tpu.memref_slice %arg10[%dma_wait3A_125] : memref<1024xi32, #tpu.memory_space<vmem>> -> memref<256xi32, #tpu.memory_space<vmem>>
        %dma_wait3A_127 = arith.constant 0 : i32
        %dma_wait3A_128 = arith.constant 0 : i32
        %dma_wait3A_129 = tpu.memref_slice %arg14[%dma_wait3A_127, %dma_wait3A_128] : memref<50176x32xf32, #tpu.memory_space<vmem_shared>> -> memref<50176x32xf32, #tpu.memory_space<vmem_shared>>
        tpu.wait_indirect_dma semaphore(%arg19 : memref<!tpu.dma_semaphore, #tpu.memory_space<semaphore_mem>>) src(%arg12 : memref<256x32xf32, #tpu.memory_space<vmem>>) dst(%dma_wait3A_129 : memref<50176x32xf32, #tpu.memory_space<vmem_shared>>)
        %add3A_130 = arith.constant 1 : i32
        %add3A_131 = arith.addi %mul3A_55, %add3A_130 : i32
        %lt3A = arith.constant 50 : i32
        %lt3A_132 = arith.cmpi slt, %add3A_131, %lt3A : i32
        %convert_element_type3A_133 = arith.extui %lt3A_132 : i1 to i32
        %cond3A_134 = arith.constant 0 : i32
        %cond3A_135 = arith.cmpi ne, %convert_element_type3A_133, %cond3A_134 : i32
        scf.if %cond3A_135 {
          %add3A_236 = arith.constant 1 : i32
          %add3A_237 = arith.addi %mul3A_55, %add3A_236 : i32
          %mul3A_238 = arith.constant 1024 : i32
          %mul3A_239 = arith.muli %add3A_237, %mul3A_238 : i32
          %add3A_240 = arith.addi %mul3A_0, %mul3A_239 : i32
          %dma_wait3A_241 = tpu.memref_slice %arg4[%add3A_240] : memref<819200xi32, #tpu.memory_space<hbm>> -> memref<1024xi32, #tpu.memory_space<hbm>>
          %dma_wait3A_242 = tpu.memref_slice %arg4[%add3A_240] : memref<819200xi32, #tpu.memory_space<hbm>> -> memref<1024xi32, #tpu.memory_space<hbm>>
          tpu.wait_dma2 semaphore(%arg16 : memref<!tpu.dma_semaphore, #tpu.memory_space<semaphore_mem>>) src(%dma_wait3A_242 : memref<1024xi32, #tpu.memory_space<hbm>>) dst(%arg9 : memref<1024xi32, #tpu.memory_space<vmem>>)
          %mul3A_243 = arith.constant 1024 : i32
          %mul3A_244 = arith.muli %add3A_237, %mul3A_243 : i32
          %add3A_245 = arith.addi %mul3A_0, %mul3A_244 : i32
          %dma_wait3A_246 = tpu.memref_slice %arg5[%add3A_245] : memref<819200xi32, #tpu.memory_space<hbm>> -> memref<1024xi32, #tpu.memory_space<hbm>>
          %dma_wait3A_247 = tpu.memref_slice %arg5[%add3A_245] : memref<819200xi32, #tpu.memory_space<hbm>> -> memref<1024xi32, #tpu.memory_space<hbm>>
          tpu.wait_dma2 semaphore(%arg16 : memref<!tpu.dma_semaphore, #tpu.memory_space<semaphore_mem>>) src(%dma_wait3A_247 : memref<1024xi32, #tpu.memory_space<hbm>>) dst(%arg11 : memref<1024xi32, #tpu.memory_space<vmem>>)
          %dma_start3A_248 = arith.constant 0 : i32
          %dma_start3A_249 = tpu.memref_slice %arg9[%dma_start3A_248] : memref<1024xi32, #tpu.memory_space<vmem>> -> memref<256xi32, #tpu.memory_space<vmem>>
          %dma_start3A_250 = arith.constant 0 : i32
          %dma_start3A_251 = arith.constant 0 : i32
          %dma_start3A_252 = tpu.memref_slice %arg3[%dma_start3A_250, %dma_start3A_251] : memref<50176x32xf32, #tpu.memory_space<hbm>> -> memref<50176x32xf32, #tpu.memory_space<hbm>>
          tpu.enqueue_indirect_dma source(%dma_start3A_252 : memref<50176x32xf32, #tpu.memory_space<hbm>>) target(%arg12 : memref<256x32xf32, #tpu.memory_space<vmem>>) offsets(%dma_start3A_249 : memref<256xi32, #tpu.memory_space<vmem>>) semaphore(%arg17 : memref<!tpu.dma_semaphore, #tpu.memory_space<semaphore_mem>>)
        } else {
        }
        %add3A_136 = arith.constant 2 : i32
        %add3A_137 = arith.addi %mul3A_55, %add3A_136 : i32
        %lt3A_138 = arith.constant 50 : i32
        %lt3A_139 = arith.cmpi slt, %add3A_137, %lt3A_138 : i32
        %convert_element_type3A_140 = arith.extui %lt3A_139 : i1 to i32
        %cond3A_141 = arith.constant 0 : i32
        %cond3A_142 = arith.cmpi ne, %convert_element_type3A_140, %cond3A_141 : i32
        scf.if %cond3A_142 {
          %add3A_236 = arith.constant 2 : i32
          %add3A_237 = arith.addi %mul3A_55, %add3A_236 : i32
          %mul3A_238 = arith.constant 1024 : i32
          %mul3A_239 = arith.muli %add3A_237, %mul3A_238 : i32
          %add3A_240 = arith.addi %mul3A_0, %mul3A_239 : i32
          %dma_start3A_241 = tpu.memref_slice %arg4[%add3A_240] : memref<819200xi32, #tpu.memory_space<hbm>> -> memref<1024xi32, #tpu.memory_space<hbm>>
          %dma_start3A_242 = tpu.memref_slice %arg4[%add3A_240] : memref<819200xi32, #tpu.memory_space<hbm>> -> memref<1024xi32, #tpu.memory_space<hbm>>
          tpu.enqueue_dma source(%dma_start3A_242 : memref<1024xi32, #tpu.memory_space<hbm>>) target(%arg8 : memref<1024xi32, #tpu.memory_space<vmem>>) target_semaphore(%arg15 : memref<!tpu.dma_semaphore, #tpu.memory_space<semaphore_mem>>)
          %mul3A_243 = arith.constant 1024 : i32
          %mul3A_244 = arith.muli %add3A_237, %mul3A_243 : i32
          %add3A_245 = arith.addi %mul3A_0, %mul3A_244 : i32
          %dma_start3A_246 = tpu.memref_slice %arg5[%add3A_245] : memref<819200xi32, #tpu.memory_space<hbm>> -> memref<1024xi32, #tpu.memory_space<hbm>>
          %dma_start3A_247 = tpu.memref_slice %arg5[%add3A_245] : memref<819200xi32, #tpu.memory_space<hbm>> -> memref<1024xi32, #tpu.memory_space<hbm>>
          tpu.enqueue_dma source(%dma_start3A_247 : memref<1024xi32, #tpu.memory_space<hbm>>) target(%arg10 : memref<1024xi32, #tpu.memory_space<vmem>>) target_semaphore(%arg15 : memref<!tpu.dma_semaphore, #tpu.memory_space<semaphore_mem>>)
        } else {
        }
        %mul3A_143 = arith.constant 2 : i32
        %mul3A_144 = arith.muli %mul3A_143, %scan3A_53 : i32
        %add3A_145 = arith.constant 1 : i32
        %add3A_146 = arith.addi %mul3A_144, %add3A_145 : i32
        %dma_wait3A_147 = arith.constant 0 : i32
        %dma_wait3A_148 = tpu.memref_slice %arg9[%dma_wait3A_147] : memref<1024xi32, #tpu.memory_space<vmem>> -> memref<256xi32, #tpu.memory_space<vmem>>
        %dma_wait3A_149 = arith.constant 0 : i32
        %dma_wait3A_150 = arith.constant 0 : i32
        %dma_wait3A_151 = tpu.memref_slice %arg3[%dma_wait3A_149, %dma_wait3A_150] : memref<50176x32xf32, #tpu.memory_space<hbm>> -> memref<50176x32xf32, #tpu.memory_space<hbm>>
        tpu.wait_indirect_dma semaphore(%arg17 : memref<!tpu.dma_semaphore, #tpu.memory_space<semaphore_mem>>) src(%dma_wait3A_151 : memref<50176x32xf32, #tpu.memory_space<hbm>>) dst(%arg12 : memref<256x32xf32, #tpu.memory_space<vmem>>)
        %dma_start3A_152 = arith.constant 0 : i32
        %dma_start3A_153 = tpu.memref_slice %arg11[%dma_start3A_152] : memref<1024xi32, #tpu.memory_space<vmem>> -> memref<256xi32, #tpu.memory_space<vmem>>
        %dma_start3A_154 = arith.constant 0 : i32
        %dma_start3A_155 = arith.constant 0 : i32
        %dma_start3A_156 = tpu.memref_slice %arg14[%dma_start3A_154, %dma_start3A_155] : memref<50176x32xf32, #tpu.memory_space<vmem_shared>> -> memref<50176x32xf32, #tpu.memory_space<vmem_shared>>
        tpu.enqueue_indirect_dma source(%arg12 : memref<256x32xf32, #tpu.memory_space<vmem>>) target(%dma_start3A_156 : memref<50176x32xf32, #tpu.memory_space<vmem_shared>>) offsets(%dma_start3A_153 : memref<256xi32, #tpu.memory_space<vmem>>) semaphore(%arg19 : memref<!tpu.dma_semaphore, #tpu.memory_space<semaphore_mem>>) {add = true}
        %dma_wait3A_157 = arith.constant 0 : i32
        %dma_wait3A_158 = tpu.memref_slice %arg11[%dma_wait3A_157] : memref<1024xi32, #tpu.memory_space<vmem>> -> memref<256xi32, #tpu.memory_space<vmem>>
        %dma_wait3A_159 = arith.constant 0 : i32
        %dma_wait3A_160 = arith.constant 0 : i32
        %dma_wait3A_161 = tpu.memref_slice %arg14[%dma_wait3A_159, %dma_wait3A_160] : memref<50176x32xf32, #tpu.memory_space<vmem_shared>> -> memref<50176x32xf32, #tpu.memory_space<vmem_shared>>
        tpu.wait_indirect_dma semaphore(%arg20 : memref<!tpu.dma_semaphore, #tpu.memory_space<semaphore_mem>>) src(%arg13 : memref<256x32xf32, #tpu.memory_space<vmem>>) dst(%dma_wait3A_161 : memref<50176x32xf32, #tpu.memory_space<vmem_shared>>)
        %dma_start3A_162 = arith.constant 256 : i32
        %dma_start3A_163 = tpu.memref_slice %arg9[%dma_start3A_162] : memref<1024xi32, #tpu.memory_space<vmem>> -> memref<256xi32, #tpu.memory_space<vmem>>
        %dma_start3A_164 = arith.constant 0 : i32
        %dma_start3A_165 = arith.constant 0 : i32
        %dma_start3A_166 = tpu.memref_slice %arg3[%dma_start3A_164, %dma_start3A_165] : memref<50176x32xf32, #tpu.memory_space<hbm>> -> memref<50176x32xf32, #tpu.memory_space<hbm>>
        tpu.enqueue_indirect_dma source(%dma_start3A_166 : memref<50176x32xf32, #tpu.memory_space<hbm>>) target(%arg13 : memref<256x32xf32, #tpu.memory_space<vmem>>) offsets(%dma_start3A_163 : memref<256xi32, #tpu.memory_space<vmem>>) semaphore(%arg18 : memref<!tpu.dma_semaphore, #tpu.memory_space<semaphore_mem>>)
        %dma_wait3A_167 = arith.constant 256 : i32
        %dma_wait3A_168 = tpu.memref_slice %arg9[%dma_wait3A_167] : memref<1024xi32, #tpu.memory_space<vmem>> -> memref<256xi32, #tpu.memory_space<vmem>>
        %dma_wait3A_169 = arith.constant 0 : i32
        %dma_wait3A_170 = arith.constant 0 : i32
        %dma_wait3A_171 = tpu.memref_slice %arg3[%dma_wait3A_169, %dma_wait3A_170] : memref<50176x32xf32, #tpu.memory_space<hbm>> -> memref<50176x32xf32, #tpu.memory_space<hbm>>
        tpu.wait_indirect_dma semaphore(%arg18 : memref<!tpu.dma_semaphore, #tpu.memory_space<semaphore_mem>>) src(%dma_wait3A_171 : memref<50176x32xf32, #tpu.memory_space<hbm>>) dst(%arg13 : memref<256x32xf32, #tpu.memory_space<vmem>>)
        %dma_start3A_172 = arith.constant 256 : i32
        %dma_start3A_173 = tpu.memref_slice %arg11[%dma_start3A_172] : memref<1024xi32, #tpu.memory_space<vmem>> -> memref<256xi32, #tpu.memory_space<vmem>>
        %dma_start3A_174 = arith.constant 0 : i32
        %dma_start3A_175 = arith.constant 0 : i32
        %dma_start3A_176 = tpu.memref_slice %arg14[%dma_start3A_174, %dma_start3A_175] : memref<50176x32xf32, #tpu.memory_space<vmem_shared>> -> memref<50176x32xf32, #tpu.memory_space<vmem_shared>>
        tpu.enqueue_indirect_dma source(%arg13 : memref<256x32xf32, #tpu.memory_space<vmem>>) target(%dma_start3A_176 : memref<50176x32xf32, #tpu.memory_space<vmem_shared>>) offsets(%dma_start3A_173 : memref<256xi32, #tpu.memory_space<vmem>>) semaphore(%arg20 : memref<!tpu.dma_semaphore, #tpu.memory_space<semaphore_mem>>) {add = true}
        %dma_wait3A_177 = arith.constant 0 : i32
        %dma_wait3A_178 = tpu.memref_slice %arg11[%dma_wait3A_177] : memref<1024xi32, #tpu.memory_space<vmem>> -> memref<256xi32, #tpu.memory_space<vmem>>
        %dma_wait3A_179 = arith.constant 0 : i32
        %dma_wait3A_180 = arith.constant 0 : i32
        %dma_wait3A_181 = tpu.memref_slice %arg14[%dma_wait3A_179, %dma_wait3A_180] : memref<50176x32xf32, #tpu.memory_space<vmem_shared>> -> memref<50176x32xf32, #tpu.memory_space<vmem_shared>>
        tpu.wait_indirect_dma semaphore(%arg19 : memref<!tpu.dma_semaphore, #tpu.memory_space<semaphore_mem>>) src(%arg12 : memref<256x32xf32, #tpu.memory_space<vmem>>) dst(%dma_wait3A_181 : memref<50176x32xf32, #tpu.memory_space<vmem_shared>>)
        %dma_start3A_182 = arith.constant 512 : i32
        %dma_start3A_183 = tpu.memref_slice %arg9[%dma_start3A_182] : memref<1024xi32, #tpu.memory_space<vmem>> -> memref<256xi32, #tpu.memory_space<vmem>>
        %dma_start3A_184 = arith.constant 0 : i32
        %dma_start3A_185 = arith.constant 0 : i32
        %dma_start3A_186 = tpu.memref_slice %arg3[%dma_start3A_184, %dma_start3A_185] : memref<50176x32xf32, #tpu.memory_space<hbm>> -> memref<50176x32xf32, #tpu.memory_space<hbm>>
        tpu.enqueue_indirect_dma source(%dma_start3A_186 : memref<50176x32xf32, #tpu.memory_space<hbm>>) target(%arg12 : memref<256x32xf32, #tpu.memory_space<vmem>>) offsets(%dma_start3A_183 : memref<256xi32, #tpu.memory_space<vmem>>) semaphore(%arg17 : memref<!tpu.dma_semaphore, #tpu.memory_space<semaphore_mem>>)
        %dma_wait3A_187 = arith.constant 512 : i32
        %dma_wait3A_188 = tpu.memref_slice %arg9[%dma_wait3A_187] : memref<1024xi32, #tpu.memory_space<vmem>> -> memref<256xi32, #tpu.memory_space<vmem>>
        %dma_wait3A_189 = arith.constant 0 : i32
        %dma_wait3A_190 = arith.constant 0 : i32
        %dma_wait3A_191 = tpu.memref_slice %arg3[%dma_wait3A_189, %dma_wait3A_190] : memref<50176x32xf32, #tpu.memory_space<hbm>> -> memref<50176x32xf32, #tpu.memory_space<hbm>>
        tpu.wait_indirect_dma semaphore(%arg17 : memref<!tpu.dma_semaphore, #tpu.memory_space<semaphore_mem>>) src(%dma_wait3A_191 : memref<50176x32xf32, #tpu.memory_space<hbm>>) dst(%arg12 : memref<256x32xf32, #tpu.memory_space<vmem>>)
        %dma_start3A_192 = arith.constant 512 : i32
        %dma_start3A_193 = tpu.memref_slice %arg11[%dma_start3A_192] : memref<1024xi32, #tpu.memory_space<vmem>> -> memref<256xi32, #tpu.memory_space<vmem>>
        %dma_start3A_194 = arith.constant 0 : i32
        %dma_start3A_195 = arith.constant 0 : i32
        %dma_start3A_196 = tpu.memref_slice %arg14[%dma_start3A_194, %dma_start3A_195] : memref<50176x32xf32, #tpu.memory_space<vmem_shared>> -> memref<50176x32xf32, #tpu.memory_space<vmem_shared>>
        tpu.enqueue_indirect_dma source(%arg12 : memref<256x32xf32, #tpu.memory_space<vmem>>) target(%dma_start3A_196 : memref<50176x32xf32, #tpu.memory_space<vmem_shared>>) offsets(%dma_start3A_193 : memref<256xi32, #tpu.memory_space<vmem>>) semaphore(%arg19 : memref<!tpu.dma_semaphore, #tpu.memory_space<semaphore_mem>>) {add = true}
        %dma_wait3A_197 = arith.constant 0 : i32
        %dma_wait3A_198 = tpu.memref_slice %arg11[%dma_wait3A_197] : memref<1024xi32, #tpu.memory_space<vmem>> -> memref<256xi32, #tpu.memory_space<vmem>>
        %dma_wait3A_199 = arith.constant 0 : i32
        %dma_wait3A_200 = arith.constant 0 : i32
        %dma_wait3A_201 = tpu.memref_slice %arg14[%dma_wait3A_199, %dma_wait3A_200] : memref<50176x32xf32, #tpu.memory_space<vmem_shared>> -> memref<50176x32xf32, #tpu.memory_space<vmem_shared>>
        tpu.wait_indirect_dma semaphore(%arg20 : memref<!tpu.dma_semaphore, #tpu.memory_space<semaphore_mem>>) src(%arg13 : memref<256x32xf32, #tpu.memory_space<vmem>>) dst(%dma_wait3A_201 : memref<50176x32xf32, #tpu.memory_space<vmem_shared>>)
        %dma_start3A_202 = arith.constant 768 : i32
        %dma_start3A_203 = tpu.memref_slice %arg9[%dma_start3A_202] : memref<1024xi32, #tpu.memory_space<vmem>> -> memref<256xi32, #tpu.memory_space<vmem>>
        %dma_start3A_204 = arith.constant 0 : i32
        %dma_start3A_205 = arith.constant 0 : i32
        %dma_start3A_206 = tpu.memref_slice %arg3[%dma_start3A_204, %dma_start3A_205] : memref<50176x32xf32, #tpu.memory_space<hbm>> -> memref<50176x32xf32, #tpu.memory_space<hbm>>
        tpu.enqueue_indirect_dma source(%dma_start3A_206 : memref<50176x32xf32, #tpu.memory_space<hbm>>) target(%arg13 : memref<256x32xf32, #tpu.memory_space<vmem>>) offsets(%dma_start3A_203 : memref<256xi32, #tpu.memory_space<vmem>>) semaphore(%arg18 : memref<!tpu.dma_semaphore, #tpu.memory_space<semaphore_mem>>)
        %dma_wait3A_207 = arith.constant 768 : i32
        %dma_wait3A_208 = tpu.memref_slice %arg9[%dma_wait3A_207] : memref<1024xi32, #tpu.memory_space<vmem>> -> memref<256xi32, #tpu.memory_space<vmem>>
        %dma_wait3A_209 = arith.constant 0 : i32
        %dma_wait3A_210 = arith.constant 0 : i32
        %dma_wait3A_211 = tpu.memref_slice %arg3[%dma_wait3A_209, %dma_wait3A_210] : memref<50176x32xf32, #tpu.memory_space<hbm>> -> memref<50176x32xf32, #tpu.memory_space<hbm>>
        tpu.wait_indirect_dma semaphore(%arg18 : memref<!tpu.dma_semaphore, #tpu.memory_space<semaphore_mem>>) src(%dma_wait3A_211 : memref<50176x32xf32, #tpu.memory_space<hbm>>) dst(%arg13 : memref<256x32xf32, #tpu.memory_space<vmem>>)
        %dma_start3A_212 = arith.constant 768 : i32
        %dma_start3A_213 = tpu.memref_slice %arg11[%dma_start3A_212] : memref<1024xi32, #tpu.memory_space<vmem>> -> memref<256xi32, #tpu.memory_space<vmem>>
        %dma_start3A_214 = arith.constant 0 : i32
        %dma_start3A_215 = arith.constant 0 : i32
        %dma_start3A_216 = tpu.memref_slice %arg14[%dma_start3A_214, %dma_start3A_215] : memref<50176x32xf32, #tpu.memory_space<vmem_shared>> -> memref<50176x32xf32, #tpu.memory_space<vmem_shared>>
        tpu.enqueue_indirect_dma source(%arg13 : memref<256x32xf32, #tpu.memory_space<vmem>>) target(%dma_start3A_216 : memref<50176x32xf32, #tpu.memory_space<vmem_shared>>) offsets(%dma_start3A_213 : memref<256xi32, #tpu.memory_space<vmem>>) semaphore(%arg20 : memref<!tpu.dma_semaphore, #tpu.memory_space<semaphore_mem>>) {add = true}
        %dma_wait3A_217 = arith.constant 0 : i32
        %dma_wait3A_218 = tpu.memref_slice %arg11[%dma_wait3A_217] : memref<1024xi32, #tpu.memory_space<vmem>> -> memref<256xi32, #tpu.memory_space<vmem>>
        %dma_wait3A_219 = arith.constant 0 : i32
        %dma_wait3A_220 = arith.constant 0 : i32
        %dma_wait3A_221 = tpu.memref_slice %arg14[%dma_wait3A_219, %dma_wait3A_220] : memref<50176x32xf32, #tpu.memory_space<vmem_shared>> -> memref<50176x32xf32, #tpu.memory_space<vmem_shared>>
        tpu.wait_indirect_dma semaphore(%arg19 : memref<!tpu.dma_semaphore, #tpu.memory_space<semaphore_mem>>) src(%arg12 : memref<256x32xf32, #tpu.memory_space<vmem>>) dst(%dma_wait3A_221 : memref<50176x32xf32, #tpu.memory_space<vmem_shared>>)
        %add3A_222 = arith.constant 1 : i32
        %add3A_223 = arith.addi %add3A_146, %add3A_222 : i32
        %lt3A_224 = arith.constant 50 : i32
        %lt3A_225 = arith.cmpi slt, %add3A_223, %lt3A_224 : i32
        %convert_element_type3A_226 = arith.extui %lt3A_225 : i1 to i32
        %cond3A_227 = arith.constant 0 : i32
        %cond3A_228 = arith.cmpi ne, %convert_element_type3A_226, %cond3A_227 : i32
        scf.if %cond3A_228 {
          %add3A_236 = arith.constant 1 : i32
          %add3A_237 = arith.addi %add3A_146, %add3A_236 : i32
          %mul3A_238 = arith.constant 1024 : i32
          %mul3A_239 = arith.muli %add3A_237, %mul3A_238 : i32
          %add3A_240 = arith.addi %mul3A_0, %mul3A_239 : i32
          %dma_wait3A_241 = tpu.memref_slice %arg4[%add3A_240] : memref<819200xi32, #tpu.memory_space<hbm>> -> memref<1024xi32, #tpu.memory_space<hbm>>
          %dma_wait3A_242 = tpu.memref_slice %arg4[%add3A_240] : memref<819200xi32, #tpu.memory_space<hbm>> -> memref<1024xi32, #tpu.memory_space<hbm>>
          tpu.wait_dma2 semaphore(%arg15 : memref<!tpu.dma_semaphore, #tpu.memory_space<semaphore_mem>>) src(%dma_wait3A_242 : memref<1024xi32, #tpu.memory_space<hbm>>) dst(%arg8 : memref<1024xi32, #tpu.memory_space<vmem>>)
          %mul3A_243 = arith.constant 1024 : i32
          %mul3A_244 = arith.muli %add3A_237, %mul3A_243 : i32
          %add3A_245 = arith.addi %mul3A_0, %mul3A_244 : i32
          %dma_wait3A_246 = tpu.memref_slice %arg5[%add3A_245] : memref<819200xi32, #tpu.memory_space<hbm>> -> memref<1024xi32, #tpu.memory_space<hbm>>
          %dma_wait3A_247 = tpu.memref_slice %arg5[%add3A_245] : memref<819200xi32, #tpu.memory_space<hbm>> -> memref<1024xi32, #tpu.memory_space<hbm>>
          tpu.wait_dma2 semaphore(%arg15 : memref<!tpu.dma_semaphore, #tpu.memory_space<semaphore_mem>>) src(%dma_wait3A_247 : memref<1024xi32, #tpu.memory_space<hbm>>) dst(%arg10 : memref<1024xi32, #tpu.memory_space<vmem>>)
          %dma_start3A_248 = arith.constant 0 : i32
          %dma_start3A_249 = tpu.memref_slice %arg8[%dma_start3A_248] : memref<1024xi32, #tpu.memory_space<vmem>> -> memref<256xi32, #tpu.memory_space<vmem>>
          %dma_start3A_250 = arith.constant 0 : i32
          %dma_start3A_251 = arith.constant 0 : i32
          %dma_start3A_252 = tpu.memref_slice %arg3[%dma_start3A_250, %dma_start3A_251] : memref<50176x32xf32, #tpu.memory_space<hbm>> -> memref<50176x32xf32, #tpu.memory_space<hbm>>
          tpu.enqueue_indirect_dma source(%dma_start3A_252 : memref<50176x32xf32, #tpu.memory_space<hbm>>) target(%arg12 : memref<256x32xf32, #tpu.memory_space<vmem>>) offsets(%dma_start3A_249 : memref<256xi32, #tpu.memory_space<vmem>>) semaphore(%arg17 : memref<!tpu.dma_semaphore, #tpu.memory_space<semaphore_mem>>)
        } else {
        }
        %add3A_229 = arith.constant 2 : i32
        %add3A_230 = arith.addi %add3A_146, %add3A_229 : i32
        %lt3A_231 = arith.constant 50 : i32
        %lt3A_232 = arith.cmpi slt, %add3A_230, %lt3A_231 : i32
        %convert_element_type3A_233 = arith.extui %lt3A_232 : i1 to i32
        %cond3A_234 = arith.constant 0 : i32
        %cond3A_235 = arith.cmpi ne, %convert_element_type3A_233, %cond3A_234 : i32
        scf.if %cond3A_235 {
          %add3A_236 = arith.constant 2 : i32
          %add3A_237 = arith.addi %add3A_146, %add3A_236 : i32
          %mul3A_238 = arith.constant 1024 : i32
          %mul3A_239 = arith.muli %add3A_237, %mul3A_238 : i32
          %add3A_240 = arith.addi %mul3A_0, %mul3A_239 : i32
          %dma_start3A_241 = tpu.memref_slice %arg4[%add3A_240] : memref<819200xi32, #tpu.memory_space<hbm>> -> memref<1024xi32, #tpu.memory_space<hbm>>
          %dma_start3A_242 = tpu.memref_slice %arg4[%add3A_240] : memref<819200xi32, #tpu.memory_space<hbm>> -> memref<1024xi32, #tpu.memory_space<hbm>>
          tpu.enqueue_dma source(%dma_start3A_242 : memref<1024xi32, #tpu.memory_space<hbm>>) target(%arg9 : memref<1024xi32, #tpu.memory_space<vmem>>) target_semaphore(%arg16 : memref<!tpu.dma_semaphore, #tpu.memory_space<semaphore_mem>>)
          %mul3A_243 = arith.constant 1024 : i32
          %mul3A_244 = arith.muli %add3A_237, %mul3A_243 : i32
          %add3A_245 = arith.addi %mul3A_0, %mul3A_244 : i32
          %dma_start3A_246 = tpu.memref_slice %arg5[%add3A_245] : memref<819200xi32, #tpu.memory_space<hbm>> -> memref<1024xi32, #tpu.memory_space<hbm>>
          %dma_start3A_247 = tpu.memref_slice %arg5[%add3A_245] : memref<819200xi32, #tpu.memory_space<hbm>> -> memref<1024xi32, #tpu.memory_space<hbm>>
          tpu.enqueue_dma source(%dma_start3A_247 : memref<1024xi32, #tpu.memory_space<hbm>>) target(%arg11 : memref<1024xi32, #tpu.memory_space<vmem>>) target_semaphore(%arg16 : memref<!tpu.dma_semaphore, #tpu.memory_space<semaphore_mem>>)
        } else {
        }
      }
      %scan3A_42 = arith.constant 25 : i32
      %dma_wait3A_43 = arith.constant 0 : i32
      %dma_wait3A_44 = tpu.memref_slice %arg11[%dma_wait3A_43] : memref<1024xi32, #tpu.memory_space<vmem>> -> memref<256xi32, #tpu.memory_space<vmem>>
      %dma_wait3A_45 = arith.constant 0 : i32
      %dma_wait3A_46 = arith.constant 0 : i32
      %dma_wait3A_47 = tpu.memref_slice %arg14[%dma_wait3A_45, %dma_wait3A_46] : memref<50176x32xf32, #tpu.memory_space<vmem_shared>> -> memref<50176x32xf32, #tpu.memory_space<vmem_shared>>
      tpu.wait_indirect_dma semaphore(%arg20 : memref<!tpu.dma_semaphore, #tpu.memory_space<semaphore_mem>>) src(%arg13 : memref<256x32xf32, #tpu.memory_space<vmem>>) dst(%dma_wait3A_47 : memref<50176x32xf32, #tpu.memory_space<vmem_shared>>)
      %barrier3A_48 = arith.constant 0 : index
      tpu.barrier barrier_id(%barrier3A_48)
      %mul3A_49 = arith.constant 3136 : i32
      %mul3A_50 = arith.muli %arg1, %mul3A_49 : i32
      %mul3A_51 = arith.constant 3136 : i32
      %mul3A_52 = arith.muli %arg1, %mul3A_51 : i32
      "tpu.region"() ({
        %run_scoped3A = tpu.sem_alloc : memref<!tpu.dma_semaphore, #tpu.memory_space<semaphore_mem>>
        %dma_start3A_53 = arith.constant 0 : i32
        %dma_start3A_54 = tpu.memref_slice %arg7[%mul3A_52, %dma_start3A_53] : memref<50176x32xf32, #tpu.memory_space<hbm>> -> memref<3136x32xf32, #tpu.memory_space<hbm>>
        %dma_start3A_55 = arith.constant 0 : i32
        %dma_start3A_56 = tpu.memref_slice %arg14[%mul3A_50, %dma_start3A_55] : memref<50176x32xf32, #tpu.memory_space<vmem_shared>> -> memref<3136x32xf32, #tpu.memory_space<vmem_shared>>
        tpu.enqueue_dma source(%dma_start3A_56 : memref<3136x32xf32, #tpu.memory_space<vmem_shared>>) target(%dma_start3A_54 : memref<3136x32xf32, #tpu.memory_space<hbm>>) target_semaphore(%run_scoped3A : memref<!tpu.dma_semaphore, #tpu.memory_space<semaphore_mem>>)
        %dma_wait3A_57 = arith.constant 0 : i32
        %dma_wait3A_58 = tpu.memref_slice %arg7[%mul3A_52, %dma_wait3A_57] : memref<50176x32xf32, #tpu.memory_space<hbm>> -> memref<3136x32xf32, #tpu.memory_space<hbm>>
        %dma_wait3A_59 = arith.constant 0 : i32
        %dma_wait3A_60 = tpu.memref_slice %arg14[%mul3A_50, %dma_wait3A_59] : memref<50176x32xf32, #tpu.memory_space<vmem_shared>> -> memref<3136x32xf32, #tpu.memory_space<vmem_shared>>
        tpu.wait_dma2 semaphore(%run_scoped3A : memref<!tpu.dma_semaphore, #tpu.memory_space<semaphore_mem>>) src(%dma_wait3A_60 : memref<3136x32xf32, #tpu.memory_space<vmem_shared>>) dst(%dma_wait3A_58 : memref<3136x32xf32, #tpu.memory_space<hbm>>)
        tpu.yield
      }) : () -> ()
    } else {
    }
    return
  }
}

#map = affine_map<(d0, d1) -> (0, 0)>
#map1 = affine_map<(d0, d1) -> (0)>
module attributes {stable_mosaic.version = 14 : i64} {
  func.func @_sc_scatter_body(%arg0: i32, %arg1: i32, %arg2: memref<50176x32xf32, #tpu.memory_space<hbm>>, %arg3: memref<50176x32xf32, #tpu.memory_space<hbm>>, %arg4: memref<819200xi32, #tpu.memory_space<hbm>>, %arg5: memref<819200xi32, #tpu.memory_space<hbm>>, %arg6: memref<50176x32xf32, #tpu.memory_space<hbm>>, %arg7: memref<50176x32xf32, #tpu.memory_space<hbm>>, %arg8: memref<1024xi32, #tpu.memory_space<vmem>>, %arg9: memref<1024xi32, #tpu.memory_space<vmem>>, %arg10: memref<1024xi32, #tpu.memory_space<vmem>>, %arg11: memref<1024xi32, #tpu.memory_space<vmem>>, %arg12: memref<256x32xf32, #tpu.memory_space<vmem>>, %arg13: memref<256x32xf32, #tpu.memory_space<vmem>>, %arg14: memref<50176x32xf32, #tpu.memory_space<vmem_shared>>, %arg15: memref<!tpu.dma_semaphore, #tpu.memory_space<semaphore_mem>>, %arg16: memref<!tpu.dma_semaphore, #tpu.memory_space<semaphore_mem>>, %arg17: memref<!tpu.dma_semaphore, #tpu.memory_space<semaphore_mem>>, %arg18: memref<!tpu.dma_semaphore, #tpu.memory_space<semaphore_mem>>, %arg19: memref<!tpu.dma_semaphore, #tpu.memory_space<semaphore_mem>>, %arg20: memref<!tpu.dma_semaphore, #tpu.memory_space<semaphore_mem>>) attributes {dimension_semantics = [#tpu.dimension_semantics<core_parallel>, #tpu.dimension_semantics<subcore_parallel>], iteration_bounds = array<i64: 2, 16>, scalar_prefetch = 0 : i64, scratch_operands = 13 : i64, tpu.core_type = #tpu.core_type<sc_vector_subcore>, window_params = [{transform_indices = #map}, {transform_indices = #map}, {transform_indices = #map1}, {transform_indices = #map1}, {transform_indices = #map}, {transform_indices = #map}]} {
    %mul3A = arith.constant 51200 : i32
    %mul3A_0 = arith.muli %arg1, %mul3A : i32
    %eq3A = arith.constant 0 : i32
    %eq3A_1 = arith.cmpi eq, %arg0, %eq3A : i32
    %convert_element_type3A = arith.extui %eq3A_1 : i1 to i32
    %cond3A = arith.constant 0 : i32
    %cond3A_2 = arith.cmpi ne, %convert_element_type3A, %cond3A : i32
    scf.if %cond3A_2 {
      %add3A = arith.constant 0 : i32
      %add3A_8 = arith.addi %mul3A_0, %add3A : i32
      %dma_start3A = tpu.memref_slice %arg4[%add3A_8] : memref<819200xi32, #tpu.memory_space<hbm>> -> memref<1024xi32, #tpu.memory_space<hbm>>
      %dma_start3A_9 = tpu.memref_slice %arg4[%add3A_8] : memref<819200xi32, #tpu.memory_space<hbm>> -> memref<1024xi32, #tpu.memory_space<hbm>>
      tpu.enqueue_dma source(%dma_start3A_9 : memref<1024xi32, #tpu.memory_space<hbm>>) target(%arg8 : memref<1024xi32, #tpu.memory_space<vmem>>) target_semaphore(%arg15 : memref<!tpu.dma_semaphore, #tpu.memory_space<semaphore_mem>>)
      %add3A_10 = arith.constant 0 : i32
      %add3A_11 = arith.addi %mul3A_0, %add3A_10 : i32
      %dma_start3A_12 = tpu.memref_slice %arg5[%add3A_11] : memref<819200xi32, #tpu.memory_space<hbm>> -> memref<1024xi32, #tpu.memory_space<hbm>>
      %dma_start3A_13 = tpu.memref_slice %arg5[%add3A_11] : memref<819200xi32, #tpu.memory_space<hbm>> -> memref<1024xi32, #tpu.memory_space<hbm>>
      tpu.enqueue_dma source(%dma_start3A_13 : memref<1024xi32, #tpu.memory_space<hbm>>) target(%arg10 : memref<1024xi32, #tpu.memory_space<vmem>>) target_semaphore(%arg15 : memref<!tpu.dma_semaphore, #tpu.memory_space<semaphore_mem>>)
      %add3A_14 = arith.constant 1024 : i32
      %add3A_15 = arith.addi %mul3A_0, %add3A_14 : i32
      %dma_start3A_16 = tpu.memref_slice %arg4[%add3A_15] : memref<819200xi32, #tpu.memory_space<hbm>> -> memref<1024xi32, #tpu.memory_space<hbm>>
      %dma_start3A_17 = tpu.memref_slice %arg4[%add3A_15] : memref<819200xi32, #tpu.memory_space<hbm>> -> memref<1024xi32, #tpu.memory_space<hbm>>
      tpu.enqueue_dma source(%dma_start3A_17 : memref<1024xi32, #tpu.memory_space<hbm>>) target(%arg9 : memref<1024xi32, #tpu.memory_space<vmem>>) target_semaphore(%arg16 : memref<!tpu.dma_semaphore, #tpu.memory_space<semaphore_mem>>)
      %add3A_18 = arith.constant 1024 : i32
      %add3A_19 = arith.addi %mul3A_0, %add3A_18 : i32
      %dma_start3A_20 = tpu.memref_slice %arg5[%add3A_19] : memref<819200xi32, #tpu.memory_space<hbm>> -> memref<1024xi32, #tpu.memory_space<hbm>>
      %dma_start3A_21 = tpu.memref_slice %arg5[%add3A_19] : memref<819200xi32, #tpu.memory_space<hbm>> -> memref<1024xi32, #tpu.memory_space<hbm>>
      tpu.enqueue_dma source(%dma_start3A_21 : memref<1024xi32, #tpu.memory_space<hbm>>) target(%arg11 : memref<1024xi32, #tpu.memory_space<vmem>>) target_semaphore(%arg16 : memref<!tpu.dma_semaphore, #tpu.memory_space<semaphore_mem>>)
      %mul3A_22 = arith.constant 3136 : i32
      %mul3A_23 = arith.muli %arg1, %mul3A_22 : i32
      %mul3A_24 = arith.constant 3136 : i32
      %mul3A_25 = arith.muli %arg1, %mul3A_24 : i32
      "tpu.region"() ({
        %run_scoped3A = tpu.sem_alloc : memref<!tpu.dma_semaphore, #tpu.memory_space<semaphore_mem>>
        %dma_start3A_53 = arith.constant 0 : i32
        %dma_start3A_54 = tpu.memref_slice %arg14[%mul3A_25, %dma_start3A_53] : memref<50176x32xf32, #tpu.memory_space<vmem_shared>> -> memref<3136x32xf32, #tpu.memory_space<vmem_shared>>
        %dma_start3A_55 = arith.constant 0 : i32
        %dma_start3A_56 = tpu.memref_slice %arg2[%mul3A_23, %dma_start3A_55] : memref<50176x32xf32, #tpu.memory_space<hbm>> -> memref<3136x32xf32, #tpu.memory_space<hbm>>
        tpu.enqueue_dma source(%dma_start3A_56 : memref<3136x32xf32, #tpu.memory_space<hbm>>) target(%dma_start3A_54 : memref<3136x32xf32, #tpu.memory_space<vmem_shared>>) target_semaphore(%run_scoped3A : memref<!tpu.dma_semaphore, #tpu.memory_space<semaphore_mem>>)
        %dma_wait3A_57 = arith.constant 0 : i32
        %dma_wait3A_58 = tpu.memref_slice %arg14[%mul3A_25, %dma_wait3A_57] : memref<50176x32xf32, #tpu.memory_space<vmem_shared>> -> memref<3136x32xf32, #tpu.memory_space<vmem_shared>>
        %dma_wait3A_59 = arith.constant 0 : i32
        %dma_wait3A_60 = tpu.memref_slice %arg2[%mul3A_23, %dma_wait3A_59] : memref<50176x32xf32, #tpu.memory_space<hbm>> -> memref<3136x32xf32, #tpu.memory_space<hbm>>
        tpu.wait_dma2 semaphore(%run_scoped3A : memref<!tpu.dma_semaphore, #tpu.memory_space<semaphore_mem>>) src(%dma_wait3A_60 : memref<3136x32xf32, #tpu.memory_space<hbm>>) dst(%dma_wait3A_58 : memref<3136x32xf32, #tpu.memory_space<vmem_shared>>)
        tpu.yield
      }) : () -> ()
      %add3A_26 = arith.constant 0 : i32
      %add3A_27 = arith.addi %mul3A_0, %add3A_26 : i32
      %dma_wait3A = tpu.memref_slice %arg4[%add3A_27] : memref<819200xi32, #tpu.memory_space<hbm>> -> memref<1024xi32, #tpu.memory_space<hbm>>
      %dma_wait3A_28 = tpu.memref_slice %arg4[%add3A_27] : memref<819200xi32, #tpu.memory_space<hbm>> -> memref<1024xi32, #tpu.memory_space<hbm>>
      tpu.wait_dma2 semaphore(%arg15 : memref<!tpu.dma_semaphore, #tpu.memory_space<semaphore_mem>>) src(%dma_wait3A_28 : memref<1024xi32, #tpu.memory_space<hbm>>) dst(%arg8 : memref<1024xi32, #tpu.memory_space<vmem>>)
      %add3A_29 = arith.constant 0 : i32
      %add3A_30 = arith.addi %mul3A_0, %add3A_29 : i32
      %dma_wait3A_31 = tpu.memref_slice %arg5[%add3A_30] : memref<819200xi32, #tpu.memory_space<hbm>> -> memref<1024xi32, #tpu.memory_space<hbm>>
      %dma_wait3A_32 = tpu.memref_slice %arg5[%add3A_30] : memref<819200xi32, #tpu.memory_space<hbm>> -> memref<1024xi32, #tpu.memory_space<hbm>>
      tpu.wait_dma2 semaphore(%arg15 : memref<!tpu.dma_semaphore, #tpu.memory_space<semaphore_mem>>) src(%dma_wait3A_32 : memref<1024xi32, #tpu.memory_space<hbm>>) dst(%arg10 : memref<1024xi32, #tpu.memory_space<vmem>>)
      %barrier3A = arith.constant 0 : index
      tpu.barrier barrier_id(%barrier3A)
      %dma_start3A_33 = arith.constant 0 : i32
      %dma_start3A_34 = tpu.memref_slice %arg8[%dma_start3A_33] : memref<1024xi32, #tpu.memory_space<vmem>> -> memref<256xi32, #tpu.memory_space<vmem>>
      %dma_start3A_35 = arith.constant 0 : i32
      %dma_start3A_36 = arith.constant 0 : i32
      %dma_start3A_37 = tpu.memref_slice %arg2[%dma_start3A_35, %dma_start3A_36] : memref<50176x32xf32, #tpu.memory_space<hbm>> -> memref<50176x32xf32, #tpu.memory_space<hbm>>
      tpu.enqueue_indirect_dma source(%dma_start3A_37 : memref<50176x32xf32, #tpu.memory_space<hbm>>) target(%arg12 : memref<256x32xf32, #tpu.memory_space<vmem>>) offsets(%dma_start3A_34 : memref<256xi32, #tpu.memory_space<vmem>>) semaphore(%arg17 : memref<!tpu.dma_semaphore, #tpu.memory_space<semaphore_mem>>)
      %scan3A = arith.constant 0 : i32
      %scan3A_38 = arith.constant 0 : i32
      %scan3A_39 = arith.constant 25 : i32
      %scan3A_40 = arith.addi %scan3A_38, %scan3A_39 : i32
      %scan3A_41 = arith.constant 1 : i32
      scf.for %scan3A_53 = %scan3A_38 to %scan3A_40 step %scan3A_41  : i32 {
        %mul3A_54 = arith.constant 2 : i32
        %mul3A_55 = arith.muli %mul3A_54, %scan3A_53 : i32
        %dma_wait3A_56 = arith.constant 0 : i32
        %dma_wait3A_57 = tpu.memref_slice %arg8[%dma_wait3A_56] : memref<1024xi32, #tpu.memory_space<vmem>> -> memref<256xi32, #tpu.memory_space<vmem>>
        %dma_wait3A_58 = arith.constant 0 : i32
        %dma_wait3A_59 = arith.constant 0 : i32
        %dma_wait3A_60 = tpu.memref_slice %arg2[%dma_wait3A_58, %dma_wait3A_59] : memref<50176x32xf32, #tpu.memory_space<hbm>> -> memref<50176x32xf32, #tpu.memory_space<hbm>>
        tpu.wait_indirect_dma semaphore(%arg17 : memref<!tpu.dma_semaphore, #tpu.memory_space<semaphore_mem>>) src(%dma_wait3A_60 : memref<50176x32xf32, #tpu.memory_space<hbm>>) dst(%arg12 : memref<256x32xf32, #tpu.memory_space<vmem>>)
        %dma_start3A_61 = arith.constant 0 : i32
        %dma_start3A_62 = tpu.memref_slice %arg10[%dma_start3A_61] : memref<1024xi32, #tpu.memory_space<vmem>> -> memref<256xi32, #tpu.memory_space<vmem>>
        %dma_start3A_63 = arith.constant 0 : i32
        %dma_start3A_64 = arith.constant 0 : i32
        %dma_start3A_65 = tpu.memref_slice %arg14[%dma_start3A_63, %dma_start3A_64] : memref<50176x32xf32, #tpu.memory_space<vmem_shared>> -> memref<50176x32xf32, #tpu.memory_space<vmem_shared>>
        tpu.enqueue_indirect_dma source(%arg12 : memref<256x32xf32, #tpu.memory_space<vmem>>) target(%dma_start3A_65 : memref<50176x32xf32, #tpu.memory_space<vmem_shared>>) offsets(%dma_start3A_62 : memref<256xi32, #tpu.memory_space<vmem>>) semaphore(%arg19 : memref<!tpu.dma_semaphore, #tpu.memory_space<semaphore_mem>>) {add = true}
        %gt3A = arith.constant 0 : i32
        %gt3A_66 = arith.cmpi sgt, %mul3A_55, %gt3A : i32
        %convert_element_type3A_67 = arith.extui %gt3A_66 : i1 to i32
        %cond3A_68 = arith.constant 0 : i32
        %cond3A_69 = arith.cmpi ne, %convert_element_type3A_67, %cond3A_68 : i32
        scf.if %cond3A_69 {
          %dma_wait3A_236 = arith.constant 0 : i32
          %dma_wait3A_237 = tpu.memref_slice %arg10[%dma_wait3A_236] : memref<1024xi32, #tpu.memory_space<vmem>> -> memref<256xi32, #tpu.memory_space<vmem>>
          %dma_wait3A_238 = arith.constant 0 : i32
          %dma_wait3A_239 = arith.constant 0 : i32
          %dma_wait3A_240 = tpu.memref_slice %arg14[%dma_wait3A_238, %dma_wait3A_239] : memref<50176x32xf32, #tpu.memory_space<vmem_shared>> -> memref<50176x32xf32, #tpu.memory_space<vmem_shared>>
          tpu.wait_indirect_dma semaphore(%arg20 : memref<!tpu.dma_semaphore, #tpu.memory_space<semaphore_mem>>) src(%arg13 : memref<256x32xf32, #tpu.memory_space<vmem>>) dst(%dma_wait3A_240 : memref<50176x32xf32, #tpu.memory_space<vmem_shared>>)
        } else {
        }
        %dma_start3A_70 = arith.constant 256 : i32
        %dma_start3A_71 = tpu.memref_slice %arg8[%dma_start3A_70] : memref<1024xi32, #tpu.memory_space<vmem>> -> memref<256xi32, #tpu.memory_space<vmem>>
        %dma_start3A_72 = arith.constant 0 : i32
        %dma_start3A_73 = arith.constant 0 : i32
        %dma_start3A_74 = tpu.memref_slice %arg2[%dma_start3A_72, %dma_start3A_73] : memref<50176x32xf32, #tpu.memory_space<hbm>> -> memref<50176x32xf32, #tpu.memory_space<hbm>>
        tpu.enqueue_indirect_dma source(%dma_start3A_74 : memref<50176x32xf32, #tpu.memory_space<hbm>>) target(%arg13 : memref<256x32xf32, #tpu.memory_space<vmem>>) offsets(%dma_start3A_71 : memref<256xi32, #tpu.memory_space<vmem>>) semaphore(%arg18 : memref<!tpu.dma_semaphore, #tpu.memory_space<semaphore_mem>>)
        %dma_wait3A_75 = arith.constant 256 : i32
        %dma_wait3A_76 = tpu.memref_slice %arg8[%dma_wait3A_75] : memref<1024xi32, #tpu.memory_space<vmem>> -> memref<256xi32, #tpu.memory_space<vmem>>
        %dma_wait3A_77 = arith.constant 0 : i32
        %dma_wait3A_78 = arith.constant 0 : i32
        %dma_wait3A_79 = tpu.memref_slice %arg2[%dma_wait3A_77, %dma_wait3A_78] : memref<50176x32xf32, #tpu.memory_space<hbm>> -> memref<50176x32xf32, #tpu.memory_space<hbm>>
        tpu.wait_indirect_dma semaphore(%arg18 : memref<!tpu.dma_semaphore, #tpu.memory_space<semaphore_mem>>) src(%dma_wait3A_79 : memref<50176x32xf32, #tpu.memory_space<hbm>>) dst(%arg13 : memref<256x32xf32, #tpu.memory_space<vmem>>)
        %dma_start3A_80 = arith.constant 256 : i32
        %dma_start3A_81 = tpu.memref_slice %arg10[%dma_start3A_80] : memref<1024xi32, #tpu.memory_space<vmem>> -> memref<256xi32, #tpu.memory_space<vmem>>
        %dma_start3A_82 = arith.constant 0 : i32
        %dma_start3A_83 = arith.constant 0 : i32
        %dma_start3A_84 = tpu.memref_slice %arg14[%dma_start3A_82, %dma_start3A_83] : memref<50176x32xf32, #tpu.memory_space<vmem_shared>> -> memref<50176x32xf32, #tpu.memory_space<vmem_shared>>
        tpu.enqueue_indirect_dma source(%arg13 : memref<256x32xf32, #tpu.memory_space<vmem>>) target(%dma_start3A_84 : memref<50176x32xf32, #tpu.memory_space<vmem_shared>>) offsets(%dma_start3A_81 : memref<256xi32, #tpu.memory_space<vmem>>) semaphore(%arg20 : memref<!tpu.dma_semaphore, #tpu.memory_space<semaphore_mem>>) {add = true}
        %dma_wait3A_85 = arith.constant 0 : i32
        %dma_wait3A_86 = tpu.memref_slice %arg10[%dma_wait3A_85] : memref<1024xi32, #tpu.memory_space<vmem>> -> memref<256xi32, #tpu.memory_space<vmem>>
        %dma_wait3A_87 = arith.constant 0 : i32
        %dma_wait3A_88 = arith.constant 0 : i32
        %dma_wait3A_89 = tpu.memref_slice %arg14[%dma_wait3A_87, %dma_wait3A_88] : memref<50176x32xf32, #tpu.memory_space<vmem_shared>> -> memref<50176x32xf32, #tpu.memory_space<vmem_shared>>
        tpu.wait_indirect_dma semaphore(%arg19 : memref<!tpu.dma_semaphore, #tpu.memory_space<semaphore_mem>>) src(%arg12 : memref<256x32xf32, #tpu.memory_space<vmem>>) dst(%dma_wait3A_89 : memref<50176x32xf32, #tpu.memory_space<vmem_shared>>)
        %dma_start3A_90 = arith.constant 512 : i32
        %dma_start3A_91 = tpu.memref_slice %arg8[%dma_start3A_90] : memref<1024xi32, #tpu.memory_space<vmem>> -> memref<256xi32, #tpu.memory_space<vmem>>
        %dma_start3A_92 = arith.constant 0 : i32
        %dma_start3A_93 = arith.constant 0 : i32
        %dma_start3A_94 = tpu.memref_slice %arg2[%dma_start3A_92, %dma_start3A_93] : memref<50176x32xf32, #tpu.memory_space<hbm>> -> memref<50176x32xf32, #tpu.memory_space<hbm>>
        tpu.enqueue_indirect_dma source(%dma_start3A_94 : memref<50176x32xf32, #tpu.memory_space<hbm>>) target(%arg12 : memref<256x32xf32, #tpu.memory_space<vmem>>) offsets(%dma_start3A_91 : memref<256xi32, #tpu.memory_space<vmem>>) semaphore(%arg17 : memref<!tpu.dma_semaphore, #tpu.memory_space<semaphore_mem>>)
        %dma_wait3A_95 = arith.constant 512 : i32
        %dma_wait3A_96 = tpu.memref_slice %arg8[%dma_wait3A_95] : memref<1024xi32, #tpu.memory_space<vmem>> -> memref<256xi32, #tpu.memory_space<vmem>>
        %dma_wait3A_97 = arith.constant 0 : i32
        %dma_wait3A_98 = arith.constant 0 : i32
        %dma_wait3A_99 = tpu.memref_slice %arg2[%dma_wait3A_97, %dma_wait3A_98] : memref<50176x32xf32, #tpu.memory_space<hbm>> -> memref<50176x32xf32, #tpu.memory_space<hbm>>
        tpu.wait_indirect_dma semaphore(%arg17 : memref<!tpu.dma_semaphore, #tpu.memory_space<semaphore_mem>>) src(%dma_wait3A_99 : memref<50176x32xf32, #tpu.memory_space<hbm>>) dst(%arg12 : memref<256x32xf32, #tpu.memory_space<vmem>>)
        %dma_start3A_100 = arith.constant 512 : i32
        %dma_start3A_101 = tpu.memref_slice %arg10[%dma_start3A_100] : memref<1024xi32, #tpu.memory_space<vmem>> -> memref<256xi32, #tpu.memory_space<vmem>>
        %dma_start3A_102 = arith.constant 0 : i32
        %dma_start3A_103 = arith.constant 0 : i32
        %dma_start3A_104 = tpu.memref_slice %arg14[%dma_start3A_102, %dma_start3A_103] : memref<50176x32xf32, #tpu.memory_space<vmem_shared>> -> memref<50176x32xf32, #tpu.memory_space<vmem_shared>>
        tpu.enqueue_indirect_dma source(%arg12 : memref<256x32xf32, #tpu.memory_space<vmem>>) target(%dma_start3A_104 : memref<50176x32xf32, #tpu.memory_space<vmem_shared>>) offsets(%dma_start3A_101 : memref<256xi32, #tpu.memory_space<vmem>>) semaphore(%arg19 : memref<!tpu.dma_semaphore, #tpu.memory_space<semaphore_mem>>) {add = true}
        %dma_wait3A_105 = arith.constant 0 : i32
        %dma_wait3A_106 = tpu.memref_slice %arg10[%dma_wait3A_105] : memref<1024xi32, #tpu.memory_space<vmem>> -> memref<256xi32, #tpu.memory_space<vmem>>
        %dma_wait3A_107 = arith.constant 0 : i32
        %dma_wait3A_108 = arith.constant 0 : i32
        %dma_wait3A_109 = tpu.memref_slice %arg14[%dma_wait3A_107, %dma_wait3A_108] : memref<50176x32xf32, #tpu.memory_space<vmem_shared>> -> memref<50176x32xf32, #tpu.memory_space<vmem_shared>>
        tpu.wait_indirect_dma semaphore(%arg20 : memref<!tpu.dma_semaphore, #tpu.memory_space<semaphore_mem>>) src(%arg13 : memref<256x32xf32, #tpu.memory_space<vmem>>) dst(%dma_wait3A_109 : memref<50176x32xf32, #tpu.memory_space<vmem_shared>>)
        %dma_start3A_110 = arith.constant 768 : i32
        %dma_start3A_111 = tpu.memref_slice %arg8[%dma_start3A_110] : memref<1024xi32, #tpu.memory_space<vmem>> -> memref<256xi32, #tpu.memory_space<vmem>>
        %dma_start3A_112 = arith.constant 0 : i32
        %dma_start3A_113 = arith.constant 0 : i32
        %dma_start3A_114 = tpu.memref_slice %arg2[%dma_start3A_112, %dma_start3A_113] : memref<50176x32xf32, #tpu.memory_space<hbm>> -> memref<50176x32xf32, #tpu.memory_space<hbm>>
        tpu.enqueue_indirect_dma source(%dma_start3A_114 : memref<50176x32xf32, #tpu.memory_space<hbm>>) target(%arg13 : memref<256x32xf32, #tpu.memory_space<vmem>>) offsets(%dma_start3A_111 : memref<256xi32, #tpu.memory_space<vmem>>) semaphore(%arg18 : memref<!tpu.dma_semaphore, #tpu.memory_space<semaphore_mem>>)
        %dma_wait3A_115 = arith.constant 768 : i32
        %dma_wait3A_116 = tpu.memref_slice %arg8[%dma_wait3A_115] : memref<1024xi32, #tpu.memory_space<vmem>> -> memref<256xi32, #tpu.memory_space<vmem>>
        %dma_wait3A_117 = arith.constant 0 : i32
        %dma_wait3A_118 = arith.constant 0 : i32
        %dma_wait3A_119 = tpu.memref_slice %arg2[%dma_wait3A_117, %dma_wait3A_118] : memref<50176x32xf32, #tpu.memory_space<hbm>> -> memref<50176x32xf32, #tpu.memory_space<hbm>>
        tpu.wait_indirect_dma semaphore(%arg18 : memref<!tpu.dma_semaphore, #tpu.memory_space<semaphore_mem>>) src(%dma_wait3A_119 : memref<50176x32xf32, #tpu.memory_space<hbm>>) dst(%arg13 : memref<256x32xf32, #tpu.memory_space<vmem>>)
        %dma_start3A_120 = arith.constant 768 : i32
        %dma_start3A_121 = tpu.memref_slice %arg10[%dma_start3A_120] : memref<1024xi32, #tpu.memory_space<vmem>> -> memref<256xi32, #tpu.memory_space<vmem>>
        %dma_start3A_122 = arith.constant 0 : i32
        %dma_start3A_123 = arith.constant 0 : i32
        %dma_start3A_124 = tpu.memref_slice %arg14[%dma_start3A_122, %dma_start3A_123] : memref<50176x32xf32, #tpu.memory_space<vmem_shared>> -> memref<50176x32xf32, #tpu.memory_space<vmem_shared>>
        tpu.enqueue_indirect_dma source(%arg13 : memref<256x32xf32, #tpu.memory_space<vmem>>) target(%dma_start3A_124 : memref<50176x32xf32, #tpu.memory_space<vmem_shared>>) offsets(%dma_start3A_121 : memref<256xi32, #tpu.memory_space<vmem>>) semaphore(%arg20 : memref<!tpu.dma_semaphore, #tpu.memory_space<semaphore_mem>>) {add = true}
        %dma_wait3A_125 = arith.constant 0 : i32
        %dma_wait3A_126 = tpu.memref_slice %arg10[%dma_wait3A_125] : memref<1024xi32, #tpu.memory_space<vmem>> -> memref<256xi32, #tpu.memory_space<vmem>>
        %dma_wait3A_127 = arith.constant 0 : i32
        %dma_wait3A_128 = arith.constant 0 : i32
        %dma_wait3A_129 = tpu.memref_slice %arg14[%dma_wait3A_127, %dma_wait3A_128] : memref<50176x32xf32, #tpu.memory_space<vmem_shared>> -> memref<50176x32xf32, #tpu.memory_space<vmem_shared>>
        tpu.wait_indirect_dma semaphore(%arg19 : memref<!tpu.dma_semaphore, #tpu.memory_space<semaphore_mem>>) src(%arg12 : memref<256x32xf32, #tpu.memory_space<vmem>>) dst(%dma_wait3A_129 : memref<50176x32xf32, #tpu.memory_space<vmem_shared>>)
        %add3A_130 = arith.constant 1 : i32
        %add3A_131 = arith.addi %mul3A_55, %add3A_130 : i32
        %lt3A = arith.constant 50 : i32
        %lt3A_132 = arith.cmpi slt, %add3A_131, %lt3A : i32
        %convert_element_type3A_133 = arith.extui %lt3A_132 : i1 to i32
        %cond3A_134 = arith.constant 0 : i32
        %cond3A_135 = arith.cmpi ne, %convert_element_type3A_133, %cond3A_134 : i32
        scf.if %cond3A_135 {
          %add3A_236 = arith.constant 1 : i32
          %add3A_237 = arith.addi %mul3A_55, %add3A_236 : i32
          %mul3A_238 = arith.constant 1024 : i32
          %mul3A_239 = arith.muli %add3A_237, %mul3A_238 : i32
          %add3A_240 = arith.addi %mul3A_0, %mul3A_239 : i32
          %dma_wait3A_241 = tpu.memref_slice %arg4[%add3A_240] : memref<819200xi32, #tpu.memory_space<hbm>> -> memref<1024xi32, #tpu.memory_space<hbm>>
          %dma_wait3A_242 = tpu.memref_slice %arg4[%add3A_240] : memref<819200xi32, #tpu.memory_space<hbm>> -> memref<1024xi32, #tpu.memory_space<hbm>>
          tpu.wait_dma2 semaphore(%arg16 : memref<!tpu.dma_semaphore, #tpu.memory_space<semaphore_mem>>) src(%dma_wait3A_242 : memref<1024xi32, #tpu.memory_space<hbm>>) dst(%arg9 : memref<1024xi32, #tpu.memory_space<vmem>>)
          %mul3A_243 = arith.constant 1024 : i32
          %mul3A_244 = arith.muli %add3A_237, %mul3A_243 : i32
          %add3A_245 = arith.addi %mul3A_0, %mul3A_244 : i32
          %dma_wait3A_246 = tpu.memref_slice %arg5[%add3A_245] : memref<819200xi32, #tpu.memory_space<hbm>> -> memref<1024xi32, #tpu.memory_space<hbm>>
          %dma_wait3A_247 = tpu.memref_slice %arg5[%add3A_245] : memref<819200xi32, #tpu.memory_space<hbm>> -> memref<1024xi32, #tpu.memory_space<hbm>>
          tpu.wait_dma2 semaphore(%arg16 : memref<!tpu.dma_semaphore, #tpu.memory_space<semaphore_mem>>) src(%dma_wait3A_247 : memref<1024xi32, #tpu.memory_space<hbm>>) dst(%arg11 : memref<1024xi32, #tpu.memory_space<vmem>>)
          %dma_start3A_248 = arith.constant 0 : i32
          %dma_start3A_249 = tpu.memref_slice %arg9[%dma_start3A_248] : memref<1024xi32, #tpu.memory_space<vmem>> -> memref<256xi32, #tpu.memory_space<vmem>>
          %dma_start3A_250 = arith.constant 0 : i32
          %dma_start3A_251 = arith.constant 0 : i32
          %dma_start3A_252 = tpu.memref_slice %arg2[%dma_start3A_250, %dma_start3A_251] : memref<50176x32xf32, #tpu.memory_space<hbm>> -> memref<50176x32xf32, #tpu.memory_space<hbm>>
          tpu.enqueue_indirect_dma source(%dma_start3A_252 : memref<50176x32xf32, #tpu.memory_space<hbm>>) target(%arg12 : memref<256x32xf32, #tpu.memory_space<vmem>>) offsets(%dma_start3A_249 : memref<256xi32, #tpu.memory_space<vmem>>) semaphore(%arg17 : memref<!tpu.dma_semaphore, #tpu.memory_space<semaphore_mem>>)
        } else {
        }
        %add3A_136 = arith.constant 2 : i32
        %add3A_137 = arith.addi %mul3A_55, %add3A_136 : i32
        %lt3A_138 = arith.constant 50 : i32
        %lt3A_139 = arith.cmpi slt, %add3A_137, %lt3A_138 : i32
        %convert_element_type3A_140 = arith.extui %lt3A_139 : i1 to i32
        %cond3A_141 = arith.constant 0 : i32
        %cond3A_142 = arith.cmpi ne, %convert_element_type3A_140, %cond3A_141 : i32
        scf.if %cond3A_142 {
          %add3A_236 = arith.constant 2 : i32
          %add3A_237 = arith.addi %mul3A_55, %add3A_236 : i32
          %mul3A_238 = arith.constant 1024 : i32
          %mul3A_239 = arith.muli %add3A_237, %mul3A_238 : i32
          %add3A_240 = arith.addi %mul3A_0, %mul3A_239 : i32
          %dma_start3A_241 = tpu.memref_slice %arg4[%add3A_240] : memref<819200xi32, #tpu.memory_space<hbm>> -> memref<1024xi32, #tpu.memory_space<hbm>>
          %dma_start3A_242 = tpu.memref_slice %arg4[%add3A_240] : memref<819200xi32, #tpu.memory_space<hbm>> -> memref<1024xi32, #tpu.memory_space<hbm>>
          tpu.enqueue_dma source(%dma_start3A_242 : memref<1024xi32, #tpu.memory_space<hbm>>) target(%arg8 : memref<1024xi32, #tpu.memory_space<vmem>>) target_semaphore(%arg15 : memref<!tpu.dma_semaphore, #tpu.memory_space<semaphore_mem>>)
          %mul3A_243 = arith.constant 1024 : i32
          %mul3A_244 = arith.muli %add3A_237, %mul3A_243 : i32
          %add3A_245 = arith.addi %mul3A_0, %mul3A_244 : i32
          %dma_start3A_246 = tpu.memref_slice %arg5[%add3A_245] : memref<819200xi32, #tpu.memory_space<hbm>> -> memref<1024xi32, #tpu.memory_space<hbm>>
          %dma_start3A_247 = tpu.memref_slice %arg5[%add3A_245] : memref<819200xi32, #tpu.memory_space<hbm>> -> memref<1024xi32, #tpu.memory_space<hbm>>
          tpu.enqueue_dma source(%dma_start3A_247 : memref<1024xi32, #tpu.memory_space<hbm>>) target(%arg10 : memref<1024xi32, #tpu.memory_space<vmem>>) target_semaphore(%arg15 : memref<!tpu.dma_semaphore, #tpu.memory_space<semaphore_mem>>)
        } else {
        }
        %mul3A_143 = arith.constant 2 : i32
        %mul3A_144 = arith.muli %mul3A_143, %scan3A_53 : i32
        %add3A_145 = arith.constant 1 : i32
        %add3A_146 = arith.addi %mul3A_144, %add3A_145 : i32
        %dma_wait3A_147 = arith.constant 0 : i32
        %dma_wait3A_148 = tpu.memref_slice %arg9[%dma_wait3A_147] : memref<1024xi32, #tpu.memory_space<vmem>> -> memref<256xi32, #tpu.memory_space<vmem>>
        %dma_wait3A_149 = arith.constant 0 : i32
        %dma_wait3A_150 = arith.constant 0 : i32
        %dma_wait3A_151 = tpu.memref_slice %arg2[%dma_wait3A_149, %dma_wait3A_150] : memref<50176x32xf32, #tpu.memory_space<hbm>> -> memref<50176x32xf32, #tpu.memory_space<hbm>>
        tpu.wait_indirect_dma semaphore(%arg17 : memref<!tpu.dma_semaphore, #tpu.memory_space<semaphore_mem>>) src(%dma_wait3A_151 : memref<50176x32xf32, #tpu.memory_space<hbm>>) dst(%arg12 : memref<256x32xf32, #tpu.memory_space<vmem>>)
        %dma_start3A_152 = arith.constant 0 : i32
        %dma_start3A_153 = tpu.memref_slice %arg11[%dma_start3A_152] : memref<1024xi32, #tpu.memory_space<vmem>> -> memref<256xi32, #tpu.memory_space<vmem>>
        %dma_start3A_154 = arith.constant 0 : i32
        %dma_start3A_155 = arith.constant 0 : i32
        %dma_start3A_156 = tpu.memref_slice %arg14[%dma_start3A_154, %dma_start3A_155] : memref<50176x32xf32, #tpu.memory_space<vmem_shared>> -> memref<50176x32xf32, #tpu.memory_space<vmem_shared>>
        tpu.enqueue_indirect_dma source(%arg12 : memref<256x32xf32, #tpu.memory_space<vmem>>) target(%dma_start3A_156 : memref<50176x32xf32, #tpu.memory_space<vmem_shared>>) offsets(%dma_start3A_153 : memref<256xi32, #tpu.memory_space<vmem>>) semaphore(%arg19 : memref<!tpu.dma_semaphore, #tpu.memory_space<semaphore_mem>>) {add = true}
        %dma_wait3A_157 = arith.constant 0 : i32
        %dma_wait3A_158 = tpu.memref_slice %arg11[%dma_wait3A_157] : memref<1024xi32, #tpu.memory_space<vmem>> -> memref<256xi32, #tpu.memory_space<vmem>>
        %dma_wait3A_159 = arith.constant 0 : i32
        %dma_wait3A_160 = arith.constant 0 : i32
        %dma_wait3A_161 = tpu.memref_slice %arg14[%dma_wait3A_159, %dma_wait3A_160] : memref<50176x32xf32, #tpu.memory_space<vmem_shared>> -> memref<50176x32xf32, #tpu.memory_space<vmem_shared>>
        tpu.wait_indirect_dma semaphore(%arg20 : memref<!tpu.dma_semaphore, #tpu.memory_space<semaphore_mem>>) src(%arg13 : memref<256x32xf32, #tpu.memory_space<vmem>>) dst(%dma_wait3A_161 : memref<50176x32xf32, #tpu.memory_space<vmem_shared>>)
        %dma_start3A_162 = arith.constant 256 : i32
        %dma_start3A_163 = tpu.memref_slice %arg9[%dma_start3A_162] : memref<1024xi32, #tpu.memory_space<vmem>> -> memref<256xi32, #tpu.memory_space<vmem>>
        %dma_start3A_164 = arith.constant 0 : i32
        %dma_start3A_165 = arith.constant 0 : i32
        %dma_start3A_166 = tpu.memref_slice %arg2[%dma_start3A_164, %dma_start3A_165] : memref<50176x32xf32, #tpu.memory_space<hbm>> -> memref<50176x32xf32, #tpu.memory_space<hbm>>
        tpu.enqueue_indirect_dma source(%dma_start3A_166 : memref<50176x32xf32, #tpu.memory_space<hbm>>) target(%arg13 : memref<256x32xf32, #tpu.memory_space<vmem>>) offsets(%dma_start3A_163 : memref<256xi32, #tpu.memory_space<vmem>>) semaphore(%arg18 : memref<!tpu.dma_semaphore, #tpu.memory_space<semaphore_mem>>)
        %dma_wait3A_167 = arith.constant 256 : i32
        %dma_wait3A_168 = tpu.memref_slice %arg9[%dma_wait3A_167] : memref<1024xi32, #tpu.memory_space<vmem>> -> memref<256xi32, #tpu.memory_space<vmem>>
        %dma_wait3A_169 = arith.constant 0 : i32
        %dma_wait3A_170 = arith.constant 0 : i32
        %dma_wait3A_171 = tpu.memref_slice %arg2[%dma_wait3A_169, %dma_wait3A_170] : memref<50176x32xf32, #tpu.memory_space<hbm>> -> memref<50176x32xf32, #tpu.memory_space<hbm>>
        tpu.wait_indirect_dma semaphore(%arg18 : memref<!tpu.dma_semaphore, #tpu.memory_space<semaphore_mem>>) src(%dma_wait3A_171 : memref<50176x32xf32, #tpu.memory_space<hbm>>) dst(%arg13 : memref<256x32xf32, #tpu.memory_space<vmem>>)
        %dma_start3A_172 = arith.constant 256 : i32
        %dma_start3A_173 = tpu.memref_slice %arg11[%dma_start3A_172] : memref<1024xi32, #tpu.memory_space<vmem>> -> memref<256xi32, #tpu.memory_space<vmem>>
        %dma_start3A_174 = arith.constant 0 : i32
        %dma_start3A_175 = arith.constant 0 : i32
        %dma_start3A_176 = tpu.memref_slice %arg14[%dma_start3A_174, %dma_start3A_175] : memref<50176x32xf32, #tpu.memory_space<vmem_shared>> -> memref<50176x32xf32, #tpu.memory_space<vmem_shared>>
        tpu.enqueue_indirect_dma source(%arg13 : memref<256x32xf32, #tpu.memory_space<vmem>>) target(%dma_start3A_176 : memref<50176x32xf32, #tpu.memory_space<vmem_shared>>) offsets(%dma_start3A_173 : memref<256xi32, #tpu.memory_space<vmem>>) semaphore(%arg20 : memref<!tpu.dma_semaphore, #tpu.memory_space<semaphore_mem>>) {add = true}
        %dma_wait3A_177 = arith.constant 0 : i32
        %dma_wait3A_178 = tpu.memref_slice %arg11[%dma_wait3A_177] : memref<1024xi32, #tpu.memory_space<vmem>> -> memref<256xi32, #tpu.memory_space<vmem>>
        %dma_wait3A_179 = arith.constant 0 : i32
        %dma_wait3A_180 = arith.constant 0 : i32
        %dma_wait3A_181 = tpu.memref_slice %arg14[%dma_wait3A_179, %dma_wait3A_180] : memref<50176x32xf32, #tpu.memory_space<vmem_shared>> -> memref<50176x32xf32, #tpu.memory_space<vmem_shared>>
        tpu.wait_indirect_dma semaphore(%arg19 : memref<!tpu.dma_semaphore, #tpu.memory_space<semaphore_mem>>) src(%arg12 : memref<256x32xf32, #tpu.memory_space<vmem>>) dst(%dma_wait3A_181 : memref<50176x32xf32, #tpu.memory_space<vmem_shared>>)
        %dma_start3A_182 = arith.constant 512 : i32
        %dma_start3A_183 = tpu.memref_slice %arg9[%dma_start3A_182] : memref<1024xi32, #tpu.memory_space<vmem>> -> memref<256xi32, #tpu.memory_space<vmem>>
        %dma_start3A_184 = arith.constant 0 : i32
        %dma_start3A_185 = arith.constant 0 : i32
        %dma_start3A_186 = tpu.memref_slice %arg2[%dma_start3A_184, %dma_start3A_185] : memref<50176x32xf32, #tpu.memory_space<hbm>> -> memref<50176x32xf32, #tpu.memory_space<hbm>>
        tpu.enqueue_indirect_dma source(%dma_start3A_186 : memref<50176x32xf32, #tpu.memory_space<hbm>>) target(%arg12 : memref<256x32xf32, #tpu.memory_space<vmem>>) offsets(%dma_start3A_183 : memref<256xi32, #tpu.memory_space<vmem>>) semaphore(%arg17 : memref<!tpu.dma_semaphore, #tpu.memory_space<semaphore_mem>>)
        %dma_wait3A_187 = arith.constant 512 : i32
        %dma_wait3A_188 = tpu.memref_slice %arg9[%dma_wait3A_187] : memref<1024xi32, #tpu.memory_space<vmem>> -> memref<256xi32, #tpu.memory_space<vmem>>
        %dma_wait3A_189 = arith.constant 0 : i32
        %dma_wait3A_190 = arith.constant 0 : i32
        %dma_wait3A_191 = tpu.memref_slice %arg2[%dma_wait3A_189, %dma_wait3A_190] : memref<50176x32xf32, #tpu.memory_space<hbm>> -> memref<50176x32xf32, #tpu.memory_space<hbm>>
        tpu.wait_indirect_dma semaphore(%arg17 : memref<!tpu.dma_semaphore, #tpu.memory_space<semaphore_mem>>) src(%dma_wait3A_191 : memref<50176x32xf32, #tpu.memory_space<hbm>>) dst(%arg12 : memref<256x32xf32, #tpu.memory_space<vmem>>)
        %dma_start3A_192 = arith.constant 512 : i32
        %dma_start3A_193 = tpu.memref_slice %arg11[%dma_start3A_192] : memref<1024xi32, #tpu.memory_space<vmem>> -> memref<256xi32, #tpu.memory_space<vmem>>
        %dma_start3A_194 = arith.constant 0 : i32
        %dma_start3A_195 = arith.constant 0 : i32
        %dma_start3A_196 = tpu.memref_slice %arg14[%dma_start3A_194, %dma_start3A_195] : memref<50176x32xf32, #tpu.memory_space<vmem_shared>> -> memref<50176x32xf32, #tpu.memory_space<vmem_shared>>
        tpu.enqueue_indirect_dma source(%arg12 : memref<256x32xf32, #tpu.memory_space<vmem>>) target(%dma_start3A_196 : memref<50176x32xf32, #tpu.memory_space<vmem_shared>>) offsets(%dma_start3A_193 : memref<256xi32, #tpu.memory_space<vmem>>) semaphore(%arg19 : memref<!tpu.dma_semaphore, #tpu.memory_space<semaphore_mem>>) {add = true}
        %dma_wait3A_197 = arith.constant 0 : i32
        %dma_wait3A_198 = tpu.memref_slice %arg11[%dma_wait3A_197] : memref<1024xi32, #tpu.memory_space<vmem>> -> memref<256xi32, #tpu.memory_space<vmem>>
        %dma_wait3A_199 = arith.constant 0 : i32
        %dma_wait3A_200 = arith.constant 0 : i32
        %dma_wait3A_201 = tpu.memref_slice %arg14[%dma_wait3A_199, %dma_wait3A_200] : memref<50176x32xf32, #tpu.memory_space<vmem_shared>> -> memref<50176x32xf32, #tpu.memory_space<vmem_shared>>
        tpu.wait_indirect_dma semaphore(%arg20 : memref<!tpu.dma_semaphore, #tpu.memory_space<semaphore_mem>>) src(%arg13 : memref<256x32xf32, #tpu.memory_space<vmem>>) dst(%dma_wait3A_201 : memref<50176x32xf32, #tpu.memory_space<vmem_shared>>)
        %dma_start3A_202 = arith.constant 768 : i32
        %dma_start3A_203 = tpu.memref_slice %arg9[%dma_start3A_202] : memref<1024xi32, #tpu.memory_space<vmem>> -> memref<256xi32, #tpu.memory_space<vmem>>
        %dma_start3A_204 = arith.constant 0 : i32
        %dma_start3A_205 = arith.constant 0 : i32
        %dma_start3A_206 = tpu.memref_slice %arg2[%dma_start3A_204, %dma_start3A_205] : memref<50176x32xf32, #tpu.memory_space<hbm>> -> memref<50176x32xf32, #tpu.memory_space<hbm>>
        tpu.enqueue_indirect_dma source(%dma_start3A_206 : memref<50176x32xf32, #tpu.memory_space<hbm>>) target(%arg13 : memref<256x32xf32, #tpu.memory_space<vmem>>) offsets(%dma_start3A_203 : memref<256xi32, #tpu.memory_space<vmem>>) semaphore(%arg18 : memref<!tpu.dma_semaphore, #tpu.memory_space<semaphore_mem>>)
        %dma_wait3A_207 = arith.constant 768 : i32
        %dma_wait3A_208 = tpu.memref_slice %arg9[%dma_wait3A_207] : memref<1024xi32, #tpu.memory_space<vmem>> -> memref<256xi32, #tpu.memory_space<vmem>>
        %dma_wait3A_209 = arith.constant 0 : i32
        %dma_wait3A_210 = arith.constant 0 : i32
        %dma_wait3A_211 = tpu.memref_slice %arg2[%dma_wait3A_209, %dma_wait3A_210] : memref<50176x32xf32, #tpu.memory_space<hbm>> -> memref<50176x32xf32, #tpu.memory_space<hbm>>
        tpu.wait_indirect_dma semaphore(%arg18 : memref<!tpu.dma_semaphore, #tpu.memory_space<semaphore_mem>>) src(%dma_wait3A_211 : memref<50176x32xf32, #tpu.memory_space<hbm>>) dst(%arg13 : memref<256x32xf32, #tpu.memory_space<vmem>>)
        %dma_start3A_212 = arith.constant 768 : i32
        %dma_start3A_213 = tpu.memref_slice %arg11[%dma_start3A_212] : memref<1024xi32, #tpu.memory_space<vmem>> -> memref<256xi32, #tpu.memory_space<vmem>>
        %dma_start3A_214 = arith.constant 0 : i32
        %dma_start3A_215 = arith.constant 0 : i32
        %dma_start3A_216 = tpu.memref_slice %arg14[%dma_start3A_214, %dma_start3A_215] : memref<50176x32xf32, #tpu.memory_space<vmem_shared>> -> memref<50176x32xf32, #tpu.memory_space<vmem_shared>>
        tpu.enqueue_indirect_dma source(%arg13 : memref<256x32xf32, #tpu.memory_space<vmem>>) target(%dma_start3A_216 : memref<50176x32xf32, #tpu.memory_space<vmem_shared>>) offsets(%dma_start3A_213 : memref<256xi32, #tpu.memory_space<vmem>>) semaphore(%arg20 : memref<!tpu.dma_semaphore, #tpu.memory_space<semaphore_mem>>) {add = true}
        %dma_wait3A_217 = arith.constant 0 : i32
        %dma_wait3A_218 = tpu.memref_slice %arg11[%dma_wait3A_217] : memref<1024xi32, #tpu.memory_space<vmem>> -> memref<256xi32, #tpu.memory_space<vmem>>
        %dma_wait3A_219 = arith.constant 0 : i32
        %dma_wait3A_220 = arith.constant 0 : i32
        %dma_wait3A_221 = tpu.memref_slice %arg14[%dma_wait3A_219, %dma_wait3A_220] : memref<50176x32xf32, #tpu.memory_space<vmem_shared>> -> memref<50176x32xf32, #tpu.memory_space<vmem_shared>>
        tpu.wait_indirect_dma semaphore(%arg19 : memref<!tpu.dma_semaphore, #tpu.memory_space<semaphore_mem>>) src(%arg12 : memref<256x32xf32, #tpu.memory_space<vmem>>) dst(%dma_wait3A_221 : memref<50176x32xf32, #tpu.memory_space<vmem_shared>>)
        %add3A_222 = arith.constant 1 : i32
        %add3A_223 = arith.addi %add3A_146, %add3A_222 : i32
        %lt3A_224 = arith.constant 50 : i32
        %lt3A_225 = arith.cmpi slt, %add3A_223, %lt3A_224 : i32
        %convert_element_type3A_226 = arith.extui %lt3A_225 : i1 to i32
        %cond3A_227 = arith.constant 0 : i32
        %cond3A_228 = arith.cmpi ne, %convert_element_type3A_226, %cond3A_227 : i32
        scf.if %cond3A_228 {
          %add3A_236 = arith.constant 1 : i32
          %add3A_237 = arith.addi %add3A_146, %add3A_236 : i32
          %mul3A_238 = arith.constant 1024 : i32
          %mul3A_239 = arith.muli %add3A_237, %mul3A_238 : i32
          %add3A_240 = arith.addi %mul3A_0, %mul3A_239 : i32
          %dma_wait3A_241 = tpu.memref_slice %arg4[%add3A_240] : memref<819200xi32, #tpu.memory_space<hbm>> -> memref<1024xi32, #tpu.memory_space<hbm>>
          %dma_wait3A_242 = tpu.memref_slice %arg4[%add3A_240] : memref<819200xi32, #tpu.memory_space<hbm>> -> memref<1024xi32, #tpu.memory_space<hbm>>
          tpu.wait_dma2 semaphore(%arg15 : memref<!tpu.dma_semaphore, #tpu.memory_space<semaphore_mem>>) src(%dma_wait3A_242 : memref<1024xi32, #tpu.memory_space<hbm>>) dst(%arg8 : memref<1024xi32, #tpu.memory_space<vmem>>)
          %mul3A_243 = arith.constant 1024 : i32
          %mul3A_244 = arith.muli %add3A_237, %mul3A_243 : i32
          %add3A_245 = arith.addi %mul3A_0, %mul3A_244 : i32
          %dma_wait3A_246 = tpu.memref_slice %arg5[%add3A_245] : memref<819200xi32, #tpu.memory_space<hbm>> -> memref<1024xi32, #tpu.memory_space<hbm>>
          %dma_wait3A_247 = tpu.memref_slice %arg5[%add3A_245] : memref<819200xi32, #tpu.memory_space<hbm>> -> memref<1024xi32, #tpu.memory_space<hbm>>
          tpu.wait_dma2 semaphore(%arg15 : memref<!tpu.dma_semaphore, #tpu.memory_space<semaphore_mem>>) src(%dma_wait3A_247 : memref<1024xi32, #tpu.memory_space<hbm>>) dst(%arg10 : memref<1024xi32, #tpu.memory_space<vmem>>)
          %dma_start3A_248 = arith.constant 0 : i32
          %dma_start3A_249 = tpu.memref_slice %arg8[%dma_start3A_248] : memref<1024xi32, #tpu.memory_space<vmem>> -> memref<256xi32, #tpu.memory_space<vmem>>
          %dma_start3A_250 = arith.constant 0 : i32
          %dma_start3A_251 = arith.constant 0 : i32
          %dma_start3A_252 = tpu.memref_slice %arg2[%dma_start3A_250, %dma_start3A_251] : memref<50176x32xf32, #tpu.memory_space<hbm>> -> memref<50176x32xf32, #tpu.memory_space<hbm>>
          tpu.enqueue_indirect_dma source(%dma_start3A_252 : memref<50176x32xf32, #tpu.memory_space<hbm>>) target(%arg12 : memref<256x32xf32, #tpu.memory_space<vmem>>) offsets(%dma_start3A_249 : memref<256xi32, #tpu.memory_space<vmem>>) semaphore(%arg17 : memref<!tpu.dma_semaphore, #tpu.memory_space<semaphore_mem>>)
        } else {
        }
        %add3A_229 = arith.constant 2 : i32
        %add3A_230 = arith.addi %add3A_146, %add3A_229 : i32
        %lt3A_231 = arith.constant 50 : i32
        %lt3A_232 = arith.cmpi slt, %add3A_230, %lt3A_231 : i32
        %convert_element_type3A_233 = arith.extui %lt3A_232 : i1 to i32
        %cond3A_234 = arith.constant 0 : i32
        %cond3A_235 = arith.cmpi ne, %convert_element_type3A_233, %cond3A_234 : i32
        scf.if %cond3A_235 {
          %add3A_236 = arith.constant 2 : i32
          %add3A_237 = arith.addi %add3A_146, %add3A_236 : i32
          %mul3A_238 = arith.constant 1024 : i32
          %mul3A_239 = arith.muli %add3A_237, %mul3A_238 : i32
          %add3A_240 = arith.addi %mul3A_0, %mul3A_239 : i32
          %dma_start3A_241 = tpu.memref_slice %arg4[%add3A_240] : memref<819200xi32, #tpu.memory_space<hbm>> -> memref<1024xi32, #tpu.memory_space<hbm>>
          %dma_start3A_242 = tpu.memref_slice %arg4[%add3A_240] : memref<819200xi32, #tpu.memory_space<hbm>> -> memref<1024xi32, #tpu.memory_space<hbm>>
          tpu.enqueue_dma source(%dma_start3A_242 : memref<1024xi32, #tpu.memory_space<hbm>>) target(%arg9 : memref<1024xi32, #tpu.memory_space<vmem>>) target_semaphore(%arg16 : memref<!tpu.dma_semaphore, #tpu.memory_space<semaphore_mem>>)
          %mul3A_243 = arith.constant 1024 : i32
          %mul3A_244 = arith.muli %add3A_237, %mul3A_243 : i32
          %add3A_245 = arith.addi %mul3A_0, %mul3A_244 : i32
          %dma_start3A_246 = tpu.memref_slice %arg5[%add3A_245] : memref<819200xi32, #tpu.memory_space<hbm>> -> memref<1024xi32, #tpu.memory_space<hbm>>
          %dma_start3A_247 = tpu.memref_slice %arg5[%add3A_245] : memref<819200xi32, #tpu.memory_space<hbm>> -> memref<1024xi32, #tpu.memory_space<hbm>>
          tpu.enqueue_dma source(%dma_start3A_247 : memref<1024xi32, #tpu.memory_space<hbm>>) target(%arg11 : memref<1024xi32, #tpu.memory_space<vmem>>) target_semaphore(%arg16 : memref<!tpu.dma_semaphore, #tpu.memory_space<semaphore_mem>>)
        } else {
        }
      }
      %scan3A_42 = arith.constant 25 : i32
      %dma_wait3A_43 = arith.constant 0 : i32
      %dma_wait3A_44 = tpu.memref_slice %arg11[%dma_wait3A_43] : memref<1024xi32, #tpu.memory_space<vmem>> -> memref<256xi32, #tpu.memory_space<vmem>>
      %dma_wait3A_45 = arith.constant 0 : i32
      %dma_wait3A_46 = arith.constant 0 : i32
      %dma_wait3A_47 = tpu.memref_slice %arg14[%dma_wait3A_45, %dma_wait3A_46] : memref<50176x32xf32, #tpu.memory_space<vmem_shared>> -> memref<50176x32xf32, #tpu.memory_space<vmem_shared>>
      tpu.wait_indirect_dma semaphore(%arg20 : memref<!tpu.dma_semaphore, #tpu.memory_space<semaphore_mem>>) src(%arg13 : memref<256x32xf32, #tpu.memory_space<vmem>>) dst(%dma_wait3A_47 : memref<50176x32xf32, #tpu.memory_space<vmem_shared>>)
      %barrier3A_48 = arith.constant 0 : index
      tpu.barrier barrier_id(%barrier3A_48)
      %mul3A_49 = arith.constant 3136 : i32
      %mul3A_50 = arith.muli %arg1, %mul3A_49 : i32
      %mul3A_51 = arith.constant 3136 : i32
      %mul3A_52 = arith.muli %arg1, %mul3A_51 : i32
      "tpu.region"() ({
        %run_scoped3A = tpu.sem_alloc : memref<!tpu.dma_semaphore, #tpu.memory_space<semaphore_mem>>
        %dma_start3A_53 = arith.constant 0 : i32
        %dma_start3A_54 = tpu.memref_slice %arg6[%mul3A_52, %dma_start3A_53] : memref<50176x32xf32, #tpu.memory_space<hbm>> -> memref<3136x32xf32, #tpu.memory_space<hbm>>
        %dma_start3A_55 = arith.constant 0 : i32
        %dma_start3A_56 = tpu.memref_slice %arg14[%mul3A_50, %dma_start3A_55] : memref<50176x32xf32, #tpu.memory_space<vmem_shared>> -> memref<3136x32xf32, #tpu.memory_space<vmem_shared>>
        tpu.enqueue_dma source(%dma_start3A_56 : memref<3136x32xf32, #tpu.memory_space<vmem_shared>>) target(%dma_start3A_54 : memref<3136x32xf32, #tpu.memory_space<hbm>>) target_semaphore(%run_scoped3A : memref<!tpu.dma_semaphore, #tpu.memory_space<semaphore_mem>>)
        %dma_wait3A_57 = arith.constant 0 : i32
        %dma_wait3A_58 = tpu.memref_slice %arg6[%mul3A_52, %dma_wait3A_57] : memref<50176x32xf32, #tpu.memory_space<hbm>> -> memref<3136x32xf32, #tpu.memory_space<hbm>>
        %dma_wait3A_59 = arith.constant 0 : i32
        %dma_wait3A_60 = tpu.memref_slice %arg14[%mul3A_50, %dma_wait3A_59] : memref<50176x32xf32, #tpu.memory_space<vmem_shared>> -> memref<3136x32xf32, #tpu.memory_space<vmem_shared>>
        tpu.wait_dma2 semaphore(%run_scoped3A : memref<!tpu.dma_semaphore, #tpu.memory_space<semaphore_mem>>) src(%dma_wait3A_60 : memref<3136x32xf32, #tpu.memory_space<vmem_shared>>) dst(%dma_wait3A_58 : memref<3136x32xf32, #tpu.memory_space<hbm>>)
        tpu.yield
      }) : () -> ()
    } else {
    }
    %eq3A_3 = arith.constant 1 : i32
    %eq3A_4 = arith.cmpi eq, %arg0, %eq3A_3 : i32
    %convert_element_type3A_5 = arith.extui %eq3A_4 : i1 to i32
    %cond3A_6 = arith.constant 0 : i32
    %cond3A_7 = arith.cmpi ne, %convert_element_type3A_5, %cond3A_6 : i32
    scf.if %cond3A_7 {
      %add3A = arith.constant 0 : i32
      %add3A_8 = arith.addi %mul3A_0, %add3A : i32
      %dma_start3A = tpu.memref_slice %arg4[%add3A_8] : memref<819200xi32, #tpu.memory_space<hbm>> -> memref<1024xi32, #tpu.memory_space<hbm>>
      %dma_start3A_9 = tpu.memref_slice %arg4[%add3A_8] : memref<819200xi32, #tpu.memory_space<hbm>> -> memref<1024xi32, #tpu.memory_space<hbm>>
      tpu.enqueue_dma source(%dma_start3A_9 : memref<1024xi32, #tpu.memory_space<hbm>>) target(%arg8 : memref<1024xi32, #tpu.memory_space<vmem>>) target_semaphore(%arg15 : memref<!tpu.dma_semaphore, #tpu.memory_space<semaphore_mem>>)
      %add3A_10 = arith.constant 0 : i32
      %add3A_11 = arith.addi %mul3A_0, %add3A_10 : i32
      %dma_start3A_12 = tpu.memref_slice %arg5[%add3A_11] : memref<819200xi32, #tpu.memory_space<hbm>> -> memref<1024xi32, #tpu.memory_space<hbm>>
      %dma_start3A_13 = tpu.memref_slice %arg5[%add3A_11] : memref<819200xi32, #tpu.memory_space<hbm>> -> memref<1024xi32, #tpu.memory_space<hbm>>
      tpu.enqueue_dma source(%dma_start3A_13 : memref<1024xi32, #tpu.memory_space<hbm>>) target(%arg10 : memref<1024xi32, #tpu.memory_space<vmem>>) target_semaphore(%arg15 : memref<!tpu.dma_semaphore, #tpu.memory_space<semaphore_mem>>)
      %add3A_14 = arith.constant 1024 : i32
      %add3A_15 = arith.addi %mul3A_0, %add3A_14 : i32
      %dma_start3A_16 = tpu.memref_slice %arg4[%add3A_15] : memref<819200xi32, #tpu.memory_space<hbm>> -> memref<1024xi32, #tpu.memory_space<hbm>>
      %dma_start3A_17 = tpu.memref_slice %arg4[%add3A_15] : memref<819200xi32, #tpu.memory_space<hbm>> -> memref<1024xi32, #tpu.memory_space<hbm>>
      tpu.enqueue_dma source(%dma_start3A_17 : memref<1024xi32, #tpu.memory_space<hbm>>) target(%arg9 : memref<1024xi32, #tpu.memory_space<vmem>>) target_semaphore(%arg16 : memref<!tpu.dma_semaphore, #tpu.memory_space<semaphore_mem>>)
      %add3A_18 = arith.constant 1024 : i32
      %add3A_19 = arith.addi %mul3A_0, %add3A_18 : i32
      %dma_start3A_20 = tpu.memref_slice %arg5[%add3A_19] : memref<819200xi32, #tpu.memory_space<hbm>> -> memref<1024xi32, #tpu.memory_space<hbm>>
      %dma_start3A_21 = tpu.memref_slice %arg5[%add3A_19] : memref<819200xi32, #tpu.memory_space<hbm>> -> memref<1024xi32, #tpu.memory_space<hbm>>
      tpu.enqueue_dma source(%dma_start3A_21 : memref<1024xi32, #tpu.memory_space<hbm>>) target(%arg11 : memref<1024xi32, #tpu.memory_space<vmem>>) target_semaphore(%arg16 : memref<!tpu.dma_semaphore, #tpu.memory_space<semaphore_mem>>)
      %mul3A_22 = arith.constant 3136 : i32
      %mul3A_23 = arith.muli %arg1, %mul3A_22 : i32
      %mul3A_24 = arith.constant 3136 : i32
      %mul3A_25 = arith.muli %arg1, %mul3A_24 : i32
      "tpu.region"() ({
        %run_scoped3A = tpu.sem_alloc : memref<!tpu.dma_semaphore, #tpu.memory_space<semaphore_mem>>
        %dma_start3A_53 = arith.constant 0 : i32
        %dma_start3A_54 = tpu.memref_slice %arg14[%mul3A_25, %dma_start3A_53] : memref<50176x32xf32, #tpu.memory_space<vmem_shared>> -> memref<3136x32xf32, #tpu.memory_space<vmem_shared>>
        %dma_start3A_55 = arith.constant 0 : i32
        %dma_start3A_56 = tpu.memref_slice %arg3[%mul3A_23, %dma_start3A_55] : memref<50176x32xf32, #tpu.memory_space<hbm>> -> memref<3136x32xf32, #tpu.memory_space<hbm>>
        tpu.enqueue_dma source(%dma_start3A_56 : memref<3136x32xf32, #tpu.memory_space<hbm>>) target(%dma_start3A_54 : memref<3136x32xf32, #tpu.memory_space<vmem_shared>>) target_semaphore(%run_scoped3A : memref<!tpu.dma_semaphore, #tpu.memory_space<semaphore_mem>>)
        %dma_wait3A_57 = arith.constant 0 : i32
        %dma_wait3A_58 = tpu.memref_slice %arg14[%mul3A_25, %dma_wait3A_57] : memref<50176x32xf32, #tpu.memory_space<vmem_shared>> -> memref<3136x32xf32, #tpu.memory_space<vmem_shared>>
        %dma_wait3A_59 = arith.constant 0 : i32
        %dma_wait3A_60 = tpu.memref_slice %arg3[%mul3A_23, %dma_wait3A_59] : memref<50176x32xf32, #tpu.memory_space<hbm>> -> memref<3136x32xf32, #tpu.memory_space<hbm>>
        tpu.wait_dma2 semaphore(%run_scoped3A : memref<!tpu.dma_semaphore, #tpu.memory_space<semaphore_mem>>) src(%dma_wait3A_60 : memref<3136x32xf32, #tpu.memory_space<hbm>>) dst(%dma_wait3A_58 : memref<3136x32xf32, #tpu.memory_space<vmem_shared>>)
        tpu.yield
      }) : () -> ()
      %add3A_26 = arith.constant 0 : i32
      %add3A_27 = arith.addi %mul3A_0, %add3A_26 : i32
      %dma_wait3A = tpu.memref_slice %arg4[%add3A_27] : memref<819200xi32, #tpu.memory_space<hbm>> -> memref<1024xi32, #tpu.memory_space<hbm>>
      %dma_wait3A_28 = tpu.memref_slice %arg4[%add3A_27] : memref<819200xi32, #tpu.memory_space<hbm>> -> memref<1024xi32, #tpu.memory_space<hbm>>
      tpu.wait_dma2 semaphore(%arg15 : memref<!tpu.dma_semaphore, #tpu.memory_space<semaphore_mem>>) src(%dma_wait3A_28 : memref<1024xi32, #tpu.memory_space<hbm>>) dst(%arg8 : memref<1024xi32, #tpu.memory_space<vmem>>)
      %add3A_29 = arith.constant 0 : i32
      %add3A_30 = arith.addi %mul3A_0, %add3A_29 : i32
      %dma_wait3A_31 = tpu.memref_slice %arg5[%add3A_30] : memref<819200xi32, #tpu.memory_space<hbm>> -> memref<1024xi32, #tpu.memory_space<hbm>>
      %dma_wait3A_32 = tpu.memref_slice %arg5[%add3A_30] : memref<819200xi32, #tpu.memory_space<hbm>> -> memref<1024xi32, #tpu.memory_space<hbm>>
      tpu.wait_dma2 semaphore(%arg15 : memref<!tpu.dma_semaphore, #tpu.memory_space<semaphore_mem>>) src(%dma_wait3A_32 : memref<1024xi32, #tpu.memory_space<hbm>>) dst(%arg10 : memref<1024xi32, #tpu.memory_space<vmem>>)
      %barrier3A = arith.constant 0 : index
      tpu.barrier barrier_id(%barrier3A)
      %dma_start3A_33 = arith.constant 0 : i32
      %dma_start3A_34 = tpu.memref_slice %arg8[%dma_start3A_33] : memref<1024xi32, #tpu.memory_space<vmem>> -> memref<256xi32, #tpu.memory_space<vmem>>
      %dma_start3A_35 = arith.constant 0 : i32
      %dma_start3A_36 = arith.constant 0 : i32
      %dma_start3A_37 = tpu.memref_slice %arg3[%dma_start3A_35, %dma_start3A_36] : memref<50176x32xf32, #tpu.memory_space<hbm>> -> memref<50176x32xf32, #tpu.memory_space<hbm>>
      tpu.enqueue_indirect_dma source(%dma_start3A_37 : memref<50176x32xf32, #tpu.memory_space<hbm>>) target(%arg12 : memref<256x32xf32, #tpu.memory_space<vmem>>) offsets(%dma_start3A_34 : memref<256xi32, #tpu.memory_space<vmem>>) semaphore(%arg17 : memref<!tpu.dma_semaphore, #tpu.memory_space<semaphore_mem>>)
      %scan3A = arith.constant 0 : i32
      %scan3A_38 = arith.constant 0 : i32
      %scan3A_39 = arith.constant 25 : i32
      %scan3A_40 = arith.addi %scan3A_38, %scan3A_39 : i32
      %scan3A_41 = arith.constant 1 : i32
      scf.for %scan3A_53 = %scan3A_38 to %scan3A_40 step %scan3A_41  : i32 {
        %mul3A_54 = arith.constant 2 : i32
        %mul3A_55 = arith.muli %mul3A_54, %scan3A_53 : i32
        %dma_wait3A_56 = arith.constant 0 : i32
        %dma_wait3A_57 = tpu.memref_slice %arg8[%dma_wait3A_56] : memref<1024xi32, #tpu.memory_space<vmem>> -> memref<256xi32, #tpu.memory_space<vmem>>
        %dma_wait3A_58 = arith.constant 0 : i32
        %dma_wait3A_59 = arith.constant 0 : i32
        %dma_wait3A_60 = tpu.memref_slice %arg3[%dma_wait3A_58, %dma_wait3A_59] : memref<50176x32xf32, #tpu.memory_space<hbm>> -> memref<50176x32xf32, #tpu.memory_space<hbm>>
        tpu.wait_indirect_dma semaphore(%arg17 : memref<!tpu.dma_semaphore, #tpu.memory_space<semaphore_mem>>) src(%dma_wait3A_60 : memref<50176x32xf32, #tpu.memory_space<hbm>>) dst(%arg12 : memref<256x32xf32, #tpu.memory_space<vmem>>)
        %dma_start3A_61 = arith.constant 0 : i32
        %dma_start3A_62 = tpu.memref_slice %arg10[%dma_start3A_61] : memref<1024xi32, #tpu.memory_space<vmem>> -> memref<256xi32, #tpu.memory_space<vmem>>
        %dma_start3A_63 = arith.constant 0 : i32
        %dma_start3A_64 = arith.constant 0 : i32
        %dma_start3A_65 = tpu.memref_slice %arg14[%dma_start3A_63, %dma_start3A_64] : memref<50176x32xf32, #tpu.memory_space<vmem_shared>> -> memref<50176x32xf32, #tpu.memory_space<vmem_shared>>
        tpu.enqueue_indirect_dma source(%arg12 : memref<256x32xf32, #tpu.memory_space<vmem>>) target(%dma_start3A_65 : memref<50176x32xf32, #tpu.memory_space<vmem_shared>>) offsets(%dma_start3A_62 : memref<256xi32, #tpu.memory_space<vmem>>) semaphore(%arg19 : memref<!tpu.dma_semaphore, #tpu.memory_space<semaphore_mem>>) {add = true}
        %gt3A = arith.constant 0 : i32
        %gt3A_66 = arith.cmpi sgt, %mul3A_55, %gt3A : i32
        %convert_element_type3A_67 = arith.extui %gt3A_66 : i1 to i32
        %cond3A_68 = arith.constant 0 : i32
        %cond3A_69 = arith.cmpi ne, %convert_element_type3A_67, %cond3A_68 : i32
        scf.if %cond3A_69 {
          %dma_wait3A_236 = arith.constant 0 : i32
          %dma_wait3A_237 = tpu.memref_slice %arg10[%dma_wait3A_236] : memref<1024xi32, #tpu.memory_space<vmem>> -> memref<256xi32, #tpu.memory_space<vmem>>
          %dma_wait3A_238 = arith.constant 0 : i32
          %dma_wait3A_239 = arith.constant 0 : i32
          %dma_wait3A_240 = tpu.memref_slice %arg14[%dma_wait3A_238, %dma_wait3A_239] : memref<50176x32xf32, #tpu.memory_space<vmem_shared>> -> memref<50176x32xf32, #tpu.memory_space<vmem_shared>>
          tpu.wait_indirect_dma semaphore(%arg20 : memref<!tpu.dma_semaphore, #tpu.memory_space<semaphore_mem>>) src(%arg13 : memref<256x32xf32, #tpu.memory_space<vmem>>) dst(%dma_wait3A_240 : memref<50176x32xf32, #tpu.memory_space<vmem_shared>>)
        } else {
        }
        %dma_start3A_70 = arith.constant 256 : i32
        %dma_start3A_71 = tpu.memref_slice %arg8[%dma_start3A_70] : memref<1024xi32, #tpu.memory_space<vmem>> -> memref<256xi32, #tpu.memory_space<vmem>>
        %dma_start3A_72 = arith.constant 0 : i32
        %dma_start3A_73 = arith.constant 0 : i32
        %dma_start3A_74 = tpu.memref_slice %arg3[%dma_start3A_72, %dma_start3A_73] : memref<50176x32xf32, #tpu.memory_space<hbm>> -> memref<50176x32xf32, #tpu.memory_space<hbm>>
        tpu.enqueue_indirect_dma source(%dma_start3A_74 : memref<50176x32xf32, #tpu.memory_space<hbm>>) target(%arg13 : memref<256x32xf32, #tpu.memory_space<vmem>>) offsets(%dma_start3A_71 : memref<256xi32, #tpu.memory_space<vmem>>) semaphore(%arg18 : memref<!tpu.dma_semaphore, #tpu.memory_space<semaphore_mem>>)
        %dma_wait3A_75 = arith.constant 256 : i32
        %dma_wait3A_76 = tpu.memref_slice %arg8[%dma_wait3A_75] : memref<1024xi32, #tpu.memory_space<vmem>> -> memref<256xi32, #tpu.memory_space<vmem>>
        %dma_wait3A_77 = arith.constant 0 : i32
        %dma_wait3A_78 = arith.constant 0 : i32
        %dma_wait3A_79 = tpu.memref_slice %arg3[%dma_wait3A_77, %dma_wait3A_78] : memref<50176x32xf32, #tpu.memory_space<hbm>> -> memref<50176x32xf32, #tpu.memory_space<hbm>>
        tpu.wait_indirect_dma semaphore(%arg18 : memref<!tpu.dma_semaphore, #tpu.memory_space<semaphore_mem>>) src(%dma_wait3A_79 : memref<50176x32xf32, #tpu.memory_space<hbm>>) dst(%arg13 : memref<256x32xf32, #tpu.memory_space<vmem>>)
        %dma_start3A_80 = arith.constant 256 : i32
        %dma_start3A_81 = tpu.memref_slice %arg10[%dma_start3A_80] : memref<1024xi32, #tpu.memory_space<vmem>> -> memref<256xi32, #tpu.memory_space<vmem>>
        %dma_start3A_82 = arith.constant 0 : i32
        %dma_start3A_83 = arith.constant 0 : i32
        %dma_start3A_84 = tpu.memref_slice %arg14[%dma_start3A_82, %dma_start3A_83] : memref<50176x32xf32, #tpu.memory_space<vmem_shared>> -> memref<50176x32xf32, #tpu.memory_space<vmem_shared>>
        tpu.enqueue_indirect_dma source(%arg13 : memref<256x32xf32, #tpu.memory_space<vmem>>) target(%dma_start3A_84 : memref<50176x32xf32, #tpu.memory_space<vmem_shared>>) offsets(%dma_start3A_81 : memref<256xi32, #tpu.memory_space<vmem>>) semaphore(%arg20 : memref<!tpu.dma_semaphore, #tpu.memory_space<semaphore_mem>>) {add = true}
        %dma_wait3A_85 = arith.constant 0 : i32
        %dma_wait3A_86 = tpu.memref_slice %arg10[%dma_wait3A_85] : memref<1024xi32, #tpu.memory_space<vmem>> -> memref<256xi32, #tpu.memory_space<vmem>>
        %dma_wait3A_87 = arith.constant 0 : i32
        %dma_wait3A_88 = arith.constant 0 : i32
        %dma_wait3A_89 = tpu.memref_slice %arg14[%dma_wait3A_87, %dma_wait3A_88] : memref<50176x32xf32, #tpu.memory_space<vmem_shared>> -> memref<50176x32xf32, #tpu.memory_space<vmem_shared>>
        tpu.wait_indirect_dma semaphore(%arg19 : memref<!tpu.dma_semaphore, #tpu.memory_space<semaphore_mem>>) src(%arg12 : memref<256x32xf32, #tpu.memory_space<vmem>>) dst(%dma_wait3A_89 : memref<50176x32xf32, #tpu.memory_space<vmem_shared>>)
        %dma_start3A_90 = arith.constant 512 : i32
        %dma_start3A_91 = tpu.memref_slice %arg8[%dma_start3A_90] : memref<1024xi32, #tpu.memory_space<vmem>> -> memref<256xi32, #tpu.memory_space<vmem>>
        %dma_start3A_92 = arith.constant 0 : i32
        %dma_start3A_93 = arith.constant 0 : i32
        %dma_start3A_94 = tpu.memref_slice %arg3[%dma_start3A_92, %dma_start3A_93] : memref<50176x32xf32, #tpu.memory_space<hbm>> -> memref<50176x32xf32, #tpu.memory_space<hbm>>
        tpu.enqueue_indirect_dma source(%dma_start3A_94 : memref<50176x32xf32, #tpu.memory_space<hbm>>) target(%arg12 : memref<256x32xf32, #tpu.memory_space<vmem>>) offsets(%dma_start3A_91 : memref<256xi32, #tpu.memory_space<vmem>>) semaphore(%arg17 : memref<!tpu.dma_semaphore, #tpu.memory_space<semaphore_mem>>)
        %dma_wait3A_95 = arith.constant 512 : i32
        %dma_wait3A_96 = tpu.memref_slice %arg8[%dma_wait3A_95] : memref<1024xi32, #tpu.memory_space<vmem>> -> memref<256xi32, #tpu.memory_space<vmem>>
        %dma_wait3A_97 = arith.constant 0 : i32
        %dma_wait3A_98 = arith.constant 0 : i32
        %dma_wait3A_99 = tpu.memref_slice %arg3[%dma_wait3A_97, %dma_wait3A_98] : memref<50176x32xf32, #tpu.memory_space<hbm>> -> memref<50176x32xf32, #tpu.memory_space<hbm>>
        tpu.wait_indirect_dma semaphore(%arg17 : memref<!tpu.dma_semaphore, #tpu.memory_space<semaphore_mem>>) src(%dma_wait3A_99 : memref<50176x32xf32, #tpu.memory_space<hbm>>) dst(%arg12 : memref<256x32xf32, #tpu.memory_space<vmem>>)
        %dma_start3A_100 = arith.constant 512 : i32
        %dma_start3A_101 = tpu.memref_slice %arg10[%dma_start3A_100] : memref<1024xi32, #tpu.memory_space<vmem>> -> memref<256xi32, #tpu.memory_space<vmem>>
        %dma_start3A_102 = arith.constant 0 : i32
        %dma_start3A_103 = arith.constant 0 : i32
        %dma_start3A_104 = tpu.memref_slice %arg14[%dma_start3A_102, %dma_start3A_103] : memref<50176x32xf32, #tpu.memory_space<vmem_shared>> -> memref<50176x32xf32, #tpu.memory_space<vmem_shared>>
        tpu.enqueue_indirect_dma source(%arg12 : memref<256x32xf32, #tpu.memory_space<vmem>>) target(%dma_start3A_104 : memref<50176x32xf32, #tpu.memory_space<vmem_shared>>) offsets(%dma_start3A_101 : memref<256xi32, #tpu.memory_space<vmem>>) semaphore(%arg19 : memref<!tpu.dma_semaphore, #tpu.memory_space<semaphore_mem>>) {add = true}
        %dma_wait3A_105 = arith.constant 0 : i32
        %dma_wait3A_106 = tpu.memref_slice %arg10[%dma_wait3A_105] : memref<1024xi32, #tpu.memory_space<vmem>> -> memref<256xi32, #tpu.memory_space<vmem>>
        %dma_wait3A_107 = arith.constant 0 : i32
        %dma_wait3A_108 = arith.constant 0 : i32
        %dma_wait3A_109 = tpu.memref_slice %arg14[%dma_wait3A_107, %dma_wait3A_108] : memref<50176x32xf32, #tpu.memory_space<vmem_shared>> -> memref<50176x32xf32, #tpu.memory_space<vmem_shared>>
        tpu.wait_indirect_dma semaphore(%arg20 : memref<!tpu.dma_semaphore, #tpu.memory_space<semaphore_mem>>) src(%arg13 : memref<256x32xf32, #tpu.memory_space<vmem>>) dst(%dma_wait3A_109 : memref<50176x32xf32, #tpu.memory_space<vmem_shared>>)
        %dma_start3A_110 = arith.constant 768 : i32
        %dma_start3A_111 = tpu.memref_slice %arg8[%dma_start3A_110] : memref<1024xi32, #tpu.memory_space<vmem>> -> memref<256xi32, #tpu.memory_space<vmem>>
        %dma_start3A_112 = arith.constant 0 : i32
        %dma_start3A_113 = arith.constant 0 : i32
        %dma_start3A_114 = tpu.memref_slice %arg3[%dma_start3A_112, %dma_start3A_113] : memref<50176x32xf32, #tpu.memory_space<hbm>> -> memref<50176x32xf32, #tpu.memory_space<hbm>>
        tpu.enqueue_indirect_dma source(%dma_start3A_114 : memref<50176x32xf32, #tpu.memory_space<hbm>>) target(%arg13 : memref<256x32xf32, #tpu.memory_space<vmem>>) offsets(%dma_start3A_111 : memref<256xi32, #tpu.memory_space<vmem>>) semaphore(%arg18 : memref<!tpu.dma_semaphore, #tpu.memory_space<semaphore_mem>>)
        %dma_wait3A_115 = arith.constant 768 : i32
        %dma_wait3A_116 = tpu.memref_slice %arg8[%dma_wait3A_115] : memref<1024xi32, #tpu.memory_space<vmem>> -> memref<256xi32, #tpu.memory_space<vmem>>
        %dma_wait3A_117 = arith.constant 0 : i32
        %dma_wait3A_118 = arith.constant 0 : i32
        %dma_wait3A_119 = tpu.memref_slice %arg3[%dma_wait3A_117, %dma_wait3A_118] : memref<50176x32xf32, #tpu.memory_space<hbm>> -> memref<50176x32xf32, #tpu.memory_space<hbm>>
        tpu.wait_indirect_dma semaphore(%arg18 : memref<!tpu.dma_semaphore, #tpu.memory_space<semaphore_mem>>) src(%dma_wait3A_119 : memref<50176x32xf32, #tpu.memory_space<hbm>>) dst(%arg13 : memref<256x32xf32, #tpu.memory_space<vmem>>)
        %dma_start3A_120 = arith.constant 768 : i32
        %dma_start3A_121 = tpu.memref_slice %arg10[%dma_start3A_120] : memref<1024xi32, #tpu.memory_space<vmem>> -> memref<256xi32, #tpu.memory_space<vmem>>
        %dma_start3A_122 = arith.constant 0 : i32
        %dma_start3A_123 = arith.constant 0 : i32
        %dma_start3A_124 = tpu.memref_slice %arg14[%dma_start3A_122, %dma_start3A_123] : memref<50176x32xf32, #tpu.memory_space<vmem_shared>> -> memref<50176x32xf32, #tpu.memory_space<vmem_shared>>
        tpu.enqueue_indirect_dma source(%arg13 : memref<256x32xf32, #tpu.memory_space<vmem>>) target(%dma_start3A_124 : memref<50176x32xf32, #tpu.memory_space<vmem_shared>>) offsets(%dma_start3A_121 : memref<256xi32, #tpu.memory_space<vmem>>) semaphore(%arg20 : memref<!tpu.dma_semaphore, #tpu.memory_space<semaphore_mem>>) {add = true}
        %dma_wait3A_125 = arith.constant 0 : i32
        %dma_wait3A_126 = tpu.memref_slice %arg10[%dma_wait3A_125] : memref<1024xi32, #tpu.memory_space<vmem>> -> memref<256xi32, #tpu.memory_space<vmem>>
        %dma_wait3A_127 = arith.constant 0 : i32
        %dma_wait3A_128 = arith.constant 0 : i32
        %dma_wait3A_129 = tpu.memref_slice %arg14[%dma_wait3A_127, %dma_wait3A_128] : memref<50176x32xf32, #tpu.memory_space<vmem_shared>> -> memref<50176x32xf32, #tpu.memory_space<vmem_shared>>
        tpu.wait_indirect_dma semaphore(%arg19 : memref<!tpu.dma_semaphore, #tpu.memory_space<semaphore_mem>>) src(%arg12 : memref<256x32xf32, #tpu.memory_space<vmem>>) dst(%dma_wait3A_129 : memref<50176x32xf32, #tpu.memory_space<vmem_shared>>)
        %add3A_130 = arith.constant 1 : i32
        %add3A_131 = arith.addi %mul3A_55, %add3A_130 : i32
        %lt3A = arith.constant 50 : i32
        %lt3A_132 = arith.cmpi slt, %add3A_131, %lt3A : i32
        %convert_element_type3A_133 = arith.extui %lt3A_132 : i1 to i32
        %cond3A_134 = arith.constant 0 : i32
        %cond3A_135 = arith.cmpi ne, %convert_element_type3A_133, %cond3A_134 : i32
        scf.if %cond3A_135 {
          %add3A_236 = arith.constant 1 : i32
          %add3A_237 = arith.addi %mul3A_55, %add3A_236 : i32
          %mul3A_238 = arith.constant 1024 : i32
          %mul3A_239 = arith.muli %add3A_237, %mul3A_238 : i32
          %add3A_240 = arith.addi %mul3A_0, %mul3A_239 : i32
          %dma_wait3A_241 = tpu.memref_slice %arg4[%add3A_240] : memref<819200xi32, #tpu.memory_space<hbm>> -> memref<1024xi32, #tpu.memory_space<hbm>>
          %dma_wait3A_242 = tpu.memref_slice %arg4[%add3A_240] : memref<819200xi32, #tpu.memory_space<hbm>> -> memref<1024xi32, #tpu.memory_space<hbm>>
          tpu.wait_dma2 semaphore(%arg16 : memref<!tpu.dma_semaphore, #tpu.memory_space<semaphore_mem>>) src(%dma_wait3A_242 : memref<1024xi32, #tpu.memory_space<hbm>>) dst(%arg9 : memref<1024xi32, #tpu.memory_space<vmem>>)
          %mul3A_243 = arith.constant 1024 : i32
          %mul3A_244 = arith.muli %add3A_237, %mul3A_243 : i32
          %add3A_245 = arith.addi %mul3A_0, %mul3A_244 : i32
          %dma_wait3A_246 = tpu.memref_slice %arg5[%add3A_245] : memref<819200xi32, #tpu.memory_space<hbm>> -> memref<1024xi32, #tpu.memory_space<hbm>>
          %dma_wait3A_247 = tpu.memref_slice %arg5[%add3A_245] : memref<819200xi32, #tpu.memory_space<hbm>> -> memref<1024xi32, #tpu.memory_space<hbm>>
          tpu.wait_dma2 semaphore(%arg16 : memref<!tpu.dma_semaphore, #tpu.memory_space<semaphore_mem>>) src(%dma_wait3A_247 : memref<1024xi32, #tpu.memory_space<hbm>>) dst(%arg11 : memref<1024xi32, #tpu.memory_space<vmem>>)
          %dma_start3A_248 = arith.constant 0 : i32
          %dma_start3A_249 = tpu.memref_slice %arg9[%dma_start3A_248] : memref<1024xi32, #tpu.memory_space<vmem>> -> memref<256xi32, #tpu.memory_space<vmem>>
          %dma_start3A_250 = arith.constant 0 : i32
          %dma_start3A_251 = arith.constant 0 : i32
          %dma_start3A_252 = tpu.memref_slice %arg3[%dma_start3A_250, %dma_start3A_251] : memref<50176x32xf32, #tpu.memory_space<hbm>> -> memref<50176x32xf32, #tpu.memory_space<hbm>>
          tpu.enqueue_indirect_dma source(%dma_start3A_252 : memref<50176x32xf32, #tpu.memory_space<hbm>>) target(%arg12 : memref<256x32xf32, #tpu.memory_space<vmem>>) offsets(%dma_start3A_249 : memref<256xi32, #tpu.memory_space<vmem>>) semaphore(%arg17 : memref<!tpu.dma_semaphore, #tpu.memory_space<semaphore_mem>>)
        } else {
        }
        %add3A_136 = arith.constant 2 : i32
        %add3A_137 = arith.addi %mul3A_55, %add3A_136 : i32
        %lt3A_138 = arith.constant 50 : i32
        %lt3A_139 = arith.cmpi slt, %add3A_137, %lt3A_138 : i32
        %convert_element_type3A_140 = arith.extui %lt3A_139 : i1 to i32
        %cond3A_141 = arith.constant 0 : i32
        %cond3A_142 = arith.cmpi ne, %convert_element_type3A_140, %cond3A_141 : i32
        scf.if %cond3A_142 {
          %add3A_236 = arith.constant 2 : i32
          %add3A_237 = arith.addi %mul3A_55, %add3A_236 : i32
          %mul3A_238 = arith.constant 1024 : i32
          %mul3A_239 = arith.muli %add3A_237, %mul3A_238 : i32
          %add3A_240 = arith.addi %mul3A_0, %mul3A_239 : i32
          %dma_start3A_241 = tpu.memref_slice %arg4[%add3A_240] : memref<819200xi32, #tpu.memory_space<hbm>> -> memref<1024xi32, #tpu.memory_space<hbm>>
          %dma_start3A_242 = tpu.memref_slice %arg4[%add3A_240] : memref<819200xi32, #tpu.memory_space<hbm>> -> memref<1024xi32, #tpu.memory_space<hbm>>
          tpu.enqueue_dma source(%dma_start3A_242 : memref<1024xi32, #tpu.memory_space<hbm>>) target(%arg8 : memref<1024xi32, #tpu.memory_space<vmem>>) target_semaphore(%arg15 : memref<!tpu.dma_semaphore, #tpu.memory_space<semaphore_mem>>)
          %mul3A_243 = arith.constant 1024 : i32
          %mul3A_244 = arith.muli %add3A_237, %mul3A_243 : i32
          %add3A_245 = arith.addi %mul3A_0, %mul3A_244 : i32
          %dma_start3A_246 = tpu.memref_slice %arg5[%add3A_245] : memref<819200xi32, #tpu.memory_space<hbm>> -> memref<1024xi32, #tpu.memory_space<hbm>>
          %dma_start3A_247 = tpu.memref_slice %arg5[%add3A_245] : memref<819200xi32, #tpu.memory_space<hbm>> -> memref<1024xi32, #tpu.memory_space<hbm>>
          tpu.enqueue_dma source(%dma_start3A_247 : memref<1024xi32, #tpu.memory_space<hbm>>) target(%arg10 : memref<1024xi32, #tpu.memory_space<vmem>>) target_semaphore(%arg15 : memref<!tpu.dma_semaphore, #tpu.memory_space<semaphore_mem>>)
        } else {
        }
        %mul3A_143 = arith.constant 2 : i32
        %mul3A_144 = arith.muli %mul3A_143, %scan3A_53 : i32
        %add3A_145 = arith.constant 1 : i32
        %add3A_146 = arith.addi %mul3A_144, %add3A_145 : i32
        %dma_wait3A_147 = arith.constant 0 : i32
        %dma_wait3A_148 = tpu.memref_slice %arg9[%dma_wait3A_147] : memref<1024xi32, #tpu.memory_space<vmem>> -> memref<256xi32, #tpu.memory_space<vmem>>
        %dma_wait3A_149 = arith.constant 0 : i32
        %dma_wait3A_150 = arith.constant 0 : i32
        %dma_wait3A_151 = tpu.memref_slice %arg3[%dma_wait3A_149, %dma_wait3A_150] : memref<50176x32xf32, #tpu.memory_space<hbm>> -> memref<50176x32xf32, #tpu.memory_space<hbm>>
        tpu.wait_indirect_dma semaphore(%arg17 : memref<!tpu.dma_semaphore, #tpu.memory_space<semaphore_mem>>) src(%dma_wait3A_151 : memref<50176x32xf32, #tpu.memory_space<hbm>>) dst(%arg12 : memref<256x32xf32, #tpu.memory_space<vmem>>)
        %dma_start3A_152 = arith.constant 0 : i32
        %dma_start3A_153 = tpu.memref_slice %arg11[%dma_start3A_152] : memref<1024xi32, #tpu.memory_space<vmem>> -> memref<256xi32, #tpu.memory_space<vmem>>
        %dma_start3A_154 = arith.constant 0 : i32
        %dma_start3A_155 = arith.constant 0 : i32
        %dma_start3A_156 = tpu.memref_slice %arg14[%dma_start3A_154, %dma_start3A_155] : memref<50176x32xf32, #tpu.memory_space<vmem_shared>> -> memref<50176x32xf32, #tpu.memory_space<vmem_shared>>
        tpu.enqueue_indirect_dma source(%arg12 : memref<256x32xf32, #tpu.memory_space<vmem>>) target(%dma_start3A_156 : memref<50176x32xf32, #tpu.memory_space<vmem_shared>>) offsets(%dma_start3A_153 : memref<256xi32, #tpu.memory_space<vmem>>) semaphore(%arg19 : memref<!tpu.dma_semaphore, #tpu.memory_space<semaphore_mem>>) {add = true}
        %dma_wait3A_157 = arith.constant 0 : i32
        %dma_wait3A_158 = tpu.memref_slice %arg11[%dma_wait3A_157] : memref<1024xi32, #tpu.memory_space<vmem>> -> memref<256xi32, #tpu.memory_space<vmem>>
        %dma_wait3A_159 = arith.constant 0 : i32
        %dma_wait3A_160 = arith.constant 0 : i32
        %dma_wait3A_161 = tpu.memref_slice %arg14[%dma_wait3A_159, %dma_wait3A_160] : memref<50176x32xf32, #tpu.memory_space<vmem_shared>> -> memref<50176x32xf32, #tpu.memory_space<vmem_shared>>
        tpu.wait_indirect_dma semaphore(%arg20 : memref<!tpu.dma_semaphore, #tpu.memory_space<semaphore_mem>>) src(%arg13 : memref<256x32xf32, #tpu.memory_space<vmem>>) dst(%dma_wait3A_161 : memref<50176x32xf32, #tpu.memory_space<vmem_shared>>)
        %dma_start3A_162 = arith.constant 256 : i32
        %dma_start3A_163 = tpu.memref_slice %arg9[%dma_start3A_162] : memref<1024xi32, #tpu.memory_space<vmem>> -> memref<256xi32, #tpu.memory_space<vmem>>
        %dma_start3A_164 = arith.constant 0 : i32
        %dma_start3A_165 = arith.constant 0 : i32
        %dma_start3A_166 = tpu.memref_slice %arg3[%dma_start3A_164, %dma_start3A_165] : memref<50176x32xf32, #tpu.memory_space<hbm>> -> memref<50176x32xf32, #tpu.memory_space<hbm>>
        tpu.enqueue_indirect_dma source(%dma_start3A_166 : memref<50176x32xf32, #tpu.memory_space<hbm>>) target(%arg13 : memref<256x32xf32, #tpu.memory_space<vmem>>) offsets(%dma_start3A_163 : memref<256xi32, #tpu.memory_space<vmem>>) semaphore(%arg18 : memref<!tpu.dma_semaphore, #tpu.memory_space<semaphore_mem>>)
        %dma_wait3A_167 = arith.constant 256 : i32
        %dma_wait3A_168 = tpu.memref_slice %arg9[%dma_wait3A_167] : memref<1024xi32, #tpu.memory_space<vmem>> -> memref<256xi32, #tpu.memory_space<vmem>>
        %dma_wait3A_169 = arith.constant 0 : i32
        %dma_wait3A_170 = arith.constant 0 : i32
        %dma_wait3A_171 = tpu.memref_slice %arg3[%dma_wait3A_169, %dma_wait3A_170] : memref<50176x32xf32, #tpu.memory_space<hbm>> -> memref<50176x32xf32, #tpu.memory_space<hbm>>
        tpu.wait_indirect_dma semaphore(%arg18 : memref<!tpu.dma_semaphore, #tpu.memory_space<semaphore_mem>>) src(%dma_wait3A_171 : memref<50176x32xf32, #tpu.memory_space<hbm>>) dst(%arg13 : memref<256x32xf32, #tpu.memory_space<vmem>>)
        %dma_start3A_172 = arith.constant 256 : i32
        %dma_start3A_173 = tpu.memref_slice %arg11[%dma_start3A_172] : memref<1024xi32, #tpu.memory_space<vmem>> -> memref<256xi32, #tpu.memory_space<vmem>>
        %dma_start3A_174 = arith.constant 0 : i32
        %dma_start3A_175 = arith.constant 0 : i32
        %dma_start3A_176 = tpu.memref_slice %arg14[%dma_start3A_174, %dma_start3A_175] : memref<50176x32xf32, #tpu.memory_space<vmem_shared>> -> memref<50176x32xf32, #tpu.memory_space<vmem_shared>>
        tpu.enqueue_indirect_dma source(%arg13 : memref<256x32xf32, #tpu.memory_space<vmem>>) target(%dma_start3A_176 : memref<50176x32xf32, #tpu.memory_space<vmem_shared>>) offsets(%dma_start3A_173 : memref<256xi32, #tpu.memory_space<vmem>>) semaphore(%arg20 : memref<!tpu.dma_semaphore, #tpu.memory_space<semaphore_mem>>) {add = true}
        %dma_wait3A_177 = arith.constant 0 : i32
        %dma_wait3A_178 = tpu.memref_slice %arg11[%dma_wait3A_177] : memref<1024xi32, #tpu.memory_space<vmem>> -> memref<256xi32, #tpu.memory_space<vmem>>
        %dma_wait3A_179 = arith.constant 0 : i32
        %dma_wait3A_180 = arith.constant 0 : i32
        %dma_wait3A_181 = tpu.memref_slice %arg14[%dma_wait3A_179, %dma_wait3A_180] : memref<50176x32xf32, #tpu.memory_space<vmem_shared>> -> memref<50176x32xf32, #tpu.memory_space<vmem_shared>>
        tpu.wait_indirect_dma semaphore(%arg19 : memref<!tpu.dma_semaphore, #tpu.memory_space<semaphore_mem>>) src(%arg12 : memref<256x32xf32, #tpu.memory_space<vmem>>) dst(%dma_wait3A_181 : memref<50176x32xf32, #tpu.memory_space<vmem_shared>>)
        %dma_start3A_182 = arith.constant 512 : i32
        %dma_start3A_183 = tpu.memref_slice %arg9[%dma_start3A_182] : memref<1024xi32, #tpu.memory_space<vmem>> -> memref<256xi32, #tpu.memory_space<vmem>>
        %dma_start3A_184 = arith.constant 0 : i32
        %dma_start3A_185 = arith.constant 0 : i32
        %dma_start3A_186 = tpu.memref_slice %arg3[%dma_start3A_184, %dma_start3A_185] : memref<50176x32xf32, #tpu.memory_space<hbm>> -> memref<50176x32xf32, #tpu.memory_space<hbm>>
        tpu.enqueue_indirect_dma source(%dma_start3A_186 : memref<50176x32xf32, #tpu.memory_space<hbm>>) target(%arg12 : memref<256x32xf32, #tpu.memory_space<vmem>>) offsets(%dma_start3A_183 : memref<256xi32, #tpu.memory_space<vmem>>) semaphore(%arg17 : memref<!tpu.dma_semaphore, #tpu.memory_space<semaphore_mem>>)
        %dma_wait3A_187 = arith.constant 512 : i32
        %dma_wait3A_188 = tpu.memref_slice %arg9[%dma_wait3A_187] : memref<1024xi32, #tpu.memory_space<vmem>> -> memref<256xi32, #tpu.memory_space<vmem>>
        %dma_wait3A_189 = arith.constant 0 : i32
        %dma_wait3A_190 = arith.constant 0 : i32
        %dma_wait3A_191 = tpu.memref_slice %arg3[%dma_wait3A_189, %dma_wait3A_190] : memref<50176x32xf32, #tpu.memory_space<hbm>> -> memref<50176x32xf32, #tpu.memory_space<hbm>>
        tpu.wait_indirect_dma semaphore(%arg17 : memref<!tpu.dma_semaphore, #tpu.memory_space<semaphore_mem>>) src(%dma_wait3A_191 : memref<50176x32xf32, #tpu.memory_space<hbm>>) dst(%arg12 : memref<256x32xf32, #tpu.memory_space<vmem>>)
        %dma_start3A_192 = arith.constant 512 : i32
        %dma_start3A_193 = tpu.memref_slice %arg11[%dma_start3A_192] : memref<1024xi32, #tpu.memory_space<vmem>> -> memref<256xi32, #tpu.memory_space<vmem>>
        %dma_start3A_194 = arith.constant 0 : i32
        %dma_start3A_195 = arith.constant 0 : i32
        %dma_start3A_196 = tpu.memref_slice %arg14[%dma_start3A_194, %dma_start3A_195] : memref<50176x32xf32, #tpu.memory_space<vmem_shared>> -> memref<50176x32xf32, #tpu.memory_space<vmem_shared>>
        tpu.enqueue_indirect_dma source(%arg12 : memref<256x32xf32, #tpu.memory_space<vmem>>) target(%dma_start3A_196 : memref<50176x32xf32, #tpu.memory_space<vmem_shared>>) offsets(%dma_start3A_193 : memref<256xi32, #tpu.memory_space<vmem>>) semaphore(%arg19 : memref<!tpu.dma_semaphore, #tpu.memory_space<semaphore_mem>>) {add = true}
        %dma_wait3A_197 = arith.constant 0 : i32
        %dma_wait3A_198 = tpu.memref_slice %arg11[%dma_wait3A_197] : memref<1024xi32, #tpu.memory_space<vmem>> -> memref<256xi32, #tpu.memory_space<vmem>>
        %dma_wait3A_199 = arith.constant 0 : i32
        %dma_wait3A_200 = arith.constant 0 : i32
        %dma_wait3A_201 = tpu.memref_slice %arg14[%dma_wait3A_199, %dma_wait3A_200] : memref<50176x32xf32, #tpu.memory_space<vmem_shared>> -> memref<50176x32xf32, #tpu.memory_space<vmem_shared>>
        tpu.wait_indirect_dma semaphore(%arg20 : memref<!tpu.dma_semaphore, #tpu.memory_space<semaphore_mem>>) src(%arg13 : memref<256x32xf32, #tpu.memory_space<vmem>>) dst(%dma_wait3A_201 : memref<50176x32xf32, #tpu.memory_space<vmem_shared>>)
        %dma_start3A_202 = arith.constant 768 : i32
        %dma_start3A_203 = tpu.memref_slice %arg9[%dma_start3A_202] : memref<1024xi32, #tpu.memory_space<vmem>> -> memref<256xi32, #tpu.memory_space<vmem>>
        %dma_start3A_204 = arith.constant 0 : i32
        %dma_start3A_205 = arith.constant 0 : i32
        %dma_start3A_206 = tpu.memref_slice %arg3[%dma_start3A_204, %dma_start3A_205] : memref<50176x32xf32, #tpu.memory_space<hbm>> -> memref<50176x32xf32, #tpu.memory_space<hbm>>
        tpu.enqueue_indirect_dma source(%dma_start3A_206 : memref<50176x32xf32, #tpu.memory_space<hbm>>) target(%arg13 : memref<256x32xf32, #tpu.memory_space<vmem>>) offsets(%dma_start3A_203 : memref<256xi32, #tpu.memory_space<vmem>>) semaphore(%arg18 : memref<!tpu.dma_semaphore, #tpu.memory_space<semaphore_mem>>)
        %dma_wait3A_207 = arith.constant 768 : i32
        %dma_wait3A_208 = tpu.memref_slice %arg9[%dma_wait3A_207] : memref<1024xi32, #tpu.memory_space<vmem>> -> memref<256xi32, #tpu.memory_space<vmem>>
        %dma_wait3A_209 = arith.constant 0 : i32
        %dma_wait3A_210 = arith.constant 0 : i32
        %dma_wait3A_211 = tpu.memref_slice %arg3[%dma_wait3A_209, %dma_wait3A_210] : memref<50176x32xf32, #tpu.memory_space<hbm>> -> memref<50176x32xf32, #tpu.memory_space<hbm>>
        tpu.wait_indirect_dma semaphore(%arg18 : memref<!tpu.dma_semaphore, #tpu.memory_space<semaphore_mem>>) src(%dma_wait3A_211 : memref<50176x32xf32, #tpu.memory_space<hbm>>) dst(%arg13 : memref<256x32xf32, #tpu.memory_space<vmem>>)
        %dma_start3A_212 = arith.constant 768 : i32
        %dma_start3A_213 = tpu.memref_slice %arg11[%dma_start3A_212] : memref<1024xi32, #tpu.memory_space<vmem>> -> memref<256xi32, #tpu.memory_space<vmem>>
        %dma_start3A_214 = arith.constant 0 : i32
        %dma_start3A_215 = arith.constant 0 : i32
        %dma_start3A_216 = tpu.memref_slice %arg14[%dma_start3A_214, %dma_start3A_215] : memref<50176x32xf32, #tpu.memory_space<vmem_shared>> -> memref<50176x32xf32, #tpu.memory_space<vmem_shared>>
        tpu.enqueue_indirect_dma source(%arg13 : memref<256x32xf32, #tpu.memory_space<vmem>>) target(%dma_start3A_216 : memref<50176x32xf32, #tpu.memory_space<vmem_shared>>) offsets(%dma_start3A_213 : memref<256xi32, #tpu.memory_space<vmem>>) semaphore(%arg20 : memref<!tpu.dma_semaphore, #tpu.memory_space<semaphore_mem>>) {add = true}
        %dma_wait3A_217 = arith.constant 0 : i32
        %dma_wait3A_218 = tpu.memref_slice %arg11[%dma_wait3A_217] : memref<1024xi32, #tpu.memory_space<vmem>> -> memref<256xi32, #tpu.memory_space<vmem>>
        %dma_wait3A_219 = arith.constant 0 : i32
        %dma_wait3A_220 = arith.constant 0 : i32
        %dma_wait3A_221 = tpu.memref_slice %arg14[%dma_wait3A_219, %dma_wait3A_220] : memref<50176x32xf32, #tpu.memory_space<vmem_shared>> -> memref<50176x32xf32, #tpu.memory_space<vmem_shared>>
        tpu.wait_indirect_dma semaphore(%arg19 : memref<!tpu.dma_semaphore, #tpu.memory_space<semaphore_mem>>) src(%arg12 : memref<256x32xf32, #tpu.memory_space<vmem>>) dst(%dma_wait3A_221 : memref<50176x32xf32, #tpu.memory_space<vmem_shared>>)
        %add3A_222 = arith.constant 1 : i32
        %add3A_223 = arith.addi %add3A_146, %add3A_222 : i32
        %lt3A_224 = arith.constant 50 : i32
        %lt3A_225 = arith.cmpi slt, %add3A_223, %lt3A_224 : i32
        %convert_element_type3A_226 = arith.extui %lt3A_225 : i1 to i32
        %cond3A_227 = arith.constant 0 : i32
        %cond3A_228 = arith.cmpi ne, %convert_element_type3A_226, %cond3A_227 : i32
        scf.if %cond3A_228 {
          %add3A_236 = arith.constant 1 : i32
          %add3A_237 = arith.addi %add3A_146, %add3A_236 : i32
          %mul3A_238 = arith.constant 1024 : i32
          %mul3A_239 = arith.muli %add3A_237, %mul3A_238 : i32
          %add3A_240 = arith.addi %mul3A_0, %mul3A_239 : i32
          %dma_wait3A_241 = tpu.memref_slice %arg4[%add3A_240] : memref<819200xi32, #tpu.memory_space<hbm>> -> memref<1024xi32, #tpu.memory_space<hbm>>
          %dma_wait3A_242 = tpu.memref_slice %arg4[%add3A_240] : memref<819200xi32, #tpu.memory_space<hbm>> -> memref<1024xi32, #tpu.memory_space<hbm>>
          tpu.wait_dma2 semaphore(%arg15 : memref<!tpu.dma_semaphore, #tpu.memory_space<semaphore_mem>>) src(%dma_wait3A_242 : memref<1024xi32, #tpu.memory_space<hbm>>) dst(%arg8 : memref<1024xi32, #tpu.memory_space<vmem>>)
          %mul3A_243 = arith.constant 1024 : i32
          %mul3A_244 = arith.muli %add3A_237, %mul3A_243 : i32
          %add3A_245 = arith.addi %mul3A_0, %mul3A_244 : i32
          %dma_wait3A_246 = tpu.memref_slice %arg5[%add3A_245] : memref<819200xi32, #tpu.memory_space<hbm>> -> memref<1024xi32, #tpu.memory_space<hbm>>
          %dma_wait3A_247 = tpu.memref_slice %arg5[%add3A_245] : memref<819200xi32, #tpu.memory_space<hbm>> -> memref<1024xi32, #tpu.memory_space<hbm>>
          tpu.wait_dma2 semaphore(%arg15 : memref<!tpu.dma_semaphore, #tpu.memory_space<semaphore_mem>>) src(%dma_wait3A_247 : memref<1024xi32, #tpu.memory_space<hbm>>) dst(%arg10 : memref<1024xi32, #tpu.memory_space<vmem>>)
          %dma_start3A_248 = arith.constant 0 : i32
          %dma_start3A_249 = tpu.memref_slice %arg8[%dma_start3A_248] : memref<1024xi32, #tpu.memory_space<vmem>> -> memref<256xi32, #tpu.memory_space<vmem>>
          %dma_start3A_250 = arith.constant 0 : i32
          %dma_start3A_251 = arith.constant 0 : i32
          %dma_start3A_252 = tpu.memref_slice %arg3[%dma_start3A_250, %dma_start3A_251] : memref<50176x32xf32, #tpu.memory_space<hbm>> -> memref<50176x32xf32, #tpu.memory_space<hbm>>
          tpu.enqueue_indirect_dma source(%dma_start3A_252 : memref<50176x32xf32, #tpu.memory_space<hbm>>) target(%arg12 : memref<256x32xf32, #tpu.memory_space<vmem>>) offsets(%dma_start3A_249 : memref<256xi32, #tpu.memory_space<vmem>>) semaphore(%arg17 : memref<!tpu.dma_semaphore, #tpu.memory_space<semaphore_mem>>)
        } else {
        }
        %add3A_229 = arith.constant 2 : i32
        %add3A_230 = arith.addi %add3A_146, %add3A_229 : i32
        %lt3A_231 = arith.constant 50 : i32
        %lt3A_232 = arith.cmpi slt, %add3A_230, %lt3A_231 : i32
        %convert_element_type3A_233 = arith.extui %lt3A_232 : i1 to i32
        %cond3A_234 = arith.constant 0 : i32
        %cond3A_235 = arith.cmpi ne, %convert_element_type3A_233, %cond3A_234 : i32
        scf.if %cond3A_235 {
          %add3A_236 = arith.constant 2 : i32
          %add3A_237 = arith.addi %add3A_146, %add3A_236 : i32
          %mul3A_238 = arith.constant 1024 : i32
          %mul3A_239 = arith.muli %add3A_237, %mul3A_238 : i32
          %add3A_240 = arith.addi %mul3A_0, %mul3A_239 : i32
          %dma_start3A_241 = tpu.memref_slice %arg4[%add3A_240] : memref<819200xi32, #tpu.memory_space<hbm>> -> memref<1024xi32, #tpu.memory_space<hbm>>
          %dma_start3A_242 = tpu.memref_slice %arg4[%add3A_240] : memref<819200xi32, #tpu.memory_space<hbm>> -> memref<1024xi32, #tpu.memory_space<hbm>>
          tpu.enqueue_dma source(%dma_start3A_242 : memref<1024xi32, #tpu.memory_space<hbm>>) target(%arg9 : memref<1024xi32, #tpu.memory_space<vmem>>) target_semaphore(%arg16 : memref<!tpu.dma_semaphore, #tpu.memory_space<semaphore_mem>>)
          %mul3A_243 = arith.constant 1024 : i32
          %mul3A_244 = arith.muli %add3A_237, %mul3A_243 : i32
          %add3A_245 = arith.addi %mul3A_0, %mul3A_244 : i32
          %dma_start3A_246 = tpu.memref_slice %arg5[%add3A_245] : memref<819200xi32, #tpu.memory_space<hbm>> -> memref<1024xi32, #tpu.memory_space<hbm>>
          %dma_start3A_247 = tpu.memref_slice %arg5[%add3A_245] : memref<819200xi32, #tpu.memory_space<hbm>> -> memref<1024xi32, #tpu.memory_space<hbm>>
          tpu.enqueue_dma source(%dma_start3A_247 : memref<1024xi32, #tpu.memory_space<hbm>>) target(%arg11 : memref<1024xi32, #tpu.memory_space<vmem>>) target_semaphore(%arg16 : memref<!tpu.dma_semaphore, #tpu.memory_space<semaphore_mem>>)
        } else {
        }
      }
      %scan3A_42 = arith.constant 25 : i32
      %dma_wait3A_43 = arith.constant 0 : i32
      %dma_wait3A_44 = tpu.memref_slice %arg11[%dma_wait3A_43] : memref<1024xi32, #tpu.memory_space<vmem>> -> memref<256xi32, #tpu.memory_space<vmem>>
      %dma_wait3A_45 = arith.constant 0 : i32
      %dma_wait3A_46 = arith.constant 0 : i32
      %dma_wait3A_47 = tpu.memref_slice %arg14[%dma_wait3A_45, %dma_wait3A_46] : memref<50176x32xf32, #tpu.memory_space<vmem_shared>> -> memref<50176x32xf32, #tpu.memory_space<vmem_shared>>
      tpu.wait_indirect_dma semaphore(%arg20 : memref<!tpu.dma_semaphore, #tpu.memory_space<semaphore_mem>>) src(%arg13 : memref<256x32xf32, #tpu.memory_space<vmem>>) dst(%dma_wait3A_47 : memref<50176x32xf32, #tpu.memory_space<vmem_shared>>)
      %barrier3A_48 = arith.constant 0 : index
      tpu.barrier barrier_id(%barrier3A_48)
      %mul3A_49 = arith.constant 3136 : i32
      %mul3A_50 = arith.muli %arg1, %mul3A_49 : i32
      %mul3A_51 = arith.constant 3136 : i32
      %mul3A_52 = arith.muli %arg1, %mul3A_51 : i32
      "tpu.region"() ({
        %run_scoped3A = tpu.sem_alloc : memref<!tpu.dma_semaphore, #tpu.memory_space<semaphore_mem>>
        %dma_start3A_53 = arith.constant 0 : i32
        %dma_start3A_54 = tpu.memref_slice %arg7[%mul3A_52, %dma_start3A_53] : memref<50176x32xf32, #tpu.memory_space<hbm>> -> memref<3136x32xf32, #tpu.memory_space<hbm>>
        %dma_start3A_55 = arith.constant 0 : i32
        %dma_start3A_56 = tpu.memref_slice %arg14[%mul3A_50, %dma_start3A_55] : memref<50176x32xf32, #tpu.memory_space<vmem_shared>> -> memref<3136x32xf32, #tpu.memory_space<vmem_shared>>
        tpu.enqueue_dma source(%dma_start3A_56 : memref<3136x32xf32, #tpu.memory_space<vmem_shared>>) target(%dma_start3A_54 : memref<3136x32xf32, #tpu.memory_space<hbm>>) target_semaphore(%run_scoped3A : memref<!tpu.dma_semaphore, #tpu.memory_space<semaphore_mem>>)
        %dma_wait3A_57 = arith.constant 0 : i32
        %dma_wait3A_58 = tpu.memref_slice %arg7[%mul3A_52, %dma_wait3A_57] : memref<50176x32xf32, #tpu.memory_space<hbm>> -> memref<3136x32xf32, #tpu.memory_space<hbm>>
        %dma_wait3A_59 = arith.constant 0 : i32
        %dma_wait3A_60 = tpu.memref_slice %arg14[%mul3A_50, %dma_wait3A_59] : memref<50176x32xf32, #tpu.memory_space<vmem_shared>> -> memref<3136x32xf32, #tpu.memory_space<vmem_shared>>
        tpu.wait_dma2 semaphore(%run_scoped3A : memref<!tpu.dma_semaphore, #tpu.memory_space<semaphore_mem>>) src(%dma_wait3A_60 : memref<3136x32xf32, #tpu.memory_space<vmem_shared>>) dst(%dma_wait3A_58 : memref<3136x32xf32, #tpu.memory_space<hbm>>)
        tpu.yield
      }) : () -> ()
    } else {
    }
    return
  }
}

module attributes {stable_mosaic.version = 14 : i64} {
  func.func @_tc_pre_body(%arg0: i32, %arg1: memref<3136x3xf32, #tpu.memory_space<vmem>>, %arg2: memref<2x3136x8xf32, #tpu.memory_space<vmem>>, %arg3: memref<3x64xf32, #tpu.memory_space<vmem>>, %arg4: memref<1x64xf32, #tpu.memory_space<vmem>>, %arg5: memref<64x64xf32, #tpu.memory_space<vmem>>, %arg6: memref<3136x32xf32, #tpu.memory_space<vmem>>, %arg7: memref<3136x32xf32, #tpu.memory_space<vmem>>, %arg8: memref<3136x1xf32, #tpu.memory_space<vmem>>) attributes {dimension_semantics = [#tpu.dimension_semantics<arbitrary>], iteration_bounds = array<i64: 16>, scalar_prefetch = 0 : i64, scratch_operands = 0 : i64, tpu.core_type = #tpu.core_type<tc>, window_params = [{transform_indices = @transform_0, window_bounds = array<i64: 3136, 3>}, {transform_indices = @transform_1, window_bounds = array<i64: 2, 3136, 8>}, {pipeline_mode = #tpu.pipeline_mode<synchronous>, transform_indices = @transform_2, window_bounds = array<i64: 3, 64>}, {pipeline_mode = #tpu.pipeline_mode<synchronous>, transform_indices = @transform_3, window_bounds = array<i64: 1, 64>}, {pipeline_mode = #tpu.pipeline_mode<synchronous>, transform_indices = @transform_4, window_bounds = array<i64: 64, 64>}, {transform_indices = @transform_5, window_bounds = array<i64: 3136, 32>}, {transform_indices = @transform_6, window_bounds = array<i64: 3136, 32>}, {transform_indices = @transform_7, window_bounds = array<i64: 3136, 1>}]} {
    %get3A = arith.constant 0 : index
    %get3A_0 = arith.constant 0 : index
    %get3A_1 = arith.constant 0 : index
    %get3A_2 = vector.load %arg2[%get3A, %get3A_0, %get3A_1] : memref<2x3136x8xf32, #tpu.memory_space<vmem>>, vector<1x3136x1xf32>
    %get3A_3 = vector.shape_cast %get3A_2 : vector<1x3136x1xf32> to vector<3136x1xf32>
    %get3A_4 = arith.constant 1 : index
    %get3A_5 = arith.constant 0 : index
    %get3A_6 = arith.constant 0 : index
    %get3A_7 = vector.load %arg2[%get3A_4, %get3A_5, %get3A_6] : memref<2x3136x8xf32, #tpu.memory_space<vmem>>, vector<1x3136x1xf32>
    %get3A_8 = vector.shape_cast %get3A_7 : vector<1x3136x1xf32> to vector<3136x1xf32>
    %add3A = arith.addf %get3A_3, %get3A_8 : vector<3136x1xf32>
    %sub3A = arith.constant 1.000000e+00 : f32
    %sub3A_9 = vector.broadcast %sub3A : f32 to vector<3136x1xf32>
    %sub3A_10 = arith.subf %add3A, %sub3A_9 : vector<3136x1xf32>
    %rsqrt3A = math.rsqrt %sub3A_10 : vector<3136x1xf32>
    %get3A_11 = arith.constant 0 : index
    %get3A_12 = arith.constant 0 : index
    %get3A_13 = vector.load %arg1[%get3A_11, %get3A_12] : memref<3136x3xf32, #tpu.memory_space<vmem>>, vector<3136x3xf32>
    %get3A_14 = arith.constant 0 : index
    %get3A_15 = arith.constant 0 : index
    %get3A_16 = vector.load %arg3[%get3A_14, %get3A_15] : memref<3x64xf32, #tpu.memory_space<vmem>>, vector<3x64xf32>
    %dot_general3A = arith.constant dense<0.000000e+00> : vector<3136x64xf32>
    %dot_general3A_17 = tpu.matmul %get3A_13, %get3A_16, %dot_general3A {dimension_numbers = #tpu.dot_dimension_numbers<[1], [0], [0], [1], [0, 0, 1, 1], [], []>, transpose_lhs_hint = false} : vector<3136x3xf32>, vector<3x64xf32>, vector<3136x64xf32> -> vector<3136x64xf32>
    %get3A_18 = arith.constant 0 : index
    %get3A_19 = arith.constant 0 : index
    %get3A_20 = vector.load %arg4[%get3A_18, %get3A_19] : memref<1x64xf32, #tpu.memory_space<vmem>>, vector<1x64xf32>
    %add3A_21 = vector.broadcast %get3A_20 : vector<1x64xf32> to vector<3136x64xf32>
    %add3A_22 = arith.addf %dot_general3A_17, %add3A_21 : vector<3136x64xf32>
    %get3A_23 = arith.constant 0 : index
    %get3A_24 = arith.constant 0 : index
    %get3A_25 = vector.load %arg5[%get3A_23, %get3A_24] : memref<64x64xf32, #tpu.memory_space<vmem>>, vector<64x64xf32>
    %dot_general3A_26 = arith.constant dense<0.000000e+00> : vector<3136x64xf32>
    %dot_general3A_27 = tpu.matmul %add3A_22, %get3A_25, %dot_general3A_26 {dimension_numbers = #tpu.dot_dimension_numbers<[1], [0], [0], [1], [0, 0, 1, 1], [], []>, transpose_lhs_hint = false} : vector<3136x64xf32>, vector<64x64xf32>, vector<3136x64xf32> -> vector<3136x64xf32>
    %mul3A = vector.broadcast %rsqrt3A : vector<3136x1xf32> to vector<3136x64xf32>
    %mul3A_28 = arith.mulf %dot_general3A_27, %mul3A : vector<3136x64xf32>
    %slice3A = vector.extract_strided_slice %mul3A_28 {offsets = [0, 0], sizes = [3136, 32], strides = [1, 1]} : vector<3136x64xf32> to vector<3136x32xf32>
    %swap3A = arith.constant 0 : index
    %swap3A_29 = arith.constant 0 : index
    %swap3A_30 = vector.load %arg6[%swap3A, %swap3A_29] : memref<3136x32xf32, #tpu.memory_space<vmem>>, vector<3136x32xf32>
    tpu.vector_store %arg6[%swap3A, %swap3A_29], %slice3A {strides = array<i32>} : memref<3136x32xf32, #tpu.memory_space<vmem>>, vector<3136x32xf32>,
    %slice3A_31 = vector.extract_strided_slice %mul3A_28 {offsets = [0, 32], sizes = [3136, 32], strides = [1, 1]} : vector<3136x64xf32> to vector<3136x32xf32>
    %swap3A_32 = arith.constant 0 : index
    %swap3A_33 = arith.constant 0 : index
    %swap3A_34 = vector.load %arg7[%swap3A_32, %swap3A_33] : memref<3136x32xf32, #tpu.memory_space<vmem>>, vector<3136x32xf32>
    tpu.vector_store %arg7[%swap3A_32, %swap3A_33], %slice3A_31 {strides = array<i32>} : memref<3136x32xf32, #tpu.memory_space<vmem>>, vector<3136x32xf32>,
    %swap3A_35 = arith.constant 0 : index
    %swap3A_36 = arith.constant 0 : index
    %swap3A_37 = vector.load %arg8[%swap3A_35, %swap3A_36] : memref<3136x1xf32, #tpu.memory_space<vmem>>, vector<3136x1xf32>
    tpu.vector_store %arg8[%swap3A_35, %swap3A_36], %rsqrt3A {strides = array<i32>} : memref<3136x1xf32, #tpu.memory_space<vmem>>, vector<3136x1xf32>,
    return
  }
  func.func @transform_0(%arg0: i32) -> (i32, i32) {
    %c0_i32 = arith.constant 0 : i32
    %c0_i32_0 = arith.constant 0 : i32
    return %arg0, %c0_i32 : i32, i32
  }
  func.func @transform_1(%arg0: i32) -> (i32, i32, i32) {
    %c0_i32 = arith.constant 0 : i32
    %c0_i32_0 = arith.constant 0 : i32
    %c0_i32_1 = arith.constant 0 : i32
    return %c0_i32, %arg0, %c0_i32_0 : i32, i32, i32
  }
  func.func @transform_2(%arg0: i32) -> (i32, i32) {
    %c0_i32 = arith.constant 0 : i32
    %c0_i32_0 = arith.constant 0 : i32
    %c0_i32_1 = arith.constant 0 : i32
    return %c0_i32, %c0_i32_0 : i32, i32
  }
  func.func @transform_3(%arg0: i32) -> (i32, i32) {
    %c0_i32 = arith.constant 0 : i32
    %c0_i32_0 = arith.constant 0 : i32
    %c0_i32_1 = arith.constant 0 : i32
    return %c0_i32, %c0_i32_0 : i32, i32
  }
  func.func @transform_4(%arg0: i32) -> (i32, i32) {
    %c0_i32 = arith.constant 0 : i32
    %c0_i32_0 = arith.constant 0 : i32
    %c0_i32_1 = arith.constant 0 : i32
    return %c0_i32, %c0_i32_0 : i32, i32
  }
  func.func @transform_5(%arg0: i32) -> (i32, i32) {
    %c0_i32 = arith.constant 0 : i32
    %c0_i32_0 = arith.constant 0 : i32
    return %arg0, %c0_i32 : i32, i32
  }
  func.func @transform_6(%arg0: i32) -> (i32, i32) {
    %c0_i32 = arith.constant 0 : i32
    %c0_i32_0 = arith.constant 0 : i32
    return %arg0, %c0_i32 : i32, i32
  }
  func.func @transform_7(%arg0: i32) -> (i32, i32) {
    %c0_i32 = arith.constant 0 : i32
    %c0_i32_0 = arith.constant 0 : i32
    return %arg0, %c0_i32 : i32, i32
  }
}

module attributes {stable_mosaic.version = 14 : i64} {
  func.func @_tc_mid_body(%arg0: i32, %arg1: memref<3136x32xf32, #tpu.memory_space<vmem>>, %arg2: memref<3136x32xf32, #tpu.memory_space<vmem>>, %arg3: memref<3136x1xf32, #tpu.memory_space<vmem>>, %arg4: memref<64x64xf32, #tpu.memory_space<vmem>>, %arg5: memref<1x64xf32, #tpu.memory_space<vmem>>, %arg6: memref<3136x32xf32, #tpu.memory_space<vmem>>, %arg7: memref<3136x32xf32, #tpu.memory_space<vmem>>) attributes {dimension_semantics = [#tpu.dimension_semantics<arbitrary>], iteration_bounds = array<i64: 16>, scalar_prefetch = 0 : i64, scratch_operands = 0 : i64, tpu.core_type = #tpu.core_type<tc>, window_params = [{transform_indices = @transform_0, window_bounds = array<i64: 3136, 32>}, {transform_indices = @transform_1, window_bounds = array<i64: 3136, 32>}, {transform_indices = @transform_2, window_bounds = array<i64: 3136, 1>}, {pipeline_mode = #tpu.pipeline_mode<synchronous>, transform_indices = @transform_3, window_bounds = array<i64: 64, 64>}, {pipeline_mode = #tpu.pipeline_mode<synchronous>, transform_indices = @transform_4, window_bounds = array<i64: 1, 64>}, {transform_indices = @transform_5, window_bounds = array<i64: 3136, 32>}, {transform_indices = @transform_6, window_bounds = array<i64: 3136, 32>}]} {
    %get3A = arith.constant 0 : index
    %get3A_0 = arith.constant 0 : index
    %get3A_1 = vector.load %arg3[%get3A, %get3A_0] : memref<3136x1xf32, #tpu.memory_space<vmem>>, vector<3136x1xf32>
    %get3A_2 = arith.constant 0 : index
    %get3A_3 = arith.constant 0 : index
    %get3A_4 = vector.load %arg1[%get3A_2, %get3A_3] : memref<3136x32xf32, #tpu.memory_space<vmem>>, vector<3136x32xf32>
    %get3A_5 = arith.constant 0 : index
    %get3A_6 = arith.constant 0 : index
    %get3A_7 = vector.load %arg2[%get3A_5, %get3A_6] : memref<3136x32xf32, #tpu.memory_space<vmem>>, vector<3136x32xf32>
    %concatenate3A = tpu.concatenate %get3A_4, %get3A_7 in 1 : vector<3136x32xf32>, vector<3136x32xf32> -> vector<3136x64xf32>
    %mul3A = vector.broadcast %get3A_1 : vector<3136x1xf32> to vector<3136x64xf32>
    %mul3A_8 = arith.mulf %concatenate3A, %mul3A : vector<3136x64xf32>
    %get3A_9 = arith.constant 0 : index
    %get3A_10 = arith.constant 0 : index
    %get3A_11 = vector.load %arg5[%get3A_9, %get3A_10] : memref<1x64xf32, #tpu.memory_space<vmem>>, vector<1x64xf32>
    %add3A = vector.broadcast %get3A_11 : vector<1x64xf32> to vector<3136x64xf32>
    %add3A_12 = arith.addf %mul3A_8, %add3A : vector<3136x64xf32>
    %max3A = arith.constant 0.000000e+00 : f32
    %max3A_13 = vector.broadcast %max3A : f32 to vector<3136x64xf32>
    %max3A_14 = arith.maximumf %add3A_12, %max3A_13 : vector<3136x64xf32>
    %get3A_15 = arith.constant 0 : index
    %get3A_16 = arith.constant 0 : index
    %get3A_17 = vector.load %arg4[%get3A_15, %get3A_16] : memref<64x64xf32, #tpu.memory_space<vmem>>, vector<64x64xf32>
    %dot_general3A = arith.constant dense<0.000000e+00> : vector<3136x64xf32>
    %dot_general3A_18 = tpu.matmul %max3A_14, %get3A_17, %dot_general3A {dimension_numbers = #tpu.dot_dimension_numbers<[1], [0], [0], [1], [0, 0, 1, 1], [], []>, transpose_lhs_hint = false} : vector<3136x64xf32>, vector<64x64xf32>, vector<3136x64xf32> -> vector<3136x64xf32>
    %mul3A_19 = vector.broadcast %get3A_1 : vector<3136x1xf32> to vector<3136x64xf32>
    %mul3A_20 = arith.mulf %dot_general3A_18, %mul3A_19 : vector<3136x64xf32>
    %slice3A = vector.extract_strided_slice %mul3A_20 {offsets = [0, 0], sizes = [3136, 32], strides = [1, 1]} : vector<3136x64xf32> to vector<3136x32xf32>
    %swap3A = arith.constant 0 : index
    %swap3A_21 = arith.constant 0 : index
    %swap3A_22 = vector.load %arg6[%swap3A, %swap3A_21] : memref<3136x32xf32, #tpu.memory_space<vmem>>, vector<3136x32xf32>
    tpu.vector_store %arg6[%swap3A, %swap3A_21], %slice3A {strides = array<i32>} : memref<3136x32xf32, #tpu.memory_space<vmem>>, vector<3136x32xf32>,
    %slice3A_23 = vector.extract_strided_slice %mul3A_20 {offsets = [0, 32], sizes = [3136, 32], strides = [1, 1]} : vector<3136x64xf32> to vector<3136x32xf32>
    %swap3A_24 = arith.constant 0 : index
    %swap3A_25 = arith.constant 0 : index
    %swap3A_26 = vector.load %arg7[%swap3A_24, %swap3A_25] : memref<3136x32xf32, #tpu.memory_space<vmem>>, vector<3136x32xf32>
    tpu.vector_store %arg7[%swap3A_24, %swap3A_25], %slice3A_23 {strides = array<i32>} : memref<3136x32xf32, #tpu.memory_space<vmem>>, vector<3136x32xf32>,
    return
  }
  func.func @transform_0(%arg0: i32) -> (i32, i32) {
    %c0_i32 = arith.constant 0 : i32
    %c0_i32_0 = arith.constant 0 : i32
    return %arg0, %c0_i32 : i32, i32
  }
  func.func @transform_1(%arg0: i32) -> (i32, i32) {
    %c0_i32 = arith.constant 0 : i32
    %c0_i32_0 = arith.constant 0 : i32
    return %arg0, %c0_i32 : i32, i32
  }
  func.func @transform_2(%arg0: i32) -> (i32, i32) {
    %c0_i32 = arith.constant 0 : i32
    %c0_i32_0 = arith.constant 0 : i32
    return %arg0, %c0_i32 : i32, i32
  }
  func.func @transform_3(%arg0: i32) -> (i32, i32) {
    %c0_i32 = arith.constant 0 : i32
    %c0_i32_0 = arith.constant 0 : i32
    %c0_i32_1 = arith.constant 0 : i32
    return %c0_i32, %c0_i32_0 : i32, i32
  }
  func.func @transform_4(%arg0: i32) -> (i32, i32) {
    %c0_i32 = arith.constant 0 : i32
    %c0_i32_0 = arith.constant 0 : i32
    %c0_i32_1 = arith.constant 0 : i32
    return %c0_i32, %c0_i32_0 : i32, i32
  }
  func.func @transform_5(%arg0: i32) -> (i32, i32) {
    %c0_i32 = arith.constant 0 : i32
    %c0_i32_0 = arith.constant 0 : i32
    return %arg0, %c0_i32 : i32, i32
  }
  func.func @transform_6(%arg0: i32) -> (i32, i32) {
    %c0_i32 = arith.constant 0 : i32
    %c0_i32_0 = arith.constant 0 : i32
    return %arg0, %c0_i32 : i32, i32
  }
}

module attributes {stable_mosaic.version = 14 : i64} {
  func.func @_tc_post_body(%arg0: i32, %arg1: memref<3136x32xf32, #tpu.memory_space<vmem>>, %arg2: memref<3136x32xf32, #tpu.memory_space<vmem>>, %arg3: memref<3136x1xf32, #tpu.memory_space<vmem>>, %arg4: memref<1x64xf32, #tpu.memory_space<vmem>>, %arg5: memref<64x1xf32, #tpu.memory_space<vmem>>, %arg6: memref<1x1xf32, #tpu.memory_space<vmem>>, %arg7: memref<3136x1xf32, #tpu.memory_space<vmem>>) attributes {dimension_semantics = [#tpu.dimension_semantics<arbitrary>], iteration_bounds = array<i64: 16>, scalar_prefetch = 0 : i64, scratch_operands = 0 : i64, tpu.core_type = #tpu.core_type<tc>, window_params = [{transform_indices = @transform_0, window_bounds = array<i64: 3136, 32>}, {transform_indices = @transform_1, window_bounds = array<i64: 3136, 32>}, {transform_indices = @transform_2, window_bounds = array<i64: 3136, 1>}, {pipeline_mode = #tpu.pipeline_mode<synchronous>, transform_indices = @transform_3, window_bounds = array<i64: 1, 64>}, {pipeline_mode = #tpu.pipeline_mode<synchronous>, transform_indices = @transform_4, window_bounds = array<i64: 64, 1>}, {pipeline_mode = #tpu.pipeline_mode<synchronous>, transform_indices = @transform_5, window_bounds = array<i64: 1, 1>}, {transform_indices = @transform_6, window_bounds = array<i64: 3136, 1>}]} {
    %get3A = arith.constant 0 : index
    %get3A_0 = arith.constant 0 : index
    %get3A_1 = vector.load %arg3[%get3A, %get3A_0] : memref<3136x1xf32, #tpu.memory_space<vmem>>, vector<3136x1xf32>
    %get3A_2 = arith.constant 0 : index
    %get3A_3 = arith.constant 0 : index
    %get3A_4 = vector.load %arg1[%get3A_2, %get3A_3] : memref<3136x32xf32, #tpu.memory_space<vmem>>, vector<3136x32xf32>
    %get3A_5 = arith.constant 0 : index
    %get3A_6 = arith.constant 0 : index
    %get3A_7 = vector.load %arg2[%get3A_5, %get3A_6] : memref<3136x32xf32, #tpu.memory_space<vmem>>, vector<3136x32xf32>
    %concatenate3A = tpu.concatenate %get3A_4, %get3A_7 in 1 : vector<3136x32xf32>, vector<3136x32xf32> -> vector<3136x64xf32>
    %mul3A = vector.broadcast %get3A_1 : vector<3136x1xf32> to vector<3136x64xf32>
    %mul3A_8 = arith.mulf %concatenate3A, %mul3A : vector<3136x64xf32>
    %get3A_9 = arith.constant 0 : index
    %get3A_10 = arith.constant 0 : index
    %get3A_11 = vector.load %arg4[%get3A_9, %get3A_10] : memref<1x64xf32, #tpu.memory_space<vmem>>, vector<1x64xf32>
    %add3A = vector.broadcast %get3A_11 : vector<1x64xf32> to vector<3136x64xf32>
    %add3A_12 = arith.addf %mul3A_8, %add3A : vector<3136x64xf32>
    %max3A = arith.constant 0.000000e+00 : f32
    %max3A_13 = vector.broadcast %max3A : f32 to vector<3136x64xf32>
    %max3A_14 = arith.maximumf %add3A_12, %max3A_13 : vector<3136x64xf32>
    %get3A_15 = arith.constant 0 : index
    %get3A_16 = arith.constant 0 : index
    %get3A_17 = vector.load %arg5[%get3A_15, %get3A_16] : memref<64x1xf32, #tpu.memory_space<vmem>>, vector<64x1xf32>
    %dot_general3A = arith.constant dense<0.000000e+00> : vector<3136x1xf32>
    %dot_general3A_18 = tpu.matmul %max3A_14, %get3A_17, %dot_general3A {dimension_numbers = #tpu.dot_dimension_numbers<[1], [0], [0], [1], [0, 0, 1, 1], [], []>, transpose_lhs_hint = false} : vector<3136x64xf32>, vector<64x1xf32>, vector<3136x1xf32> -> vector<3136x1xf32>
    %get3A_19 = arith.constant 0 : index
    %get3A_20 = arith.constant 0 : index
    %get3A_21 = vector.load %arg6[%get3A_19, %get3A_20] : memref<1x1xf32, #tpu.memory_space<vmem>>, vector<1x1xf32>
    %add3A_22 = vector.broadcast %get3A_21 : vector<1x1xf32> to vector<3136x1xf32>
    %add3A_23 = arith.addf %dot_general3A_18, %add3A_22 : vector<3136x1xf32>
    %swap3A = arith.constant 0 : index
    %swap3A_24 = arith.constant 0 : index
    %swap3A_25 = vector.load %arg7[%swap3A, %swap3A_24] : memref<3136x1xf32, #tpu.memory_space<vmem>>, vector<3136x1xf32>
    tpu.vector_store %arg7[%swap3A, %swap3A_24], %add3A_23 {strides = array<i32>} : memref<3136x1xf32, #tpu.memory_space<vmem>>, vector<3136x1xf32>,
    return
  }
  func.func @transform_0(%arg0: i32) -> (i32, i32) {
    %c0_i32 = arith.constant 0 : i32
    %c0_i32_0 = arith.constant 0 : i32
    return %arg0, %c0_i32 : i32, i32
  }
  func.func @transform_1(%arg0: i32) -> (i32, i32) {
    %c0_i32 = arith.constant 0 : i32
    %c0_i32_0 = arith.constant 0 : i32
    return %arg0, %c0_i32 : i32, i32
  }
  func.func @transform_2(%arg0: i32) -> (i32, i32) {
    %c0_i32 = arith.constant 0 : i32
    %c0_i32_0 = arith.constant 0 : i32
    return %arg0, %c0_i32 : i32, i32
  }
  func.func @transform_3(%arg0: i32) -> (i32, i32) {
    %c0_i32 = arith.constant 0 : i32
    %c0_i32_0 = arith.constant 0 : i32
    %c0_i32_1 = arith.constant 0 : i32
    return %c0_i32, %c0_i32_0 : i32, i32
  }
  func.func @transform_4(%arg0: i32) -> (i32, i32) {
    %c0_i32 = arith.constant 0 : i32
    %c0_i32_0 = arith.constant 0 : i32
    %c0_i32_1 = arith.constant 0 : i32
    return %c0_i32, %c0_i32_0 : i32, i32
  }
  func.func @transform_5(%arg0: i32) -> (i32, i32) {
    %c0_i32 = arith.constant 0 : i32
    %c0_i32_0 = arith.constant 0 : i32
    %c0_i32_1 = arith.constant 0 : i32
    return %c0_i32, %c0_i32_0 : i32, i32
  }
  func.func @transform_6(%arg0: i32) -> (i32, i32) {
    %c0_i32 = arith.constant 0 : i32
    %c0_i32_0 = arith.constant 0 : i32
    return %arg0, %c0_i32 : i32, i32
  }
}

</mosaic_0001>

<sc_bundles>
// kernel: kernel.12.cloned.1.call-start
scs
__scs_entry_jumppad:
0x0: {  	(pc) =	sbr.rel $0x88, $3  }
0x1: {  	(tag) =	ssettag $0x0;
	lr =	simm.s32 $0x1  }
0x2: {  	[smem:$0x3F99] =	sst lr;
	_ =	strace $0xD0000000  }
0x3: {  	_ = 	snop  }
0x4: {  	_ = 	snop  }
0x5: {  	_ = 	snop  }
0x6: {  	_ = 	snop  }
0x7: {  	_ = 	snop  }
__scs_overlays_trampoline_lowered:
0x8: {  	[smem:$0x3FA8] =	sst s0  }
0x9: {  	[smem:$0x3FA9] =	sst s1  }
0xa: {  	[smem:$0x3FAA] =	sst s2  }
0xb: {  	[smem:$0x3FAB] =	sst s3  }
0xc: {  	[smem:$0x3FAC] =	sst s4  }
0xd: {  	[smem:$0x3FAD] =	sst s5  }
0xe: {  	[smem:$0x3FAE] =	sst s6  }
0xf: {  	[smem:$0x3FAF] =	sst s7  }
0x10: {  	[smem:$0x3FB0] =	sst s8  }
0x11: {  	[smem:$0x3FB1] =	sst s9;
	s0 =	simm.s32 @!p0 $0x0  }
0x12: {  	s1 =	sld [smem:$0x3F97];
	s0 =	simm.s32 @p0 $0x1  }
0x13: {  	[smem:$0x3FB2] =	sst s0;
	s0 =	simm.s32 @!p1 $0x0  }
0x14: {  	s2 =	sld [smem:$0x3F96];
	s0 =	simm.s32 @p1 $0x1  }
0x15: {  	[smem:$0x3FB3] =	sst s0;
	s0 =	simm.s32 @!p2 $0x0  }
0x16: {  	s3 =	sld [smem:$0x3FDB];
	s0 =	simm.s32 @p2 $0x1  }
0x17: {  	s4 =	simm.s32 $0x1BF5;
	[smem:$0x3FB5] =	sst s0  }
0x18: {  	s0 =	sld [smem:$0x3F98];
	_ =	swait.ge [sflag:s4], $0x0  }
0x19: {  	s7 =	sld [smem:$0x3F99]  }
0x1a: {  	s8 =	sadd.s32 $0xFFFFE003, lr  }
0x1b: {  	s9 =	sadd.s32 $0xFFFFFEF7, lr;
	s5 =	simm.s32 $0xFFFFFFFF;
	p2 =	slt.u32 s8, $0xFFFFF086  }
0x1c: {  	p1 =	slt.u32 s9, $0xF7A;
	s5 =	simm.s32 @!p2 $0x0  }
0x1d: {  	s5 =	simm.s32 @p1 $0x1;
	p0 =	seq.s32 s7, s2  }
0x1e: {  	s7 =	smul.u32 @!p0 $0xF7A, s2;
	p2 =	seq.s32 @!p0 s5, $0x0  }
0x1f: {  	s9 =	smul.u32 $0xF7A, s1;
	s8 =	simm.s32 @!p0 $0x1BF5;
	p2 =	por !p2, p0  }
0x20: {  	[sflag:s8] =	ssyncset.s32 @!p0 $0xFFFFF086;
	s6 =	sadd.s32 @!p0 s3, s7;
	s7 =	simm.s32 @!p0 $0x108  }
0x21: {  	s3 =	sadd.s32 s3, s9;
	s6 =	sadd.s32 @!p0 $0x88, s6;
	s7 =	simm.s32 @p2 $0x1082  }
0x22: {  	[simem:s7], [sflag:s8] =	dma.local @!p0 [hbm:s6], $0xF7A  }
0x23: {  	s9 =	sor.u32 $0xD0000000, s2;
	s6 =	simm.s32 $0x108;
	_ =	swait.ge @!p0 [sflag:s8], $0x0  }
0x24: {  	s3 =	sadd.s32 $0x88, s3;
	s6 =	simm.s32 @!p1 $0x1082;
	[sflag:s4] =	ssyncset.s32 $0xFFFFF086  }
0x25: {  	[simem:s6], [sflag:s4] =	dma.local [hbm:s3], $0xF7A  }
0x26: {  	[smem:$0x3F99] =	sst s1;
	(tag) =	ssettag s2;
	_ =	strace s9  }
0x27: {  	s1 =	sld [smem:$0x3FA9]  }
0x28: {  	s2 =	sld [smem:$0x3FAA]  }
0x29: {  	s4 =	sld [smem:$0x3FAC]  }
0x2a: {  	p0 =	seq.s32 s5, $0x0;
	s5 =	sld [smem:$0x3FAD]  }
0x2b: {  	s6 =	sld [smem:$0x3FAE]  }
0x2c: {  	s7 =	sld [smem:$0x3FAF]  }
0x2d: {  	s3 =	simm.s32 $0x108;
	s8 =	sld [smem:$0x3FB0]  }
0x2e: {  	s3 =	simm.s32 @!p0 $0x1082;
	s9 =	sld [smem:$0x3FB1]  }
0x2f: {  	lr =	sadd.s32 s0, s3;
	s0 =	sld [smem:$0x3FA8]  }
0x30: {  	s3 =	sld [smem:$0x3FAB]  }
0x31: {  	[smem:$0x3FB4] =	sst s10  }
0x32: {  	s10 =	sld [smem:$0x3FB2];
	_ =	sdelay $0x3  }
0x33: {  	p0 =	seq.s32 s10, $0x1;
	s10 =	sld [smem:$0x3FB4];
	_ =	sdelay $0x3  }
0x34: {  	[smem:$0x3FB4] =	sst s10  }
0x35: {  	s10 =	sld [smem:$0x3FB3];
	_ =	sdelay $0x3  }
0x36: {  	p1 =	seq.s32 s10, $0x1;
	s10 =	sld [smem:$0x3FB4];
	_ =	sdelay $0x3  }
0x37: {  	[smem:$0x3FB4] =	sst s10  }
0x38: {  	s10 =	sld [smem:$0x3FB5]  }
0x39: {  	_ = 	snop;
	(pc) =	sbr.ind lr, $3  }
0x3a: {  	_ = 	snop  }
0x3b: {  	_ = 	snop  }
0x3c: {  	p2 =	seq.s32 s10, $0x1;
	s10 =	sld [smem:$0x3FB4]  }
0x3d: {  	_ =	shalt  }
0x3e: {  	_ =	shalt  }
0x3f: {  	_ =	shalt  }
0x40: {  	_ =	shalt  }
0x41: {  	_ =	shalt  }
0x42: {  	_ =	shalt  }
0x43: {  	_ =	shalt  }
0x44: {  	_ =	shalt  }
0x45: {  	_ =	shalt  }
0x46: {  	_ =	shalt  }
0x47: {  	_ =	shalt  }
0x48: {  	_ =	shalt  }
0x49: {  	_ =	shalt  }
0x4a: {  	_ =	shalt  }
0x4b: {  	_ =	shalt  }
0x4c: {  	_ =	shalt  }
0x4d: {  	_ =	shalt  }
0x4e: {  	_ =	shalt  }
0x4f: {  	_ =	shalt  }
0x50: {  	_ =	shalt  }
0x51: {  	_ =	shalt  }
0x52: {  	_ =	shalt  }
0x53: {  	_ =	shalt  }
0x54: {  	_ =	shalt  }
0x55: {  	_ =	shalt  }
0x56: {  	_ =	shalt  }
0x57: {  	_ =	shalt  }
0x58: {  	_ =	shalt  }
0x59: {  	_ =	shalt  }
0x5a: {  	_ =	shalt  }
0x5b: {  	_ =	shalt  }
0x5c: {  	_ =	shalt  }
0x5d: {  	_ =	shalt  }
0x5e: {  	_ =	shalt  }
0x5f: {  	_ =	shalt  }
0x60: {  	_ =	shalt  }
0x61: {  	_ =	shalt  }
0x62: {  	_ =	shalt  }
0x63: {  	_ =	shalt  }
0x64: {  	_ =	shalt  }
0x65: {  	_ =	shalt  }
0x66: {  	_ =	shalt  }
0x67: {  	_ =	shalt  }
0x68: {  	_ =	shalt  }
0x69: {  	_ =	shalt  }
0x6a: {  	_ =	shalt  }
0x6b: {  	_ =	shalt  }
0x6c: {  	_ =	shalt  }
0x6d: {  	_ =	shalt  }
0x6e: {  	_ =	shalt  }
0x6f: {  	_ =	shalt  }
0x70: {  	_ =	shalt  }
0x71: {  	_ =	shalt  }
0x72: {  	_ =	shalt  }
0x73: {  	_ =	shalt  }
0x74: {  	_ =	shalt  }
0x75: {  	_ =	shalt  }
0x76: {  	_ =	shalt  }
0x77: {  	_ =	shalt  }
0x78: {  	_ =	shalt  }
0x79: {  	_ =	shalt  }
0x7a: {  	_ =	shalt  }
0x7b: {  	_ =	shalt  }
0x7c: {  	_ =	shalt  }
0x7d: {  	_ =	shalt  }
0x7e: {  	_ =	shalt  }
0x7f: {  	_ =	shalt  }
0x80: {  	_ =	shalt  }
0x81: {  	_ =	shalt  }
0x82: {  	_ =	shalt  }
0x83: {  	_ =	shalt  }
0x84: {  	_ =	shalt  }
0x85: {  	_ =	shalt  }
0x86: {  	_ =	shalt  }
0x87: {  	_ =	shalt  }
.Lfunc_end0:
.L_simem_size_0:
called_computation_lowered:
.L_overlay_start_0:
0x88: {  	s2 =	sld [smem:$0x3FD9]  }
0x89: {  	s3 =	sld [smem:$0x3FFE];
	_ =	sdelay $0x1  }
0x8a: {  	s1 =	srdreg.scid  }
0x8b: {  	s0 =	sand.u32 $0x1, s1  }
0x8c: {  	s16 =	sshll.u32 s0, $0xA;
	s2 =	sadd.s32 s3, s2  }
0x8d: {  	s2 =	sadd.s32 s2, s16  }
0x8e: {  	[smem:$0x3FC0] =	sst s2  }
0x8f: {  	_ = 	snop  }
0x90: {  	(tm) =	ssettm $0x1  }
0x91: {  	s17 =	sld [smem:$0x3FFB];
	_ =	sdelay $0x3  }
0x92: {  	_ =	strace s17  }
0x93: {  	s2 =	sld [smem:$0x3FFC];
	_ =	sdelay $0x3  }
0x94: {  	_ =	strace s2  }
0x95: {  	s2 =	sld [smem:$0x3FFD];
	_ =	sdelay $0x3  }
0x96: {  	_ =	strace s2  }
0x97: {  	_ =	strace $0x8FFFFFFF  }
0x98: {  	s18 =	sld [smem:$0x3FDB];
	_ =	sdelay $0x1  }
0x99: {  	s19 =	simm.s32 $_scs_section_size  }
0x9a: {  	s4 =	simm.s32 $_size__tile_overlayer_lowered;
	s5 =	simm.s32 $_tile_overlayer_lowered  }
0x9b: {  	s22 =	simm.s32 $0x1BFF;
	s21 =	sshll.u32 s5, $0x1;
	s2 =	sadd.s32 s19, s18  }
0x9c: {  	s6 =	simm.s32 $0x0;
	s20 =	sshll.u32 s4, $0x1;
	s4 =	sadd.s32 s21, s2  }
0x9d: {  	[timem:s6], [sflag:s22] =	dma.local [hbm:s4], s20  }
0x9e: {  	_ =	swait.ge [sflag:s22], s20  }
0x9f: {  	s3 =	ssub.s32 $0x0, s20;
	[sflag:s22] =	ssyncset.done $0x0  }
0xa0: {  	[sflag:s22] =	ssyncadd.s32 s3;
	_ =	sdelay $0x1  }
0xa1: {  	s23 =	simm.s32 $0x1B8B  }
0xa2: {  	_ =	swait.ge [sflag:s23], $0x1  }
0xa3: {  	[sflag:s23] =	ssyncset.done $0x0  }
0xa4: {  	s25 =	simm.s32 $0x1B8E;
	s24 =	sld [smem:$0x3FFE];
	[sflag:s23] =	ssyncadd.s32 $0xFFFFFFFF  }
0xa5: {  	s26 =	simm.s32 $execute0_lowered;
	[smem:$0x3FD2] =	sst s25  }
0xa6: {  	s4 =	sshll.u32 s26, $0x1;
	_ =	strace $0x80000046;
	[dreg:$0x1] =	wrdreg $0xFFFFFFFF  }
0xa7: {  	s28 =	simm.s32 $_size_execute0_lowered;
	s2 =	sadd.s32 s2, s4;
	[dreg:$0x0] =	wrdreg $0x0  }
0xa8: {  	s4 =	sshll.u32 s28, $0x1;
	[dreg:$0x2] =	wrdreg s2  }
0xa9: {  	[dreg:$0x3] =	wrdreg s4  }
0xaa: {  	[dreg:$0x4] =	wrdreg $0xC0  }
0xab: {  	_ =	task [dreg:s6], $0x5FFFF  }
0xac: {  	[dreg:$0x1] =	wrdreg $0xFFFFFFFF  }
0xad: {  	[dreg:$0x0] =	wrdreg $0x60  }
0xae: {  	[dreg:$0x2] =	wrdreg s24  }
0xaf: {  	[dreg:$0x3] =	wrdreg $0x68000  }
0xb0: {  	[dreg:$0x4] =	wrdreg $0x9  }
0xb1: {  	_ =	task.clear_ibuf [dreg:s6], $0x5FFFF;
	_ =	strace $0x90000046  }
0xb2: {  	s29 =	simm.s32 $0x9;
	_ =	strace $0x80000048  }
0xb3: {  	_ =	swait.ge [sflag:s29], $0x1  }
0xb4: {  	[sflag:s29] =	ssyncadd.s32 $0xFFFFFFFF  }
0xb5: {  	_ =	strace $0x90000048  }
0xb6: {  	_ =	sfence  }
0xb7: {  	s30 =	sld [smem:$0x0];
	_ =	sdelay $0x2  }
0xb8: {  	s31 =	sshll.u32 s1, $0xD;
	s1 =	sshrl.u32 s1, $0x2  }
0xb9: {  	s3 =	sand.u32 $0x4000, s31;
	s1 =	sadd.s32 s1, s30  }
0xba: {  	s0 =	sor.u32 s3, s0;
	s1 =	sshll.u32 s1, $0x11  }
0xbb: {  	s0 =	sor.u32 s1, s0  }
0xbc: {  	s0 =	sadd.s32 $0x8F2B, s0  }
0xbd: {  	[sflag:s0] =	ssyncadd.remote.s32 $0x1  }
0xbe: {  	_ =	sfence.sel $0xFFFF  }
0xbf: {  	[dreg:$0x0] =	wrdreg $0xFFFFFFFF;
	(pc) =	sbr.abs _section_cstart, $3  }
0xc0: {  	[dreg:$0x1] =	wrdreg $0xFFFFFFFF  }
0xc1: {  	_ =	task.clear_ibuf [dreg:s6], $0x2FFFF;
	_ =	strace $0x9FFFFFFF  }
0xc2: {  	(tm) =	ssettm $0x7FFFFFFF  }
0xc3: {  	_ =	shalt  }
tec
execute0_lowered:
.L_overlay_start_1:
0x0: {  	(tag) =	ssettag $0x1  }
0x1: {  	s6 =	rddreg [dreg:$0x0]  }
0x2: {  	s2 =	rddreg [dreg:$0x1]  }
0x3: {  	s0 =	rddreg [dreg:$0x2];
	s3 =	simm.s32 $0x0;
	s4 =	srdreg.scid  }
0x4: {  	s1 =	stileid.u32;
	s13 =	simm.s32 $0x80;
	s14 =	simm.s32 $0x0  }
0x5: {  	[smem:$0x7FF] =	sst s3;
	s7 =	sand.u32 $0x1, s4;
	s8 =	smul.u32 $0x6200, s1  }
0x6: {  	s10 =	smul.u32 $0xC80, s1;
	s4 =	sadd.s32 $0x1D400, s6;
	s31 =	sshll.u32 s1, $0x6  }
0x7: {  	s9 =	smul.u32 $0xC800, s7;
	p0 =	seq.s32 s7, $0x1;
	s7 =	ssub.s32 $0x2, s7  }
0x8: {  	_ =	strace $0x80000047;
	s11 =	sshrl.u32 s8, $0x3;
	s28 =	sshrl.u32 s7, $0x1  }
0x9: {  	s30 =	sadd.s32 s8, s2;
	s12 =	sadd.s32 $0xC400, s11;
	s5 =	sadd.s32 s4, s11  }
0xa: {  	s9 =	sadd.s32 s10, s9;
	s29 =	ssub.s32 s7, s28;
	s10 =	sshrl.u32 s30, $0x3  }
0xb: {  	s11 =	smov.u32 @p0 s12;
	s9 =	sadd.s32 s9, s6;
	s8 =	smax.u32 s29, $0x1  }
0xc: {  	s12 =	simm.s32 $0x6400;
	s26 =	sadd.s32 s11, s6;
	s6 =	sor.u32 $0x1C01, s31  }
0xd: {  	s7 =	sadd.s32 $0x4400, s9;
	s11 =	simm.s32 $0x1;
	s9 =	sadd.s32 $0x29800, s26  }
.LBB2_1:
0xe: {  	[spmem:s10], [sflag:s6] =	dma.local [hbm:s5], $0xC40  }
0xf: {  	_ =	swait.ge [sflag:s11], $0xC40  }
0x10: {  	[sflag:s11] =	ssyncset.done $0x0  }
0x11: {  	[sflag:s11] =	ssyncadd.s32 $0xFFFFF3C0  }
0x12: {  	[tilespmem:s12], [sflag:$0x1] =	stream.linear.gather [hbm4b:s4+s3], $0x400, $0x38;
	[tilespmem:$0xCA00] =	vst v63  }
0x13: {  	_ =	swait.ge [sflag:s11], $0x400  }
0x14: {  	[sflag:s11] =	ssyncset.done $0x0  }
0x15: {  	[sflag:s11] =	ssyncadd.s32 $0xFFFFFC00  }
0x16: {  	[tilespmem:s3], [sflag:$0x1] =	stream.linear.gather [hbm4b:s7+s3], $0x6400, $0x38;
	[tilespmem:$0xCA00] =	vst v63  }
0x17: {  	_ =	swait.ge [sflag:s11], $0x6400  }
0x18: {  	[sflag:s11] =	ssyncset.done $0x0  }
0x19: {  	[sflag:s11] =	ssyncadd.s32 $0xFFFF9C00  }
0x1a: {  	s15 =	simm.s32 $0x0;
	[bflag:$0x0] =	sbarrier.arrive $0xFFFF  }
0x1b: {  	[spmem:s2] =	stream.indirect.scatter.add.f32 [tilespmem:s12], [sflag:$0x1], $0x8, s15, s13, $0xb8;
	[tilespmem:$0xCA00] =	vst v63  }
0x1c: {  	_ =	swait.ge [sflag:s11], $0x400  }
0x1d: {  	s15 =	simm.s32 $0x200;
	[sflag:s11] =	ssyncset.done $0x0  }
.LBB2_2:
0x1e: {  	s16 =	sshra.s32 s15, $0x2;
	[sflag:s11] =	ssyncadd.s32 $0xFFFFFC00;
	p0 =	sne.s32 s15, $0x18E00  }
0x1f: {  	[spmem:s2] =	stream.indirect.scatter.add.f32 [tilespmem:s12], [sflag:$0x1], $0x8, s16, s13, $0xb8;
	[tilespmem:$0xCA00] =	vst v63  }
.Ltmp0:
0x20: {  	_ = 	snop;
	(pc) =	sbr.rel @p0 .LBB2_2-.Ltmp0, $4  }
0x21: {  	_ = 	snop  }
0x22: {  	s15 =	sadd.s32 $0x200, s15  }
0x23: {  	_ =	swait.ge [sflag:s11], $0x400  }
0x24: {  	[sflag:s11] =	ssyncset.done $0x0  }
0x25: {  	s14 =	sadd.s32 $0x1, s14  }
0x26: {  	[sflag:s11] =	ssyncadd.s32 $0xFFFFFC00;
	p0 =	sne.s32 s14, s8  }
.Ltmp1:
0x27: {  	[bflag:$0x0] =	sbarrier.arrive $0xFFFF;
	(pc) =	sbr.rel @p0 .LBB2_1-.Ltmp1, $4  }
0x28: {  	[hbm:s9], [sflag:s6] =	dma.local [spmem:s10], $0xC40  }
0x29: {  	_ =	swait.ge [sflag:s11], $0xC40  }
0x2a: {  	[sflag:s11] =	ssyncset.done $0x0  }
0x2b: {  	[sflag:s11] =	ssyncadd.s32 $0xFFFFF3C0  }
0x2c: {  	_ =	sfence.sel $0x180000  }
0x2d: {  	[bflag:$0x0] =	sbarrier.arrive $0xFFFF  }
0x2e: {  	p0 =	sne.s32 s1, $0x0;
	_ =	strace $0x90000047  }
0x2f: {  	s0 =	sadd.s32 @!p0 $0x100000, s0;
	[bflag:$0x2] =	sbarrier.arrive $0xFFFF  }
0x30: {  	[sflag:s0] =	ssyncadd.tile.s32 @!p0 $0x1;
	_ =	shalt  }
.Lfunc_end2:
_tile_overlayer_lowered:
.L_overlay_start_2:
0x31: {  	(tag) =	ssettag $0x2  }
0x32: {  	s0 =	rddreg [dreg:$0x0];
	s2 =	stileid.u32  }
0x33: {  	s1 =	rddreg [dreg:$0x1];
	p0 =	sne.s32 s2, $0x0  }
0x34: {  	s3 =	rddreg [dreg:$0x2];
	[bflag:$0x3] =	sbarrier.arrive $0xFFFF;
	s2 =	simm.s32 @!p0 $0x1C01  }
0x35: {  	[timem:s3], [sflag:s2] =	dma.local @!p0 [hbm:s0], s1  }
0x36: {  	s0 =	simm.s32 @!p0 $0x1  }
0x37: {  	_ =	swait.ge @!p0 [sflag:s0], s1  }
0x38: {  	s1 =	ssub.s32 @!p0 $0x0, s1;
	[sflag:s0] =	ssyncset.done @!p0 $0x0  }
0x39: {  	[sflag:s0] =	ssyncadd.s32 @!p0 s1  }
0x3a: {  	[bflag:$0x3] =	sbarrier.arrive $0xFFFF  }
0x3b: {  	_ =	shalt  }

// kernel: kernel.15.cloned.1.call-start
scs
__scs_entry_jumppad:
0x0: {  	(pc) =	sbr.rel $0x88, $3  }
0x1: {  	(tag) =	ssettag $0x0;
	lr =	simm.s32 $0x1  }
0x2: {  	[smem:$0x3F99] =	sst lr;
	_ =	strace $0xD0000000  }
0x3: {  	_ = 	snop  }
0x4: {  	_ = 	snop  }
0x5: {  	_ = 	snop  }
0x6: {  	_ = 	snop  }
0x7: {  	_ = 	snop  }
__scs_overlays_trampoline_lowered:
0x8: {  	[smem:$0x3FA8] =	sst s0  }
0x9: {  	[smem:$0x3FA9] =	sst s1  }
0xa: {  	[smem:$0x3FAA] =	sst s2  }
0xb: {  	[smem:$0x3FAB] =	sst s3  }
0xc: {  	[smem:$0x3FAC] =	sst s4  }
0xd: {  	[smem:$0x3FAD] =	sst s5  }
0xe: {  	[smem:$0x3FAE] =	sst s6  }
0xf: {  	[smem:$0x3FAF] =	sst s7  }
0x10: {  	[smem:$0x3FB0] =	sst s8  }
0x11: {  	[smem:$0x3FB1] =	sst s9;
	s0 =	simm.s32 @!p0 $0x0  }
0x12: {  	s1 =	sld [smem:$0x3F97];
	s0 =	simm.s32 @p0 $0x1  }
0x13: {  	[smem:$0x3FB2] =	sst s0;
	s0 =	simm.s32 @!p1 $0x0  }
0x14: {  	s2 =	sld [smem:$0x3F96];
	s0 =	simm.s32 @p1 $0x1  }
0x15: {  	[smem:$0x3FB3] =	sst s0;
	s0 =	simm.s32 @!p2 $0x0  }
0x16: {  	s3 =	sld [smem:$0x3FDB];
	s0 =	simm.s32 @p2 $0x1  }
0x17: {  	s4 =	simm.s32 $0x1BF5;
	[smem:$0x3FB5] =	sst s0  }
0x18: {  	s0 =	sld [smem:$0x3F98];
	_ =	swait.ge [sflag:s4], $0x0  }
0x19: {  	s7 =	sld [smem:$0x3F99]  }
0x1a: {  	s8 =	sadd.s32 $0xFFFFE003, lr  }
0x1b: {  	s9 =	sadd.s32 $0xFFFFFEF7, lr;
	s5 =	simm.s32 $0xFFFFFFFF;
	p2 =	slt.u32 s8, $0xFFFFF086  }
0x1c: {  	p1 =	slt.u32 s9, $0xF7A;
	s5 =	simm.s32 @!p2 $0x0  }
0x1d: {  	s5 =	simm.s32 @p1 $0x1;
	p0 =	seq.s32 s7, s2  }
0x1e: {  	s7 =	smul.u32 @!p0 $0xF7A, s2;
	p2 =	seq.s32 @!p0 s5, $0x0  }
0x1f: {  	s9 =	smul.u32 $0xF7A, s1;
	s8 =	simm.s32 @!p0 $0x1BF5;
	p2 =	por !p2, p0  }
0x20: {  	[sflag:s8] =	ssyncset.s32 @!p0 $0xFFFFF086;
	s6 =	sadd.s32 @!p0 s3, s7;
	s7 =	simm.s32 @!p0 $0x108  }
0x21: {  	s3 =	sadd.s32 s3, s9;
	s6 =	sadd.s32 @!p0 $0x88, s6;
	s7 =	simm.s32 @p2 $0x1082  }
0x22: {  	[simem:s7], [sflag:s8] =	dma.local @!p0 [hbm:s6], $0xF7A  }
0x23: {  	s9 =	sor.u32 $0xD0000000, s2;
	s6 =	simm.s32 $0x108;
	_ =	swait.ge @!p0 [sflag:s8], $0x0  }
0x24: {  	s3 =	sadd.s32 $0x88, s3;
	s6 =	simm.s32 @!p1 $0x1082;
	[sflag:s4] =	ssyncset.s32 $0xFFFFF086  }
0x25: {  	[simem:s6], [sflag:s4] =	dma.local [hbm:s3], $0xF7A  }
0x26: {  	[smem:$0x3F99] =	sst s1;
	(tag) =	ssettag s2;
	_ =	strace s9  }
0x27: {  	s1 =	sld [smem:$0x3FA9]  }
0x28: {  	s2 =	sld [smem:$0x3FAA]  }
0x29: {  	s4 =	sld [smem:$0x3FAC]  }
0x2a: {  	p0 =	seq.s32 s5, $0x0;
	s5 =	sld [smem:$0x3FAD]  }
0x2b: {  	s6 =	sld [smem:$0x3FAE]  }
0x2c: {  	s7 =	sld [smem:$0x3FAF]  }
0x2d: {  	s3 =	simm.s32 $0x108;
	s8 =	sld [smem:$0x3FB0]  }
0x2e: {  	s3 =	simm.s32 @!p0 $0x1082;
	s9 =	sld [smem:$0x3FB1]  }
0x2f: {  	lr =	sadd.s32 s0, s3;
	s0 =	sld [smem:$0x3FA8]  }
0x30: {  	s3 =	sld [smem:$0x3FAB]  }
0x31: {  	[smem:$0x3FB4] =	sst s10  }
0x32: {  	s10 =	sld [smem:$0x3FB2];
	_ =	sdelay $0x3  }
0x33: {  	p0 =	seq.s32 s10, $0x1;
	s10 =	sld [smem:$0x3FB4];
	_ =	sdelay $0x3  }
0x34: {  	[smem:$0x3FB4] =	sst s10  }
0x35: {  	s10 =	sld [smem:$0x3FB3];
	_ =	sdelay $0x3  }
0x36: {  	p1 =	seq.s32 s10, $0x1;
	s10 =	sld [smem:$0x3FB4];
	_ =	sdelay $0x3  }
0x37: {  	[smem:$0x3FB4] =	sst s10  }
0x38: {  	s10 =	sld [smem:$0x3FB5]  }
0x39: {  	_ = 	snop;
	(pc) =	sbr.ind lr, $3  }
0x3a: {  	_ = 	snop  }
0x3b: {  	_ = 	snop  }
0x3c: {  	p2 =	seq.s32 s10, $0x1;
	s10 =	sld [smem:$0x3FB4]  }
0x3d: {  	_ =	shalt  }
0x3e: {  	_ =	shalt  }
0x3f: {  	_ =	shalt  }
0x40: {  	_ =	shalt  }
0x41: {  	_ =	shalt  }
0x42: {  	_ =	shalt  }
0x43: {  	_ =	shalt  }
0x44: {  	_ =	shalt  }
0x45: {  	_ =	shalt  }
0x46: {  	_ =	shalt  }
0x47: {  	_ =	shalt  }
0x48: {  	_ =	shalt  }
0x49: {  	_ =	shalt  }
0x4a: {  	_ =	shalt  }
0x4b: {  	_ =	shalt  }
0x4c: {  	_ =	shalt  }
0x4d: {  	_ =	shalt  }
0x4e: {  	_ =	shalt  }
0x4f: {  	_ =	shalt  }
0x50: {  	_ =	shalt  }
0x51: {  	_ =	shalt  }
0x52: {  	_ =	shalt  }
0x53: {  	_ =	shalt  }
0x54: {  	_ =	shalt  }
0x55: {  	_ =	shalt  }
0x56: {  	_ =	shalt  }
0x57: {  	_ =	shalt  }
0x58: {  	_ =	shalt  }
0x59: {  	_ =	shalt  }
0x5a: {  	_ =	shalt  }
0x5b: {  	_ =	shalt  }
0x5c: {  	_ =	shalt  }
0x5d: {  	_ =	shalt  }
0x5e: {  	_ =	shalt  }
0x5f: {  	_ =	shalt  }
0x60: {  	_ =	shalt  }
0x61: {  	_ =	shalt  }
0x62: {  	_ =	shalt  }
0x63: {  	_ =	shalt  }
0x64: {  	_ =	shalt  }
0x65: {  	_ =	shalt  }
0x66: {  	_ =	shalt  }
0x67: {  	_ =	shalt  }
0x68: {  	_ =	shalt  }
0x69: {  	_ =	shalt  }
0x6a: {  	_ =	shalt  }
0x6b: {  	_ =	shalt  }
0x6c: {  	_ =	shalt  }
0x6d: {  	_ =	shalt  }
0x6e: {  	_ =	shalt  }
0x6f: {  	_ =	shalt  }
0x70: {  	_ =	shalt  }
0x71: {  	_ =	shalt  }
0x72: {  	_ =	shalt  }
0x73: {  	_ =	shalt  }
0x74: {  	_ =	shalt  }
0x75: {  	_ =	shalt  }
0x76: {  	_ =	shalt  }
0x77: {  	_ =	shalt  }
0x78: {  	_ =	shalt  }
0x79: {  	_ =	shalt  }
0x7a: {  	_ =	shalt  }
0x7b: {  	_ =	shalt  }
0x7c: {  	_ =	shalt  }
0x7d: {  	_ =	shalt  }
0x7e: {  	_ =	shalt  }
0x7f: {  	_ =	shalt  }
0x80: {  	_ =	shalt  }
0x81: {  	_ =	shalt  }
0x82: {  	_ =	shalt  }
0x83: {  	_ =	shalt  }
0x84: {  	_ =	shalt  }
0x85: {  	_ =	shalt  }
0x86: {  	_ =	shalt  }
0x87: {  	_ =	shalt  }
.Lfunc_end0:
.L_simem_size_0:
called_computation.1_lowered:
.L_overlay_start_0:
0x88: {  	s2 =	sld [smem:$0x3FD9]  }
0x89: {  	s3 =	sld [smem:$0x3FFE];
	_ =	sdelay $0x1  }
0x8a: {  	s1 =	srdreg.scid  }
0x8b: {  	s0 =	sand.u32 $0x1, s1  }
0x8c: {  	s16 =	sshll.u32 s0, $0xA;
	s2 =	sadd.s32 s3, s2  }
0x8d: {  	s2 =	sadd.s32 s2, s16  }
0x8e: {  	[smem:$0x3FC0] =	sst s2  }
0x8f: {  	_ = 	snop  }
0x90: {  	(tm) =	ssettm $0x1  }
0x91: {  	s17 =	sld [smem:$0x3FFB];
	_ =	sdelay $0x3  }
0x92: {  	_ =	strace s17  }
0x93: {  	s2 =	sld [smem:$0x3FFC];
	_ =	sdelay $0x3  }
0x94: {  	_ =	strace s2  }
0x95: {  	s2 =	sld [smem:$0x3FFD];
	_ =	sdelay $0x3  }
0x96: {  	_ =	strace s2  }
0x97: {  	_ =	strace $0x8FFFFFFF  }
0x98: {  	s18 =	sld [smem:$0x3FDB];
	_ =	sdelay $0x1  }
0x99: {  	s19 =	simm.s32 $_scs_section_size  }
0x9a: {  	s4 =	simm.s32 $_size__tile_overlayer_lowered;
	s5 =	simm.s32 $_tile_overlayer_lowered  }
0x9b: {  	s22 =	simm.s32 $0x1BFF;
	s21 =	sshll.u32 s5, $0x1;
	s2 =	sadd.s32 s19, s18  }
0x9c: {  	s6 =	simm.s32 $0x0;
	s20 =	sshll.u32 s4, $0x1;
	s4 =	sadd.s32 s21, s2  }
0x9d: {  	[timem:s6], [sflag:s22] =	dma.local [hbm:s4], s20  }
0x9e: {  	_ =	swait.ge [sflag:s22], s20  }
0x9f: {  	s3 =	ssub.s32 $0x0, s20;
	[sflag:s22] =	ssyncset.done $0x0  }
0xa0: {  	[sflag:s22] =	ssyncadd.s32 s3;
	_ =	sdelay $0x1  }
0xa1: {  	s23 =	simm.s32 $0x1B8B  }
0xa2: {  	_ =	swait.ge [sflag:s23], $0x1  }
0xa3: {  	[sflag:s23] =	ssyncset.done $0x0  }
0xa4: {  	s25 =	simm.s32 $0x1B8E;
	s24 =	sld [smem:$0x3FFE];
	[sflag:s23] =	ssyncadd.s32 $0xFFFFFFFF  }
0xa5: {  	s26 =	simm.s32 $execute0_lowered;
	[smem:$0x3FD2] =	sst s25  }
0xa6: {  	s4 =	sshll.u32 s26, $0x1;
	_ =	strace $0x80000049;
	[dreg:$0x1] =	wrdreg $0xFFFFFFFF  }
0xa7: {  	s28 =	simm.s32 $_size_execute0_lowered;
	s2 =	sadd.s32 s2, s4;
	[dreg:$0x0] =	wrdreg $0x0  }
0xa8: {  	s4 =	sshll.u32 s28, $0x1;
	[dreg:$0x2] =	wrdreg s2  }
0xa9: {  	[dreg:$0x3] =	wrdreg s4  }
0xaa: {  	[dreg:$0x4] =	wrdreg $0xC0  }
0xab: {  	_ =	task [dreg:s6], $0x5FFFF  }
0xac: {  	[dreg:$0x1] =	wrdreg $0xFFFFFFFF  }
0xad: {  	[dreg:$0x0] =	wrdreg $0x60  }
0xae: {  	[dreg:$0x2] =	wrdreg s24  }
0xaf: {  	[dreg:$0x3] =	wrdreg $0x50000  }
0xb0: {  	[dreg:$0x4] =	wrdreg $0x9  }
0xb1: {  	_ =	task.clear_ibuf [dreg:s6], $0x5FFFF;
	_ =	strace $0x90000049  }
0xb2: {  	s29 =	simm.s32 $0x9;
	_ =	strace $0x8000004B  }
0xb3: {  	_ =	swait.ge [sflag:s29], $0x1  }
0xb4: {  	[sflag:s29] =	ssyncadd.s32 $0xFFFFFFFF  }
0xb5: {  	_ =	strace $0x9000004B  }
0xb6: {  	_ =	sfence  }
0xb7: {  	s30 =	sld [smem:$0x0];
	_ =	sdelay $0x2  }
0xb8: {  	s31 =	sshll.u32 s1, $0xD;
	s1 =	sshrl.u32 s1, $0x2  }
0xb9: {  	s3 =	sand.u32 $0x4000, s31;
	s1 =	sadd.s32 s1, s30  }
0xba: {  	s0 =	sor.u32 s3, s0;
	s1 =	sshll.u32 s1, $0x11  }
0xbb: {  	s0 =	sor.u32 s1, s0  }
0xbc: {  	s0 =	sadd.s32 $0x8F2B, s0  }
0xbd: {  	[sflag:s0] =	ssyncadd.remote.s32 $0x1  }
0xbe: {  	_ =	sfence.sel $0xFFFF  }
0xbf: {  	[dreg:$0x0] =	wrdreg $0xFFFFFFFF;
	(pc) =	sbr.abs _section_cstart, $3  }
0xc0: {  	[dreg:$0x1] =	wrdreg $0xFFFFFFFF  }
0xc1: {  	_ =	task.clear_ibuf [dreg:s6], $0x2FFFF;
	_ =	strace $0x9FFFFFFF  }
0xc2: {  	(tm) =	ssettm $0x7FFFFFFF  }
0xc3: {  	_ =	shalt  }
tec
execute0_lowered:
.L_overlay_start_1:
0x0: {  	(tag) =	ssettag $0x1  }
0x1: {  	s0 =	rddreg [dreg:$0x0]  }
0x2: {  	s1 =	rddreg [dreg:$0x1]  }
0x3: {  	s2 =	simm.s32 $0x0;
	s3 =	srdreg.scid;
	s10 =	stileid.u32  }
0x4: {  	s30 =	simm.s32 $0x7;
	s28 =	simm.s32 $0x3000;
	s29 =	simm.s32 $0x4  }
0x5: {  	s31 =	simm.s32 $0x5;
	s14 =	simm.s32 $0x300;
	s15 =	simm.s32 $0xB00  }
0x6: {  	s12 =	simm.s32 $0x700;
	s16 =	simm.s32 $0xF00;
	[smem:$0x7FF] =	sst s2  }
0x7: {  	s4 =	sadd.s32 $0x4E400, s0;
	s5 =	sadd.s32 $0x1D400, s0;
	s6 =	sadd.s32 $0x106000, s0  }
0x8: {  	s3 =	sand.u32 $0x1, s3;
	s7 =	sadd.s32 $0x4400, s0;
	s9 =	smul.u32 $0xC800, s10  }
0x9: {  	s11 =	sadd.s32 $0xB0400, s0;
	s0 =	sadd.s32 $0x7F400, s0;
	s21 =	smul.u32 $0x18800, s10  }
0xa: {  	s26 =	smul.u32 $0x1900, s10;
	_ =	strace $0x8000004A;
	[dreg:$0x3] =	wrdreg s11  }
0xb: {  	s10 =	simm.s32 $0x600;
	s8 =	ssub.s32 $0x2, s3;
	[dreg:$0x4] =	wrdreg s0  }
0xc: {  	p0 =	seq.s32 s3, $0x1;
	s11 =	simm.s32 $0xE00;
	s17 =	sshrl.u32 s8, $0x1  }
0xd: {  	s18 =	sshrl.u32 s9, $0x3;
	s24 =	sadd.s32 s21, s1;
	s25 =	sshrl.u32 s21, $0x3  }
0xe: {  	s21 =	simm.s32 $0xC00;
	s0 =	ssub.s32 s8, s17;
	s19 =	sadd.s32 s6, s18  }
0xf: {  	s20 =	sor.u32 $0x80, s18;
	s3 =	sadd.s32 s7, s18;
	[dreg:$0x9] =	wrdreg s24  }
0x10: {  	s9 =	sadd.s32 s4, s25;
	[dreg:$0xa] =	wrdreg s25;
	s8 =	sadd.s32 s5, s25  }
0x11: {  	s17 =	sadd.s32 s26, s7;
	s18 =	sadd.s32 s26, s6;
	[dreg:$0x5] =	wrdreg s19  }
0x12: {  	s24 =	simm.s32 $0x100;
	s25 =	simm.s32 $0x1000;
	[dreg:$0x6] =	wrdreg s3  }
0x13: {  	s26 =	simm.s32 $0x3;
	s22 =	sadd.s32 s6, s20;
	[dreg:$0xb] =	wrdreg s9  }
.Ltmp0:
0x14: {  	s23 =	sadd.s32 s7, s20;
	[dreg:$0xc] =	wrdreg s8;
	(pc) =	sbr.rel .LBB2_1-.Ltmp0, $4  }
0x15: {  	s0 =	smax.u32 s0, $0x1;
	s20 =	simm.s32 $0x400;
	s6 =	simm.s32 $0xA00  }
0x16: {  	s7 =	simm.s32 $0x6;
	s3 =	simm.s32 $0x2;
	[dreg:$0x7] =	wrdreg s22  }
0x17: {  	s8 =	simm.s32 $0x500;
	s9 =	simm.s32 $0xD00;
	[dreg:$0x8] =	wrdreg s23  }
0x18: {  	s19 =	simm.s32 $0x0;
	[dreg:$0xd] =	wrdreg s0;
	s23 =	simm.s32 $0x1  }
.LBB2_8:
0x19: {  	s22 =	rddreg [dreg:$0x4]  }
0x1a: {  	s30 =	simm.s32 $0x7;
	s19 =	rddreg [dreg:$0xe]  }
.LBB2_9:
0x1b: {  	_ =	swait.ge [sflag:s7], $0x2000  }
0x1c: {  	[sflag:s7] =	ssyncset.done $0x0  }
0x1d: {  	[sflag:s7] =	ssyncadd.s32 $0xFFFFE000  }
0x1e: {  	s13 =	rddreg [dreg:$0xa];
	[bflag:$0x0] =	sbarrier.arrive $0xFFFF  }
0x1f: {  	s13 =	sadd.s32 s22, s13;
	s22 =	rddreg [dreg:$0xf]  }
0x20: {  	s0 =	rddreg [dreg:$0x10]  }
0x21: {  	[hbm:s13], [sflag:s0] =	dma.local [spmem:s22], $0x3100  }
0x22: {  	_ =	swait.ge [sflag:s30], $0x3100  }
0x23: {  	s19 =	sadd.s32 $0x1, s19;
	s22 =	rddreg [dreg:$0xd]  }
0x24: {  	p1 =	sne.s32 s19, s22  }
.Ltmp1:
0x25: {  	_ = 	snop;
	(pc) =	sbr.rel @!p1 .LBB2_10-.Ltmp1, $3  }
0x26: {  	_ =	sdelay $0x1  }
0x27: {  	[sflag:s30] =	ssyncset.done $0x0  }
0x28: {  	[sflag:s30] =	ssyncadd.s32 $0xFFFFCF00  }
.LBB2_1:
0x29: {  	[dreg:$0xe] =	wrdreg s19  }
0x2a: {  	s13 =	rddreg [dreg:$0x5]  }
0x2b: {  	[tilespmem:s2], [sflag:$0x1] =	stream.linear.gather [hbm4b:s13+s2], $0x400, $0x38;
	[tilespmem:$0x1D800] =	vst v63  }
0x2c: {  	s22 =	rddreg [dreg:$0x6];
	s0 =	simm.s32 $0x800  }
0x2d: {  	[tilespmem:s0], [sflag:$0x1] =	stream.linear.gather [hbm4b:s22+s2], $0x400, $0x38;
	[tilespmem:$0x1D800] =	vst v63  }
0x2e: {  	s19 =	rddreg [dreg:$0x7]  }
0x2f: {  	[tilespmem:s20], [sflag:$0x2] =	stream.linear.gather [hbm4b:s19+s2], $0x400, $0x38;
	[tilespmem:$0x1D800] =	vst v63  }
.Ltmp2:
0x30: {  	s22 =	rddreg [dreg:$0x8];
	(pc) =	sbr.rel @!p0 .LBB2_2-.Ltmp2, $4  }
0x31: {  	s0 =	stileid.u32;
	s19 =	rddreg [dreg:$0x9]  }
0x32: {  	[tilespmem:s21], [sflag:$0x2] =	stream.linear.gather [hbm4b:s22+s2], $0x400, $0x38;
	[tilespmem:$0x1D800] =	vst v63  }
0x33: {  	s19 =	sshrl.u32 s19, $0x3;
	s22 =	sshll.u32 s0, $0x6  }
0x34: {  	[dreg:$0xf] =	wrdreg s19;
	s13 =	sor.u32 $0x1C07, s22  }
0x35: {  	s0 =	sor.u32 $0x1C07, s22;
	s13 =	rddreg [dreg:$0xc]  }
0x36: {  	[dreg:$0x10] =	wrdreg s0  }
0x37: {  	[spmem:s19], [sflag:s0] =	dma.local [hbm:s13], $0x3100  }
0x38: {  	_ =	swait.ge [sflag:s30], $0x3100  }
0x39: {  	[sflag:s30] =	ssyncset.done $0x0  }
0x3a: {  	[sflag:s30] =	ssyncadd.s32 $0xFFFFCF00  }
0x3b: {  	_ =	swait.ge [sflag:s23], $0x400  }
0x3c: {  	[sflag:s23] =	ssyncset.done $0x0  }
0x3d: {  	[sflag:s23] =	ssyncadd.s32 $0xFFFFFC00  }
0x3e: {  	_ =	swait.ge [sflag:s23], $0x400  }
0x3f: {  	[sflag:s23] =	ssyncset.done $0x0  }
0x40: {  	[sflag:s23] =	ssyncadd.s32 $0xFFFFFC00  }
0x41: {  	s22 =	simm.s32 $0x0;
	s0 =	simm.s32 $0x200;
	[bflag:$0x0] =	sbarrier.arrive $0xFFFF  }
0x42: {  	[tilespmem:s25], [sflag:$0x3] =	stream.indirect.gather [hbm4b:s5+s24], $0x20, s22, s24, $0xb8;
	[tilespmem:$0x1D800] =	vst v63  }
.LBB2_7:
0x43: {  	_ =	swait.ge [sflag:s26], $0x2000  }
0x44: {  	[sflag:s26] =	ssyncset.done $0x0  }
0x45: {  	s13 =	simm.s32 $0x800;
	p1 =	seq.s32 s22, $0x0;
	[sflag:s26] =	ssyncadd.s32 $0xFFFFE000  }
0x46: {  	[spmem:s1] =	stream.indirect.scatter.add.f32 [tilespmem:s25], [sflag:$0x5], $0x20, s13, s24, $0xb8;
	[tilespmem:$0x1D800] =	vst v63  }
0x47: {  	s13 =	simm.s32 @!p1 $0x6  }
0x48: {  	_ =	swait.ge @!p1 [sflag:s13], $0x2000  }
0x49: {  	[sflag:s13] =	ssyncset.done @!p1 $0x0  }
0x4a: {  	[sflag:s13] =	ssyncadd.s32 @!p1 $0xFFFFE000  }
0x4b: {  	[tilespmem:s28], [sflag:$0x4] =	stream.indirect.gather [hbm4b:s5+s24], $0x20, s24, s24, $0xb8;
	[tilespmem:$0x1D800] =	vst v63  }
0x4c: {  	_ =	swait.ge [sflag:s29], $0x2000  }
0x4d: {  	[sflag:s29] =	ssyncset.done $0x0  }
0x4e: {  	s30 =	simm.s32 $0x900;
	[sflag:s29] =	ssyncadd.s32 $0xFFFFE000  }
0x4f: {  	[spmem:s1] =	stream.indirect.scatter.add.f32 [tilespmem:s28], [sflag:$0x6], $0x20, s30, s24, $0xb8;
	[tilespmem:$0x1D800] =	vst v63  }
0x50: {  	_ =	swait.ge [sflag:s31], $0x2000  }
0x51: {  	[sflag:s31] =	ssyncset.done $0x0  }
0x52: {  	[sflag:s31] =	ssyncadd.s32 $0xFFFFE000  }
0x53: {  	[tilespmem:s25], [sflag:$0x3] =	stream.indirect.gather [hbm4b:s5+s24], $0x20, s0, s24, $0xb8;
	[tilespmem:$0x1D800] =	vst v63  }
0x54: {  	_ =	swait.ge [sflag:s26], $0x2000  }
0x55: {  	[sflag:s26] =	ssyncset.done $0x0  }
0x56: {  	[sflag:s26] =	ssyncadd.s32 $0xFFFFE000  }
0x57: {  	[spmem:s1] =	stream.indirect.scatter.add.f32 [tilespmem:s25], [sflag:$0x5], $0x20, s6, s24, $0xb8;
	[tilespmem:$0x1D800] =	vst v63  }
0x58: {  	_ =	swait.ge [sflag:s7], $0x2000  }
0x59: {  	[sflag:s7] =	ssyncset.done $0x0  }
0x5a: {  	[sflag:s7] =	ssyncadd.s32 $0xFFFFE000  }
0x5b: {  	[tilespmem:s28], [sflag:$0x4] =	stream.indirect.gather [hbm4b:s5+s24], $0x20, s14, s24, $0xb8;
	[tilespmem:$0x1D800] =	vst v63  }
0x5c: {  	_ =	swait.ge [sflag:s29], $0x2000  }
0x5d: {  	[sflag:s29] =	ssyncset.done $0x0  }
0x5e: {  	[sflag:s29] =	ssyncadd.s32 $0xFFFFE000  }
0x5f: {  	[spmem:s1] =	stream.indirect.scatter.add.f32 [tilespmem:s28], [sflag:$0x6], $0x20, s15, s24, $0xb8;
	[tilespmem:$0x1D800] =	vst v63  }
0x60: {  	_ =	swait.ge [sflag:s31], $0x2000  }
0x61: {  	[sflag:s31] =	ssyncset.done $0x0  }
0x62: {  	[sflag:s31] =	ssyncadd.s32 $0xFFFFE000  }
0x63: {  	_ =	swait.ge [sflag:s3], $0x400  }
0x64: {  	[sflag:s3] =	ssyncset.done $0x0  }
0x65: {  	[sflag:s3] =	ssyncadd.s32 $0xFFFFFC00  }
0x66: {  	_ =	swait.ge [sflag:s3], $0x400  }
0x67: {  	p1 =	seq.s32 s22, $0x1800;
	[sflag:s3] =	ssyncset.done $0x0  }
0x68: {  	s13 =	sadd.s32 @!p1 s22, s18;
	[sflag:s3] =	ssyncadd.s32 $0xFFFFFC00  }
0x69: {  	[tilespmem:s25], [sflag:$0x3] =	stream.indirect.gather [hbm4b:s5+s24], $0x20, s20, s24, $0xb8;
	[tilespmem:$0x1D800] =	vst v63  }
0x6a: {  	s19 =	simm.s32 @!p1 $0x0;
	s13 =	sadd.s32 @!p1 $0x100, s13  }
0x6b: {  	[tilespmem:s19], [sflag:$0x1] =	stream.linear.gather @!p1 [hbm4b:s13+s19], $0x400, $0x38;
	[tilespmem:$0x1D800] =	vst v63  }
0x6c: {  	s13 =	sadd.s32 @!p1 s22, s17  }
0x6d: {  	s30 =	simm.s32 @!p1 $0x800;
	s13 =	sadd.s32 @!p1 $0x100, s13  }
0x6e: {  	[tilespmem:s30], [sflag:$0x1] =	stream.linear.gather @!p1 [hbm4b:s13+s19], $0x400, $0x38;
	[tilespmem:$0x1D800] =	vst v63  }
0x6f: {  	_ =	swait.ge [sflag:s26], $0x2000  }
0x70: {  	[sflag:s26] =	ssyncset.done $0x0  }
0x71: {  	[sflag:s26] =	ssyncadd.s32 $0xFFFFE000  }
0x72: {  	[spmem:s1] =	stream.indirect.scatter.add.f32 [tilespmem:s25], [sflag:$0x5], $0x20, s21, s24, $0xb8;
	[tilespmem:$0x1D800] =	vst v63  }
0x73: {  	_ =	swait.ge [sflag:s7], $0x2000  }
0x74: {  	[sflag:s7] =	ssyncset.done $0x0  }
0x75: {  	[sflag:s7] =	ssyncadd.s32 $0xFFFFE000  }
0x76: {  	[tilespmem:s28], [sflag:$0x4] =	stream.indirect.gather [hbm4b:s5+s24], $0x20, s8, s24, $0xb8;
	[tilespmem:$0x1D800] =	vst v63  }
0x77: {  	_ =	swait.ge [sflag:s29], $0x2000  }
0x78: {  	[sflag:s29] =	ssyncset.done $0x0  }
0x79: {  	[sflag:s29] =	ssyncadd.s32 $0xFFFFE000  }
0x7a: {  	[spmem:s1] =	stream.indirect.scatter.add.f32 [tilespmem:s28], [sflag:$0x6], $0x20, s9, s24, $0xb8;
	[tilespmem:$0x1D800] =	vst v63  }
0x7b: {  	_ =	swait.ge [sflag:s31], $0x2000  }
0x7c: {  	[sflag:s31] =	ssyncset.done $0x0  }
0x7d: {  	[sflag:s31] =	ssyncadd.s32 $0xFFFFE000  }
0x7e: {  	[tilespmem:s25], [sflag:$0x3] =	stream.indirect.gather [hbm4b:s5+s24], $0x20, s10, s24, $0xb8;
	[tilespmem:$0x1D800] =	vst v63  }
0x7f: {  	_ =	swait.ge [sflag:s26], $0x2000  }
0x80: {  	[sflag:s26] =	ssyncset.done $0x0  }
0x81: {  	[sflag:s26] =	ssyncadd.s32 $0xFFFFE000  }
0x82: {  	[spmem:s1] =	stream.indirect.scatter.add.f32 [tilespmem:s25], [sflag:$0x5], $0x20, s11, s24, $0xb8;
	[tilespmem:$0x1D800] =	vst v63  }
0x83: {  	_ =	swait.ge [sflag:s7], $0x2000  }
0x84: {  	[sflag:s7] =	ssyncset.done $0x0  }
0x85: {  	[sflag:s7] =	ssyncadd.s32 $0xFFFFE000  }
0x86: {  	[tilespmem:s28], [sflag:$0x4] =	stream.indirect.gather [hbm4b:s5+s24], $0x20, s12, s24, $0xb8;
	[tilespmem:$0x1D800] =	vst v63  }
0x87: {  	_ =	swait.ge [sflag:s29], $0x2000  }
0x88: {  	[sflag:s29] =	ssyncset.done $0x0  }
.Ltmp3:
0x89: {  	[sflag:s29] =	ssyncadd.s32 $0xFFFFE000;
	(pc) =	sbr.rel @p1 .LBB2_8-.Ltmp3, $4  }
0x8a: {  	[spmem:s1] =	stream.indirect.scatter.add.f32 [tilespmem:s28], [sflag:$0x6], $0x20, s16, s24, $0xb8;
	[tilespmem:$0x1D800] =	vst v63  }
0x8b: {  	_ =	swait.ge [sflag:s31], $0x2000  }
0x8c: {  	[sflag:s31] =	ssyncset.done $0x0  }
0x8d: {  	[sflag:s31] =	ssyncadd.s32 $0xFFFFE000  }
0x8e: {  	_ =	swait.ge [sflag:s23], $0x400  }
0x8f: {  	[sflag:s23] =	ssyncset.done $0x0  }
0x90: {  	[sflag:s23] =	ssyncadd.s32 $0xFFFFFC00  }
0x91: {  	_ =	swait.ge [sflag:s23], $0x400  }
0x92: {  	[sflag:s23] =	ssyncset.done $0x0  }
0x93: {  	[sflag:s23] =	ssyncadd.s32 $0xFFFFFC00  }
0x94: {  	[tilespmem:s25], [sflag:$0x3] =	stream.indirect.gather [hbm4b:s5+s24], $0x20, s2, s24, $0xb8;
	[tilespmem:$0x1D800] =	vst v63  }
.Ltmp4:
0x95: {  	s13 =	sadd.s32 s22, s18;
	(pc) =	sbr.rel .LBB2_7-.Ltmp4, $4  }
0x96: {  	s30 =	sadd.s32 s22, s17;
	s13 =	sadd.s32 $0x180, s13  }
0x97: {  	[tilespmem:s20], [sflag:$0x2] =	stream.linear.gather [hbm4b:s13+s2], $0x400, $0x38;
	[tilespmem:$0x1D800] =	vst v63  }
0x98: {  	s22 =	sadd.s32 $0x100, s22;
	s13 =	sadd.s32 $0x180, s30  }
0x99: {  	[tilespmem:s21], [sflag:$0x2] =	stream.linear.gather [hbm4b:s13+s2], $0x400, $0x38;
	[tilespmem:$0x1D800] =	vst v63  }
.LBB2_2:
0x9a: {  	s0 =	smov.u32 s13;
	s22 =	rddreg [dreg:$0xb]  }
0x9b: {  	[dreg:$0x10] =	wrdreg s0  }
0x9c: {  	[spmem:s19], [sflag:s0] =	dma.local [hbm:s22], $0x3100  }
0x9d: {  	_ =	swait.ge [sflag:s30], $0x3100  }
0x9e: {  	[sflag:s30] =	ssyncset.done $0x0  }
0x9f: {  	[sflag:s30] =	ssyncadd.s32 $0xFFFFCF00  }
0xa0: {  	_ =	swait.ge [sflag:s23], $0x400  }
0xa1: {  	[sflag:s23] =	ssyncset.done $0x0  }
0xa2: {  	[sflag:s23] =	ssyncadd.s32 $0xFFFFFC00  }
0xa3: {  	_ =	swait.ge [sflag:s23], $0x400  }
0xa4: {  	[sflag:s23] =	ssyncset.done $0x0  }
0xa5: {  	[sflag:s23] =	ssyncadd.s32 $0xFFFFFC00  }
0xa6: {  	s22 =	simm.s32 $0x0;
	s0 =	simm.s32 $0x200;
	[bflag:$0x0] =	sbarrier.arrive $0xFFFF  }
0xa7: {  	[tilespmem:s25], [sflag:$0x3] =	stream.indirect.gather [hbm4b:s4+s24], $0x20, s22, s24, $0xb8;
	[tilespmem:$0x1D800] =	vst v63  }
.LBB2_3:
0xa8: {  	_ =	swait.ge [sflag:s26], $0x2000  }
0xa9: {  	[sflag:s26] =	ssyncset.done $0x0  }
0xaa: {  	s13 =	simm.s32 $0x800;
	p1 =	seq.s32 s22, $0x0;
	[sflag:s26] =	ssyncadd.s32 $0xFFFFE000  }
0xab: {  	[spmem:s1] =	stream.indirect.scatter.add.f32 [tilespmem:s25], [sflag:$0x5], $0x20, s13, s24, $0xb8;
	[tilespmem:$0x1D800] =	vst v63  }
0xac: {  	s13 =	simm.s32 @!p1 $0x6  }
0xad: {  	_ =	swait.ge @!p1 [sflag:s13], $0x2000  }
0xae: {  	[sflag:s13] =	ssyncset.done @!p1 $0x0  }
0xaf: {  	[sflag:s13] =	ssyncadd.s32 @!p1 $0xFFFFE000  }
0xb0: {  	[tilespmem:s28], [sflag:$0x4] =	stream.indirect.gather [hbm4b:s4+s24], $0x20, s24, s24, $0xb8;
	[tilespmem:$0x1D800] =	vst v63  }
0xb1: {  	_ =	swait.ge [sflag:s29], $0x2000  }
0xb2: {  	[sflag:s29] =	ssyncset.done $0x0  }
0xb3: {  	s30 =	simm.s32 $0x900;
	[sflag:s29] =	ssyncadd.s32 $0xFFFFE000  }
0xb4: {  	[spmem:s1] =	stream.indirect.scatter.add.f32 [tilespmem:s28], [sflag:$0x6], $0x20, s30, s24, $0xb8;
	[tilespmem:$0x1D800] =	vst v63  }
0xb5: {  	_ =	swait.ge [sflag:s31], $0x2000  }
0xb6: {  	[sflag:s31] =	ssyncset.done $0x0  }
0xb7: {  	[sflag:s31] =	ssyncadd.s32 $0xFFFFE000  }
0xb8: {  	[tilespmem:s25], [sflag:$0x3] =	stream.indirect.gather [hbm4b:s4+s24], $0x20, s0, s24, $0xb8;
	[tilespmem:$0x1D800] =	vst v63  }
0xb9: {  	_ =	swait.ge [sflag:s26], $0x2000  }
0xba: {  	[sflag:s26] =	ssyncset.done $0x0  }
0xbb: {  	[sflag:s26] =	ssyncadd.s32 $0xFFFFE000  }
0xbc: {  	[spmem:s1] =	stream.indirect.scatter.add.f32 [tilespmem:s25], [sflag:$0x5], $0x20, s6, s24, $0xb8;
	[tilespmem:$0x1D800] =	vst v63  }
0xbd: {  	_ =	swait.ge [sflag:s7], $0x2000  }
0xbe: {  	[sflag:s7] =	ssyncset.done $0x0  }
0xbf: {  	[sflag:s7] =	ssyncadd.s32 $0xFFFFE000  }
0xc0: {  	[tilespmem:s28], [sflag:$0x4] =	stream.indirect.gather [hbm4b:s4+s24], $0x20, s14, s24, $0xb8;
	[tilespmem:$0x1D800] =	vst v63  }
0xc1: {  	_ =	swait.ge [sflag:s29], $0x2000  }
0xc2: {  	[sflag:s29] =	ssyncset.done $0x0  }
0xc3: {  	[sflag:s29] =	ssyncadd.s32 $0xFFFFE000  }
0xc4: {  	[spmem:s1] =	stream.indirect.scatter.add.f32 [tilespmem:s28], [sflag:$0x6], $0x20, s15, s24, $0xb8;
	[tilespmem:$0x1D800] =	vst v63  }
0xc5: {  	_ =	swait.ge [sflag:s31], $0x2000  }
0xc6: {  	[sflag:s31] =	ssyncset.done $0x0  }
0xc7: {  	[sflag:s31] =	ssyncadd.s32 $0xFFFFE000  }
0xc8: {  	_ =	swait.ge [sflag:s3], $0x400  }
0xc9: {  	[sflag:s3] =	ssyncset.done $0x0  }
0xca: {  	[sflag:s3] =	ssyncadd.s32 $0xFFFFFC00  }
0xcb: {  	_ =	swait.ge [sflag:s3], $0x400  }
0xcc: {  	p1 =	seq.s32 s22, $0x1800;
	[sflag:s3] =	ssyncset.done $0x0  }
0xcd: {  	s13 =	sadd.s32 @!p1 s22, s18;
	[sflag:s3] =	ssyncadd.s32 $0xFFFFFC00  }
0xce: {  	[tilespmem:s25], [sflag:$0x3] =	stream.indirect.gather [hbm4b:s4+s24], $0x20, s20, s24, $0xb8;
	[tilespmem:$0x1D800] =	vst v63  }
0xcf: {  	s19 =	simm.s32 @!p1 $0x0;
	s13 =	sadd.s32 @!p1 $0x100, s13  }
0xd0: {  	[tilespmem:s19], [sflag:$0x1] =	stream.linear.gather @!p1 [hbm4b:s13+s19], $0x400, $0x38;
	[tilespmem:$0x1D800] =	vst v63  }
0xd1: {  	s13 =	sadd.s32 @!p1 s22, s17  }
0xd2: {  	s30 =	simm.s32 @!p1 $0x800;
	s13 =	sadd.s32 @!p1 $0x100, s13  }
0xd3: {  	[tilespmem:s30], [sflag:$0x1] =	stream.linear.gather @!p1 [hbm4b:s13+s19], $0x400, $0x38;
	[tilespmem:$0x1D800] =	vst v63  }
0xd4: {  	_ =	swait.ge [sflag:s26], $0x2000  }
0xd5: {  	[sflag:s26] =	ssyncset.done $0x0  }
0xd6: {  	[sflag:s26] =	ssyncadd.s32 $0xFFFFE000  }
0xd7: {  	[spmem:s1] =	stream.indirect.scatter.add.f32 [tilespmem:s25], [sflag:$0x5], $0x20, s21, s24, $0xb8;
	[tilespmem:$0x1D800] =	vst v63  }
0xd8: {  	_ =	swait.ge [sflag:s7], $0x2000  }
0xd9: {  	[sflag:s7] =	ssyncset.done $0x0  }
0xda: {  	[sflag:s7] =	ssyncadd.s32 $0xFFFFE000  }
0xdb: {  	[tilespmem:s28], [sflag:$0x4] =	stream.indirect.gather [hbm4b:s4+s24], $0x20, s8, s24, $0xb8;
	[tilespmem:$0x1D800] =	vst v63  }
0xdc: {  	_ =	swait.ge [sflag:s29], $0x2000  }
0xdd: {  	[sflag:s29] =	ssyncset.done $0x0  }
0xde: {  	[sflag:s29] =	ssyncadd.s32 $0xFFFFE000  }
0xdf: {  	[spmem:s1] =	stream.indirect.scatter.add.f32 [tilespmem:s28], [sflag:$0x6], $0x20, s9, s24, $0xb8;
	[tilespmem:$0x1D800] =	vst v63  }
0xe0: {  	_ =	swait.ge [sflag:s31], $0x2000  }
0xe1: {  	[sflag:s31] =	ssyncset.done $0x0  }
0xe2: {  	[sflag:s31] =	ssyncadd.s32 $0xFFFFE000  }
0xe3: {  	[tilespmem:s25], [sflag:$0x3] =	stream.indirect.gather [hbm4b:s4+s24], $0x20, s10, s24, $0xb8;
	[tilespmem:$0x1D800] =	vst v63  }
0xe4: {  	_ =	swait.ge [sflag:s26], $0x2000  }
0xe5: {  	[sflag:s26] =	ssyncset.done $0x0  }
0xe6: {  	[sflag:s26] =	ssyncadd.s32 $0xFFFFE000  }
0xe7: {  	[spmem:s1] =	stream.indirect.scatter.add.f32 [tilespmem:s25], [sflag:$0x5], $0x20, s11, s24, $0xb8;
	[tilespmem:$0x1D800] =	vst v63  }
0xe8: {  	_ =	swait.ge [sflag:s7], $0x2000  }
0xe9: {  	[sflag:s7] =	ssyncset.done $0x0  }
0xea: {  	[sflag:s7] =	ssyncadd.s32 $0xFFFFE000  }
0xeb: {  	[tilespmem:s28], [sflag:$0x4] =	stream.indirect.gather [hbm4b:s4+s24], $0x20, s12, s24, $0xb8;
	[tilespmem:$0x1D800] =	vst v63  }
0xec: {  	_ =	swait.ge [sflag:s29], $0x2000  }
0xed: {  	[sflag:s29] =	ssyncset.done $0x0  }
.Ltmp5:
0xee: {  	[sflag:s29] =	ssyncadd.s32 $0xFFFFE000;
	(pc) =	sbr.rel @p1 .LBB2_4-.Ltmp5, $4  }
0xef: {  	[spmem:s1] =	stream.indirect.scatter.add.f32 [tilespmem:s28], [sflag:$0x6], $0x20, s16, s24, $0xb8;
	[tilespmem:$0x1D800] =	vst v63  }
0xf0: {  	_ =	swait.ge [sflag:s31], $0x2000  }
0xf1: {  	[sflag:s31] =	ssyncset.done $0x0  }
0xf2: {  	[sflag:s31] =	ssyncadd.s32 $0xFFFFE000  }
0xf3: {  	_ =	swait.ge [sflag:s23], $0x400  }
0xf4: {  	[sflag:s23] =	ssyncset.done $0x0  }
0xf5: {  	[sflag:s23] =	ssyncadd.s32 $0xFFFFFC00  }
0xf6: {  	_ =	swait.ge [sflag:s23], $0x400  }
0xf7: {  	[sflag:s23] =	ssyncset.done $0x0  }
0xf8: {  	[sflag:s23] =	ssyncadd.s32 $0xFFFFFC00  }
0xf9: {  	[tilespmem:s25], [sflag:$0x3] =	stream.indirect.gather [hbm4b:s4+s24], $0x20, s2, s24, $0xb8;
	[tilespmem:$0x1D800] =	vst v63  }
.Ltmp6:
0xfa: {  	s13 =	sadd.s32 s22, s18;
	(pc) =	sbr.rel .LBB2_3-.Ltmp6, $4  }
0xfb: {  	s30 =	sadd.s32 s22, s17;
	s13 =	sadd.s32 $0x180, s13  }
0xfc: {  	[tilespmem:s20], [sflag:$0x2] =	stream.linear.gather [hbm4b:s13+s2], $0x400, $0x38;
	[tilespmem:$0x1D800] =	vst v63  }
0xfd: {  	s22 =	sadd.s32 $0x100, s22;
	s13 =	sadd.s32 $0x180, s30  }
0xfe: {  	[tilespmem:s21], [sflag:$0x2] =	stream.linear.gather [hbm4b:s13+s2], $0x400, $0x38;
	[tilespmem:$0x1D800] =	vst v63  }
.LBB2_4:
.Ltmp7:
0xff: {  	(pc) =	sbr.rel .LBB2_9-.Ltmp7, $3  }
0x100: {  	_ =	sdelay $0x1  }
0x101: {  	s22 =	rddreg [dreg:$0x3]  }
0x102: {  	s30 =	simm.s32 $0x7;
	s19 =	rddreg [dreg:$0xe]  }
.LBB2_10:
0x103: {  	_ =	sfence.sel $0x180000  }
0x104: {  	[bflag:$0x0] =	sbarrier.arrive $0xFFFF  }
0x105: {  	_ =	strace $0x9000004A  }
0x106: {  	s0 =	stileid.u32;
	[bflag:$0x2] =	sbarrier.arrive $0xFFFF  }
0x107: {  	p0 =	sne.s32 s0, $0x0;
	s0 =	rddreg [dreg:$0x2]  }
0x108: {  	s0 =	sadd.s32 @!p0 $0x100000, s0  }
0x109: {  	[sflag:s0] =	ssyncadd.tile.s32 @!p0 $0x1;
	_ =	shalt  }
.Lfunc_end2:
_tile_overlayer_lowered:
.L_overlay_start_2:
0x10a: {  	(tag) =	ssettag $0x2  }
0x10b: {  	s0 =	rddreg [dreg:$0x0];
	s2 =	stileid.u32  }
0x10c: {  	s1 =	rddreg [dreg:$0x1];
	p0 =	sne.s32 s2, $0x0  }
0x10d: {  	s3 =	rddreg [dreg:$0x2];
	[bflag:$0x3] =	sbarrier.arrive $0xFFFF;
	s2 =	simm.s32 @!p0 $0x1C07  }
0x10e: {  	[timem:s3], [sflag:s2] =	dma.local @!p0 [hbm:s0], s1  }
0x10f: {  	s0 =	simm.s32 @!p0 $0x7  }
0x110: {  	_ =	swait.ge @!p0 [sflag:s0], s1  }
0x111: {  	s1 =	ssub.s32 @!p0 $0x0, s1;
	[sflag:s0] =	ssyncset.done @!p0 $0x0  }
0x112: {  	[sflag:s0] =	ssyncadd.s32 @!p0 s1  }
0x113: {  	[bflag:$0x3] =	sbarrier.arrive $0xFFFF  }
0x114: {  	_ =	shalt  }

// kernel: kernel.18.cloned.1.call-start
scs
__scs_entry_jumppad:
0x0: {  	(pc) =	sbr.rel $0x88, $3  }
0x1: {  	(tag) =	ssettag $0x0;
	lr =	simm.s32 $0x1  }
0x2: {  	[smem:$0x3F99] =	sst lr;
	_ =	strace $0xD0000000  }
0x3: {  	_ = 	snop  }
0x4: {  	_ = 	snop  }
0x5: {  	_ = 	snop  }
0x6: {  	_ = 	snop  }
0x7: {  	_ = 	snop  }
__scs_overlays_trampoline_lowered:
0x8: {  	[smem:$0x3FA8] =	sst s0  }
0x9: {  	[smem:$0x3FA9] =	sst s1  }
0xa: {  	[smem:$0x3FAA] =	sst s2  }
0xb: {  	[smem:$0x3FAB] =	sst s3  }
0xc: {  	[smem:$0x3FAC] =	sst s4  }
0xd: {  	[smem:$0x3FAD] =	sst s5  }
0xe: {  	[smem:$0x3FAE] =	sst s6  }
0xf: {  	[smem:$0x3FAF] =	sst s7  }
0x10: {  	[smem:$0x3FB0] =	sst s8  }
0x11: {  	[smem:$0x3FB1] =	sst s9;
	s0 =	simm.s32 @!p0 $0x0  }
0x12: {  	s1 =	sld [smem:$0x3F97];
	s0 =	simm.s32 @p0 $0x1  }
0x13: {  	[smem:$0x3FB2] =	sst s0;
	s0 =	simm.s32 @!p1 $0x0  }
0x14: {  	s2 =	sld [smem:$0x3F96];
	s0 =	simm.s32 @p1 $0x1  }
0x15: {  	[smem:$0x3FB3] =	sst s0;
	s0 =	simm.s32 @!p2 $0x0  }
0x16: {  	s3 =	sld [smem:$0x3FDB];
	s0 =	simm.s32 @p2 $0x1  }
0x17: {  	s4 =	simm.s32 $0x1BF5;
	[smem:$0x3FB5] =	sst s0  }
0x18: {  	s0 =	sld [smem:$0x3F98];
	_ =	swait.ge [sflag:s4], $0x0  }
0x19: {  	s7 =	sld [smem:$0x3F99]  }
0x1a: {  	s8 =	sadd.s32 $0xFFFFE003, lr  }
0x1b: {  	s9 =	sadd.s32 $0xFFFFFEF7, lr;
	s5 =	simm.s32 $0xFFFFFFFF;
	p2 =	slt.u32 s8, $0xFFFFF086  }
0x1c: {  	p1 =	slt.u32 s9, $0xF7A;
	s5 =	simm.s32 @!p2 $0x0  }
0x1d: {  	s5 =	simm.s32 @p1 $0x1;
	p0 =	seq.s32 s7, s2  }
0x1e: {  	s7 =	smul.u32 @!p0 $0xF7A, s2;
	p2 =	seq.s32 @!p0 s5, $0x0  }
0x1f: {  	s9 =	smul.u32 $0xF7A, s1;
	s8 =	simm.s32 @!p0 $0x1BF5;
	p2 =	por !p2, p0  }
0x20: {  	[sflag:s8] =	ssyncset.s32 @!p0 $0xFFFFF086;
	s6 =	sadd.s32 @!p0 s3, s7;
	s7 =	simm.s32 @!p0 $0x108  }
0x21: {  	s3 =	sadd.s32 s3, s9;
	s6 =	sadd.s32 @!p0 $0x88, s6;
	s7 =	simm.s32 @p2 $0x1082  }
0x22: {  	[simem:s7], [sflag:s8] =	dma.local @!p0 [hbm:s6], $0xF7A  }
0x23: {  	s9 =	sor.u32 $0xD0000000, s2;
	s6 =	simm.s32 $0x108;
	_ =	swait.ge @!p0 [sflag:s8], $0x0  }
0x24: {  	s3 =	sadd.s32 $0x88, s3;
	s6 =	simm.s32 @!p1 $0x1082;
	[sflag:s4] =	ssyncset.s32 $0xFFFFF086  }
0x25: {  	[simem:s6], [sflag:s4] =	dma.local [hbm:s3], $0xF7A  }
0x26: {  	[smem:$0x3F99] =	sst s1;
	(tag) =	ssettag s2;
	_ =	strace s9  }
0x27: {  	s1 =	sld [smem:$0x3FA9]  }
0x28: {  	s2 =	sld [smem:$0x3FAA]  }
0x29: {  	s4 =	sld [smem:$0x3FAC]  }
0x2a: {  	p0 =	seq.s32 s5, $0x0;
	s5 =	sld [smem:$0x3FAD]  }
0x2b: {  	s6 =	sld [smem:$0x3FAE]  }
0x2c: {  	s7 =	sld [smem:$0x3FAF]  }
0x2d: {  	s3 =	simm.s32 $0x108;
	s8 =	sld [smem:$0x3FB0]  }
0x2e: {  	s3 =	simm.s32 @!p0 $0x1082;
	s9 =	sld [smem:$0x3FB1]  }
0x2f: {  	lr =	sadd.s32 s0, s3;
	s0 =	sld [smem:$0x3FA8]  }
0x30: {  	s3 =	sld [smem:$0x3FAB]  }
0x31: {  	[smem:$0x3FB4] =	sst s10  }
0x32: {  	s10 =	sld [smem:$0x3FB2];
	_ =	sdelay $0x3  }
0x33: {  	p0 =	seq.s32 s10, $0x1;
	s10 =	sld [smem:$0x3FB4];
	_ =	sdelay $0x3  }
0x34: {  	[smem:$0x3FB4] =	sst s10  }
0x35: {  	s10 =	sld [smem:$0x3FB3];
	_ =	sdelay $0x3  }
0x36: {  	p1 =	seq.s32 s10, $0x1;
	s10 =	sld [smem:$0x3FB4];
	_ =	sdelay $0x3  }
0x37: {  	[smem:$0x3FB4] =	sst s10  }
0x38: {  	s10 =	sld [smem:$0x3FB5]  }
0x39: {  	_ = 	snop;
	(pc) =	sbr.ind lr, $3  }
0x3a: {  	_ = 	snop  }
0x3b: {  	_ = 	snop  }
0x3c: {  	p2 =	seq.s32 s10, $0x1;
	s10 =	sld [smem:$0x3FB4]  }
0x3d: {  	_ =	shalt  }
0x3e: {  	_ =	shalt  }
0x3f: {  	_ =	shalt  }
0x40: {  	_ =	shalt  }
0x41: {  	_ =	shalt  }
0x42: {  	_ =	shalt  }
0x43: {  	_ =	shalt  }
0x44: {  	_ =	shalt  }
0x45: {  	_ =	shalt  }
0x46: {  	_ =	shalt  }
0x47: {  	_ =	shalt  }
0x48: {  	_ =	shalt  }
0x49: {  	_ =	shalt  }
0x4a: {  	_ =	shalt  }
0x4b: {  	_ =	shalt  }
0x4c: {  	_ =	shalt  }
0x4d: {  	_ =	shalt  }
0x4e: {  	_ =	shalt  }
0x4f: {  	_ =	shalt  }
0x50: {  	_ =	shalt  }
0x51: {  	_ =	shalt  }
0x52: {  	_ =	shalt  }
0x53: {  	_ =	shalt  }
0x54: {  	_ =	shalt  }
0x55: {  	_ =	shalt  }
0x56: {  	_ =	shalt  }
0x57: {  	_ =	shalt  }
0x58: {  	_ =	shalt  }
0x59: {  	_ =	shalt  }
0x5a: {  	_ =	shalt  }
0x5b: {  	_ =	shalt  }
0x5c: {  	_ =	shalt  }
0x5d: {  	_ =	shalt  }
0x5e: {  	_ =	shalt  }
0x5f: {  	_ =	shalt  }
0x60: {  	_ =	shalt  }
0x61: {  	_ =	shalt  }
0x62: {  	_ =	shalt  }
0x63: {  	_ =	shalt  }
0x64: {  	_ =	shalt  }
0x65: {  	_ =	shalt  }
0x66: {  	_ =	shalt  }
0x67: {  	_ =	shalt  }
0x68: {  	_ =	shalt  }
0x69: {  	_ =	shalt  }
0x6a: {  	_ =	shalt  }
0x6b: {  	_ =	shalt  }
0x6c: {  	_ =	shalt  }
0x6d: {  	_ =	shalt  }
0x6e: {  	_ =	shalt  }
0x6f: {  	_ =	shalt  }
0x70: {  	_ =	shalt  }
0x71: {  	_ =	shalt  }
0x72: {  	_ =	shalt  }
0x73: {  	_ =	shalt  }
0x74: {  	_ =	shalt  }
0x75: {  	_ =	shalt  }
0x76: {  	_ =	shalt  }
0x77: {  	_ =	shalt  }
0x78: {  	_ =	shalt  }
0x79: {  	_ =	shalt  }
0x7a: {  	_ =	shalt  }
0x7b: {  	_ =	shalt  }
0x7c: {  	_ =	shalt  }
0x7d: {  	_ =	shalt  }
0x7e: {  	_ =	shalt  }
0x7f: {  	_ =	shalt  }
0x80: {  	_ =	shalt  }
0x81: {  	_ =	shalt  }
0x82: {  	_ =	shalt  }
0x83: {  	_ =	shalt  }
0x84: {  	_ =	shalt  }
0x85: {  	_ =	shalt  }
0x86: {  	_ =	shalt  }
0x87: {  	_ =	shalt  }
.Lfunc_end0:
.L_simem_size_0:
called_computation.2_lowered:
.L_overlay_start_0:
0x88: {  	s2 =	sld [smem:$0x3FD9]  }
0x89: {  	s3 =	sld [smem:$0x3FFE];
	_ =	sdelay $0x1  }
0x8a: {  	s1 =	srdreg.scid  }
0x8b: {  	s0 =	sand.u32 $0x1, s1  }
0x8c: {  	s16 =	sshll.u32 s0, $0xA;
	s2 =	sadd.s32 s3, s2  }
0x8d: {  	s2 =	sadd.s32 s2, s16  }
0x8e: {  	[smem:$0x3FC0] =	sst s2  }
0x8f: {  	_ = 	snop  }
0x90: {  	(tm) =	ssettm $0x1  }
0x91: {  	s17 =	sld [smem:$0x3FFB];
	_ =	sdelay $0x3  }
0x92: {  	_ =	strace s17  }
0x93: {  	s2 =	sld [smem:$0x3FFC];
	_ =	sdelay $0x3  }
0x94: {  	_ =	strace s2  }
0x95: {  	s2 =	sld [smem:$0x3FFD];
	_ =	sdelay $0x3  }
0x96: {  	_ =	strace s2  }
0x97: {  	_ =	strace $0x8FFFFFFF  }
0x98: {  	s18 =	sld [smem:$0x3FDB];
	_ =	sdelay $0x1  }
0x99: {  	s19 =	simm.s32 $_scs_section_size  }
0x9a: {  	s4 =	simm.s32 $_size__tile_overlayer_lowered;
	s5 =	simm.s32 $_tile_overlayer_lowered  }
0x9b: {  	s22 =	simm.s32 $0x1BFF;
	s21 =	sshll.u32 s5, $0x1;
	s2 =	sadd.s32 s19, s18  }
0x9c: {  	s6 =	simm.s32 $0x0;
	s20 =	sshll.u32 s4, $0x1;
	s4 =	sadd.s32 s21, s2  }
0x9d: {  	[timem:s6], [sflag:s22] =	dma.local [hbm:s4], s20  }
0x9e: {  	_ =	swait.ge [sflag:s22], s20  }
0x9f: {  	s3 =	ssub.s32 $0x0, s20;
	[sflag:s22] =	ssyncset.done $0x0  }
0xa0: {  	[sflag:s22] =	ssyncadd.s32 s3;
	_ =	sdelay $0x1  }
0xa1: {  	s23 =	simm.s32 $0x1B8B  }
0xa2: {  	_ =	swait.ge [sflag:s23], $0x1  }
0xa3: {  	[sflag:s23] =	ssyncset.done $0x0  }
0xa4: {  	s25 =	simm.s32 $0x1B8E;
	s24 =	sld [smem:$0x3FFE];
	[sflag:s23] =	ssyncadd.s32 $0xFFFFFFFF  }
0xa5: {  	s26 =	simm.s32 $execute0_lowered;
	[smem:$0x3FD2] =	sst s25  }
0xa6: {  	s4 =	sshll.u32 s26, $0x1;
	_ =	strace $0x8000004C;
	[dreg:$0x1] =	wrdreg $0xFFFFFFFF  }
0xa7: {  	s28 =	simm.s32 $_size_execute0_lowered;
	s2 =	sadd.s32 s2, s4;
	[dreg:$0x0] =	wrdreg $0x0  }
0xa8: {  	s4 =	sshll.u32 s28, $0x1;
	[dreg:$0x2] =	wrdreg s2  }
0xa9: {  	[dreg:$0x3] =	wrdreg s4  }
0xaa: {  	[dreg:$0x4] =	wrdreg $0xC0  }
0xab: {  	_ =	task [dreg:s6], $0x5FFFF  }
0xac: {  	[dreg:$0x1] =	wrdreg $0xFFFFFFFF  }
0xad: {  	[dreg:$0x0] =	wrdreg $0x60  }
0xae: {  	[dreg:$0x2] =	wrdreg s24  }
0xaf: {  	[dreg:$0x3] =	wrdreg $0x50000  }
0xb0: {  	[dreg:$0x4] =	wrdreg $0x9  }
0xb1: {  	_ =	task.clear_ibuf [dreg:s6], $0x5FFFF;
	_ =	strace $0x9000004C  }
0xb2: {  	s29 =	simm.s32 $0x9;
	_ =	strace $0x8000004E  }
0xb3: {  	_ =	swait.ge [sflag:s29], $0x1  }
0xb4: {  	[sflag:s29] =	ssyncadd.s32 $0xFFFFFFFF  }
0xb5: {  	_ =	strace $0x9000004E  }
0xb6: {  	_ =	sfence  }
0xb7: {  	s30 =	sld [smem:$0x0];
	_ =	sdelay $0x2  }
0xb8: {  	s31 =	sshll.u32 s1, $0xD;
	s1 =	sshrl.u32 s1, $0x2  }
0xb9: {  	s3 =	sand.u32 $0x4000, s31;
	s1 =	sadd.s32 s1, s30  }
0xba: {  	s0 =	sor.u32 s3, s0;
	s1 =	sshll.u32 s1, $0x11  }
0xbb: {  	s0 =	sor.u32 s1, s0  }
0xbc: {  	s0 =	sadd.s32 $0x8F2B, s0  }
0xbd: {  	[sflag:s0] =	ssyncadd.remote.s32 $0x1  }
0xbe: {  	_ =	sfence.sel $0xFFFF  }
0xbf: {  	[dreg:$0x0] =	wrdreg $0xFFFFFFFF;
	(pc) =	sbr.abs _section_cstart, $3  }
0xc0: {  	[dreg:$0x1] =	wrdreg $0xFFFFFFFF  }
0xc1: {  	_ =	task.clear_ibuf [dreg:s6], $0x2FFFF;
	_ =	strace $0x9FFFFFFF  }
0xc2: {  	(tm) =	ssettm $0x7FFFFFFF  }
0xc3: {  	_ =	shalt  }
tec
execute0_lowered:
.L_overlay_start_1:
0x0: {  	(tag) =	ssettag $0x1  }
0x1: {  	s0 =	rddreg [dreg:$0x0]  }
0x2: {  	s1 =	rddreg [dreg:$0x1]  }
0x3: {  	s2 =	simm.s32 $0x0;
	s3 =	srdreg.scid;
	s10 =	stileid.u32  }
0x4: {  	s30 =	simm.s32 $0x7;
	s28 =	simm.s32 $0x3000;
	s29 =	simm.s32 $0x4  }
0x5: {  	s31 =	simm.s32 $0x5;
	s14 =	simm.s32 $0x300;
	s15 =	simm.s32 $0xB00  }
0x6: {  	s12 =	simm.s32 $0x700;
	s16 =	simm.s32 $0xF00;
	[smem:$0x7FF] =	sst s2  }
0x7: {  	s4 =	sadd.s32 $0x1D400, s0;
	s5 =	sadd.s32 $0x11F000, s0;
	s6 =	sadd.s32 $0x106000, s0  }
0x8: {  	s3 =	sand.u32 $0x1, s3;
	s7 =	sadd.s32 $0x4400, s0;
	s9 =	smul.u32 $0xC800, s10  }
0x9: {  	s11 =	sadd.s32 $0x7F400, s0;
	s0 =	sadd.s32 $0x4E400, s0;
	s21 =	smul.u32 $0x18800, s10  }
0xa: {  	s26 =	smul.u32 $0x1900, s10;
	_ =	strace $0x8000004D;
	[dreg:$0x3] =	wrdreg s11  }
0xb: {  	s10 =	simm.s32 $0x600;
	s8 =	ssub.s32 $0x2, s3;
	[dreg:$0x4] =	wrdreg s0  }
0xc: {  	p0 =	seq.s32 s3, $0x1;
	s11 =	simm.s32 $0xE00;
	s17 =	sshrl.u32 s8, $0x1  }
0xd: {  	s18 =	sshrl.u32 s9, $0x3;
	s24 =	sadd.s32 s21, s1;
	s25 =	sshrl.u32 s21, $0x3  }
0xe: {  	s21 =	simm.s32 $0xC00;
	s0 =	ssub.s32 s8, s17;
	s19 =	sadd.s32 s6, s18  }
0xf: {  	s20 =	sor.u32 $0x80, s18;
	s3 =	sadd.s32 s7, s18;
	[dreg:$0x9] =	wrdreg s24  }
0x10: {  	s9 =	sadd.s32 s4, s25;
	[dreg:$0xa] =	wrdreg s25;
	s8 =	sadd.s32 s5, s25  }
0x11: {  	s17 =	sadd.s32 s26, s7;
	s18 =	sadd.s32 s26, s6;
	[dreg:$0x5] =	wrdreg s19  }
0x12: {  	s24 =	simm.s32 $0x100;
	s25 =	simm.s32 $0x1000;
	[dreg:$0x6] =	wrdreg s3  }
0x13: {  	s26 =	simm.s32 $0x3;
	s22 =	sadd.s32 s6, s20;
	[dreg:$0xb] =	wrdreg s9  }
.Ltmp0:
0x14: {  	s23 =	sadd.s32 s7, s20;
	[dreg:$0xc] =	wrdreg s8;
	(pc) =	sbr.rel .LBB2_1-.Ltmp0, $4  }
0x15: {  	s0 =	smax.u32 s0, $0x1;
	s20 =	simm.s32 $0x400;
	s6 =	simm.s32 $0xA00  }
0x16: {  	s7 =	simm.s32 $0x6;
	s3 =	simm.s32 $0x2;
	[dreg:$0x7] =	wrdreg s22  }
0x17: {  	s8 =	simm.s32 $0x500;
	s9 =	simm.s32 $0xD00;
	[dreg:$0x8] =	wrdreg s23  }
0x18: {  	s19 =	simm.s32 $0x0;
	[dreg:$0xd] =	wrdreg s0;
	s23 =	simm.s32 $0x1  }
.LBB2_8:
0x19: {  	s22 =	rddreg [dreg:$0x4]  }
0x1a: {  	s30 =	simm.s32 $0x7;
	s19 =	rddreg [dreg:$0xe]  }
.LBB2_9:
0x1b: {  	_ =	swait.ge [sflag:s7], $0x2000  }
0x1c: {  	[sflag:s7] =	ssyncset.done $0x0  }
0x1d: {  	[sflag:s7] =	ssyncadd.s32 $0xFFFFE000  }
0x1e: {  	s13 =	rddreg [dreg:$0xa];
	[bflag:$0x0] =	sbarrier.arrive $0xFFFF  }
0x1f: {  	s13 =	sadd.s32 s22, s13;
	s22 =	rddreg [dreg:$0xf]  }
0x20: {  	s0 =	rddreg [dreg:$0x10]  }
0x21: {  	[hbm:s13], [sflag:s0] =	dma.local [spmem:s22], $0x3100  }
0x22: {  	_ =	swait.ge [sflag:s30], $0x3100  }
0x23: {  	s19 =	sadd.s32 $0x1, s19;
	s22 =	rddreg [dreg:$0xd]  }
0x24: {  	p1 =	sne.s32 s19, s22  }
.Ltmp1:
0x25: {  	_ = 	snop;
	(pc) =	sbr.rel @!p1 .LBB2_10-.Ltmp1, $3  }
0x26: {  	_ =	sdelay $0x1  }
0x27: {  	[sflag:s30] =	ssyncset.done $0x0  }
0x28: {  	[sflag:s30] =	ssyncadd.s32 $0xFFFFCF00  }
.LBB2_1:
0x29: {  	[dreg:$0xe] =	wrdreg s19  }
0x2a: {  	s13 =	rddreg [dreg:$0x5]  }
0x2b: {  	[tilespmem:s2], [sflag:$0x1] =	stream.linear.gather [hbm4b:s13+s2], $0x400, $0x38;
	[tilespmem:$0x1D800] =	vst v63  }
0x2c: {  	s22 =	rddreg [dreg:$0x6];
	s0 =	simm.s32 $0x800  }
0x2d: {  	[tilespmem:s0], [sflag:$0x1] =	stream.linear.gather [hbm4b:s22+s2], $0x400, $0x38;
	[tilespmem:$0x1D800] =	vst v63  }
0x2e: {  	s19 =	rddreg [dreg:$0x7]  }
0x2f: {  	[tilespmem:s20], [sflag:$0x2] =	stream.linear.gather [hbm4b:s19+s2], $0x400, $0x38;
	[tilespmem:$0x1D800] =	vst v63  }
.Ltmp2:
0x30: {  	s22 =	rddreg [dreg:$0x8];
	(pc) =	sbr.rel @!p0 .LBB2_2-.Ltmp2, $4  }
0x31: {  	s0 =	stileid.u32;
	s19 =	rddreg [dreg:$0x9]  }
0x32: {  	[tilespmem:s21], [sflag:$0x2] =	stream.linear.gather [hbm4b:s22+s2], $0x400, $0x38;
	[tilespmem:$0x1D800] =	vst v63  }
0x33: {  	s19 =	sshrl.u32 s19, $0x3;
	s22 =	sshll.u32 s0, $0x6  }
0x34: {  	[dreg:$0xf] =	wrdreg s19;
	s13 =	sor.u32 $0x1C07, s22  }
0x35: {  	s0 =	sor.u32 $0x1C07, s22;
	s13 =	rddreg [dreg:$0xc]  }
0x36: {  	[dreg:$0x10] =	wrdreg s0  }
0x37: {  	[spmem:s19], [sflag:s0] =	dma.local [hbm:s13], $0x3100  }
0x38: {  	_ =	swait.ge [sflag:s30], $0x3100  }
0x39: {  	[sflag:s30] =	ssyncset.done $0x0  }
0x3a: {  	[sflag:s30] =	ssyncadd.s32 $0xFFFFCF00  }
0x3b: {  	_ =	swait.ge [sflag:s23], $0x400  }
0x3c: {  	[sflag:s23] =	ssyncset.done $0x0  }
0x3d: {  	[sflag:s23] =	ssyncadd.s32 $0xFFFFFC00  }
0x3e: {  	_ =	swait.ge [sflag:s23], $0x400  }
0x3f: {  	[sflag:s23] =	ssyncset.done $0x0  }
0x40: {  	[sflag:s23] =	ssyncadd.s32 $0xFFFFFC00  }
0x41: {  	s22 =	simm.s32 $0x0;
	s0 =	simm.s32 $0x200;
	[bflag:$0x0] =	sbarrier.arrive $0xFFFF  }
0x42: {  	[tilespmem:s25], [sflag:$0x3] =	stream.indirect.gather [hbm4b:s5+s24], $0x20, s22, s24, $0xb8;
	[tilespmem:$0x1D800] =	vst v63  }
.LBB2_7:
0x43: {  	_ =	swait.ge [sflag:s26], $0x2000  }
0x44: {  	[sflag:s26] =	ssyncset.done $0x0  }
0x45: {  	s13 =	simm.s32 $0x800;
	p1 =	seq.s32 s22, $0x0;
	[sflag:s26] =	ssyncadd.s32 $0xFFFFE000  }
0x46: {  	[spmem:s1] =	stream.indirect.scatter.add.f32 [tilespmem:s25], [sflag:$0x5], $0x20, s13, s24, $0xb8;
	[tilespmem:$0x1D800] =	vst v63  }
0x47: {  	s13 =	simm.s32 @!p1 $0x6  }
0x48: {  	_ =	swait.ge @!p1 [sflag:s13], $0x2000  }
0x49: {  	[sflag:s13] =	ssyncset.done @!p1 $0x0  }
0x4a: {  	[sflag:s13] =	ssyncadd.s32 @!p1 $0xFFFFE000  }
0x4b: {  	[tilespmem:s28], [sflag:$0x4] =	stream.indirect.gather [hbm4b:s5+s24], $0x20, s24, s24, $0xb8;
	[tilespmem:$0x1D800] =	vst v63  }
0x4c: {  	_ =	swait.ge [sflag:s29], $0x2000  }
0x4d: {  	[sflag:s29] =	ssyncset.done $0x0  }
0x4e: {  	s30 =	simm.s32 $0x900;
	[sflag:s29] =	ssyncadd.s32 $0xFFFFE000  }
0x4f: {  	[spmem:s1] =	stream.indirect.scatter.add.f32 [tilespmem:s28], [sflag:$0x6], $0x20, s30, s24, $0xb8;
	[tilespmem:$0x1D800] =	vst v63  }
0x50: {  	_ =	swait.ge [sflag:s31], $0x2000  }
0x51: {  	[sflag:s31] =	ssyncset.done $0x0  }
0x52: {  	[sflag:s31] =	ssyncadd.s32 $0xFFFFE000  }
0x53: {  	[tilespmem:s25], [sflag:$0x3] =	stream.indirect.gather [hbm4b:s5+s24], $0x20, s0, s24, $0xb8;
	[tilespmem:$0x1D800] =	vst v63  }
0x54: {  	_ =	swait.ge [sflag:s26], $0x2000  }
0x55: {  	[sflag:s26] =	ssyncset.done $0x0  }
0x56: {  	[sflag:s26] =	ssyncadd.s32 $0xFFFFE000  }
0x57: {  	[spmem:s1] =	stream.indirect.scatter.add.f32 [tilespmem:s25], [sflag:$0x5], $0x20, s6, s24, $0xb8;
	[tilespmem:$0x1D800] =	vst v63  }
0x58: {  	_ =	swait.ge [sflag:s7], $0x2000  }
0x59: {  	[sflag:s7] =	ssyncset.done $0x0  }
0x5a: {  	[sflag:s7] =	ssyncadd.s32 $0xFFFFE000  }
0x5b: {  	[tilespmem:s28], [sflag:$0x4] =	stream.indirect.gather [hbm4b:s5+s24], $0x20, s14, s24, $0xb8;
	[tilespmem:$0x1D800] =	vst v63  }
0x5c: {  	_ =	swait.ge [sflag:s29], $0x2000  }
0x5d: {  	[sflag:s29] =	ssyncset.done $0x0  }
0x5e: {  	[sflag:s29] =	ssyncadd.s32 $0xFFFFE000  }
0x5f: {  	[spmem:s1] =	stream.indirect.scatter.add.f32 [tilespmem:s28], [sflag:$0x6], $0x20, s15, s24, $0xb8;
	[tilespmem:$0x1D800] =	vst v63  }
0x60: {  	_ =	swait.ge [sflag:s31], $0x2000  }
0x61: {  	[sflag:s31] =	ssyncset.done $0x0  }
0x62: {  	[sflag:s31] =	ssyncadd.s32 $0xFFFFE000  }
0x63: {  	_ =	swait.ge [sflag:s3], $0x400  }
0x64: {  	[sflag:s3] =	ssyncset.done $0x0  }
0x65: {  	[sflag:s3] =	ssyncadd.s32 $0xFFFFFC00  }
0x66: {  	_ =	swait.ge [sflag:s3], $0x400  }
0x67: {  	p1 =	seq.s32 s22, $0x1800;
	[sflag:s3] =	ssyncset.done $0x0  }
0x68: {  	s13 =	sadd.s32 @!p1 s22, s18;
	[sflag:s3] =	ssyncadd.s32 $0xFFFFFC00  }
0x69: {  	[tilespmem:s25], [sflag:$0x3] =	stream.indirect.gather [hbm4b:s5+s24], $0x20, s20, s24, $0xb8;
	[tilespmem:$0x1D800] =	vst v63  }
0x6a: {  	s19 =	simm.s32 @!p1 $0x0;
	s13 =	sadd.s32 @!p1 $0x100, s13  }
0x6b: {  	[tilespmem:s19], [sflag:$0x1] =	stream.linear.gather @!p1 [hbm4b:s13+s19], $0x400, $0x38;
	[tilespmem:$0x1D800] =	vst v63  }
0x6c: {  	s13 =	sadd.s32 @!p1 s22, s17  }
0x6d: {  	s30 =	simm.s32 @!p1 $0x800;
	s13 =	sadd.s32 @!p1 $0x100, s13  }
0x6e: {  	[tilespmem:s30], [sflag:$0x1] =	stream.linear.gather @!p1 [hbm4b:s13+s19], $0x400, $0x38;
	[tilespmem:$0x1D800] =	vst v63  }
0x6f: {  	_ =	swait.ge [sflag:s26], $0x2000  }
0x70: {  	[sflag:s26] =	ssyncset.done $0x0  }
0x71: {  	[sflag:s26] =	ssyncadd.s32 $0xFFFFE000  }
0x72: {  	[spmem:s1] =	stream.indirect.scatter.add.f32 [tilespmem:s25], [sflag:$0x5], $0x20, s21, s24, $0xb8;
	[tilespmem:$0x1D800] =	vst v63  }
0x73: {  	_ =	swait.ge [sflag:s7], $0x2000  }
0x74: {  	[sflag:s7] =	ssyncset.done $0x0  }
0x75: {  	[sflag:s7] =	ssyncadd.s32 $0xFFFFE000  }
0x76: {  	[tilespmem:s28], [sflag:$0x4] =	stream.indirect.gather [hbm4b:s5+s24], $0x20, s8, s24, $0xb8;
	[tilespmem:$0x1D800] =	vst v63  }
0x77: {  	_ =	swait.ge [sflag:s29], $0x2000  }
0x78: {  	[sflag:s29] =	ssyncset.done $0x0  }
0x79: {  	[sflag:s29] =	ssyncadd.s32 $0xFFFFE000  }
0x7a: {  	[spmem:s1] =	stream.indirect.scatter.add.f32 [tilespmem:s28], [sflag:$0x6], $0x20, s9, s24, $0xb8;
	[tilespmem:$0x1D800] =	vst v63  }
0x7b: {  	_ =	swait.ge [sflag:s31], $0x2000  }
0x7c: {  	[sflag:s31] =	ssyncset.done $0x0  }
0x7d: {  	[sflag:s31] =	ssyncadd.s32 $0xFFFFE000  }
0x7e: {  	[tilespmem:s25], [sflag:$0x3] =	stream.indirect.gather [hbm4b:s5+s24], $0x20, s10, s24, $0xb8;
	[tilespmem:$0x1D800] =	vst v63  }
0x7f: {  	_ =	swait.ge [sflag:s26], $0x2000  }
0x80: {  	[sflag:s26] =	ssyncset.done $0x0  }
0x81: {  	[sflag:s26] =	ssyncadd.s32 $0xFFFFE000  }
0x82: {  	[spmem:s1] =	stream.indirect.scatter.add.f32 [tilespmem:s25], [sflag:$0x5], $0x20, s11, s24, $0xb8;
	[tilespmem:$0x1D800] =	vst v63  }
0x83: {  	_ =	swait.ge [sflag:s7], $0x2000  }
0x84: {  	[sflag:s7] =	ssyncset.done $0x0  }
0x85: {  	[sflag:s7] =	ssyncadd.s32 $0xFFFFE000  }
0x86: {  	[tilespmem:s28], [sflag:$0x4] =	stream.indirect.gather [hbm4b:s5+s24], $0x20, s12, s24, $0xb8;
	[tilespmem:$0x1D800] =	vst v63  }
0x87: {  	_ =	swait.ge [sflag:s29], $0x2000  }
0x88: {  	[sflag:s29] =	ssyncset.done $0x0  }
.Ltmp3:
0x89: {  	[sflag:s29] =	ssyncadd.s32 $0xFFFFE000;
	(pc) =	sbr.rel @p1 .LBB2_8-.Ltmp3, $4  }
0x8a: {  	[spmem:s1] =	stream.indirect.scatter.add.f32 [tilespmem:s28], [sflag:$0x6], $0x20, s16, s24, $0xb8;
	[tilespmem:$0x1D800] =	vst v63  }
0x8b: {  	_ =	swait.ge [sflag:s31], $0x2000  }
0x8c: {  	[sflag:s31] =	ssyncset.done $0x0  }
0x8d: {  	[sflag:s31] =	ssyncadd.s32 $0xFFFFE000  }
0x8e: {  	_ =	swait.ge [sflag:s23], $0x400  }
0x8f: {  	[sflag:s23] =	ssyncset.done $0x0  }
0x90: {  	[sflag:s23] =	ssyncadd.s32 $0xFFFFFC00  }
0x91: {  	_ =	swait.ge [sflag:s23], $0x400  }
0x92: {  	[sflag:s23] =	ssyncset.done $0x0  }
0x93: {  	[sflag:s23] =	ssyncadd.s32 $0xFFFFFC00  }
0x94: {  	[tilespmem:s25], [sflag:$0x3] =	stream.indirect.gather [hbm4b:s5+s24], $0x20, s2, s24, $0xb8;
	[tilespmem:$0x1D800] =	vst v63  }
.Ltmp4:
0x95: {  	s13 =	sadd.s32 s22, s18;
	(pc) =	sbr.rel .LBB2_7-.Ltmp4, $4  }
0x96: {  	s30 =	sadd.s32 s22, s17;
	s13 =	sadd.s32 $0x180, s13  }
0x97: {  	[tilespmem:s20], [sflag:$0x2] =	stream.linear.gather [hbm4b:s13+s2], $0x400, $0x38;
	[tilespmem:$0x1D800] =	vst v63  }
0x98: {  	s22 =	sadd.s32 $0x100, s22;
	s13 =	sadd.s32 $0x180, s30  }
0x99: {  	[tilespmem:s21], [sflag:$0x2] =	stream.linear.gather [hbm4b:s13+s2], $0x400, $0x38;
	[tilespmem:$0x1D800] =	vst v63  }
.LBB2_2:
0x9a: {  	s0 =	smov.u32 s13;
	s22 =	rddreg [dreg:$0xb]  }
0x9b: {  	[dreg:$0x10] =	wrdreg s0  }
0x9c: {  	[spmem:s19], [sflag:s0] =	dma.local [hbm:s22], $0x3100  }
0x9d: {  	_ =	swait.ge [sflag:s30], $0x3100  }
0x9e: {  	[sflag:s30] =	ssyncset.done $0x0  }
0x9f: {  	[sflag:s30] =	ssyncadd.s32 $0xFFFFCF00  }
0xa0: {  	_ =	swait.ge [sflag:s23], $0x400  }
0xa1: {  	[sflag:s23] =	ssyncset.done $0x0  }
0xa2: {  	[sflag:s23] =	ssyncadd.s32 $0xFFFFFC00  }
0xa3: {  	_ =	swait.ge [sflag:s23], $0x400  }
0xa4: {  	[sflag:s23] =	ssyncset.done $0x0  }
0xa5: {  	[sflag:s23] =	ssyncadd.s32 $0xFFFFFC00  }
0xa6: {  	s22 =	simm.s32 $0x0;
	s0 =	simm.s32 $0x200;
	[bflag:$0x0] =	sbarrier.arrive $0xFFFF  }
0xa7: {  	[tilespmem:s25], [sflag:$0x3] =	stream.indirect.gather [hbm4b:s4+s24], $0x20, s22, s24, $0xb8;
	[tilespmem:$0x1D800] =	vst v63  }
.LBB2_3:
0xa8: {  	_ =	swait.ge [sflag:s26], $0x2000  }
0xa9: {  	[sflag:s26] =	ssyncset.done $0x0  }
0xaa: {  	s13 =	simm.s32 $0x800;
	p1 =	seq.s32 s22, $0x0;
	[sflag:s26] =	ssyncadd.s32 $0xFFFFE000  }
0xab: {  	[spmem:s1] =	stream.indirect.scatter.add.f32 [tilespmem:s25], [sflag:$0x5], $0x20, s13, s24, $0xb8;
	[tilespmem:$0x1D800] =	vst v63  }
0xac: {  	s13 =	simm.s32 @!p1 $0x6  }
0xad: {  	_ =	swait.ge @!p1 [sflag:s13], $0x2000  }
0xae: {  	[sflag:s13] =	ssyncset.done @!p1 $0x0  }
0xaf: {  	[sflag:s13] =	ssyncadd.s32 @!p1 $0xFFFFE000  }
0xb0: {  	[tilespmem:s28], [sflag:$0x4] =	stream.indirect.gather [hbm4b:s4+s24], $0x20, s24, s24, $0xb8;
	[tilespmem:$0x1D800] =	vst v63  }
0xb1: {  	_ =	swait.ge [sflag:s29], $0x2000  }
0xb2: {  	[sflag:s29] =	ssyncset.done $0x0  }
0xb3: {  	s30 =	simm.s32 $0x900;
	[sflag:s29] =	ssyncadd.s32 $0xFFFFE000  }
0xb4: {  	[spmem:s1] =	stream.indirect.scatter.add.f32 [tilespmem:s28], [sflag:$0x6], $0x20, s30, s24, $0xb8;
	[tilespmem:$0x1D800] =	vst v63  }
0xb5: {  	_ =	swait.ge [sflag:s31], $0x2000  }
0xb6: {  	[sflag:s31] =	ssyncset.done $0x0  }
0xb7: {  	[sflag:s31] =	ssyncadd.s32 $0xFFFFE000  }
0xb8: {  	[tilespmem:s25], [sflag:$0x3] =	stream.indirect.gather [hbm4b:s4+s24], $0x20, s0, s24, $0xb8;
	[tilespmem:$0x1D800] =	vst v63  }
0xb9: {  	_ =	swait.ge [sflag:s26], $0x2000  }
0xba: {  	[sflag:s26] =	ssyncset.done $0x0  }
0xbb: {  	[sflag:s26] =	ssyncadd.s32 $0xFFFFE000  }
0xbc: {  	[spmem:s1] =	stream.indirect.scatter.add.f32 [tilespmem:s25], [sflag:$0x5], $0x20, s6, s24, $0xb8;
	[tilespmem:$0x1D800] =	vst v63  }
0xbd: {  	_ =	swait.ge [sflag:s7], $0x2000  }
0xbe: {  	[sflag:s7] =	ssyncset.done $0x0  }
0xbf: {  	[sflag:s7] =	ssyncadd.s32 $0xFFFFE000  }
0xc0: {  	[tilespmem:s28], [sflag:$0x4] =	stream.indirect.gather [hbm4b:s4+s24], $0x20, s14, s24, $0xb8;
	[tilespmem:$0x1D800] =	vst v63  }
0xc1: {  	_ =	swait.ge [sflag:s29], $0x2000  }
0xc2: {  	[sflag:s29] =	ssyncset.done $0x0  }
0xc3: {  	[sflag:s29] =	ssyncadd.s32 $0xFFFFE000  }
0xc4: {  	[spmem:s1] =	stream.indirect.scatter.add.f32 [tilespmem:s28], [sflag:$0x6], $0x20, s15, s24, $0xb8;
	[tilespmem:$0x1D800] =	vst v63  }
0xc5: {  	_ =	swait.ge [sflag:s31], $0x2000  }
0xc6: {  	[sflag:s31] =	ssyncset.done $0x0  }
0xc7: {  	[sflag:s31] =	ssyncadd.s32 $0xFFFFE000  }
0xc8: {  	_ =	swait.ge [sflag:s3], $0x400  }
0xc9: {  	[sflag:s3] =	ssyncset.done $0x0  }
0xca: {  	[sflag:s3] =	ssyncadd.s32 $0xFFFFFC00  }
0xcb: {  	_ =	swait.ge [sflag:s3], $0x400  }
0xcc: {  	p1 =	seq.s32 s22, $0x1800;
	[sflag:s3] =	ssyncset.done $0x0  }
0xcd: {  	s13 =	sadd.s32 @!p1 s22, s18;
	[sflag:s3] =	ssyncadd.s32 $0xFFFFFC00  }
0xce: {  	[tilespmem:s25], [sflag:$0x3] =	stream.indirect.gather [hbm4b:s4+s24], $0x20, s20, s24, $0xb8;
	[tilespmem:$0x1D800] =	vst v63  }
0xcf: {  	s19 =	simm.s32 @!p1 $0x0;
	s13 =	sadd.s32 @!p1 $0x100, s13  }
0xd0: {  	[tilespmem:s19], [sflag:$0x1] =	stream.linear.gather @!p1 [hbm4b:s13+s19], $0x400, $0x38;
	[tilespmem:$0x1D800] =	vst v63  }
0xd1: {  	s13 =	sadd.s32 @!p1 s22, s17  }
0xd2: {  	s30 =	simm.s32 @!p1 $0x800;
	s13 =	sadd.s32 @!p1 $0x100, s13  }
0xd3: {  	[tilespmem:s30], [sflag:$0x1] =	stream.linear.gather @!p1 [hbm4b:s13+s19], $0x400, $0x38;
	[tilespmem:$0x1D800] =	vst v63  }
0xd4: {  	_ =	swait.ge [sflag:s26], $0x2000  }
0xd5: {  	[sflag:s26] =	ssyncset.done $0x0  }
0xd6: {  	[sflag:s26] =	ssyncadd.s32 $0xFFFFE000  }
0xd7: {  	[spmem:s1] =	stream.indirect.scatter.add.f32 [tilespmem:s25], [sflag:$0x5], $0x20, s21, s24, $0xb8;
	[tilespmem:$0x1D800] =	vst v63  }
0xd8: {  	_ =	swait.ge [sflag:s7], $0x2000  }
0xd9: {  	[sflag:s7] =	ssyncset.done $0x0  }
0xda: {  	[sflag:s7] =	ssyncadd.s32 $0xFFFFE000  }
0xdb: {  	[tilespmem:s28], [sflag:$0x4] =	stream.indirect.gather [hbm4b:s4+s24], $0x20, s8, s24, $0xb8;
	[tilespmem:$0x1D800] =	vst v63  }
0xdc: {  	_ =	swait.ge [sflag:s29], $0x2000  }
0xdd: {  	[sflag:s29] =	ssyncset.done $0x0  }
0xde: {  	[sflag:s29] =	ssyncadd.s32 $0xFFFFE000  }
0xdf: {  	[spmem:s1] =	stream.indirect.scatter.add.f32 [tilespmem:s28], [sflag:$0x6], $0x20, s9, s24, $0xb8;
	[tilespmem:$0x1D800] =	vst v63  }
0xe0: {  	_ =	swait.ge [sflag:s31], $0x2000  }
0xe1: {  	[sflag:s31] =	ssyncset.done $0x0  }
0xe2: {  	[sflag:s31] =	ssyncadd.s32 $0xFFFFE000  }
0xe3: {  	[tilespmem:s25], [sflag:$0x3] =	stream.indirect.gather [hbm4b:s4+s24], $0x20, s10, s24, $0xb8;
	[tilespmem:$0x1D800] =	vst v63  }
0xe4: {  	_ =	swait.ge [sflag:s26], $0x2000  }
0xe5: {  	[sflag:s26] =	ssyncset.done $0x0  }
0xe6: {  	[sflag:s26] =	ssyncadd.s32 $0xFFFFE000  }
0xe7: {  	[spmem:s1] =	stream.indirect.scatter.add.f32 [tilespmem:s25], [sflag:$0x5], $0x20, s11, s24, $0xb8;
	[tilespmem:$0x1D800] =	vst v63  }
0xe8: {  	_ =	swait.ge [sflag:s7], $0x2000  }
0xe9: {  	[sflag:s7] =	ssyncset.done $0x0  }
0xea: {  	[sflag:s7] =	ssyncadd.s32 $0xFFFFE000  }
0xeb: {  	[tilespmem:s28], [sflag:$0x4] =	stream.indirect.gather [hbm4b:s4+s24], $0x20, s12, s24, $0xb8;
	[tilespmem:$0x1D800] =	vst v63  }
0xec: {  	_ =	swait.ge [sflag:s29], $0x2000  }
0xed: {  	[sflag:s29] =	ssyncset.done $0x0  }
.Ltmp5:
0xee: {  	[sflag:s29] =	ssyncadd.s32 $0xFFFFE000;
	(pc) =	sbr.rel @p1 .LBB2_4-.Ltmp5, $4  }
0xef: {  	[spmem:s1] =	stream.indirect.scatter.add.f32 [tilespmem:s28], [sflag:$0x6], $0x20, s16, s24, $0xb8;
	[tilespmem:$0x1D800] =	vst v63  }
0xf0: {  	_ =	swait.ge [sflag:s31], $0x2000  }
0xf1: {  	[sflag:s31] =	ssyncset.done $0x0  }
0xf2: {  	[sflag:s31] =	ssyncadd.s32 $0xFFFFE000  }
0xf3: {  	_ =	swait.ge [sflag:s23], $0x400  }
0xf4: {  	[sflag:s23] =	ssyncset.done $0x0  }
0xf5: {  	[sflag:s23] =	ssyncadd.s32 $0xFFFFFC00  }
0xf6: {  	_ =	swait.ge [sflag:s23], $0x400  }
0xf7: {  	[sflag:s23] =	ssyncset.done $0x0  }
0xf8: {  	[sflag:s23] =	ssyncadd.s32 $0xFFFFFC00  }
0xf9: {  	[tilespmem:s25], [sflag:$0x3] =	stream.indirect.gather [hbm4b:s4+s24], $0x20, s2, s24, $0xb8;
	[tilespmem:$0x1D800] =	vst v63  }
.Ltmp6:
0xfa: {  	s13 =	sadd.s32 s22, s18;
	(pc) =	sbr.rel .LBB2_3-.Ltmp6, $4  }
0xfb: {  	s30 =	sadd.s32 s22, s17;
	s13 =	sadd.s32 $0x180, s13  }
0xfc: {  	[tilespmem:s20], [sflag:$0x2] =	stream.linear.gather [hbm4b:s13+s2], $0x400, $0x38;
	[tilespmem:$0x1D800] =	vst v63  }
0xfd: {  	s22 =	sadd.s32 $0x100, s22;
	s13 =	sadd.s32 $0x180, s30  }
0xfe: {  	[tilespmem:s21], [sflag:$0x2] =	stream.linear.gather [hbm4b:s13+s2], $0x400, $0x38;
	[tilespmem:$0x1D800] =	vst v63  }
.LBB2_4:
.Ltmp7:
0xff: {  	(pc) =	sbr.rel .LBB2_9-.Ltmp7, $3  }
0x100: {  	_ =	sdelay $0x1  }
0x101: {  	s22 =	rddreg [dreg:$0x3]  }
0x102: {  	s30 =	simm.s32 $0x7;
	s19 =	rddreg [dreg:$0xe]  }
.LBB2_10:
0x103: {  	_ =	sfence.sel $0x180000  }
0x104: {  	[bflag:$0x0] =	sbarrier.arrive $0xFFFF  }
0x105: {  	_ =	strace $0x9000004D  }
0x106: {  	s0 =	stileid.u32;
	[bflag:$0x2] =	sbarrier.arrive $0xFFFF  }
0x107: {  	p0 =	sne.s32 s0, $0x0;
	s0 =	rddreg [dreg:$0x2]  }
0x108: {  	s0 =	sadd.s32 @!p0 $0x100000, s0  }
0x109: {  	[sflag:s0] =	ssyncadd.tile.s32 @!p0 $0x1;
	_ =	shalt  }
.Lfunc_end2:
_tile_overlayer_lowered:
.L_overlay_start_2:
0x10a: {  	(tag) =	ssettag $0x2  }
0x10b: {  	s0 =	rddreg [dreg:$0x0];
	s2 =	stileid.u32  }
0x10c: {  	s1 =	rddreg [dreg:$0x1];
	p0 =	sne.s32 s2, $0x0  }
0x10d: {  	s3 =	rddreg [dreg:$0x2];
	[bflag:$0x3] =	sbarrier.arrive $0xFFFF;
	s2 =	simm.s32 @!p0 $0x1C07  }
0x10e: {  	[timem:s3], [sflag:s2] =	dma.local @!p0 [hbm:s0], s1  }
0x10f: {  	s0 =	simm.s32 @!p0 $0x7  }
0x110: {  	_ =	swait.ge @!p0 [sflag:s0], s1  }
0x111: {  	s1 =	ssub.s32 @!p0 $0x0, s1;
	[sflag:s0] =	ssyncset.done @!p0 $0x0  }
0x112: {  	[sflag:s0] =	ssyncadd.s32 @!p0 s1  }
0x113: {  	[bflag:$0x3] =	sbarrier.arrive $0xFFFF  }
0x114: {  	_ =	shalt  }

// kernel: kernel.21.cloned.1.call-start
scs
__scs_entry_jumppad:
0x0: {  	(pc) =	sbr.rel $0x88, $3  }
0x1: {  	(tag) =	ssettag $0x0;
	lr =	simm.s32 $0x1  }
0x2: {  	[smem:$0x3F99] =	sst lr;
	_ =	strace $0xD0000000  }
0x3: {  	_ = 	snop  }
0x4: {  	_ = 	snop  }
0x5: {  	_ = 	snop  }
0x6: {  	_ = 	snop  }
0x7: {  	_ = 	snop  }
__scs_overlays_trampoline_lowered:
0x8: {  	[smem:$0x3FA8] =	sst s0  }
0x9: {  	[smem:$0x3FA9] =	sst s1  }
0xa: {  	[smem:$0x3FAA] =	sst s2  }
0xb: {  	[smem:$0x3FAB] =	sst s3  }
0xc: {  	[smem:$0x3FAC] =	sst s4  }
0xd: {  	[smem:$0x3FAD] =	sst s5  }
0xe: {  	[smem:$0x3FAE] =	sst s6  }
0xf: {  	[smem:$0x3FAF] =	sst s7  }
0x10: {  	[smem:$0x3FB0] =	sst s8  }
0x11: {  	[smem:$0x3FB1] =	sst s9;
	s0 =	simm.s32 @!p0 $0x0  }
0x12: {  	s1 =	sld [smem:$0x3F97];
	s0 =	simm.s32 @p0 $0x1  }
0x13: {  	[smem:$0x3FB2] =	sst s0;
	s0 =	simm.s32 @!p1 $0x0  }
0x14: {  	s2 =	sld [smem:$0x3F96];
	s0 =	simm.s32 @p1 $0x1  }
0x15: {  	[smem:$0x3FB3] =	sst s0;
	s0 =	simm.s32 @!p2 $0x0  }
0x16: {  	s3 =	sld [smem:$0x3FDB];
	s0 =	simm.s32 @p2 $0x1  }
0x17: {  	s4 =	simm.s32 $0x1BF5;
	[smem:$0x3FB5] =	sst s0  }
0x18: {  	s0 =	sld [smem:$0x3F98];
	_ =	swait.ge [sflag:s4], $0x0  }
0x19: {  	s7 =	sld [smem:$0x3F99]  }
0x1a: {  	s8 =	sadd.s32 $0xFFFFE003, lr  }
0x1b: {  	s9 =	sadd.s32 $0xFFFFFEF7, lr;
	s5 =	simm.s32 $0xFFFFFFFF;
	p2 =	slt.u32 s8, $0xFFFFF086  }
0x1c: {  	p1 =	slt.u32 s9, $0xF7A;
	s5 =	simm.s32 @!p2 $0x0  }
0x1d: {  	s5 =	simm.s32 @p1 $0x1;
	p0 =	seq.s32 s7, s2  }
0x1e: {  	s7 =	smul.u32 @!p0 $0xF7A, s2;
	p2 =	seq.s32 @!p0 s5, $0x0  }
0x1f: {  	s9 =	smul.u32 $0xF7A, s1;
	s8 =	simm.s32 @!p0 $0x1BF5;
	p2 =	por !p2, p0  }
0x20: {  	[sflag:s8] =	ssyncset.s32 @!p0 $0xFFFFF086;
	s6 =	sadd.s32 @!p0 s3, s7;
	s7 =	simm.s32 @!p0 $0x108  }
0x21: {  	s3 =	sadd.s32 s3, s9;
	s6 =	sadd.s32 @!p0 $0x88, s6;
	s7 =	simm.s32 @p2 $0x1082  }
0x22: {  	[simem:s7], [sflag:s8] =	dma.local @!p0 [hbm:s6], $0xF7A  }
0x23: {  	s9 =	sor.u32 $0xD0000000, s2;
	s6 =	simm.s32 $0x108;
	_ =	swait.ge @!p0 [sflag:s8], $0x0  }
0x24: {  	s3 =	sadd.s32 $0x88, s3;
	s6 =	simm.s32 @!p1 $0x1082;
	[sflag:s4] =	ssyncset.s32 $0xFFFFF086  }
0x25: {  	[simem:s6], [sflag:s4] =	dma.local [hbm:s3], $0xF7A  }
0x26: {  	[smem:$0x3F99] =	sst s1;
	(tag) =	ssettag s2;
	_ =	strace s9  }
0x27: {  	s1 =	sld [smem:$0x3FA9]  }
0x28: {  	s2 =	sld [smem:$0x3FAA]  }
0x29: {  	s4 =	sld [smem:$0x3FAC]  }
0x2a: {  	p0 =	seq.s32 s5, $0x0;
	s5 =	sld [smem:$0x3FAD]  }
0x2b: {  	s6 =	sld [smem:$0x3FAE]  }
0x2c: {  	s7 =	sld [smem:$0x3FAF]  }
0x2d: {  	s3 =	simm.s32 $0x108;
	s8 =	sld [smem:$0x3FB0]  }
0x2e: {  	s3 =	simm.s32 @!p0 $0x1082;
	s9 =	sld [smem:$0x3FB1]  }
0x2f: {  	lr =	sadd.s32 s0, s3;
	s0 =	sld [smem:$0x3FA8]  }
0x30: {  	s3 =	sld [smem:$0x3FAB]  }
0x31: {  	[smem:$0x3FB4] =	sst s10  }
0x32: {  	s10 =	sld [smem:$0x3FB2];
	_ =	sdelay $0x3  }
0x33: {  	p0 =	seq.s32 s10, $0x1;
	s10 =	sld [smem:$0x3FB4];
	_ =	sdelay $0x3  }
0x34: {  	[smem:$0x3FB4] =	sst s10  }
0x35: {  	s10 =	sld [smem:$0x3FB3];
	_ =	sdelay $0x3  }
0x36: {  	p1 =	seq.s32 s10, $0x1;
	s10 =	sld [smem:$0x3FB4];
	_ =	sdelay $0x3  }
0x37: {  	[smem:$0x3FB4] =	sst s10  }
0x38: {  	s10 =	sld [smem:$0x3FB5]  }
0x39: {  	_ = 	snop;
	(pc) =	sbr.ind lr, $3  }
0x3a: {  	_ = 	snop  }
0x3b: {  	_ = 	snop  }
0x3c: {  	p2 =	seq.s32 s10, $0x1;
	s10 =	sld [smem:$0x3FB4]  }
0x3d: {  	_ =	shalt  }
0x3e: {  	_ =	shalt  }
0x3f: {  	_ =	shalt  }
0x40: {  	_ =	shalt  }
0x41: {  	_ =	shalt  }
0x42: {  	_ =	shalt  }
0x43: {  	_ =	shalt  }
0x44: {  	_ =	shalt  }
0x45: {  	_ =	shalt  }
0x46: {  	_ =	shalt  }
0x47: {  	_ =	shalt  }
0x48: {  	_ =	shalt  }
0x49: {  	_ =	shalt  }
0x4a: {  	_ =	shalt  }
0x4b: {  	_ =	shalt  }
0x4c: {  	_ =	shalt  }
0x4d: {  	_ =	shalt  }
0x4e: {  	_ =	shalt  }
0x4f: {  	_ =	shalt  }
0x50: {  	_ =	shalt  }
0x51: {  	_ =	shalt  }
0x52: {  	_ =	shalt  }
0x53: {  	_ =	shalt  }
0x54: {  	_ =	shalt  }
0x55: {  	_ =	shalt  }
0x56: {  	_ =	shalt  }
0x57: {  	_ =	shalt  }
0x58: {  	_ =	shalt  }
0x59: {  	_ =	shalt  }
0x5a: {  	_ =	shalt  }
0x5b: {  	_ =	shalt  }
0x5c: {  	_ =	shalt  }
0x5d: {  	_ =	shalt  }
0x5e: {  	_ =	shalt  }
0x5f: {  	_ =	shalt  }
0x60: {  	_ =	shalt  }
0x61: {  	_ =	shalt  }
0x62: {  	_ =	shalt  }
0x63: {  	_ =	shalt  }
0x64: {  	_ =	shalt  }
0x65: {  	_ =	shalt  }
0x66: {  	_ =	shalt  }
0x67: {  	_ =	shalt  }
0x68: {  	_ =	shalt  }
0x69: {  	_ =	shalt  }
0x6a: {  	_ =	shalt  }
0x6b: {  	_ =	shalt  }
0x6c: {  	_ =	shalt  }
0x6d: {  	_ =	shalt  }
0x6e: {  	_ =	shalt  }
0x6f: {  	_ =	shalt  }
0x70: {  	_ =	shalt  }
0x71: {  	_ =	shalt  }
0x72: {  	_ =	shalt  }
0x73: {  	_ =	shalt  }
0x74: {  	_ =	shalt  }
0x75: {  	_ =	shalt  }
0x76: {  	_ =	shalt  }
0x77: {  	_ =	shalt  }
0x78: {  	_ =	shalt  }
0x79: {  	_ =	shalt  }
0x7a: {  	_ =	shalt  }
0x7b: {  	_ =	shalt  }
0x7c: {  	_ =	shalt  }
0x7d: {  	_ =	shalt  }
0x7e: {  	_ =	shalt  }
0x7f: {  	_ =	shalt  }
0x80: {  	_ =	shalt  }
0x81: {  	_ =	shalt  }
0x82: {  	_ =	shalt  }
0x83: {  	_ =	shalt  }
0x84: {  	_ =	shalt  }
0x85: {  	_ =	shalt  }
0x86: {  	_ =	shalt  }
0x87: {  	_ =	shalt  }
.Lfunc_end0:
.L_simem_size_0:
called_computation.3_lowered:
.L_overlay_start_0:
0x88: {  	s2 =	sld [smem:$0x3FD9]  }
0x89: {  	s3 =	sld [smem:$0x3FFE];
	_ =	sdelay $0x1  }
0x8a: {  	s1 =	srdreg.scid  }
0x8b: {  	s0 =	sand.u32 $0x1, s1  }
0x8c: {  	s16 =	sshll.u32 s0, $0xA;
	s2 =	sadd.s32 s3, s2  }
0x8d: {  	s2 =	sadd.s32 s2, s16  }
0x8e: {  	[smem:$0x3FC0] =	sst s2  }
0x8f: {  	_ = 	snop  }
0x90: {  	(tm) =	ssettm $0x1  }
0x91: {  	s17 =	sld [smem:$0x3FFB];
	_ =	sdelay $0x3  }
0x92: {  	_ =	strace s17  }
0x93: {  	s2 =	sld [smem:$0x3FFC];
	_ =	sdelay $0x3  }
0x94: {  	_ =	strace s2  }
0x95: {  	s2 =	sld [smem:$0x3FFD];
	_ =	sdelay $0x3  }
0x96: {  	_ =	strace s2  }
0x97: {  	_ =	strace $0x8FFFFFFF  }
0x98: {  	s18 =	sld [smem:$0x3FDB];
	_ =	sdelay $0x1  }
0x99: {  	s19 =	simm.s32 $_scs_section_size  }
0x9a: {  	s4 =	simm.s32 $_size__tile_overlayer_lowered;
	s5 =	simm.s32 $_tile_overlayer_lowered  }
0x9b: {  	s22 =	simm.s32 $0x1BFF;
	s21 =	sshll.u32 s5, $0x1;
	s2 =	sadd.s32 s19, s18  }
0x9c: {  	s6 =	simm.s32 $0x0;
	s20 =	sshll.u32 s4, $0x1;
	s4 =	sadd.s32 s21, s2  }
0x9d: {  	[timem:s6], [sflag:s22] =	dma.local [hbm:s4], s20  }
0x9e: {  	_ =	swait.ge [sflag:s22], s20  }
0x9f: {  	s3 =	ssub.s32 $0x0, s20;
	[sflag:s22] =	ssyncset.done $0x0  }
0xa0: {  	[sflag:s22] =	ssyncadd.s32 s3;
	_ =	sdelay $0x1  }
0xa1: {  	s23 =	simm.s32 $0x1B8B  }
0xa2: {  	_ =	swait.ge [sflag:s23], $0x1  }
0xa3: {  	[sflag:s23] =	ssyncset.done $0x0  }
0xa4: {  	s25 =	simm.s32 $0x1B8E;
	s24 =	sld [smem:$0x3FFE];
	[sflag:s23] =	ssyncadd.s32 $0xFFFFFFFF  }
0xa5: {  	s26 =	simm.s32 $execute0_lowered;
	[smem:$0x3FD2] =	sst s25  }
0xa6: {  	s4 =	sshll.u32 s26, $0x1;
	_ =	strace $0x8000004F;
	[dreg:$0x1] =	wrdreg $0xFFFFFFFF  }
0xa7: {  	s28 =	simm.s32 $_size_execute0_lowered;
	s2 =	sadd.s32 s2, s4;
	[dreg:$0x0] =	wrdreg $0x0  }
0xa8: {  	s4 =	sshll.u32 s28, $0x1;
	[dreg:$0x2] =	wrdreg s2  }
0xa9: {  	[dreg:$0x3] =	wrdreg s4  }
0xaa: {  	[dreg:$0x4] =	wrdreg $0xC0  }
0xab: {  	_ =	task [dreg:s6], $0x5FFFF  }
0xac: {  	[dreg:$0x1] =	wrdreg $0xFFFFFFFF  }
0xad: {  	[dreg:$0x0] =	wrdreg $0x60  }
0xae: {  	[dreg:$0x2] =	wrdreg s24  }
0xaf: {  	[dreg:$0x3] =	wrdreg $0x50000  }
0xb0: {  	[dreg:$0x4] =	wrdreg $0x9  }
0xb1: {  	_ =	task.clear_ibuf [dreg:s6], $0x5FFFF;
	_ =	strace $0x9000004F  }
0xb2: {  	s29 =	simm.s32 $0x9;
	_ =	strace $0x80000051  }
0xb3: {  	_ =	swait.ge [sflag:s29], $0x1  }
0xb4: {  	[sflag:s29] =	ssyncadd.s32 $0xFFFFFFFF  }
0xb5: {  	_ =	strace $0x90000051  }
0xb6: {  	_ =	sfence  }
0xb7: {  	s30 =	sld [smem:$0x0];
	_ =	sdelay $0x2  }
0xb8: {  	s31 =	sshll.u32 s1, $0xD;
	s1 =	sshrl.u32 s1, $0x2  }
0xb9: {  	s3 =	sand.u32 $0x4000, s31;
	s1 =	sadd.s32 s1, s30  }
0xba: {  	s0 =	sor.u32 s3, s0;
	s1 =	sshll.u32 s1, $0x11  }
0xbb: {  	s0 =	sor.u32 s1, s0  }
0xbc: {  	s0 =	sadd.s32 $0x8F2B, s0  }
0xbd: {  	[sflag:s0] =	ssyncadd.remote.s32 $0x1  }
0xbe: {  	_ =	sfence.sel $0xFFFF  }
0xbf: {  	[dreg:$0x0] =	wrdreg $0xFFFFFFFF;
	(pc) =	sbr.abs _section_cstart, $3  }
0xc0: {  	[dreg:$0x1] =	wrdreg $0xFFFFFFFF  }
0xc1: {  	_ =	task.clear_ibuf [dreg:s6], $0x2FFFF;
	_ =	strace $0x9FFFFFFF  }
0xc2: {  	(tm) =	ssettm $0x7FFFFFFF  }
0xc3: {  	_ =	shalt  }
tec
execute0_lowered:
.L_overlay_start_1:
0x0: {  	(tag) =	ssettag $0x1  }
0x1: {  	s0 =	rddreg [dreg:$0x0]  }
0x2: {  	s1 =	rddreg [dreg:$0x1]  }
0x3: {  	s2 =	simm.s32 $0x0;
	s3 =	srdreg.scid;
	s10 =	stileid.u32  }
0x4: {  	s30 =	simm.s32 $0x7;
	s28 =	simm.s32 $0x3000;
	s29 =	simm.s32 $0x4  }
0x5: {  	s31 =	simm.s32 $0x5;
	s14 =	simm.s32 $0x300;
	s15 =	simm.s32 $0xB00  }
0x6: {  	s12 =	simm.s32 $0x700;
	s16 =	simm.s32 $0xF00;
	[smem:$0x7FF] =	sst s2  }
0x7: {  	s4 =	sadd.s32 $0x1D400, s0;
	s5 =	sadd.s32 $0x11F000, s0;
	s6 =	sadd.s32 $0x106000, s0  }
0x8: {  	s3 =	sand.u32 $0x1, s3;
	s7 =	sadd.s32 $0x4400, s0;
	s9 =	smul.u32 $0xC800, s10  }
0x9: {  	s11 =	sadd.s32 $0x7F400, s0;
	s0 =	sadd.s32 $0x4E400, s0;
	s21 =	smul.u32 $0x18800, s10  }
0xa: {  	s26 =	smul.u32 $0x1900, s10;
	_ =	strace $0x80000050;
	[dreg:$0x3] =	wrdreg s11  }
0xb: {  	s10 =	simm.s32 $0x600;
	s8 =	ssub.s32 $0x2, s3;
	[dreg:$0x4] =	wrdreg s0  }
0xc: {  	p0 =	seq.s32 s3, $0x1;
	s11 =	simm.s32 $0xE00;
	s17 =	sshrl.u32 s8, $0x1  }
0xd: {  	s18 =	sshrl.u32 s9, $0x3;
	s24 =	sadd.s32 s21, s1;
	s25 =	sshrl.u32 s21, $0x3  }
0xe: {  	s21 =	simm.s32 $0xC00;
	s0 =	ssub.s32 s8, s17;
	s19 =	sadd.s32 s6, s18  }
0xf: {  	s20 =	sor.u32 $0x80, s18;
	s3 =	sadd.s32 s7, s18;
	[dreg:$0x9] =	wrdreg s24  }
0x10: {  	s9 =	sadd.s32 s4, s25;
	[dreg:$0xa] =	wrdreg s25;
	s8 =	sadd.s32 s5, s25  }
0x11: {  	s17 =	sadd.s32 s26, s7;
	s18 =	sadd.s32 s26, s6;
	[dreg:$0x5] =	wrdreg s19  }
0x12: {  	s24 =	simm.s32 $0x100;
	s25 =	simm.s32 $0x1000;
	[dreg:$0x6] =	wrdreg s3  }
0x13: {  	s26 =	simm.s32 $0x3;
	s22 =	sadd.s32 s6, s20;
	[dreg:$0xb] =	wrdreg s9  }
.Ltmp0:
0x14: {  	s23 =	sadd.s32 s7, s20;
	[dreg:$0xc] =	wrdreg s8;
	(pc) =	sbr.rel .LBB2_1-.Ltmp0, $4  }
0x15: {  	s0 =	smax.u32 s0, $0x1;
	s20 =	simm.s32 $0x400;
	s6 =	simm.s32 $0xA00  }
0x16: {  	s7 =	simm.s32 $0x6;
	s3 =	simm.s32 $0x2;
	[dreg:$0x7] =	wrdreg s22  }
0x17: {  	s8 =	simm.s32 $0x500;
	s9 =	simm.s32 $0xD00;
	[dreg:$0x8] =	wrdreg s23  }
0x18: {  	s19 =	simm.s32 $0x0;
	[dreg:$0xd] =	wrdreg s0;
	s23 =	simm.s32 $0x1  }
.LBB2_8:
0x19: {  	s22 =	rddreg [dreg:$0x4]  }
0x1a: {  	s30 =	simm.s32 $0x7;
	s19 =	rddreg [dreg:$0xe]  }
.LBB2_9:
0x1b: {  	_ =	swait.ge [sflag:s7], $0x2000  }
0x1c: {  	[sflag:s7] =	ssyncset.done $0x0  }
0x1d: {  	[sflag:s7] =	ssyncadd.s32 $0xFFFFE000  }
0x1e: {  	s13 =	rddreg [dreg:$0xa];
	[bflag:$0x0] =	sbarrier.arrive $0xFFFF  }
0x1f: {  	s13 =	sadd.s32 s22, s13;
	s22 =	rddreg [dreg:$0xf]  }
0x20: {  	s0 =	rddreg [dreg:$0x10]  }
0x21: {  	[hbm:s13], [sflag:s0] =	dma.local [spmem:s22], $0x3100  }
0x22: {  	_ =	swait.ge [sflag:s30], $0x3100  }
0x23: {  	s19 =	sadd.s32 $0x1, s19;
	s22 =	rddreg [dreg:$0xd]  }
0x24: {  	p1 =	sne.s32 s19, s22  }
.Ltmp1:
0x25: {  	_ = 	snop;
	(pc) =	sbr.rel @!p1 .LBB2_10-.Ltmp1, $3  }
0x26: {  	_ =	sdelay $0x1  }
0x27: {  	[sflag:s30] =	ssyncset.done $0x0  }
0x28: {  	[sflag:s30] =	ssyncadd.s32 $0xFFFFCF00  }
.LBB2_1:
0x29: {  	[dreg:$0xe] =	wrdreg s19  }
0x2a: {  	s13 =	rddreg [dreg:$0x5]  }
0x2b: {  	[tilespmem:s2], [sflag:$0x1] =	stream.linear.gather [hbm4b:s13+s2], $0x400, $0x38;
	[tilespmem:$0x1D800] =	vst v63  }
0x2c: {  	s22 =	rddreg [dreg:$0x6];
	s0 =	simm.s32 $0x800  }
0x2d: {  	[tilespmem:s0], [sflag:$0x1] =	stream.linear.gather [hbm4b:s22+s2], $0x400, $0x38;
	[tilespmem:$0x1D800] =	vst v63  }
0x2e: {  	s19 =	rddreg [dreg:$0x7]  }
0x2f: {  	[tilespmem:s20], [sflag:$0x2] =	stream.linear.gather [hbm4b:s19+s2], $0x400, $0x38;
	[tilespmem:$0x1D800] =	vst v63  }
.Ltmp2:
0x30: {  	s22 =	rddreg [dreg:$0x8];
	(pc) =	sbr.rel @!p0 .LBB2_2-.Ltmp2, $4  }
0x31: {  	s0 =	stileid.u32;
	s19 =	rddreg [dreg:$0x9]  }
0x32: {  	[tilespmem:s21], [sflag:$0x2] =	stream.linear.gather [hbm4b:s22+s2], $0x400, $0x38;
	[tilespmem:$0x1D800] =	vst v63  }
0x33: {  	s19 =	sshrl.u32 s19, $0x3;
	s22 =	sshll.u32 s0, $0x6  }
0x34: {  	[dreg:$0xf] =	wrdreg s19;
	s13 =	sor.u32 $0x1C07, s22  }
0x35: {  	s0 =	sor.u32 $0x1C07, s22;
	s13 =	rddreg [dreg:$0xc]  }
0x36: {  	[dreg:$0x10] =	wrdreg s0  }
0x37: {  	[spmem:s19], [sflag:s0] =	dma.local [hbm:s13], $0x3100  }
0x38: {  	_ =	swait.ge [sflag:s30], $0x3100  }
0x39: {  	[sflag:s30] =	ssyncset.done $0x0  }
0x3a: {  	[sflag:s30] =	ssyncadd.s32 $0xFFFFCF00  }
0x3b: {  	_ =	swait.ge [sflag:s23], $0x400  }
0x3c: {  	[sflag:s23] =	ssyncset.done $0x0  }
0x3d: {  	[sflag:s23] =	ssyncadd.s32 $0xFFFFFC00  }
0x3e: {  	_ =	swait.ge [sflag:s23], $0x400  }
0x3f: {  	[sflag:s23] =	ssyncset.done $0x0  }
0x40: {  	[sflag:s23] =	ssyncadd.s32 $0xFFFFFC00  }
0x41: {  	s22 =	simm.s32 $0x0;
	s0 =	simm.s32 $0x200;
	[bflag:$0x0] =	sbarrier.arrive $0xFFFF  }
0x42: {  	[tilespmem:s25], [sflag:$0x3] =	stream.indirect.gather [hbm4b:s5+s24], $0x20, s22, s24, $0xb8;
	[tilespmem:$0x1D800] =	vst v63  }
.LBB2_7:
0x43: {  	_ =	swait.ge [sflag:s26], $0x2000  }
0x44: {  	[sflag:s26] =	ssyncset.done $0x0  }
0x45: {  	s13 =	simm.s32 $0x800;
	p1 =	seq.s32 s22, $0x0;
	[sflag:s26] =	ssyncadd.s32 $0xFFFFE000  }
0x46: {  	[spmem:s1] =	stream.indirect.scatter.add.f32 [tilespmem:s25], [sflag:$0x5], $0x20, s13, s24, $0xb8;
	[tilespmem:$0x1D800] =	vst v63  }
0x47: {  	s13 =	simm.s32 @!p1 $0x6  }
0x48: {  	_ =	swait.ge @!p1 [sflag:s13], $0x2000  }
0x49: {  	[sflag:s13] =	ssyncset.done @!p1 $0x0  }
0x4a: {  	[sflag:s13] =	ssyncadd.s32 @!p1 $0xFFFFE000  }
0x4b: {  	[tilespmem:s28], [sflag:$0x4] =	stream.indirect.gather [hbm4b:s5+s24], $0x20, s24, s24, $0xb8;
	[tilespmem:$0x1D800] =	vst v63  }
0x4c: {  	_ =	swait.ge [sflag:s29], $0x2000  }
0x4d: {  	[sflag:s29] =	ssyncset.done $0x0  }
0x4e: {  	s30 =	simm.s32 $0x900;
	[sflag:s29] =	ssyncadd.s32 $0xFFFFE000  }
0x4f: {  	[spmem:s1] =	stream.indirect.scatter.add.f32 [tilespmem:s28], [sflag:$0x6], $0x20, s30, s24, $0xb8;
	[tilespmem:$0x1D800] =	vst v63  }
0x50: {  	_ =	swait.ge [sflag:s31], $0x2000  }
0x51: {  	[sflag:s31] =	ssyncset.done $0x0  }
0x52: {  	[sflag:s31] =	ssyncadd.s32 $0xFFFFE000  }
0x53: {  	[tilespmem:s25], [sflag:$0x3] =	stream.indirect.gather [hbm4b:s5+s24], $0x20, s0, s24, $0xb8;
	[tilespmem:$0x1D800] =	vst v63  }
0x54: {  	_ =	swait.ge [sflag:s26], $0x2000  }
0x55: {  	[sflag:s26] =	ssyncset.done $0x0  }
0x56: {  	[sflag:s26] =	ssyncadd.s32 $0xFFFFE000  }
0x57: {  	[spmem:s1] =	stream.indirect.scatter.add.f32 [tilespmem:s25], [sflag:$0x5], $0x20, s6, s24, $0xb8;
	[tilespmem:$0x1D800] =	vst v63  }
0x58: {  	_ =	swait.ge [sflag:s7], $0x2000  }
0x59: {  	[sflag:s7] =	ssyncset.done $0x0  }
0x5a: {  	[sflag:s7] =	ssyncadd.s32 $0xFFFFE000  }
0x5b: {  	[tilespmem:s28], [sflag:$0x4] =	stream.indirect.gather [hbm4b:s5+s24], $0x20, s14, s24, $0xb8;
	[tilespmem:$0x1D800] =	vst v63  }
0x5c: {  	_ =	swait.ge [sflag:s29], $0x2000  }
0x5d: {  	[sflag:s29] =	ssyncset.done $0x0  }
0x5e: {  	[sflag:s29] =	ssyncadd.s32 $0xFFFFE000  }
0x5f: {  	[spmem:s1] =	stream.indirect.scatter.add.f32 [tilespmem:s28], [sflag:$0x6], $0x20, s15, s24, $0xb8;
	[tilespmem:$0x1D800] =	vst v63  }
0x60: {  	_ =	swait.ge [sflag:s31], $0x2000  }
0x61: {  	[sflag:s31] =	ssyncset.done $0x0  }
0x62: {  	[sflag:s31] =	ssyncadd.s32 $0xFFFFE000  }
0x63: {  	_ =	swait.ge [sflag:s3], $0x400  }
0x64: {  	[sflag:s3] =	ssyncset.done $0x0  }
0x65: {  	[sflag:s3] =	ssyncadd.s32 $0xFFFFFC00  }
0x66: {  	_ =	swait.ge [sflag:s3], $0x400  }
0x67: {  	p1 =	seq.s32 s22, $0x1800;
	[sflag:s3] =	ssyncset.done $0x0  }
0x68: {  	s13 =	sadd.s32 @!p1 s22, s18;
	[sflag:s3] =	ssyncadd.s32 $0xFFFFFC00  }
0x69: {  	[tilespmem:s25], [sflag:$0x3] =	stream.indirect.gather [hbm4b:s5+s24], $0x20, s20, s24, $0xb8;
	[tilespmem:$0x1D800] =	vst v63  }
0x6a: {  	s19 =	simm.s32 @!p1 $0x0;
	s13 =	sadd.s32 @!p1 $0x100, s13  }
0x6b: {  	[tilespmem:s19], [sflag:$0x1] =	stream.linear.gather @!p1 [hbm4b:s13+s19], $0x400, $0x38;
	[tilespmem:$0x1D800] =	vst v63  }
0x6c: {  	s13 =	sadd.s32 @!p1 s22, s17  }
0x6d: {  	s30 =	simm.s32 @!p1 $0x800;
	s13 =	sadd.s32 @!p1 $0x100, s13  }
0x6e: {  	[tilespmem:s30], [sflag:$0x1] =	stream.linear.gather @!p1 [hbm4b:s13+s19], $0x400, $0x38;
	[tilespmem:$0x1D800] =	vst v63  }
0x6f: {  	_ =	swait.ge [sflag:s26], $0x2000  }
0x70: {  	[sflag:s26] =	ssyncset.done $0x0  }
0x71: {  	[sflag:s26] =	ssyncadd.s32 $0xFFFFE000  }
0x72: {  	[spmem:s1] =	stream.indirect.scatter.add.f32 [tilespmem:s25], [sflag:$0x5], $0x20, s21, s24, $0xb8;
	[tilespmem:$0x1D800] =	vst v63  }
0x73: {  	_ =	swait.ge [sflag:s7], $0x2000  }
0x74: {  	[sflag:s7] =	ssyncset.done $0x0  }
0x75: {  	[sflag:s7] =	ssyncadd.s32 $0xFFFFE000  }
0x76: {  	[tilespmem:s28], [sflag:$0x4] =	stream.indirect.gather [hbm4b:s5+s24], $0x20, s8, s24, $0xb8;
	[tilespmem:$0x1D800] =	vst v63  }
0x77: {  	_ =	swait.ge [sflag:s29], $0x2000  }
0x78: {  	[sflag:s29] =	ssyncset.done $0x0  }
0x79: {  	[sflag:s29] =	ssyncadd.s32 $0xFFFFE000  }
0x7a: {  	[spmem:s1] =	stream.indirect.scatter.add.f32 [tilespmem:s28], [sflag:$0x6], $0x20, s9, s24, $0xb8;
	[tilespmem:$0x1D800] =	vst v63  }
0x7b: {  	_ =	swait.ge [sflag:s31], $0x2000  }
0x7c: {  	[sflag:s31] =	ssyncset.done $0x0  }
0x7d: {  	[sflag:s31] =	ssyncadd.s32 $0xFFFFE000  }
0x7e: {  	[tilespmem:s25], [sflag:$0x3] =	stream.indirect.gather [hbm4b:s5+s24], $0x20, s10, s24, $0xb8;
	[tilespmem:$0x1D800] =	vst v63  }
0x7f: {  	_ =	swait.ge [sflag:s26], $0x2000  }
0x80: {  	[sflag:s26] =	ssyncset.done $0x0  }
0x81: {  	[sflag:s26] =	ssyncadd.s32 $0xFFFFE000  }
0x82: {  	[spmem:s1] =	stream.indirect.scatter.add.f32 [tilespmem:s25], [sflag:$0x5], $0x20, s11, s24, $0xb8;
	[tilespmem:$0x1D800] =	vst v63  }
0x83: {  	_ =	swait.ge [sflag:s7], $0x2000  }
0x84: {  	[sflag:s7] =	ssyncset.done $0x0  }
0x85: {  	[sflag:s7] =	ssyncadd.s32 $0xFFFFE000  }
0x86: {  	[tilespmem:s28], [sflag:$0x4] =	stream.indirect.gather [hbm4b:s5+s24], $0x20, s12, s24, $0xb8;
	[tilespmem:$0x1D800] =	vst v63  }
0x87: {  	_ =	swait.ge [sflag:s29], $0x2000  }
0x88: {  	[sflag:s29] =	ssyncset.done $0x0  }
.Ltmp3:
0x89: {  	[sflag:s29] =	ssyncadd.s32 $0xFFFFE000;
	(pc) =	sbr.rel @p1 .LBB2_8-.Ltmp3, $4  }
0x8a: {  	[spmem:s1] =	stream.indirect.scatter.add.f32 [tilespmem:s28], [sflag:$0x6], $0x20, s16, s24, $0xb8;
	[tilespmem:$0x1D800] =	vst v63  }
0x8b: {  	_ =	swait.ge [sflag:s31], $0x2000  }
0x8c: {  	[sflag:s31] =	ssyncset.done $0x0  }
0x8d: {  	[sflag:s31] =	ssyncadd.s32 $0xFFFFE000  }
0x8e: {  	_ =	swait.ge [sflag:s23], $0x400  }
0x8f: {  	[sflag:s23] =	ssyncset.done $0x0  }
0x90: {  	[sflag:s23] =	ssyncadd.s32 $0xFFFFFC00  }
0x91: {  	_ =	swait.ge [sflag:s23], $0x400  }
0x92: {  	[sflag:s23] =	ssyncset.done $0x0  }
0x93: {  	[sflag:s23] =	ssyncadd.s32 $0xFFFFFC00  }
0x94: {  	[tilespmem:s25], [sflag:$0x3] =	stream.indirect.gather [hbm4b:s5+s24], $0x20, s2, s24, $0xb8;
	[tilespmem:$0x1D800] =	vst v63  }
.Ltmp4:
0x95: {  	s13 =	sadd.s32 s22, s18;
	(pc) =	sbr.rel .LBB2_7-.Ltmp4, $4  }
0x96: {  	s30 =	sadd.s32 s22, s17;
	s13 =	sadd.s32 $0x180, s13  }
0x97: {  	[tilespmem:s20], [sflag:$0x2] =	stream.linear.gather [hbm4b:s13+s2], $0x400, $0x38;
	[tilespmem:$0x1D800] =	vst v63  }
0x98: {  	s22 =	sadd.s32 $0x100, s22;
	s13 =	sadd.s32 $0x180, s30  }
0x99: {  	[tilespmem:s21], [sflag:$0x2] =	stream.linear.gather [hbm4b:s13+s2], $0x400, $0x38;
	[tilespmem:$0x1D800] =	vst v63  }
.LBB2_2:
0x9a: {  	s0 =	smov.u32 s13;
	s22 =	rddreg [dreg:$0xb]  }
0x9b: {  	[dreg:$0x10] =	wrdreg s0  }
0x9c: {  	[spmem:s19], [sflag:s0] =	dma.local [hbm:s22], $0x3100  }
0x9d: {  	_ =	swait.ge [sflag:s30], $0x3100  }
0x9e: {  	[sflag:s30] =	ssyncset.done $0x0  }
0x9f: {  	[sflag:s30] =	ssyncadd.s32 $0xFFFFCF00  }
0xa0: {  	_ =	swait.ge [sflag:s23], $0x400  }
0xa1: {  	[sflag:s23] =	ssyncset.done $0x0  }
0xa2: {  	[sflag:s23] =	ssyncadd.s32 $0xFFFFFC00  }
0xa3: {  	_ =	swait.ge [sflag:s23], $0x400  }
0xa4: {  	[sflag:s23] =	ssyncset.done $0x0  }
0xa5: {  	[sflag:s23] =	ssyncadd.s32 $0xFFFFFC00  }
0xa6: {  	s22 =	simm.s32 $0x0;
	s0 =	simm.s32 $0x200;
	[bflag:$0x0] =	sbarrier.arrive $0xFFFF  }
0xa7: {  	[tilespmem:s25], [sflag:$0x3] =	stream.indirect.gather [hbm4b:s4+s24], $0x20, s22, s24, $0xb8;
	[tilespmem:$0x1D800] =	vst v63  }
.LBB2_3:
0xa8: {  	_ =	swait.ge [sflag:s26], $0x2000  }
0xa9: {  	[sflag:s26] =	ssyncset.done $0x0  }
0xaa: {  	s13 =	simm.s32 $0x800;
	p1 =	seq.s32 s22, $0x0;
	[sflag:s26] =	ssyncadd.s32 $0xFFFFE000  }
0xab: {  	[spmem:s1] =	stream.indirect.scatter.add.f32 [tilespmem:s25], [sflag:$0x5], $0x20, s13, s24, $0xb8;
	[tilespmem:$0x1D800] =	vst v63  }
0xac: {  	s13 =	simm.s32 @!p1 $0x6  }
0xad: {  	_ =	swait.ge @!p1 [sflag:s13], $0x2000  }
0xae: {  	[sflag:s13] =	ssyncset.done @!p1 $0x0  }
0xaf: {  	[sflag:s13] =	ssyncadd.s32 @!p1 $0xFFFFE000  }
0xb0: {  	[tilespmem:s28], [sflag:$0x4] =	stream.indirect.gather [hbm4b:s4+s24], $0x20, s24, s24, $0xb8;
	[tilespmem:$0x1D800] =	vst v63  }
0xb1: {  	_ =	swait.ge [sflag:s29], $0x2000  }
0xb2: {  	[sflag:s29] =	ssyncset.done $0x0  }
0xb3: {  	s30 =	simm.s32 $0x900;
	[sflag:s29] =	ssyncadd.s32 $0xFFFFE000  }
0xb4: {  	[spmem:s1] =	stream.indirect.scatter.add.f32 [tilespmem:s28], [sflag:$0x6], $0x20, s30, s24, $0xb8;
	[tilespmem:$0x1D800] =	vst v63  }
0xb5: {  	_ =	swait.ge [sflag:s31], $0x2000  }
0xb6: {  	[sflag:s31] =	ssyncset.done $0x0  }
0xb7: {  	[sflag:s31] =	ssyncadd.s32 $0xFFFFE000  }
0xb8: {  	[tilespmem:s25], [sflag:$0x3] =	stream.indirect.gather [hbm4b:s4+s24], $0x20, s0, s24, $0xb8;
	[tilespmem:$0x1D800] =	vst v63  }
0xb9: {  	_ =	swait.ge [sflag:s26], $0x2000  }
0xba: {  	[sflag:s26] =	ssyncset.done $0x0  }
0xbb: {  	[sflag:s26] =	ssyncadd.s32 $0xFFFFE000  }
0xbc: {  	[spmem:s1] =	stream.indirect.scatter.add.f32 [tilespmem:s25], [sflag:$0x5], $0x20, s6, s24, $0xb8;
	[tilespmem:$0x1D800] =	vst v63  }
0xbd: {  	_ =	swait.ge [sflag:s7], $0x2000  }
0xbe: {  	[sflag:s7] =	ssyncset.done $0x0  }
0xbf: {  	[sflag:s7] =	ssyncadd.s32 $0xFFFFE000  }
0xc0: {  	[tilespmem:s28], [sflag:$0x4] =	stream.indirect.gather [hbm4b:s4+s24], $0x20, s14, s24, $0xb8;
	[tilespmem:$0x1D800] =	vst v63  }
0xc1: {  	_ =	swait.ge [sflag:s29], $0x2000  }
0xc2: {  	[sflag:s29] =	ssyncset.done $0x0  }
0xc3: {  	[sflag:s29] =	ssyncadd.s32 $0xFFFFE000  }
0xc4: {  	[spmem:s1] =	stream.indirect.scatter.add.f32 [tilespmem:s28], [sflag:$0x6], $0x20, s15, s24, $0xb8;
	[tilespmem:$0x1D800] =	vst v63  }
0xc5: {  	_ =	swait.ge [sflag:s31], $0x2000  }
0xc6: {  	[sflag:s31] =	ssyncset.done $0x0  }
0xc7: {  	[sflag:s31] =	ssyncadd.s32 $0xFFFFE000  }
0xc8: {  	_ =	swait.ge [sflag:s3], $0x400  }
0xc9: {  	[sflag:s3] =	ssyncset.done $0x0  }
0xca: {  	[sflag:s3] =	ssyncadd.s32 $0xFFFFFC00  }
0xcb: {  	_ =	swait.ge [sflag:s3], $0x400  }
0xcc: {  	p1 =	seq.s32 s22, $0x1800;
	[sflag:s3] =	ssyncset.done $0x0  }
0xcd: {  	s13 =	sadd.s32 @!p1 s22, s18;
	[sflag:s3] =	ssyncadd.s32 $0xFFFFFC00  }
0xce: {  	[tilespmem:s25], [sflag:$0x3] =	stream.indirect.gather [hbm4b:s4+s24], $0x20, s20, s24, $0xb8;
	[tilespmem:$0x1D800] =	vst v63  }
0xcf: {  	s19 =	simm.s32 @!p1 $0x0;
	s13 =	sadd.s32 @!p1 $0x100, s13  }
0xd0: {  	[tilespmem:s19], [sflag:$0x1] =	stream.linear.gather @!p1 [hbm4b:s13+s19], $0x400, $0x38;
	[tilespmem:$0x1D800] =	vst v63  }
0xd1: {  	s13 =	sadd.s32 @!p1 s22, s17  }
0xd2: {  	s30 =	simm.s32 @!p1 $0x800;
	s13 =	sadd.s32 @!p1 $0x100, s13  }
0xd3: {  	[tilespmem:s30], [sflag:$0x1] =	stream.linear.gather @!p1 [hbm4b:s13+s19], $0x400, $0x38;
	[tilespmem:$0x1D800] =	vst v63  }
0xd4: {  	_ =	swait.ge [sflag:s26], $0x2000  }
0xd5: {  	[sflag:s26] =	ssyncset.done $0x0  }
0xd6: {  	[sflag:s26] =	ssyncadd.s32 $0xFFFFE000  }
0xd7: {  	[spmem:s1] =	stream.indirect.scatter.add.f32 [tilespmem:s25], [sflag:$0x5], $0x20, s21, s24, $0xb8;
	[tilespmem:$0x1D800] =	vst v63  }
0xd8: {  	_ =	swait.ge [sflag:s7], $0x2000  }
0xd9: {  	[sflag:s7] =	ssyncset.done $0x0  }
0xda: {  	[sflag:s7] =	ssyncadd.s32 $0xFFFFE000  }
0xdb: {  	[tilespmem:s28], [sflag:$0x4] =	stream.indirect.gather [hbm4b:s4+s24], $0x20, s8, s24, $0xb8;
	[tilespmem:$0x1D800] =	vst v63  }
0xdc: {  	_ =	swait.ge [sflag:s29], $0x2000  }
0xdd: {  	[sflag:s29] =	ssyncset.done $0x0  }
0xde: {  	[sflag:s29] =	ssyncadd.s32 $0xFFFFE000  }
0xdf: {  	[spmem:s1] =	stream.indirect.scatter.add.f32 [tilespmem:s28], [sflag:$0x6], $0x20, s9, s24, $0xb8;
	[tilespmem:$0x1D800] =	vst v63  }
0xe0: {  	_ =	swait.ge [sflag:s31], $0x2000  }
0xe1: {  	[sflag:s31] =	ssyncset.done $0x0  }
0xe2: {  	[sflag:s31] =	ssyncadd.s32 $0xFFFFE000  }
0xe3: {  	[tilespmem:s25], [sflag:$0x3] =	stream.indirect.gather [hbm4b:s4+s24], $0x20, s10, s24, $0xb8;
	[tilespmem:$0x1D800] =	vst v63  }
0xe4: {  	_ =	swait.ge [sflag:s26], $0x2000  }
0xe5: {  	[sflag:s26] =	ssyncset.done $0x0  }
0xe6: {  	[sflag:s26] =	ssyncadd.s32 $0xFFFFE000  }
0xe7: {  	[spmem:s1] =	stream.indirect.scatter.add.f32 [tilespmem:s25], [sflag:$0x5], $0x20, s11, s24, $0xb8;
	[tilespmem:$0x1D800] =	vst v63  }
0xe8: {  	_ =	swait.ge [sflag:s7], $0x2000  }
0xe9: {  	[sflag:s7] =	ssyncset.done $0x0  }
0xea: {  	[sflag:s7] =	ssyncadd.s32 $0xFFFFE000  }
0xeb: {  	[tilespmem:s28], [sflag:$0x4] =	stream.indirect.gather [hbm4b:s4+s24], $0x20, s12, s24, $0xb8;
	[tilespmem:$0x1D800] =	vst v63  }
0xec: {  	_ =	swait.ge [sflag:s29], $0x2000  }
0xed: {  	[sflag:s29] =	ssyncset.done $0x0  }
.Ltmp5:
0xee: {  	[sflag:s29] =	ssyncadd.s32 $0xFFFFE000;
	(pc) =	sbr.rel @p1 .LBB2_4-.Ltmp5, $4  }
0xef: {  	[spmem:s1] =	stream.indirect.scatter.add.f32 [tilespmem:s28], [sflag:$0x6], $0x20, s16, s24, $0xb8;
	[tilespmem:$0x1D800] =	vst v63  }
0xf0: {  	_ =	swait.ge [sflag:s31], $0x2000  }
0xf1: {  	[sflag:s31] =	ssyncset.done $0x0  }
0xf2: {  	[sflag:s31] =	ssyncadd.s32 $0xFFFFE000  }
0xf3: {  	_ =	swait.ge [sflag:s23], $0x400  }
0xf4: {  	[sflag:s23] =	ssyncset.done $0x0  }
0xf5: {  	[sflag:s23] =	ssyncadd.s32 $0xFFFFFC00  }
0xf6: {  	_ =	swait.ge [sflag:s23], $0x400  }
0xf7: {  	[sflag:s23] =	ssyncset.done $0x0  }
0xf8: {  	[sflag:s23] =	ssyncadd.s32 $0xFFFFFC00  }
0xf9: {  	[tilespmem:s25], [sflag:$0x3] =	stream.indirect.gather [hbm4b:s4+s24], $0x20, s2, s24, $0xb8;
	[tilespmem:$0x1D800] =	vst v63  }
.Ltmp6:
0xfa: {  	s13 =	sadd.s32 s22, s18;
	(pc) =	sbr.rel .LBB2_3-.Ltmp6, $4  }
0xfb: {  	s30 =	sadd.s32 s22, s17;
	s13 =	sadd.s32 $0x180, s13  }
0xfc: {  	[tilespmem:s20], [sflag:$0x2] =	stream.linear.gather [hbm4b:s13+s2], $0x400, $0x38;
	[tilespmem:$0x1D800] =	vst v63  }
0xfd: {  	s22 =	sadd.s32 $0x100, s22;
	s13 =	sadd.s32 $0x180, s30  }
0xfe: {  	[tilespmem:s21], [sflag:$0x2] =	stream.linear.gather [hbm4b:s13+s2], $0x400, $0x38;
	[tilespmem:$0x1D800] =	vst v63  }
.LBB2_4:
.Ltmp7:
0xff: {  	(pc) =	sbr.rel .LBB2_9-.Ltmp7, $3  }
0x100: {  	_ =	sdelay $0x1  }
0x101: {  	s22 =	rddreg [dreg:$0x3]  }
0x102: {  	s30 =	simm.s32 $0x7;
	s19 =	rddreg [dreg:$0xe]  }
.LBB2_10:
0x103: {  	_ =	sfence.sel $0x180000  }
0x104: {  	[bflag:$0x0] =	sbarrier.arrive $0xFFFF  }
0x105: {  	_ =	strace $0x90000050  }
0x106: {  	s0 =	stileid.u32;
	[bflag:$0x2] =	sbarrier.arrive $0xFFFF  }
0x107: {  	p0 =	sne.s32 s0, $0x0;
	s0 =	rddreg [dreg:$0x2]  }
0x108: {  	s0 =	sadd.s32 @!p0 $0x100000, s0  }
0x109: {  	[sflag:s0] =	ssyncadd.tile.s32 @!p0 $0x1;
	_ =	shalt  }
.Lfunc_end2:
_tile_overlayer_lowered:
.L_overlay_start_2:
0x10a: {  	(tag) =	ssettag $0x2  }
0x10b: {  	s0 =	rddreg [dreg:$0x0];
	s2 =	stileid.u32  }
0x10c: {  	s1 =	rddreg [dreg:$0x1];
	p0 =	sne.s32 s2, $0x0  }
0x10d: {  	s3 =	rddreg [dreg:$0x2];
	[bflag:$0x3] =	sbarrier.arrive $0xFFFF;
	s2 =	simm.s32 @!p0 $0x1C07  }
0x10e: {  	[timem:s3], [sflag:s2] =	dma.local @!p0 [hbm:s0], s1  }
0x10f: {  	s0 =	simm.s32 @!p0 $0x7  }
0x110: {  	_ =	swait.ge @!p0 [sflag:s0], s1  }
0x111: {  	s1 =	ssub.s32 @!p0 $0x0, s1;
	[sflag:s0] =	ssyncset.done @!p0 $0x0  }
0x112: {  	[sflag:s0] =	ssyncadd.s32 @!p0 s1  }
0x113: {  	[bflag:$0x3] =	sbarrier.arrive $0xFFFF  }
0x114: {  	_ =	shalt  }

// kernel: kernel.24.cloned.1.call-start
scs
__scs_entry_jumppad:
0x0: {  	(pc) =	sbr.rel $0x88, $3  }
0x1: {  	(tag) =	ssettag $0x0;
	lr =	simm.s32 $0x1  }
0x2: {  	[smem:$0x3F99] =	sst lr;
	_ =	strace $0xD0000000  }
0x3: {  	_ = 	snop  }
0x4: {  	_ = 	snop  }
0x5: {  	_ = 	snop  }
0x6: {  	_ = 	snop  }
0x7: {  	_ = 	snop  }
__scs_overlays_trampoline_lowered:
0x8: {  	[smem:$0x3FA8] =	sst s0  }
0x9: {  	[smem:$0x3FA9] =	sst s1  }
0xa: {  	[smem:$0x3FAA] =	sst s2  }
0xb: {  	[smem:$0x3FAB] =	sst s3  }
0xc: {  	[smem:$0x3FAC] =	sst s4  }
0xd: {  	[smem:$0x3FAD] =	sst s5  }
0xe: {  	[smem:$0x3FAE] =	sst s6  }
0xf: {  	[smem:$0x3FAF] =	sst s7  }
0x10: {  	[smem:$0x3FB0] =	sst s8  }
0x11: {  	[smem:$0x3FB1] =	sst s9;
	s0 =	simm.s32 @!p0 $0x0  }
0x12: {  	s1 =	sld [smem:$0x3F97];
	s0 =	simm.s32 @p0 $0x1  }
0x13: {  	[smem:$0x3FB2] =	sst s0;
	s0 =	simm.s32 @!p1 $0x0  }
0x14: {  	s2 =	sld [smem:$0x3F96];
	s0 =	simm.s32 @p1 $0x1  }
0x15: {  	[smem:$0x3FB3] =	sst s0;
	s0 =	simm.s32 @!p2 $0x0  }
0x16: {  	s3 =	sld [smem:$0x3FDB];
	s0 =	simm.s32 @p2 $0x1  }
0x17: {  	s4 =	simm.s32 $0x1BF5;
	[smem:$0x3FB5] =	sst s0  }
0x18: {  	s0 =	sld [smem:$0x3F98];
	_ =	swait.ge [sflag:s4], $0x0  }
0x19: {  	s7 =	sld [smem:$0x3F99]  }
0x1a: {  	s8 =	sadd.s32 $0xFFFFE003, lr  }
0x1b: {  	s9 =	sadd.s32 $0xFFFFFEF7, lr;
	s5 =	simm.s32 $0xFFFFFFFF;
	p2 =	slt.u32 s8, $0xFFFFF086  }
0x1c: {  	p1 =	slt.u32 s9, $0xF7A;
	s5 =	simm.s32 @!p2 $0x0  }
0x1d: {  	s5 =	simm.s32 @p1 $0x1;
	p0 =	seq.s32 s7, s2  }
0x1e: {  	s7 =	smul.u32 @!p0 $0xF7A, s2;
	p2 =	seq.s32 @!p0 s5, $0x0  }
0x1f: {  	s9 =	smul.u32 $0xF7A, s1;
	s8 =	simm.s32 @!p0 $0x1BF5;
	p2 =	por !p2, p0  }
0x20: {  	[sflag:s8] =	ssyncset.s32 @!p0 $0xFFFFF086;
	s6 =	sadd.s32 @!p0 s3, s7;
	s7 =	simm.s32 @!p0 $0x108  }
0x21: {  	s3 =	sadd.s32 s3, s9;
	s6 =	sadd.s32 @!p0 $0x88, s6;
	s7 =	simm.s32 @p2 $0x1082  }
0x22: {  	[simem:s7], [sflag:s8] =	dma.local @!p0 [hbm:s6], $0xF7A  }
0x23: {  	s9 =	sor.u32 $0xD0000000, s2;
	s6 =	simm.s32 $0x108;
	_ =	swait.ge @!p0 [sflag:s8], $0x0  }
0x24: {  	s3 =	sadd.s32 $0x88, s3;
	s6 =	simm.s32 @!p1 $0x1082;
	[sflag:s4] =	ssyncset.s32 $0xFFFFF086  }
0x25: {  	[simem:s6], [sflag:s4] =	dma.local [hbm:s3], $0xF7A  }
0x26: {  	[smem:$0x3F99] =	sst s1;
	(tag) =	ssettag s2;
	_ =	strace s9  }
0x27: {  	s1 =	sld [smem:$0x3FA9]  }
0x28: {  	s2 =	sld [smem:$0x3FAA]  }
0x29: {  	s4 =	sld [smem:$0x3FAC]  }
0x2a: {  	p0 =	seq.s32 s5, $0x0;
	s5 =	sld [smem:$0x3FAD]  }
0x2b: {  	s6 =	sld [smem:$0x3FAE]  }
0x2c: {  	s7 =	sld [smem:$0x3FAF]  }
0x2d: {  	s3 =	simm.s32 $0x108;
	s8 =	sld [smem:$0x3FB0]  }
0x2e: {  	s3 =	simm.s32 @!p0 $0x1082;
	s9 =	sld [smem:$0x3FB1]  }
0x2f: {  	lr =	sadd.s32 s0, s3;
	s0 =	sld [smem:$0x3FA8]  }
0x30: {  	s3 =	sld [smem:$0x3FAB]  }
0x31: {  	[smem:$0x3FB4] =	sst s10  }
0x32: {  	s10 =	sld [smem:$0x3FB2];
	_ =	sdelay $0x3  }
0x33: {  	p0 =	seq.s32 s10, $0x1;
	s10 =	sld [smem:$0x3FB4];
	_ =	sdelay $0x3  }
0x34: {  	[smem:$0x3FB4] =	sst s10  }
0x35: {  	s10 =	sld [smem:$0x3FB3];
	_ =	sdelay $0x3  }
0x36: {  	p1 =	seq.s32 s10, $0x1;
	s10 =	sld [smem:$0x3FB4];
	_ =	sdelay $0x3  }
0x37: {  	[smem:$0x3FB4] =	sst s10  }
0x38: {  	s10 =	sld [smem:$0x3FB5]  }
0x39: {  	_ = 	snop;
	(pc) =	sbr.ind lr, $3  }
0x3a: {  	_ = 	snop  }
0x3b: {  	_ = 	snop  }
0x3c: {  	p2 =	seq.s32 s10, $0x1;
	s10 =	sld [smem:$0x3FB4]  }
0x3d: {  	_ =	shalt  }
0x3e: {  	_ =	shalt  }
0x3f: {  	_ =	shalt  }
0x40: {  	_ =	shalt  }
0x41: {  	_ =	shalt  }
0x42: {  	_ =	shalt  }
0x43: {  	_ =	shalt  }
0x44: {  	_ =	shalt  }
0x45: {  	_ =	shalt  }
0x46: {  	_ =	shalt  }
0x47: {  	_ =	shalt  }
0x48: {  	_ =	shalt  }
0x49: {  	_ =	shalt  }
0x4a: {  	_ =	shalt  }
0x4b: {  	_ =	shalt  }
0x4c: {  	_ =	shalt  }
0x4d: {  	_ =	shalt  }
0x4e: {  	_ =	shalt  }
0x4f: {  	_ =	shalt  }
0x50: {  	_ =	shalt  }
0x51: {  	_ =	shalt  }
0x52: {  	_ =	shalt  }
0x53: {  	_ =	shalt  }
0x54: {  	_ =	shalt  }
0x55: {  	_ =	shalt  }
0x56: {  	_ =	shalt  }
0x57: {  	_ =	shalt  }
0x58: {  	_ =	shalt  }
0x59: {  	_ =	shalt  }
0x5a: {  	_ =	shalt  }
0x5b: {  	_ =	shalt  }
0x5c: {  	_ =	shalt  }
0x5d: {  	_ =	shalt  }
0x5e: {  	_ =	shalt  }
0x5f: {  	_ =	shalt  }
0x60: {  	_ =	shalt  }
0x61: {  	_ =	shalt  }
0x62: {  	_ =	shalt  }
0x63: {  	_ =	shalt  }
0x64: {  	_ =	shalt  }
0x65: {  	_ =	shalt  }
0x66: {  	_ =	shalt  }
0x67: {  	_ =	shalt  }
0x68: {  	_ =	shalt  }
0x69: {  	_ =	shalt  }
0x6a: {  	_ =	shalt  }
0x6b: {  	_ =	shalt  }
0x6c: {  	_ =	shalt  }
0x6d: {  	_ =	shalt  }
0x6e: {  	_ =	shalt  }
0x6f: {  	_ =	shalt  }
0x70: {  	_ =	shalt  }
0x71: {  	_ =	shalt  }
0x72: {  	_ =	shalt  }
0x73: {  	_ =	shalt  }
0x74: {  	_ =	shalt  }
0x75: {  	_ =	shalt  }
0x76: {  	_ =	shalt  }
0x77: {  	_ =	shalt  }
0x78: {  	_ =	shalt  }
0x79: {  	_ =	shalt  }
0x7a: {  	_ =	shalt  }
0x7b: {  	_ =	shalt  }
0x7c: {  	_ =	shalt  }
0x7d: {  	_ =	shalt  }
0x7e: {  	_ =	shalt  }
0x7f: {  	_ =	shalt  }
0x80: {  	_ =	shalt  }
0x81: {  	_ =	shalt  }
0x82: {  	_ =	shalt  }
0x83: {  	_ =	shalt  }
0x84: {  	_ =	shalt  }
0x85: {  	_ =	shalt  }
0x86: {  	_ =	shalt  }
0x87: {  	_ =	shalt  }
.Lfunc_end0:
.L_simem_size_0:
called_computation.4_lowered:
.L_overlay_start_0:
0x88: {  	s2 =	sld [smem:$0x3FD9]  }
0x89: {  	s3 =	sld [smem:$0x3FFE];
	_ =	sdelay $0x1  }
0x8a: {  	s1 =	srdreg.scid  }
0x8b: {  	s0 =	sand.u32 $0x1, s1  }
0x8c: {  	s16 =	sshll.u32 s0, $0xA;
	s2 =	sadd.s32 s3, s2  }
0x8d: {  	s2 =	sadd.s32 s2, s16  }
0x8e: {  	[smem:$0x3FC0] =	sst s2  }
0x8f: {  	_ = 	snop  }
0x90: {  	(tm) =	ssettm $0x1  }
0x91: {  	s17 =	sld [smem:$0x3FFB];
	_ =	sdelay $0x3  }
0x92: {  	_ =	strace s17  }
0x93: {  	s2 =	sld [smem:$0x3FFC];
	_ =	sdelay $0x3  }
0x94: {  	_ =	strace s2  }
0x95: {  	s2 =	sld [smem:$0x3FFD];
	_ =	sdelay $0x3  }
0x96: {  	_ =	strace s2  }
0x97: {  	_ =	strace $0x8FFFFFFF  }
0x98: {  	s18 =	sld [smem:$0x3FDB];
	_ =	sdelay $0x1  }
0x99: {  	s19 =	simm.s32 $_scs_section_size  }
0x9a: {  	s4 =	simm.s32 $_size__tile_overlayer_lowered;
	s5 =	simm.s32 $_tile_overlayer_lowered  }
0x9b: {  	s22 =	simm.s32 $0x1BFF;
	s21 =	sshll.u32 s5, $0x1;
	s2 =	sadd.s32 s19, s18  }
0x9c: {  	s6 =	simm.s32 $0x0;
	s20 =	sshll.u32 s4, $0x1;
	s4 =	sadd.s32 s21, s2  }
0x9d: {  	[timem:s6], [sflag:s22] =	dma.local [hbm:s4], s20  }
0x9e: {  	_ =	swait.ge [sflag:s22], s20  }
0x9f: {  	s3 =	ssub.s32 $0x0, s20;
	[sflag:s22] =	ssyncset.done $0x0  }
0xa0: {  	[sflag:s22] =	ssyncadd.s32 s3;
	_ =	sdelay $0x1  }
0xa1: {  	s23 =	simm.s32 $0x1B8B  }
0xa2: {  	_ =	swait.ge [sflag:s23], $0x1  }
0xa3: {  	[sflag:s23] =	ssyncset.done $0x0  }
0xa4: {  	s25 =	simm.s32 $0x1B8E;
	s24 =	sld [smem:$0x3FFE];
	[sflag:s23] =	ssyncadd.s32 $0xFFFFFFFF  }
0xa5: {  	s26 =	simm.s32 $execute0_lowered;
	[smem:$0x3FD2] =	sst s25  }
0xa6: {  	s4 =	sshll.u32 s26, $0x1;
	_ =	strace $0x80000052;
	[dreg:$0x1] =	wrdreg $0xFFFFFFFF  }
0xa7: {  	s28 =	simm.s32 $_size_execute0_lowered;
	s2 =	sadd.s32 s2, s4;
	[dreg:$0x0] =	wrdreg $0x0  }
0xa8: {  	s4 =	sshll.u32 s28, $0x1;
	[dreg:$0x2] =	wrdreg s2  }
0xa9: {  	[dreg:$0x3] =	wrdreg s4  }
0xaa: {  	[dreg:$0x4] =	wrdreg $0xC0  }
0xab: {  	_ =	task [dreg:s6], $0x5FFFF  }
0xac: {  	[dreg:$0x1] =	wrdreg $0xFFFFFFFF  }
0xad: {  	[dreg:$0x0] =	wrdreg $0x60  }
0xae: {  	[dreg:$0x2] =	wrdreg s24  }
0xaf: {  	[dreg:$0x3] =	wrdreg $0x50000  }
0xb0: {  	[dreg:$0x4] =	wrdreg $0x9  }
0xb1: {  	_ =	task.clear_ibuf [dreg:s6], $0x5FFFF;
	_ =	strace $0x90000052  }
0xb2: {  	s29 =	simm.s32 $0x9;
	_ =	strace $0x80000054  }
0xb3: {  	_ =	swait.ge [sflag:s29], $0x1  }
0xb4: {  	[sflag:s29] =	ssyncadd.s32 $0xFFFFFFFF  }
0xb5: {  	_ =	strace $0x90000054  }
0xb6: {  	_ =	sfence  }
0xb7: {  	s30 =	sld [smem:$0x0];
	_ =	sdelay $0x2  }
0xb8: {  	s31 =	sshll.u32 s1, $0xD;
	s1 =	sshrl.u32 s1, $0x2  }
0xb9: {  	s3 =	sand.u32 $0x4000, s31;
	s1 =	sadd.s32 s1, s30  }
0xba: {  	s0 =	sor.u32 s3, s0;
	s1 =	sshll.u32 s1, $0x11  }
0xbb: {  	s0 =	sor.u32 s1, s0  }
0xbc: {  	s0 =	sadd.s32 $0x8F2B, s0  }
0xbd: {  	[sflag:s0] =	ssyncadd.remote.s32 $0x1  }
0xbe: {  	_ =	sfence.sel $0xFFFF  }
0xbf: {  	[dreg:$0x0] =	wrdreg $0xFFFFFFFF;
	(pc) =	sbr.abs _section_cstart, $3  }
0xc0: {  	[dreg:$0x1] =	wrdreg $0xFFFFFFFF  }
0xc1: {  	_ =	task.clear_ibuf [dreg:s6], $0x2FFFF;
	_ =	strace $0x9FFFFFFF  }
0xc2: {  	(tm) =	ssettm $0x7FFFFFFF  }
0xc3: {  	_ =	shalt  }
tec
execute0_lowered:
.L_overlay_start_1:
0x0: {  	(tag) =	ssettag $0x1  }
0x1: {  	s0 =	rddreg [dreg:$0x0]  }
0x2: {  	s1 =	rddreg [dreg:$0x1]  }
0x3: {  	s2 =	simm.s32 $0x0;
	s3 =	srdreg.scid;
	s10 =	stileid.u32  }
0x4: {  	s30 =	simm.s32 $0x7;
	s28 =	simm.s32 $0x3000;
	s29 =	simm.s32 $0x4  }
0x5: {  	s31 =	simm.s32 $0x5;
	s14 =	simm.s32 $0x300;
	s15 =	simm.s32 $0xB00  }
0x6: {  	s12 =	simm.s32 $0x700;
	s16 =	simm.s32 $0xF00;
	[smem:$0x7FF] =	sst s2  }
0x7: {  	s4 =	sadd.s32 $0x1D400, s0;
	s5 =	sadd.s32 $0x11F000, s0;
	s6 =	sadd.s32 $0x106000, s0  }
0x8: {  	s3 =	sand.u32 $0x1, s3;
	s7 =	sadd.s32 $0x4400, s0;
	s9 =	smul.u32 $0xC800, s10  }
0x9: {  	s11 =	sadd.s32 $0x7F400, s0;
	s0 =	sadd.s32 $0x4E400, s0;
	s21 =	smul.u32 $0x18800, s10  }
0xa: {  	s26 =	smul.u32 $0x1900, s10;
	_ =	strace $0x80000053;
	[dreg:$0x3] =	wrdreg s11  }
0xb: {  	s10 =	simm.s32 $0x600;
	s8 =	ssub.s32 $0x2, s3;
	[dreg:$0x4] =	wrdreg s0  }
0xc: {  	p0 =	seq.s32 s3, $0x1;
	s11 =	simm.s32 $0xE00;
	s17 =	sshrl.u32 s8, $0x1  }
0xd: {  	s18 =	sshrl.u32 s9, $0x3;
	s24 =	sadd.s32 s21, s1;
	s25 =	sshrl.u32 s21, $0x3  }
0xe: {  	s21 =	simm.s32 $0xC00;
	s0 =	ssub.s32 s8, s17;
	s19 =	sadd.s32 s6, s18  }
0xf: {  	s20 =	sor.u32 $0x80, s18;
	s3 =	sadd.s32 s7, s18;
	[dreg:$0x9] =	wrdreg s24  }
0x10: {  	s9 =	sadd.s32 s4, s25;
	[dreg:$0xa] =	wrdreg s25;
	s8 =	sadd.s32 s5, s25  }
0x11: {  	s17 =	sadd.s32 s26, s7;
	s18 =	sadd.s32 s26, s6;
	[dreg:$0x5] =	wrdreg s19  }
0x12: {  	s24 =	simm.s32 $0x100;
	s25 =	simm.s32 $0x1000;
	[dreg:$0x6] =	wrdreg s3  }
0x13: {  	s26 =	simm.s32 $0x3;
	s22 =	sadd.s32 s6, s20;
	[dreg:$0xb] =	wrdreg s9  }
.Ltmp0:
0x14: {  	s23 =	sadd.s32 s7, s20;
	[dreg:$0xc] =	wrdreg s8;
	(pc) =	sbr.rel .LBB2_1-.Ltmp0, $4  }
0x15: {  	s0 =	smax.u32 s0, $0x1;
	s20 =	simm.s32 $0x400;
	s6 =	simm.s32 $0xA00  }
0x16: {  	s7 =	simm.s32 $0x6;
	s3 =	simm.s32 $0x2;
	[dreg:$0x7] =	wrdreg s22  }
0x17: {  	s8 =	simm.s32 $0x500;
	s9 =	simm.s32 $0xD00;
	[dreg:$0x8] =	wrdreg s23  }
0x18: {  	s19 =	simm.s32 $0x0;
	[dreg:$0xd] =	wrdreg s0;
	s23 =	simm.s32 $0x1  }
.LBB2_8:
0x19: {  	s22 =	rddreg [dreg:$0x4]  }
0x1a: {  	s30 =	simm.s32 $0x7;
	s19 =	rddreg [dreg:$0xe]  }
.LBB2_9:
0x1b: {  	_ =	swait.ge [sflag:s7], $0x2000  }
0x1c: {  	[sflag:s7] =	ssyncset.done $0x0  }
0x1d: {  	[sflag:s7] =	ssyncadd.s32 $0xFFFFE000  }
0x1e: {  	s13 =	rddreg [dreg:$0xa];
	[bflag:$0x0] =	sbarrier.arrive $0xFFFF  }
0x1f: {  	s13 =	sadd.s32 s22, s13;
	s22 =	rddreg [dreg:$0xf]  }
0x20: {  	s0 =	rddreg [dreg:$0x10]  }
0x21: {  	[hbm:s13], [sflag:s0] =	dma.local [spmem:s22], $0x3100  }
0x22: {  	_ =	swait.ge [sflag:s30], $0x3100  }
0x23: {  	s19 =	sadd.s32 $0x1, s19;
	s22 =	rddreg [dreg:$0xd]  }
0x24: {  	p1 =	sne.s32 s19, s22  }
.Ltmp1:
0x25: {  	_ = 	snop;
	(pc) =	sbr.rel @!p1 .LBB2_10-.Ltmp1, $3  }
0x26: {  	_ =	sdelay $0x1  }
0x27: {  	[sflag:s30] =	ssyncset.done $0x0  }
0x28: {  	[sflag:s30] =	ssyncadd.s32 $0xFFFFCF00  }
.LBB2_1:
0x29: {  	[dreg:$0xe] =	wrdreg s19  }
0x2a: {  	s13 =	rddreg [dreg:$0x5]  }
0x2b: {  	[tilespmem:s2], [sflag:$0x1] =	stream.linear.gather [hbm4b:s13+s2], $0x400, $0x38;
	[tilespmem:$0x1D800] =	vst v63  }
0x2c: {  	s22 =	rddreg [dreg:$0x6];
	s0 =	simm.s32 $0x800  }
0x2d: {  	[tilespmem:s0], [sflag:$0x1] =	stream.linear.gather [hbm4b:s22+s2], $0x400, $0x38;
	[tilespmem:$0x1D800] =	vst v63  }
0x2e: {  	s19 =	rddreg [dreg:$0x7]  }
0x2f: {  	[tilespmem:s20], [sflag:$0x2] =	stream.linear.gather [hbm4b:s19+s2], $0x400, $0x38;
	[tilespmem:$0x1D800] =	vst v63  }
.Ltmp2:
0x30: {  	s22 =	rddreg [dreg:$0x8];
	(pc) =	sbr.rel @!p0 .LBB2_2-.Ltmp2, $4  }
0x31: {  	s0 =	stileid.u32;
	s19 =	rddreg [dreg:$0x9]  }
0x32: {  	[tilespmem:s21], [sflag:$0x2] =	stream.linear.gather [hbm4b:s22+s2], $0x400, $0x38;
	[tilespmem:$0x1D800] =	vst v63  }
0x33: {  	s19 =	sshrl.u32 s19, $0x3;
	s22 =	sshll.u32 s0, $0x6  }
0x34: {  	[dreg:$0xf] =	wrdreg s19;
	s13 =	sor.u32 $0x1C07, s22  }
0x35: {  	s0 =	sor.u32 $0x1C07, s22;
	s13 =	rddreg [dreg:$0xc]  }
0x36: {  	[dreg:$0x10] =	wrdreg s0  }
0x37: {  	[spmem:s19], [sflag:s0] =	dma.local [hbm:s13], $0x3100  }
0x38: {  	_ =	swait.ge [sflag:s30], $0x3100  }
0x39: {  	[sflag:s30] =	ssyncset.done $0x0  }
0x3a: {  	[sflag:s30] =	ssyncadd.s32 $0xFFFFCF00  }
0x3b: {  	_ =	swait.ge [sflag:s23], $0x400  }
0x3c: {  	[sflag:s23] =	ssyncset.done $0x0  }
0x3d: {  	[sflag:s23] =	ssyncadd.s32 $0xFFFFFC00  }
0x3e: {  	_ =	swait.ge [sflag:s23], $0x400  }
0x3f: {  	[sflag:s23] =	ssyncset.done $0x0  }
0x40: {  	[sflag:s23] =	ssyncadd.s32 $0xFFFFFC00  }
0x41: {  	s22 =	simm.s32 $0x0;
	s0 =	simm.s32 $0x200;
	[bflag:$0x0] =	sbarrier.arrive $0xFFFF  }
0x42: {  	[tilespmem:s25], [sflag:$0x3] =	stream.indirect.gather [hbm4b:s5+s24], $0x20, s22, s24, $0xb8;
	[tilespmem:$0x1D800] =	vst v63  }
.LBB2_7:
0x43: {  	_ =	swait.ge [sflag:s26], $0x2000  }
0x44: {  	[sflag:s26] =	ssyncset.done $0x0  }
0x45: {  	s13 =	simm.s32 $0x800;
	p1 =	seq.s32 s22, $0x0;
	[sflag:s26] =	ssyncadd.s32 $0xFFFFE000  }
0x46: {  	[spmem:s1] =	stream.indirect.scatter.add.f32 [tilespmem:s25], [sflag:$0x5], $0x20, s13, s24, $0xb8;
	[tilespmem:$0x1D800] =	vst v63  }
0x47: {  	s13 =	simm.s32 @!p1 $0x6  }
0x48: {  	_ =	swait.ge @!p1 [sflag:s13], $0x2000  }
0x49: {  	[sflag:s13] =	ssyncset.done @!p1 $0x0  }
0x4a: {  	[sflag:s13] =	ssyncadd.s32 @!p1 $0xFFFFE000  }
0x4b: {  	[tilespmem:s28], [sflag:$0x4] =	stream.indirect.gather [hbm4b:s5+s24], $0x20, s24, s24, $0xb8;
	[tilespmem:$0x1D800] =	vst v63  }
0x4c: {  	_ =	swait.ge [sflag:s29], $0x2000  }
0x4d: {  	[sflag:s29] =	ssyncset.done $0x0  }
0x4e: {  	s30 =	simm.s32 $0x900;
	[sflag:s29] =	ssyncadd.s32 $0xFFFFE000  }
0x4f: {  	[spmem:s1] =	stream.indirect.scatter.add.f32 [tilespmem:s28], [sflag:$0x6], $0x20, s30, s24, $0xb8;
	[tilespmem:$0x1D800] =	vst v63  }
0x50: {  	_ =	swait.ge [sflag:s31], $0x2000  }
0x51: {  	[sflag:s31] =	ssyncset.done $0x0  }
0x52: {  	[sflag:s31] =	ssyncadd.s32 $0xFFFFE000  }
0x53: {  	[tilespmem:s25], [sflag:$0x3] =	stream.indirect.gather [hbm4b:s5+s24], $0x20, s0, s24, $0xb8;
	[tilespmem:$0x1D800] =	vst v63  }
0x54: {  	_ =	swait.ge [sflag:s26], $0x2000  }
0x55: {  	[sflag:s26] =	ssyncset.done $0x0  }
0x56: {  	[sflag:s26] =	ssyncadd.s32 $0xFFFFE000  }
0x57: {  	[spmem:s1] =	stream.indirect.scatter.add.f32 [tilespmem:s25], [sflag:$0x5], $0x20, s6, s24, $0xb8;
	[tilespmem:$0x1D800] =	vst v63  }
0x58: {  	_ =	swait.ge [sflag:s7], $0x2000  }
0x59: {  	[sflag:s7] =	ssyncset.done $0x0  }
0x5a: {  	[sflag:s7] =	ssyncadd.s32 $0xFFFFE000  }
0x5b: {  	[tilespmem:s28], [sflag:$0x4] =	stream.indirect.gather [hbm4b:s5+s24], $0x20, s14, s24, $0xb8;
	[tilespmem:$0x1D800] =	vst v63  }
0x5c: {  	_ =	swait.ge [sflag:s29], $0x2000  }
0x5d: {  	[sflag:s29] =	ssyncset.done $0x0  }
0x5e: {  	[sflag:s29] =	ssyncadd.s32 $0xFFFFE000  }
0x5f: {  	[spmem:s1] =	stream.indirect.scatter.add.f32 [tilespmem:s28], [sflag:$0x6], $0x20, s15, s24, $0xb8;
	[tilespmem:$0x1D800] =	vst v63  }
0x60: {  	_ =	swait.ge [sflag:s31], $0x2000  }
0x61: {  	[sflag:s31] =	ssyncset.done $0x0  }
0x62: {  	[sflag:s31] =	ssyncadd.s32 $0xFFFFE000  }
0x63: {  	_ =	swait.ge [sflag:s3], $0x400  }
0x64: {  	[sflag:s3] =	ssyncset.done $0x0  }
0x65: {  	[sflag:s3] =	ssyncadd.s32 $0xFFFFFC00  }
0x66: {  	_ =	swait.ge [sflag:s3], $0x400  }
0x67: {  	p1 =	seq.s32 s22, $0x1800;
	[sflag:s3] =	ssyncset.done $0x0  }
0x68: {  	s13 =	sadd.s32 @!p1 s22, s18;
	[sflag:s3] =	ssyncadd.s32 $0xFFFFFC00  }
0x69: {  	[tilespmem:s25], [sflag:$0x3] =	stream.indirect.gather [hbm4b:s5+s24], $0x20, s20, s24, $0xb8;
	[tilespmem:$0x1D800] =	vst v63  }
0x6a: {  	s19 =	simm.s32 @!p1 $0x0;
	s13 =	sadd.s32 @!p1 $0x100, s13  }
0x6b: {  	[tilespmem:s19], [sflag:$0x1] =	stream.linear.gather @!p1 [hbm4b:s13+s19], $0x400, $0x38;
	[tilespmem:$0x1D800] =	vst v63  }
0x6c: {  	s13 =	sadd.s32 @!p1 s22, s17  }
0x6d: {  	s30 =	simm.s32 @!p1 $0x800;
	s13 =	sadd.s32 @!p1 $0x100, s13  }
0x6e: {  	[tilespmem:s30], [sflag:$0x1] =	stream.linear.gather @!p1 [hbm4b:s13+s19], $0x400, $0x38;
	[tilespmem:$0x1D800] =	vst v63  }
0x6f: {  	_ =	swait.ge [sflag:s26], $0x2000  }
0x70: {  	[sflag:s26] =	ssyncset.done $0x0  }
0x71: {  	[sflag:s26] =	ssyncadd.s32 $0xFFFFE000  }
0x72: {  	[spmem:s1] =	stream.indirect.scatter.add.f32 [tilespmem:s25], [sflag:$0x5], $0x20, s21, s24, $0xb8;
	[tilespmem:$0x1D800] =	vst v63  }
0x73: {  	_ =	swait.ge [sflag:s7], $0x2000  }
0x74: {  	[sflag:s7] =	ssyncset.done $0x0  }
0x75: {  	[sflag:s7] =	ssyncadd.s32 $0xFFFFE000  }
0x76: {  	[tilespmem:s28], [sflag:$0x4] =	stream.indirect.gather [hbm4b:s5+s24], $0x20, s8, s24, $0xb8;
	[tilespmem:$0x1D800] =	vst v63  }
0x77: {  	_ =	swait.ge [sflag:s29], $0x2000  }
0x78: {  	[sflag:s29] =	ssyncset.done $0x0  }
0x79: {  	[sflag:s29] =	ssyncadd.s32 $0xFFFFE000  }
0x7a: {  	[spmem:s1] =	stream.indirect.scatter.add.f32 [tilespmem:s28], [sflag:$0x6], $0x20, s9, s24, $0xb8;
	[tilespmem:$0x1D800] =	vst v63  }
0x7b: {  	_ =	swait.ge [sflag:s31], $0x2000  }
0x7c: {  	[sflag:s31] =	ssyncset.done $0x0  }
0x7d: {  	[sflag:s31] =	ssyncadd.s32 $0xFFFFE000  }
0x7e: {  	[tilespmem:s25], [sflag:$0x3] =	stream.indirect.gather [hbm4b:s5+s24], $0x20, s10, s24, $0xb8;
	[tilespmem:$0x1D800] =	vst v63  }
0x7f: {  	_ =	swait.ge [sflag:s26], $0x2000  }
0x80: {  	[sflag:s26] =	ssyncset.done $0x0  }
0x81: {  	[sflag:s26] =	ssyncadd.s32 $0xFFFFE000  }
0x82: {  	[spmem:s1] =	stream.indirect.scatter.add.f32 [tilespmem:s25], [sflag:$0x5], $0x20, s11, s24, $0xb8;
	[tilespmem:$0x1D800] =	vst v63  }
0x83: {  	_ =	swait.ge [sflag:s7], $0x2000  }
0x84: {  	[sflag:s7] =	ssyncset.done $0x0  }
0x85: {  	[sflag:s7] =	ssyncadd.s32 $0xFFFFE000  }
0x86: {  	[tilespmem:s28], [sflag:$0x4] =	stream.indirect.gather [hbm4b:s5+s24], $0x20, s12, s24, $0xb8;
	[tilespmem:$0x1D800] =	vst v63  }
0x87: {  	_ =	swait.ge [sflag:s29], $0x2000  }
0x88: {  	[sflag:s29] =	ssyncset.done $0x0  }
.Ltmp3:
0x89: {  	[sflag:s29] =	ssyncadd.s32 $0xFFFFE000;
	(pc) =	sbr.rel @p1 .LBB2_8-.Ltmp3, $4  }
0x8a: {  	[spmem:s1] =	stream.indirect.scatter.add.f32 [tilespmem:s28], [sflag:$0x6], $0x20, s16, s24, $0xb8;
	[tilespmem:$0x1D800] =	vst v63  }
0x8b: {  	_ =	swait.ge [sflag:s31], $0x2000  }
0x8c: {  	[sflag:s31] =	ssyncset.done $0x0  }
0x8d: {  	[sflag:s31] =	ssyncadd.s32 $0xFFFFE000  }
0x8e: {  	_ =	swait.ge [sflag:s23], $0x400  }
0x8f: {  	[sflag:s23] =	ssyncset.done $0x0  }
0x90: {  	[sflag:s23] =	ssyncadd.s32 $0xFFFFFC00  }
0x91: {  	_ =	swait.ge [sflag:s23], $0x400  }
0x92: {  	[sflag:s23] =	ssyncset.done $0x0  }
0x93: {  	[sflag:s23] =	ssyncadd.s32 $0xFFFFFC00  }
0x94: {  	[tilespmem:s25], [sflag:$0x3] =	stream.indirect.gather [hbm4b:s5+s24], $0x20, s2, s24, $0xb8;
	[tilespmem:$0x1D800] =	vst v63  }
.Ltmp4:
0x95: {  	s13 =	sadd.s32 s22, s18;
	(pc) =	sbr.rel .LBB2_7-.Ltmp4, $4  }
0x96: {  	s30 =	sadd.s32 s22, s17;
	s13 =	sadd.s32 $0x180, s13  }
0x97: {  	[tilespmem:s20], [sflag:$0x2] =	stream.linear.gather [hbm4b:s13+s2], $0x400, $0x38;
	[tilespmem:$0x1D800] =	vst v63  }
0x98: {  	s22 =	sadd.s32 $0x100, s22;
	s13 =	sadd.s32 $0x180, s30  }
0x99: {  	[tilespmem:s21], [sflag:$0x2] =	stream.linear.gather [hbm4b:s13+s2], $0x400, $0x38;
	[tilespmem:$0x1D800] =	vst v63  }
.LBB2_2:
0x9a: {  	s0 =	smov.u32 s13;
	s22 =	rddreg [dreg:$0xb]  }
0x9b: {  	[dreg:$0x10] =	wrdreg s0  }
0x9c: {  	[spmem:s19], [sflag:s0] =	dma.local [hbm:s22], $0x3100  }
0x9d: {  	_ =	swait.ge [sflag:s30], $0x3100  }
0x9e: {  	[sflag:s30] =	ssyncset.done $0x0  }
0x9f: {  	[sflag:s30] =	ssyncadd.s32 $0xFFFFCF00  }
0xa0: {  	_ =	swait.ge [sflag:s23], $0x400  }
0xa1: {  	[sflag:s23] =	ssyncset.done $0x0  }
0xa2: {  	[sflag:s23] =	ssyncadd.s32 $0xFFFFFC00  }
0xa3: {  	_ =	swait.ge [sflag:s23], $0x400  }
0xa4: {  	[sflag:s23] =	ssyncset.done $0x0  }
0xa5: {  	[sflag:s23] =	ssyncadd.s32 $0xFFFFFC00  }
0xa6: {  	s22 =	simm.s32 $0x0;
	s0 =	simm.s32 $0x200;
	[bflag:$0x0] =	sbarrier.arrive $0xFFFF  }
0xa7: {  	[tilespmem:s25], [sflag:$0x3] =	stream.indirect.gather [hbm4b:s4+s24], $0x20, s22, s24, $0xb8;
	[tilespmem:$0x1D800] =	vst v63  }
.LBB2_3:
0xa8: {  	_ =	swait.ge [sflag:s26], $0x2000  }
0xa9: {  	[sflag:s26] =	ssyncset.done $0x0  }
0xaa: {  	s13 =	simm.s32 $0x800;
	p1 =	seq.s32 s22, $0x0;
	[sflag:s26] =	ssyncadd.s32 $0xFFFFE000  }
0xab: {  	[spmem:s1] =	stream.indirect.scatter.add.f32 [tilespmem:s25], [sflag:$0x5], $0x20, s13, s24, $0xb8;
	[tilespmem:$0x1D800] =	vst v63  }
0xac: {  	s13 =	simm.s32 @!p1 $0x6  }
0xad: {  	_ =	swait.ge @!p1 [sflag:s13], $0x2000  }
0xae: {  	[sflag:s13] =	ssyncset.done @!p1 $0x0  }
0xaf: {  	[sflag:s13] =	ssyncadd.s32 @!p1 $0xFFFFE000  }
0xb0: {  	[tilespmem:s28], [sflag:$0x4] =	stream.indirect.gather [hbm4b:s4+s24], $0x20, s24, s24, $0xb8;
	[tilespmem:$0x1D800] =	vst v63  }
0xb1: {  	_ =	swait.ge [sflag:s29], $0x2000  }
0xb2: {  	[sflag:s29] =	ssyncset.done $0x0  }
0xb3: {  	s30 =	simm.s32 $0x900;
	[sflag:s29] =	ssyncadd.s32 $0xFFFFE000  }
0xb4: {  	[spmem:s1] =	stream.indirect.scatter.add.f32 [tilespmem:s28], [sflag:$0x6], $0x20, s30, s24, $0xb8;
	[tilespmem:$0x1D800] =	vst v63  }
0xb5: {  	_ =	swait.ge [sflag:s31], $0x2000  }
0xb6: {  	[sflag:s31] =	ssyncset.done $0x0  }
0xb7: {  	[sflag:s31] =	ssyncadd.s32 $0xFFFFE000  }
0xb8: {  	[tilespmem:s25], [sflag:$0x3] =	stream.indirect.gather [hbm4b:s4+s24], $0x20, s0, s24, $0xb8;
	[tilespmem:$0x1D800] =	vst v63  }
0xb9: {  	_ =	swait.ge [sflag:s26], $0x2000  }
0xba: {  	[sflag:s26] =	ssyncset.done $0x0  }
0xbb: {  	[sflag:s26] =	ssyncadd.s32 $0xFFFFE000  }
0xbc: {  	[spmem:s1] =	stream.indirect.scatter.add.f32 [tilespmem:s25], [sflag:$0x5], $0x20, s6, s24, $0xb8;
	[tilespmem:$0x1D800] =	vst v63  }
0xbd: {  	_ =	swait.ge [sflag:s7], $0x2000  }
0xbe: {  	[sflag:s7] =	ssyncset.done $0x0  }
0xbf: {  	[sflag:s7] =	ssyncadd.s32 $0xFFFFE000  }
0xc0: {  	[tilespmem:s28], [sflag:$0x4] =	stream.indirect.gather [hbm4b:s4+s24], $0x20, s14, s24, $0xb8;
	[tilespmem:$0x1D800] =	vst v63  }
0xc1: {  	_ =	swait.ge [sflag:s29], $0x2000  }
0xc2: {  	[sflag:s29] =	ssyncset.done $0x0  }
0xc3: {  	[sflag:s29] =	ssyncadd.s32 $0xFFFFE000  }
0xc4: {  	[spmem:s1] =	stream.indirect.scatter.add.f32 [tilespmem:s28], [sflag:$0x6], $0x20, s15, s24, $0xb8;
	[tilespmem:$0x1D800] =	vst v63  }
0xc5: {  	_ =	swait.ge [sflag:s31], $0x2000  }
0xc6: {  	[sflag:s31] =	ssyncset.done $0x0  }
0xc7: {  	[sflag:s31] =	ssyncadd.s32 $0xFFFFE000  }
0xc8: {  	_ =	swait.ge [sflag:s3], $0x400  }
0xc9: {  	[sflag:s3] =	ssyncset.done $0x0  }
0xca: {  	[sflag:s3] =	ssyncadd.s32 $0xFFFFFC00  }
0xcb: {  	_ =	swait.ge [sflag:s3], $0x400  }
0xcc: {  	p1 =	seq.s32 s22, $0x1800;
	[sflag:s3] =	ssyncset.done $0x0  }
0xcd: {  	s13 =	sadd.s32 @!p1 s22, s18;
	[sflag:s3] =	ssyncadd.s32 $0xFFFFFC00  }
0xce: {  	[tilespmem:s25], [sflag:$0x3] =	stream.indirect.gather [hbm4b:s4+s24], $0x20, s20, s24, $0xb8;
	[tilespmem:$0x1D800] =	vst v63  }
0xcf: {  	s19 =	simm.s32 @!p1 $0x0;
	s13 =	sadd.s32 @!p1 $0x100, s13  }
0xd0: {  	[tilespmem:s19], [sflag:$0x1] =	stream.linear.gather @!p1 [hbm4b:s13+s19], $0x400, $0x38;
	[tilespmem:$0x1D800] =	vst v63  }
0xd1: {  	s13 =	sadd.s32 @!p1 s22, s17  }
0xd2: {  	s30 =	simm.s32 @!p1 $0x800;
	s13 =	sadd.s32 @!p1 $0x100, s13  }
0xd3: {  	[tilespmem:s30], [sflag:$0x1] =	stream.linear.gather @!p1 [hbm4b:s13+s19], $0x400, $0x38;
	[tilespmem:$0x1D800] =	vst v63  }
0xd4: {  	_ =	swait.ge [sflag:s26], $0x2000  }
0xd5: {  	[sflag:s26] =	ssyncset.done $0x0  }
0xd6: {  	[sflag:s26] =	ssyncadd.s32 $0xFFFFE000  }
0xd7: {  	[spmem:s1] =	stream.indirect.scatter.add.f32 [tilespmem:s25], [sflag:$0x5], $0x20, s21, s24, $0xb8;
	[tilespmem:$0x1D800] =	vst v63  }
0xd8: {  	_ =	swait.ge [sflag:s7], $0x2000  }
0xd9: {  	[sflag:s7] =	ssyncset.done $0x0  }
0xda: {  	[sflag:s7] =	ssyncadd.s32 $0xFFFFE000  }
0xdb: {  	[tilespmem:s28], [sflag:$0x4] =	stream.indirect.gather [hbm4b:s4+s24], $0x20, s8, s24, $0xb8;
	[tilespmem:$0x1D800] =	vst v63  }
0xdc: {  	_ =	swait.ge [sflag:s29], $0x2000  }
0xdd: {  	[sflag:s29] =	ssyncset.done $0x0  }
0xde: {  	[sflag:s29] =	ssyncadd.s32 $0xFFFFE000  }
0xdf: {  	[spmem:s1] =	stream.indirect.scatter.add.f32 [tilespmem:s28], [sflag:$0x6], $0x20, s9, s24, $0xb8;
	[tilespmem:$0x1D800] =	vst v63  }
0xe0: {  	_ =	swait.ge [sflag:s31], $0x2000  }
0xe1: {  	[sflag:s31] =	ssyncset.done $0x0  }
0xe2: {  	[sflag:s31] =	ssyncadd.s32 $0xFFFFE000  }
0xe3: {  	[tilespmem:s25], [sflag:$0x3] =	stream.indirect.gather [hbm4b:s4+s24], $0x20, s10, s24, $0xb8;
	[tilespmem:$0x1D800] =	vst v63  }
0xe4: {  	_ =	swait.ge [sflag:s26], $0x2000  }
0xe5: {  	[sflag:s26] =	ssyncset.done $0x0  }
0xe6: {  	[sflag:s26] =	ssyncadd.s32 $0xFFFFE000  }
0xe7: {  	[spmem:s1] =	stream.indirect.scatter.add.f32 [tilespmem:s25], [sflag:$0x5], $0x20, s11, s24, $0xb8;
	[tilespmem:$0x1D800] =	vst v63  }
0xe8: {  	_ =	swait.ge [sflag:s7], $0x2000  }
0xe9: {  	[sflag:s7] =	ssyncset.done $0x0  }
0xea: {  	[sflag:s7] =	ssyncadd.s32 $0xFFFFE000  }
0xeb: {  	[tilespmem:s28], [sflag:$0x4] =	stream.indirect.gather [hbm4b:s4+s24], $0x20, s12, s24, $0xb8;
	[tilespmem:$0x1D800] =	vst v63  }
0xec: {  	_ =	swait.ge [sflag:s29], $0x2000  }
0xed: {  	[sflag:s29] =	ssyncset.done $0x0  }
.Ltmp5:
0xee: {  	[sflag:s29] =	ssyncadd.s32 $0xFFFFE000;
	(pc) =	sbr.rel @p1 .LBB2_4-.Ltmp5, $4  }
0xef: {  	[spmem:s1] =	stream.indirect.scatter.add.f32 [tilespmem:s28], [sflag:$0x6], $0x20, s16, s24, $0xb8;
	[tilespmem:$0x1D800] =	vst v63  }
0xf0: {  	_ =	swait.ge [sflag:s31], $0x2000  }
0xf1: {  	[sflag:s31] =	ssyncset.done $0x0  }
0xf2: {  	[sflag:s31] =	ssyncadd.s32 $0xFFFFE000  }
0xf3: {  	_ =	swait.ge [sflag:s23], $0x400  }
0xf4: {  	[sflag:s23] =	ssyncset.done $0x0  }
0xf5: {  	[sflag:s23] =	ssyncadd.s32 $0xFFFFFC00  }
0xf6: {  	_ =	swait.ge [sflag:s23], $0x400  }
0xf7: {  	[sflag:s23] =	ssyncset.done $0x0  }
0xf8: {  	[sflag:s23] =	ssyncadd.s32 $0xFFFFFC00  }
0xf9: {  	[tilespmem:s25], [sflag:$0x3] =	stream.indirect.gather [hbm4b:s4+s24], $0x20, s2, s24, $0xb8;
	[tilespmem:$0x1D800] =	vst v63  }
.Ltmp6:
0xfa: {  	s13 =	sadd.s32 s22, s18;
	(pc) =	sbr.rel .LBB2_3-.Ltmp6, $4  }
0xfb: {  	s30 =	sadd.s32 s22, s17;
	s13 =	sadd.s32 $0x180, s13  }
0xfc: {  	[tilespmem:s20], [sflag:$0x2] =	stream.linear.gather [hbm4b:s13+s2], $0x400, $0x38;
	[tilespmem:$0x1D800] =	vst v63  }
0xfd: {  	s22 =	sadd.s32 $0x100, s22;
	s13 =	sadd.s32 $0x180, s30  }
0xfe: {  	[tilespmem:s21], [sflag:$0x2] =	stream.linear.gather [hbm4b:s13+s2], $0x400, $0x38;
	[tilespmem:$0x1D800] =	vst v63  }
.LBB2_4:
.Ltmp7:
0xff: {  	(pc) =	sbr.rel .LBB2_9-.Ltmp7, $3  }
0x100: {  	_ =	sdelay $0x1  }
0x101: {  	s22 =	rddreg [dreg:$0x3]  }
0x102: {  	s30 =	simm.s32 $0x7;
	s19 =	rddreg [dreg:$0xe]  }
.LBB2_10:
0x103: {  	_ =	sfence.sel $0x180000  }
0x104: {  	[bflag:$0x0] =	sbarrier.arrive $0xFFFF  }
0x105: {  	_ =	strace $0x90000053  }
0x106: {  	s0 =	stileid.u32;
	[bflag:$0x2] =	sbarrier.arrive $0xFFFF  }
0x107: {  	p0 =	sne.s32 s0, $0x0;
	s0 =	rddreg [dreg:$0x2]  }
0x108: {  	s0 =	sadd.s32 @!p0 $0x100000, s0  }
0x109: {  	[sflag:s0] =	ssyncadd.tile.s32 @!p0 $0x1;
	_ =	shalt  }
.Lfunc_end2:
_tile_overlayer_lowered:
.L_overlay_start_2:
0x10a: {  	(tag) =	ssettag $0x2  }
0x10b: {  	s0 =	rddreg [dreg:$0x0];
	s2 =	stileid.u32  }
0x10c: {  	s1 =	rddreg [dreg:$0x1];
	p0 =	sne.s32 s2, $0x0  }
0x10d: {  	s3 =	rddreg [dreg:$0x2];
	[bflag:$0x3] =	sbarrier.arrive $0xFFFF;
	s2 =	simm.s32 @!p0 $0x1C07  }
0x10e: {  	[timem:s3], [sflag:s2] =	dma.local @!p0 [hbm:s0], s1  }
0x10f: {  	s0 =	simm.s32 @!p0 $0x7  }
0x110: {  	_ =	swait.ge @!p0 [sflag:s0], s1  }
0x111: {  	s1 =	ssub.s32 @!p0 $0x0, s1;
	[sflag:s0] =	ssyncset.done @!p0 $0x0  }
0x112: {  	[sflag:s0] =	ssyncadd.s32 @!p0 s1  }
0x113: {  	[bflag:$0x3] =	sbarrier.arrive $0xFFFF  }
0x114: {  	_ =	shalt  }

</sc_bundles>
